<compile_context>
chip_gen: v7x
topology: tpu7x:2x2x1
jax: 0.10.2.dev20260603
libtpu: 0.0.44.dev20260713+nightly
codegen_flags: <defaults>
</compile_context>

<pallas_src>
import functools

import jax
import jax.numpy as jnp
from jax import lax
from jax.experimental import pallas as pl
from jax.experimental.pallas import tpu as pltpu
from jax.experimental.pallas import tpu_sc as plsc

N = 50000
D = 256
B = 128
BLK = 5000
NBLK = N // BLK

NW = 16
NJ = 25
LW = 128
PW = NJ * LW
NP = NW * PW
LAST = N - (NW - 1) * PW
SEG = 144


def _tc_body(idx_ref, pred_ref, tgt_ref, out_ref, acc_ref):
    step = pl.program_id(0)

    @pl.when(step == 0)
    def _init():
        acc_ref[...] = jnp.zeros_like(acc_ref)

    diff = pred_ref[...] - tgt_ref[...]
    sqb = (diff * diff).astype(jnp.bfloat16)
    idx = idx_ref[0, 0, :]
    row_ids = jax.lax.broadcasted_iota(jnp.int32, (B, BLK), 0)
    onehot_t = jnp.where(row_ids == idx[None, :],
                         jnp.float32(1), jnp.float32(0)
                         ).astype(jnp.bfloat16)
    acc_ref[...] += jnp.dot(onehot_t, sqb,
                            preferred_element_type=jnp.float32)

    @pl.when(step == NBLK - 1)
    def _fini():
        out_ref[...] = acc_ref[...]


def _tc_seg_sums(idx3, pred, target):
    return pl.pallas_call(
        _tc_body,
        grid=(NBLK,),
        in_specs=[
            pl.BlockSpec((1, 1, BLK), lambda i: (i, 0, 0)),
            pl.BlockSpec((BLK, D), lambda i: (i, 0)),
            pl.BlockSpec((BLK, D), lambda i: (i, 0)),
        ],
        out_specs=pl.BlockSpec((B, D), lambda i: (0, 0)),
        out_shape=jax.ShapeDtypeStruct((B, D), jnp.float32),
        scratch_shapes=[pltpu.VMEM((B, D), jnp.float32)],
    )(idx3, pred, target)


@functools.partial(
    pl.kernel,
    out_type=jax.ShapeDtypeStruct((B,), jnp.float32),
    mesh=plsc.VectorSubcoreMesh(
        core_axis_name="c", subcore_axis_name="s", num_cores=1),
    scratch_types=[
        pltpu.VMEM((PW,), jnp.int32),
        pltpu.VMEM((LW,), jnp.int32),
        pltpu.VMEM((LW,), jnp.float32),
        pltpu.VMEM((SEG,), jnp.float32),
        pltpu.VMEM((NW * SEG,), jnp.float32),
        pltpu.VMEM((B,), jnp.float32),
        pltpu.VMEM_SHARED((NW * SEG,), jnp.float32),
    ],
)
def _sc_counts(idx_hbm, out_hbm, idx_v, idx_cur, ones_v, zero_v, red_v,
               out_v, sh_cnts):
    w = lax.axis_index("s")
    base = w * PW

    pad16 = jnp.full((16,), B, jnp.int32)
    for j in range((PW - LAST) // 16):
        idx_v[pl.ds(LAST + j * 16, 16)] = pad16

    @pl.when(w < NW - 1)
    def _full():
        pltpu.sync_copy(idx_hbm.at[pl.ds(base, PW)], idx_v)

    @pl.when(w == NW - 1)
    def _part():
        pltpu.sync_copy(idx_hbm.at[pl.ds(base, LAST)],
                        idx_v.at[pl.ds(0, LAST)])

    for k in range(LW // 16):
        ones_v[pl.ds(k * 16, 16)] = jnp.ones((16,), jnp.float32)
    for j in range(SEG // 16):
        zero_v[pl.ds(j * 16, 16)] = jnp.zeros((16,), jnp.float32)

    off = w * SEG
    pltpu.sync_copy(zero_v, sh_cnts.at[pl.ds(off, SEG)])

    for j in range(NJ):
        for k in range(LW // 16):
            sl = pl.ds(k * 16, 16)
            idx_cur[sl] = idx_v[pl.ds(j * LW + k * 16, 16)] + off
        pltpu.sync_copy(ones_v, sh_cnts.at[idx_cur], add=True)

    plsc.subcore_barrier()

    @pl.when(w == 0)
    def _finish():
        pltpu.sync_copy(sh_cnts, red_v)
        for j in range(B // 16):
            c_j = jnp.zeros((16,), jnp.float32)
            for ww in range(NW):
                c_j = c_j + red_v[pl.ds(ww * SEG + j * 16, 16)]
            out_v[pl.ds(j * 16, 16)] = c_j
        pltpu.sync_copy(out_v, out_hbm)


def _combine_body(acc_ref, cnt_ref, out_ref):
    seg = jnp.sum(acc_ref[...], axis=1)
    cnt = cnt_ref[...]
    tot = jnp.sum(seg / jnp.maximum(cnt, 1.0))
    out_ref[...] = (tot / (D * B)).reshape(1, 1)


def _tc_combine(acc, cnt):
    return pl.pallas_call(
        _combine_body,
        out_shape=jax.ShapeDtypeStruct((1, 1), jnp.float32),
    )(acc, cnt)


def kernel(pred, target, batch_idx, batch_size):
    del batch_size
    idx32 = batch_idx.astype(jnp.int32)
    idx3 = idx32.reshape(NBLK, 1, BLK)
    acc = _tc_seg_sums(idx3, pred, target)
    cnt = _sc_counts(idx32)
    out = _tc_combine(acc, cnt)
    return out[0, 0]

# --- scband reference (transcript-rebuilt; emitter-appended) ---
"""Pipeline reference for scband-l2-loss-67319317397598 (READ-ONLY COPY).

The authoritative reference and input builder live on the scoring server;
editing this copy changes nothing except your own understanding.
"""

import jax, jax.numpy as jnp
import numpy as np

N = 50000
D = 256
B = 128

def setup_inputs(seed: int = 0) -> dict:
    key = jax.random.key(seed)
    k1, k2, k3 = jax.random.split(key, 3)
    pred = jax.random.normal(k1, (N, D), dtype=jnp.float32)
    target = jax.random.normal(k2, (N, D), dtype=jnp.float32)
    batch_idx = jnp.sort(jax.random.randint(k3, (N,), 0, B, dtype=jnp.int32)).astype(jnp.int64)
    return {"pred": pred, "target": target, "batch_idx": batch_idx, "batch_size": B}

def reference(pred, target, batch_idx, batch_size):
    # mse_loss(pred, target, reduction='none').mean(-1) -> per-node scalar
    mse_per_node = jnp.mean((pred - target) ** 2, axis=-1)
    # scatter(..., reduce='mean', dim_size=batch_size): per-graph mean of node losses
    seg_sum = jax.ops.segment_sum(mse_per_node, batch_idx, num_segments=B)
    seg_cnt = jax.ops.segment_sum(jnp.ones_like(mse_per_node), batch_idx, num_segments=B)
    per_graph = seg_sum / jnp.maximum(seg_cnt, 1.0)
    # torch.mean over graphs
    return jnp.sum(per_graph) / batch_size

if __name__ == "__main__":
    import jax
    _d = setup_inputs()
    print(jax.jit(kernel)(*tuple(_d.values())))

</pallas_src>

<mosaic_0001>
#map = affine_map<(d0, d1) -> (0)>
module attributes {stable_mosaic.version = 14 : i64} {
  func.func @_sc_counts(%arg0: i32, %arg1: i32, %arg2: memref<50000xi32, #tpu.memory_space<hbm>>, %arg3: memref<128xf32, #tpu.memory_space<hbm>>, %arg4: memref<3200xi32, #tpu.memory_space<vmem>>, %arg5: memref<128xi32, #tpu.memory_space<vmem>>, %arg6: memref<128xf32, #tpu.memory_space<vmem>>, %arg7: memref<144xf32, #tpu.memory_space<vmem>>, %arg8: memref<2304xf32, #tpu.memory_space<vmem>>, %arg9: memref<128xf32, #tpu.memory_space<vmem>>, %arg10: memref<2304xf32, #tpu.memory_space<vmem_shared>>) attributes {dimension_semantics = [#tpu.dimension_semantics<core_parallel>, #tpu.dimension_semantics<subcore_parallel>], iteration_bounds = array<i64: 1, 16>, scalar_prefetch = 0 : i64, scratch_operands = 7 : i64, tpu.core_type = #tpu.core_type<sc_vector_subcore>, window_params = [{transform_indices = #map}, {transform_indices = #map}]} {
    %mul3A = arith.constant 3200 : i32
    %mul3A_0 = arith.muli %arg1, %mul3A : i32
    %broadcast_in_dim3A = arith.constant 128 : i32
    %broadcast_in_dim3A_1 = vector.broadcast %broadcast_in_dim3A : i32 to vector<16xi32>
    %swap3A = arith.constant 2000 : index
    %swap3A_2 = tpu.vector_load %arg4[%swap3A] {strides = array<i32>} : memref<3200xi32, #tpu.memory_space<vmem>>, vector<16xi32>,
    %swap3A_3 = vector.shape_cast %swap3A_2 : vector<16xi32> to vector<16xi32>
    %swap3A_4 = vector.shape_cast %broadcast_in_dim3A_1 : vector<16xi32> to vector<16xi32>
    tpu.vector_store %arg4[%swap3A], %swap3A_4 {strides = array<i32>} : memref<3200xi32, #tpu.memory_space<vmem>>, vector<16xi32>,
    %swap3A_5 = arith.constant 2016 : index
    %swap3A_6 = tpu.vector_load %arg4[%swap3A_5] {strides = array<i32>} : memref<3200xi32, #tpu.memory_space<vmem>>, vector<16xi32>,
    %swap3A_7 = vector.shape_cast %swap3A_6 : vector<16xi32> to vector<16xi32>
    %swap3A_8 = vector.shape_cast %broadcast_in_dim3A_1 : vector<16xi32> to vector<16xi32>
    tpu.vector_store %arg4[%swap3A_5], %swap3A_8 {strides = array<i32>} : memref<3200xi32, #tpu.memory_space<vmem>>, vector<16xi32>,
    %swap3A_9 = arith.constant 2032 : index
    %swap3A_10 = tpu.vector_load %arg4[%swap3A_9] {strides = array<i32>} : memref<3200xi32, #tpu.memory_space<vmem>>, vector<16xi32>,
    %swap3A_11 = vector.shape_cast %swap3A_10 : vector<16xi32> to vector<16xi32>
    %swap3A_12 = vector.shape_cast %broadcast_in_dim3A_1 : vector<16xi32> to vector<16xi32>
    tpu.vector_store %arg4[%swap3A_9], %swap3A_12 {strides = array<i32>} : memref<3200xi32, #tpu.memory_space<vmem>>, vector<16xi32>,
    %swap3A_13 = arith.constant 2048 : index
    %swap3A_14 = tpu.vector_load %arg4[%swap3A_13] {strides = array<i32>} : memref<3200xi32, #tpu.memory_space<vmem>>, vector<16xi32>,
    %swap3A_15 = vector.shape_cast %swap3A_14 : vector<16xi32> to vector<16xi32>
    %swap3A_16 = vector.shape_cast %broadcast_in_dim3A_1 : vector<16xi32> to vector<16xi32>
    tpu.vector_store %arg4[%swap3A_13], %swap3A_16 {strides = array<i32>} : memref<3200xi32, #tpu.memory_space<vmem>>, vector<16xi32>,
    %swap3A_17 = arith.constant 2064 : index
    %swap3A_18 = tpu.vector_load %arg4[%swap3A_17] {strides = array<i32>} : memref<3200xi32, #tpu.memory_space<vmem>>, vector<16xi32>,
    %swap3A_19 = vector.shape_cast %swap3A_18 : vector<16xi32> to vector<16xi32>
    %swap3A_20 = vector.shape_cast %broadcast_in_dim3A_1 : vector<16xi32> to vector<16xi32>
    tpu.vector_store %arg4[%swap3A_17], %swap3A_20 {strides = array<i32>} : memref<3200xi32, #tpu.memory_space<vmem>>, vector<16xi32>,
    %swap3A_21 = arith.constant 2080 : index
    %swap3A_22 = tpu.vector_load %arg4[%swap3A_21] {strides = array<i32>} : memref<3200xi32, #tpu.memory_space<vmem>>, vector<16xi32>,
    %swap3A_23 = vector.shape_cast %swap3A_22 : vector<16xi32> to vector<16xi32>
    %swap3A_24 = vector.shape_cast %broadcast_in_dim3A_1 : vector<16xi32> to vector<16xi32>
    tpu.vector_store %arg4[%swap3A_21], %swap3A_24 {strides = array<i32>} : memref<3200xi32, #tpu.memory_space<vmem>>, vector<16xi32>,
    %swap3A_25 = arith.constant 2096 : index
    %swap3A_26 = tpu.vector_load %arg4[%swap3A_25] {strides = array<i32>} : memref<3200xi32, #tpu.memory_space<vmem>>, vector<16xi32>,
    %swap3A_27 = vector.shape_cast %swap3A_26 : vector<16xi32> to vector<16xi32>
    %swap3A_28 = vector.shape_cast %broadcast_in_dim3A_1 : vector<16xi32> to vector<16xi32>
    tpu.vector_store %arg4[%swap3A_25], %swap3A_28 {strides = array<i32>} : memref<3200xi32, #tpu.memory_space<vmem>>, vector<16xi32>,
    %swap3A_29 = arith.constant 2112 : index
    %swap3A_30 = tpu.vector_load %arg4[%swap3A_29] {strides = array<i32>} : memref<3200xi32, #tpu.memory_space<vmem>>, vector<16xi32>,
    %swap3A_31 = vector.shape_cast %swap3A_30 : vector<16xi32> to vector<16xi32>
    %swap3A_32 = vector.shape_cast %broadcast_in_dim3A_1 : vector<16xi32> to vector<16xi32>
    tpu.vector_store %arg4[%swap3A_29], %swap3A_32 {strides = array<i32>} : memref<3200xi32, #tpu.memory_space<vmem>>, vector<16xi32>,
    %swap3A_33 = arith.constant 2128 : index
    %swap3A_34 = tpu.vector_load %arg4[%swap3A_33] {strides = array<i32>} : memref<3200xi32, #tpu.memory_space<vmem>>, vector<16xi32>,
    %swap3A_35 = vector.shape_cast %swap3A_34 : vector<16xi32> to vector<16xi32>
    %swap3A_36 = vector.shape_cast %broadcast_in_dim3A_1 : vector<16xi32> to vector<16xi32>
    tpu.vector_store %arg4[%swap3A_33], %swap3A_36 {strides = array<i32>} : memref<3200xi32, #tpu.memory_space<vmem>>, vector<16xi32>,
    %swap3A_37 = arith.constant 2144 : index
    %swap3A_38 = tpu.vector_load %arg4[%swap3A_37] {strides = array<i32>} : memref<3200xi32, #tpu.memory_space<vmem>>, vector<16xi32>,
    %swap3A_39 = vector.shape_cast %swap3A_38 : vector<16xi32> to vector<16xi32>
    %swap3A_40 = vector.shape_cast %broadcast_in_dim3A_1 : vector<16xi32> to vector<16xi32>
    tpu.vector_store %arg4[%swap3A_37], %swap3A_40 {strides = array<i32>} : memref<3200xi32, #tpu.memory_space<vmem>>, vector<16xi32>,
    %swap3A_41 = arith.constant 2160 : index
    %swap3A_42 = tpu.vector_load %arg4[%swap3A_41] {strides = array<i32>} : memref<3200xi32, #tpu.memory_space<vmem>>, vector<16xi32>,
    %swap3A_43 = vector.shape_cast %swap3A_42 : vector<16xi32> to vector<16xi32>
    %swap3A_44 = vector.shape_cast %broadcast_in_dim3A_1 : vector<16xi32> to vector<16xi32>
    tpu.vector_store %arg4[%swap3A_41], %swap3A_44 {strides = array<i32>} : memref<3200xi32, #tpu.memory_space<vmem>>, vector<16xi32>,
    %swap3A_45 = arith.constant 2176 : index
    %swap3A_46 = tpu.vector_load %arg4[%swap3A_45] {strides = array<i32>} : memref<3200xi32, #tpu.memory_space<vmem>>, vector<16xi32>,
    %swap3A_47 = vector.shape_cast %swap3A_46 : vector<16xi32> to vector<16xi32>
    %swap3A_48 = vector.shape_cast %broadcast_in_dim3A_1 : vector<16xi32> to vector<16xi32>
    tpu.vector_store %arg4[%swap3A_45], %swap3A_48 {strides = array<i32>} : memref<3200xi32, #tpu.memory_space<vmem>>, vector<16xi32>,
    %swap3A_49 = arith.constant 2192 : index
    %swap3A_50 = tpu.vector_load %arg4[%swap3A_49] {strides = array<i32>} : memref<3200xi32, #tpu.memory_space<vmem>>, vector<16xi32>,
    %swap3A_51 = vector.shape_cast %swap3A_50 : vector<16xi32> to vector<16xi32>
    %swap3A_52 = vector.shape_cast %broadcast_in_dim3A_1 : vector<16xi32> to vector<16xi32>
    tpu.vector_store %arg4[%swap3A_49], %swap3A_52 {strides = array<i32>} : memref<3200xi32, #tpu.memory_space<vmem>>, vector<16xi32>,
    %swap3A_53 = arith.constant 2208 : index
    %swap3A_54 = tpu.vector_load %arg4[%swap3A_53] {strides = array<i32>} : memref<3200xi32, #tpu.memory_space<vmem>>, vector<16xi32>,
    %swap3A_55 = vector.shape_cast %swap3A_54 : vector<16xi32> to vector<16xi32>
    %swap3A_56 = vector.shape_cast %broadcast_in_dim3A_1 : vector<16xi32> to vector<16xi32>
    tpu.vector_store %arg4[%swap3A_53], %swap3A_56 {strides = array<i32>} : memref<3200xi32, #tpu.memory_space<vmem>>, vector<16xi32>,
    %swap3A_57 = arith.constant 2224 : index
    %swap3A_58 = tpu.vector_load %arg4[%swap3A_57] {strides = array<i32>} : memref<3200xi32, #tpu.memory_space<vmem>>, vector<16xi32>,
    %swap3A_59 = vector.shape_cast %swap3A_58 : vector<16xi32> to vector<16xi32>
    %swap3A_60 = vector.shape_cast %broadcast_in_dim3A_1 : vector<16xi32> to vector<16xi32>
    tpu.vector_store %arg4[%swap3A_57], %swap3A_60 {strides = array<i32>} : memref<3200xi32, #tpu.memory_space<vmem>>, vector<16xi32>,
    %swap3A_61 = arith.constant 2240 : index
    %swap3A_62 = tpu.vector_load %arg4[%swap3A_61] {strides = array<i32>} : memref<3200xi32, #tpu.memory_space<vmem>>, vector<16xi32>,
    %swap3A_63 = vector.shape_cast %swap3A_62 : vector<16xi32> to vector<16xi32>
    %swap3A_64 = vector.shape_cast %broadcast_in_dim3A_1 : vector<16xi32> to vector<16xi32>
    tpu.vector_store %arg4[%swap3A_61], %swap3A_64 {strides = array<i32>} : memref<3200xi32, #tpu.memory_space<vmem>>, vector<16xi32>,
    %swap3A_65 = arith.constant 2256 : index
    %swap3A_66 = tpu.vector_load %arg4[%swap3A_65] {strides = array<i32>} : memref<3200xi32, #tpu.memory_space<vmem>>, vector<16xi32>,
    %swap3A_67 = vector.shape_cast %swap3A_66 : vector<16xi32> to vector<16xi32>
    %swap3A_68 = vector.shape_cast %broadcast_in_dim3A_1 : vector<16xi32> to vector<16xi32>
    tpu.vector_store %arg4[%swap3A_65], %swap3A_68 {strides = array<i32>} : memref<3200xi32, #tpu.memory_space<vmem>>, vector<16xi32>,
    %swap3A_69 = arith.constant 2272 : index
    %swap3A_70 = tpu.vector_load %arg4[%swap3A_69] {strides = array<i32>} : memref<3200xi32, #tpu.memory_space<vmem>>, vector<16xi32>,
    %swap3A_71 = vector.shape_cast %swap3A_70 : vector<16xi32> to vector<16xi32>
    %swap3A_72 = vector.shape_cast %broadcast_in_dim3A_1 : vector<16xi32> to vector<16xi32>
    tpu.vector_store %arg4[%swap3A_69], %swap3A_72 {strides = array<i32>} : memref<3200xi32, #tpu.memory_space<vmem>>, vector<16xi32>,
    %swap3A_73 = arith.constant 2288 : index
    %swap3A_74 = tpu.vector_load %arg4[%swap3A_73] {strides = array<i32>} : memref<3200xi32, #tpu.memory_space<vmem>>, vector<16xi32>,
    %swap3A_75 = vector.shape_cast %swap3A_74 : vector<16xi32> to vector<16xi32>
    %swap3A_76 = vector.shape_cast %broadcast_in_dim3A_1 : vector<16xi32> to vector<16xi32>
    tpu.vector_store %arg4[%swap3A_73], %swap3A_76 {strides = array<i32>} : memref<3200xi32, #tpu.memory_space<vmem>>, vector<16xi32>,
    %swap3A_77 = arith.constant 2304 : index
    %swap3A_78 = tpu.vector_load %arg4[%swap3A_77] {strides = array<i32>} : memref<3200xi32, #tpu.memory_space<vmem>>, vector<16xi32>,
    %swap3A_79 = vector.shape_cast %swap3A_78 : vector<16xi32> to vector<16xi32>
    %swap3A_80 = vector.shape_cast %broadcast_in_dim3A_1 : vector<16xi32> to vector<16xi32>
    tpu.vector_store %arg4[%swap3A_77], %swap3A_80 {strides = array<i32>} : memref<3200xi32, #tpu.memory_space<vmem>>, vector<16xi32>,
    %swap3A_81 = arith.constant 2320 : index
    %swap3A_82 = tpu.vector_load %arg4[%swap3A_81] {strides = array<i32>} : memref<3200xi32, #tpu.memory_space<vmem>>, vector<16xi32>,
    %swap3A_83 = vector.shape_cast %swap3A_82 : vector<16xi32> to vector<16xi32>
    %swap3A_84 = vector.shape_cast %broadcast_in_dim3A_1 : vector<16xi32> to vector<16xi32>
    tpu.vector_store %arg4[%swap3A_81], %swap3A_84 {strides = array<i32>} : memref<3200xi32, #tpu.memory_space<vmem>>, vector<16xi32>,
    %swap3A_85 = arith.constant 2336 : index
    %swap3A_86 = tpu.vector_load %arg4[%swap3A_85] {strides = array<i32>} : memref<3200xi32, #tpu.memory_space<vmem>>, vector<16xi32>,
    %swap3A_87 = vector.shape_cast %swap3A_86 : vector<16xi32> to vector<16xi32>
    %swap3A_88 = vector.shape_cast %broadcast_in_dim3A_1 : vector<16xi32> to vector<16xi32>
    tpu.vector_store %arg4[%swap3A_85], %swap3A_88 {strides = array<i32>} : memref<3200xi32, #tpu.memory_space<vmem>>, vector<16xi32>,
    %swap3A_89 = arith.constant 2352 : index
    %swap3A_90 = tpu.vector_load %arg4[%swap3A_89] {strides = array<i32>} : memref<3200xi32, #tpu.memory_space<vmem>>, vector<16xi32>,
    %swap3A_91 = vector.shape_cast %swap3A_90 : vector<16xi32> to vector<16xi32>
    %swap3A_92 = vector.shape_cast %broadcast_in_dim3A_1 : vector<16xi32> to vector<16xi32>
    tpu.vector_store %arg4[%swap3A_89], %swap3A_92 {strides = array<i32>} : memref<3200xi32, #tpu.memory_space<vmem>>, vector<16xi32>,
    %swap3A_93 = arith.constant 2368 : index
    %swap3A_94 = tpu.vector_load %arg4[%swap3A_93] {strides = array<i32>} : memref<3200xi32, #tpu.memory_space<vmem>>, vector<16xi32>,
    %swap3A_95 = vector.shape_cast %swap3A_94 : vector<16xi32> to vector<16xi32>
    %swap3A_96 = vector.shape_cast %broadcast_in_dim3A_1 : vector<16xi32> to vector<16xi32>
    tpu.vector_store %arg4[%swap3A_93], %swap3A_96 {strides = array<i32>} : memref<3200xi32, #tpu.memory_space<vmem>>, vector<16xi32>,
    %swap3A_97 = arith.constant 2384 : index
    %swap3A_98 = tpu.vector_load %arg4[%swap3A_97] {strides = array<i32>} : memref<3200xi32, #tpu.memory_space<vmem>>, vector<16xi32>,
    %swap3A_99 = vector.shape_cast %swap3A_98 : vector<16xi32> to vector<16xi32>
    %swap3A_100 = vector.shape_cast %broadcast_in_dim3A_1 : vector<16xi32> to vector<16xi32>
    tpu.vector_store %arg4[%swap3A_97], %swap3A_100 {strides = array<i32>} : memref<3200xi32, #tpu.memory_space<vmem>>, vector<16xi32>,
    %swap3A_101 = arith.constant 2400 : index
    %swap3A_102 = tpu.vector_load %arg4[%swap3A_101] {strides = array<i32>} : memref<3200xi32, #tpu.memory_space<vmem>>, vector<16xi32>,
    %swap3A_103 = vector.shape_cast %swap3A_102 : vector<16xi32> to vector<16xi32>
    %swap3A_104 = vector.shape_cast %broadcast_in_dim3A_1 : vector<16xi32> to vector<16xi32>
    tpu.vector_store %arg4[%swap3A_101], %swap3A_104 {strides = array<i32>} : memref<3200xi32, #tpu.memory_space<vmem>>, vector<16xi32>,
    %swap3A_105 = arith.constant 2416 : index
    %swap3A_106 = tpu.vector_load %arg4[%swap3A_105] {strides = array<i32>} : memref<3200xi32, #tpu.memory_space<vmem>>, vector<16xi32>,
    %swap3A_107 = vector.shape_cast %swap3A_106 : vector<16xi32> to vector<16xi32>
    %swap3A_108 = vector.shape_cast %broadcast_in_dim3A_1 : vector<16xi32> to vector<16xi32>
    tpu.vector_store %arg4[%swap3A_105], %swap3A_108 {strides = array<i32>} : memref<3200xi32, #tpu.memory_space<vmem>>, vector<16xi32>,
    %swap3A_109 = arith.constant 2432 : index
    %swap3A_110 = tpu.vector_load %arg4[%swap3A_109] {strides = array<i32>} : memref<3200xi32, #tpu.memory_space<vmem>>, vector<16xi32>,
    %swap3A_111 = vector.shape_cast %swap3A_110 : vector<16xi32> to vector<16xi32>
    %swap3A_112 = vector.shape_cast %broadcast_in_dim3A_1 : vector<16xi32> to vector<16xi32>
    tpu.vector_store %arg4[%swap3A_109], %swap3A_112 {strides = array<i32>} : memref<3200xi32, #tpu.memory_space<vmem>>, vector<16xi32>,
    %swap3A_113 = arith.constant 2448 : index
    %swap3A_114 = tpu.vector_load %arg4[%swap3A_113] {strides = array<i32>} : memref<3200xi32, #tpu.memory_space<vmem>>, vector<16xi32>,
    %swap3A_115 = vector.shape_cast %swap3A_114 : vector<16xi32> to vector<16xi32>
    %swap3A_116 = vector.shape_cast %broadcast_in_dim3A_1 : vector<16xi32> to vector<16xi32>
    tpu.vector_store %arg4[%swap3A_113], %swap3A_116 {strides = array<i32>} : memref<3200xi32, #tpu.memory_space<vmem>>, vector<16xi32>,
    %swap3A_117 = arith.constant 2464 : index
    %swap3A_118 = tpu.vector_load %arg4[%swap3A_117] {strides = array<i32>} : memref<3200xi32, #tpu.memory_space<vmem>>, vector<16xi32>,
    %swap3A_119 = vector.shape_cast %swap3A_118 : vector<16xi32> to vector<16xi32>
    %swap3A_120 = vector.shape_cast %broadcast_in_dim3A_1 : vector<16xi32> to vector<16xi32>
    tpu.vector_store %arg4[%swap3A_117], %swap3A_120 {strides = array<i32>} : memref<3200xi32, #tpu.memory_space<vmem>>, vector<16xi32>,
    %swap3A_121 = arith.constant 2480 : index
    %swap3A_122 = tpu.vector_load %arg4[%swap3A_121] {strides = array<i32>} : memref<3200xi32, #tpu.memory_space<vmem>>, vector<16xi32>,
    %swap3A_123 = vector.shape_cast %swap3A_122 : vector<16xi32> to vector<16xi32>
    %swap3A_124 = vector.shape_cast %broadcast_in_dim3A_1 : vector<16xi32> to vector<16xi32>
    tpu.vector_store %arg4[%swap3A_121], %swap3A_124 {strides = array<i32>} : memref<3200xi32, #tpu.memory_space<vmem>>, vector<16xi32>,
    %swap3A_125 = arith.constant 2496 : index
    %swap3A_126 = tpu.vector_load %arg4[%swap3A_125] {strides = array<i32>} : memref<3200xi32, #tpu.memory_space<vmem>>, vector<16xi32>,
    %swap3A_127 = vector.shape_cast %swap3A_126 : vector<16xi32> to vector<16xi32>
    %swap3A_128 = vector.shape_cast %broadcast_in_dim3A_1 : vector<16xi32> to vector<16xi32>
    tpu.vector_store %arg4[%swap3A_125], %swap3A_128 {strides = array<i32>} : memref<3200xi32, #tpu.memory_space<vmem>>, vector<16xi32>,
    %swap3A_129 = arith.constant 2512 : index
    %swap3A_130 = tpu.vector_load %arg4[%swap3A_129] {strides = array<i32>} : memref<3200xi32, #tpu.memory_space<vmem>>, vector<16xi32>,
    %swap3A_131 = vector.shape_cast %swap3A_130 : vector<16xi32> to vector<16xi32>
    %swap3A_132 = vector.shape_cast %broadcast_in_dim3A_1 : vector<16xi32> to vector<16xi32>
    tpu.vector_store %arg4[%swap3A_129], %swap3A_132 {strides = array<i32>} : memref<3200xi32, #tpu.memory_space<vmem>>, vector<16xi32>,
    %swap3A_133 = arith.constant 2528 : index
    %swap3A_134 = tpu.vector_load %arg4[%swap3A_133] {strides = array<i32>} : memref<3200xi32, #tpu.memory_space<vmem>>, vector<16xi32>,
    %swap3A_135 = vector.shape_cast %swap3A_134 : vector<16xi32> to vector<16xi32>
    %swap3A_136 = vector.shape_cast %broadcast_in_dim3A_1 : vector<16xi32> to vector<16xi32>
    tpu.vector_store %arg4[%swap3A_133], %swap3A_136 {strides = array<i32>} : memref<3200xi32, #tpu.memory_space<vmem>>, vector<16xi32>,
    %swap3A_137 = arith.constant 2544 : index
    %swap3A_138 = tpu.vector_load %arg4[%swap3A_137] {strides = array<i32>} : memref<3200xi32, #tpu.memory_space<vmem>>, vector<16xi32>,
    %swap3A_139 = vector.shape_cast %swap3A_138 : vector<16xi32> to vector<16xi32>
    %swap3A_140 = vector.shape_cast %broadcast_in_dim3A_1 : vector<16xi32> to vector<16xi32>
    tpu.vector_store %arg4[%swap3A_137], %swap3A_140 {strides = array<i32>} : memref<3200xi32, #tpu.memory_space<vmem>>, vector<16xi32>,
    %swap3A_141 = arith.constant 2560 : index
    %swap3A_142 = tpu.vector_load %arg4[%swap3A_141] {strides = array<i32>} : memref<3200xi32, #tpu.memory_space<vmem>>, vector<16xi32>,
    %swap3A_143 = vector.shape_cast %swap3A_142 : vector<16xi32> to vector<16xi32>
    %swap3A_144 = vector.shape_cast %broadcast_in_dim3A_1 : vector<16xi32> to vector<16xi32>
    tpu.vector_store %arg4[%swap3A_141], %swap3A_144 {strides = array<i32>} : memref<3200xi32, #tpu.memory_space<vmem>>, vector<16xi32>,
    %swap3A_145 = arith.constant 2576 : index
    %swap3A_146 = tpu.vector_load %arg4[%swap3A_145] {strides = array<i32>} : memref<3200xi32, #tpu.memory_space<vmem>>, vector<16xi32>,
    %swap3A_147 = vector.shape_cast %swap3A_146 : vector<16xi32> to vector<16xi32>
    %swap3A_148 = vector.shape_cast %broadcast_in_dim3A_1 : vector<16xi32> to vector<16xi32>
    tpu.vector_store %arg4[%swap3A_145], %swap3A_148 {strides = array<i32>} : memref<3200xi32, #tpu.memory_space<vmem>>, vector<16xi32>,
    %swap3A_149 = arith.constant 2592 : index
    %swap3A_150 = tpu.vector_load %arg4[%swap3A_149] {strides = array<i32>} : memref<3200xi32, #tpu.memory_space<vmem>>, vector<16xi32>,
    %swap3A_151 = vector.shape_cast %swap3A_150 : vector<16xi32> to vector<16xi32>
    %swap3A_152 = vector.shape_cast %broadcast_in_dim3A_1 : vector<16xi32> to vector<16xi32>
    tpu.vector_store %arg4[%swap3A_149], %swap3A_152 {strides = array<i32>} : memref<3200xi32, #tpu.memory_space<vmem>>, vector<16xi32>,
    %swap3A_153 = arith.constant 2608 : index
    %swap3A_154 = tpu.vector_load %arg4[%swap3A_153] {strides = array<i32>} : memref<3200xi32, #tpu.memory_space<vmem>>, vector<16xi32>,
    %swap3A_155 = vector.shape_cast %swap3A_154 : vector<16xi32> to vector<16xi32>
    %swap3A_156 = vector.shape_cast %broadcast_in_dim3A_1 : vector<16xi32> to vector<16xi32>
    tpu.vector_store %arg4[%swap3A_153], %swap3A_156 {strides = array<i32>} : memref<3200xi32, #tpu.memory_space<vmem>>, vector<16xi32>,
    %swap3A_157 = arith.constant 2624 : index
    %swap3A_158 = tpu.vector_load %arg4[%swap3A_157] {strides = array<i32>} : memref<3200xi32, #tpu.memory_space<vmem>>, vector<16xi32>,
    %swap3A_159 = vector.shape_cast %swap3A_158 : vector<16xi32> to vector<16xi32>
    %swap3A_160 = vector.shape_cast %broadcast_in_dim3A_1 : vector<16xi32> to vector<16xi32>
    tpu.vector_store %arg4[%swap3A_157], %swap3A_160 {strides = array<i32>} : memref<3200xi32, #tpu.memory_space<vmem>>, vector<16xi32>,
    %swap3A_161 = arith.constant 2640 : index
    %swap3A_162 = tpu.vector_load %arg4[%swap3A_161] {strides = array<i32>} : memref<3200xi32, #tpu.memory_space<vmem>>, vector<16xi32>,
    %swap3A_163 = vector.shape_cast %swap3A_162 : vector<16xi32> to vector<16xi32>
    %swap3A_164 = vector.shape_cast %broadcast_in_dim3A_1 : vector<16xi32> to vector<16xi32>
    tpu.vector_store %arg4[%swap3A_161], %swap3A_164 {strides = array<i32>} : memref<3200xi32, #tpu.memory_space<vmem>>, vector<16xi32>,
    %swap3A_165 = arith.constant 2656 : index
    %swap3A_166 = tpu.vector_load %arg4[%swap3A_165] {strides = array<i32>} : memref<3200xi32, #tpu.memory_space<vmem>>, vector<16xi32>,
    %swap3A_167 = vector.shape_cast %swap3A_166 : vector<16xi32> to vector<16xi32>
    %swap3A_168 = vector.shape_cast %broadcast_in_dim3A_1 : vector<16xi32> to vector<16xi32>
    tpu.vector_store %arg4[%swap3A_165], %swap3A_168 {strides = array<i32>} : memref<3200xi32, #tpu.memory_space<vmem>>, vector<16xi32>,
    %swap3A_169 = arith.constant 2672 : index
    %swap3A_170 = tpu.vector_load %arg4[%swap3A_169] {strides = array<i32>} : memref<3200xi32, #tpu.memory_space<vmem>>, vector<16xi32>,
    %swap3A_171 = vector.shape_cast %swap3A_170 : vector<16xi32> to vector<16xi32>
    %swap3A_172 = vector.shape_cast %broadcast_in_dim3A_1 : vector<16xi32> to vector<16xi32>
    tpu.vector_store %arg4[%swap3A_169], %swap3A_172 {strides = array<i32>} : memref<3200xi32, #tpu.memory_space<vmem>>, vector<16xi32>,
    %swap3A_173 = arith.constant 2688 : index
    %swap3A_174 = tpu.vector_load %arg4[%swap3A_173] {strides = array<i32>} : memref<3200xi32, #tpu.memory_space<vmem>>, vector<16xi32>,
    %swap3A_175 = vector.shape_cast %swap3A_174 : vector<16xi32> to vector<16xi32>
    %swap3A_176 = vector.shape_cast %broadcast_in_dim3A_1 : vector<16xi32> to vector<16xi32>
    tpu.vector_store %arg4[%swap3A_173], %swap3A_176 {strides = array<i32>} : memref<3200xi32, #tpu.memory_space<vmem>>, vector<16xi32>,
    %swap3A_177 = arith.constant 2704 : index
    %swap3A_178 = tpu.vector_load %arg4[%swap3A_177] {strides = array<i32>} : memref<3200xi32, #tpu.memory_space<vmem>>, vector<16xi32>,
    %swap3A_179 = vector.shape_cast %swap3A_178 : vector<16xi32> to vector<16xi32>
    %swap3A_180 = vector.shape_cast %broadcast_in_dim3A_1 : vector<16xi32> to vector<16xi32>
    tpu.vector_store %arg4[%swap3A_177], %swap3A_180 {strides = array<i32>} : memref<3200xi32, #tpu.memory_space<vmem>>, vector<16xi32>,
    %swap3A_181 = arith.constant 2720 : index
    %swap3A_182 = tpu.vector_load %arg4[%swap3A_181] {strides = array<i32>} : memref<3200xi32, #tpu.memory_space<vmem>>, vector<16xi32>,
    %swap3A_183 = vector.shape_cast %swap3A_182 : vector<16xi32> to vector<16xi32>
    %swap3A_184 = vector.shape_cast %broadcast_in_dim3A_1 : vector<16xi32> to vector<16xi32>
    tpu.vector_store %arg4[%swap3A_181], %swap3A_184 {strides = array<i32>} : memref<3200xi32, #tpu.memory_space<vmem>>, vector<16xi32>,
    %swap3A_185 = arith.constant 2736 : index
    %swap3A_186 = tpu.vector_load %arg4[%swap3A_185] {strides = array<i32>} : memref<3200xi32, #tpu.memory_space<vmem>>, vector<16xi32>,
    %swap3A_187 = vector.shape_cast %swap3A_186 : vector<16xi32> to vector<16xi32>
    %swap3A_188 = vector.shape_cast %broadcast_in_dim3A_1 : vector<16xi32> to vector<16xi32>
    tpu.vector_store %arg4[%swap3A_185], %swap3A_188 {strides = array<i32>} : memref<3200xi32, #tpu.memory_space<vmem>>, vector<16xi32>,
    %swap3A_189 = arith.constant 2752 : index
    %swap3A_190 = tpu.vector_load %arg4[%swap3A_189] {strides = array<i32>} : memref<3200xi32, #tpu.memory_space<vmem>>, vector<16xi32>,
    %swap3A_191 = vector.shape_cast %swap3A_190 : vector<16xi32> to vector<16xi32>
    %swap3A_192 = vector.shape_cast %broadcast_in_dim3A_1 : vector<16xi32> to vector<16xi32>
    tpu.vector_store %arg4[%swap3A_189], %swap3A_192 {strides = array<i32>} : memref<3200xi32, #tpu.memory_space<vmem>>, vector<16xi32>,
    %swap3A_193 = arith.constant 2768 : index
    %swap3A_194 = tpu.vector_load %arg4[%swap3A_193] {strides = array<i32>} : memref<3200xi32, #tpu.memory_space<vmem>>, vector<16xi32>,
    %swap3A_195 = vector.shape_cast %swap3A_194 : vector<16xi32> to vector<16xi32>
    %swap3A_196 = vector.shape_cast %broadcast_in_dim3A_1 : vector<16xi32> to vector<16xi32>
    tpu.vector_store %arg4[%swap3A_193], %swap3A_196 {strides = array<i32>} : memref<3200xi32, #tpu.memory_space<vmem>>, vector<16xi32>,
    %swap3A_197 = arith.constant 2784 : index
    %swap3A_198 = tpu.vector_load %arg4[%swap3A_197] {strides = array<i32>} : memref<3200xi32, #tpu.memory_space<vmem>>, vector<16xi32>,
    %swap3A_199 = vector.shape_cast %swap3A_198 : vector<16xi32> to vector<16xi32>
    %swap3A_200 = vector.shape_cast %broadcast_in_dim3A_1 : vector<16xi32> to vector<16xi32>
    tpu.vector_store %arg4[%swap3A_197], %swap3A_200 {strides = array<i32>} : memref<3200xi32, #tpu.memory_space<vmem>>, vector<16xi32>,
    %swap3A_201 = arith.constant 2800 : index
    %swap3A_202 = tpu.vector_load %arg4[%swap3A_201] {strides = array<i32>} : memref<3200xi32, #tpu.memory_space<vmem>>, vector<16xi32>,
    %swap3A_203 = vector.shape_cast %swap3A_202 : vector<16xi32> to vector<16xi32>
    %swap3A_204 = vector.shape_cast %broadcast_in_dim3A_1 : vector<16xi32> to vector<16xi32>
    tpu.vector_store %arg4[%swap3A_201], %swap3A_204 {strides = array<i32>} : memref<3200xi32, #tpu.memory_space<vmem>>, vector<16xi32>,
    %swap3A_205 = arith.constant 2816 : index
    %swap3A_206 = tpu.vector_load %arg4[%swap3A_205] {strides = array<i32>} : memref<3200xi32, #tpu.memory_space<vmem>>, vector<16xi32>,
    %swap3A_207 = vector.shape_cast %swap3A_206 : vector<16xi32> to vector<16xi32>
    %swap3A_208 = vector.shape_cast %broadcast_in_dim3A_1 : vector<16xi32> to vector<16xi32>
    tpu.vector_store %arg4[%swap3A_205], %swap3A_208 {strides = array<i32>} : memref<3200xi32, #tpu.memory_space<vmem>>, vector<16xi32>,
    %swap3A_209 = arith.constant 2832 : index
    %swap3A_210 = tpu.vector_load %arg4[%swap3A_209] {strides = array<i32>} : memref<3200xi32, #tpu.memory_space<vmem>>, vector<16xi32>,
    %swap3A_211 = vector.shape_cast %swap3A_210 : vector<16xi32> to vector<16xi32>
    %swap3A_212 = vector.shape_cast %broadcast_in_dim3A_1 : vector<16xi32> to vector<16xi32>
    tpu.vector_store %arg4[%swap3A_209], %swap3A_212 {strides = array<i32>} : memref<3200xi32, #tpu.memory_space<vmem>>, vector<16xi32>,
    %swap3A_213 = arith.constant 2848 : index
    %swap3A_214 = tpu.vector_load %arg4[%swap3A_213] {strides = array<i32>} : memref<3200xi32, #tpu.memory_space<vmem>>, vector<16xi32>,
    %swap3A_215 = vector.shape_cast %swap3A_214 : vector<16xi32> to vector<16xi32>
    %swap3A_216 = vector.shape_cast %broadcast_in_dim3A_1 : vector<16xi32> to vector<16xi32>
    tpu.vector_store %arg4[%swap3A_213], %swap3A_216 {strides = array<i32>} : memref<3200xi32, #tpu.memory_space<vmem>>, vector<16xi32>,
    %swap3A_217 = arith.constant 2864 : index
    %swap3A_218 = tpu.vector_load %arg4[%swap3A_217] {strides = array<i32>} : memref<3200xi32, #tpu.memory_space<vmem>>, vector<16xi32>,
    %swap3A_219 = vector.shape_cast %swap3A_218 : vector<16xi32> to vector<16xi32>
    %swap3A_220 = vector.shape_cast %broadcast_in_dim3A_1 : vector<16xi32> to vector<16xi32>
    tpu.vector_store %arg4[%swap3A_217], %swap3A_220 {strides = array<i32>} : memref<3200xi32, #tpu.memory_space<vmem>>, vector<16xi32>,
    %swap3A_221 = arith.constant 2880 : index
    %swap3A_222 = tpu.vector_load %arg4[%swap3A_221] {strides = array<i32>} : memref<3200xi32, #tpu.memory_space<vmem>>, vector<16xi32>,
    %swap3A_223 = vector.shape_cast %swap3A_222 : vector<16xi32> to vector<16xi32>
    %swap3A_224 = vector.shape_cast %broadcast_in_dim3A_1 : vector<16xi32> to vector<16xi32>
    tpu.vector_store %arg4[%swap3A_221], %swap3A_224 {strides = array<i32>} : memref<3200xi32, #tpu.memory_space<vmem>>, vector<16xi32>,
    %swap3A_225 = arith.constant 2896 : index
    %swap3A_226 = tpu.vector_load %arg4[%swap3A_225] {strides = array<i32>} : memref<3200xi32, #tpu.memory_space<vmem>>, vector<16xi32>,
    %swap3A_227 = vector.shape_cast %swap3A_226 : vector<16xi32> to vector<16xi32>
    %swap3A_228 = vector.shape_cast %broadcast_in_dim3A_1 : vector<16xi32> to vector<16xi32>
    tpu.vector_store %arg4[%swap3A_225], %swap3A_228 {strides = array<i32>} : memref<3200xi32, #tpu.memory_space<vmem>>, vector<16xi32>,
    %swap3A_229 = arith.constant 2912 : index
    %swap3A_230 = tpu.vector_load %arg4[%swap3A_229] {strides = array<i32>} : memref<3200xi32, #tpu.memory_space<vmem>>, vector<16xi32>,
    %swap3A_231 = vector.shape_cast %swap3A_230 : vector<16xi32> to vector<16xi32>
    %swap3A_232 = vector.shape_cast %broadcast_in_dim3A_1 : vector<16xi32> to vector<16xi32>
    tpu.vector_store %arg4[%swap3A_229], %swap3A_232 {strides = array<i32>} : memref<3200xi32, #tpu.memory_space<vmem>>, vector<16xi32>,
    %swap3A_233 = arith.constant 2928 : index
    %swap3A_234 = tpu.vector_load %arg4[%swap3A_233] {strides = array<i32>} : memref<3200xi32, #tpu.memory_space<vmem>>, vector<16xi32>,
    %swap3A_235 = vector.shape_cast %swap3A_234 : vector<16xi32> to vector<16xi32>
    %swap3A_236 = vector.shape_cast %broadcast_in_dim3A_1 : vector<16xi32> to vector<16xi32>
    tpu.vector_store %arg4[%swap3A_233], %swap3A_236 {strides = array<i32>} : memref<3200xi32, #tpu.memory_space<vmem>>, vector<16xi32>,
    %swap3A_237 = arith.constant 2944 : index
    %swap3A_238 = tpu.vector_load %arg4[%swap3A_237] {strides = array<i32>} : memref<3200xi32, #tpu.memory_space<vmem>>, vector<16xi32>,
    %swap3A_239 = vector.shape_cast %swap3A_238 : vector<16xi32> to vector<16xi32>
    %swap3A_240 = vector.shape_cast %broadcast_in_dim3A_1 : vector<16xi32> to vector<16xi32>
    tpu.vector_store %arg4[%swap3A_237], %swap3A_240 {strides = array<i32>} : memref<3200xi32, #tpu.memory_space<vmem>>, vector<16xi32>,
    %swap3A_241 = arith.constant 2960 : index
    %swap3A_242 = tpu.vector_load %arg4[%swap3A_241] {strides = array<i32>} : memref<3200xi32, #tpu.memory_space<vmem>>, vector<16xi32>,
    %swap3A_243 = vector.shape_cast %swap3A_242 : vector<16xi32> to vector<16xi32>
    %swap3A_244 = vector.shape_cast %broadcast_in_dim3A_1 : vector<16xi32> to vector<16xi32>
    tpu.vector_store %arg4[%swap3A_241], %swap3A_244 {strides = array<i32>} : memref<3200xi32, #tpu.memory_space<vmem>>, vector<16xi32>,
    %swap3A_245 = arith.constant 2976 : index
    %swap3A_246 = tpu.vector_load %arg4[%swap3A_245] {strides = array<i32>} : memref<3200xi32, #tpu.memory_space<vmem>>, vector<16xi32>,
    %swap3A_247 = vector.shape_cast %swap3A_246 : vector<16xi32> to vector<16xi32>
    %swap3A_248 = vector.shape_cast %broadcast_in_dim3A_1 : vector<16xi32> to vector<16xi32>
    tpu.vector_store %arg4[%swap3A_245], %swap3A_248 {strides = array<i32>} : memref<3200xi32, #tpu.memory_space<vmem>>, vector<16xi32>,
    %swap3A_249 = arith.constant 2992 : index
    %swap3A_250 = tpu.vector_load %arg4[%swap3A_249] {strides = array<i32>} : memref<3200xi32, #tpu.memory_space<vmem>>, vector<16xi32>,
    %swap3A_251 = vector.shape_cast %swap3A_250 : vector<16xi32> to vector<16xi32>
    %swap3A_252 = vector.shape_cast %broadcast_in_dim3A_1 : vector<16xi32> to vector<16xi32>
    tpu.vector_store %arg4[%swap3A_249], %swap3A_252 {strides = array<i32>} : memref<3200xi32, #tpu.memory_space<vmem>>, vector<16xi32>,
    %swap3A_253 = arith.constant 3008 : index
    %swap3A_254 = tpu.vector_load %arg4[%swap3A_253] {strides = array<i32>} : memref<3200xi32, #tpu.memory_space<vmem>>, vector<16xi32>,
    %swap3A_255 = vector.shape_cast %swap3A_254 : vector<16xi32> to vector<16xi32>
    %swap3A_256 = vector.shape_cast %broadcast_in_dim3A_1 : vector<16xi32> to vector<16xi32>
    tpu.vector_store %arg4[%swap3A_253], %swap3A_256 {strides = array<i32>} : memref<3200xi32, #tpu.memory_space<vmem>>, vector<16xi32>,
    %swap3A_257 = arith.constant 3024 : index
    %swap3A_258 = tpu.vector_load %arg4[%swap3A_257] {strides = array<i32>} : memref<3200xi32, #tpu.memory_space<vmem>>, vector<16xi32>,
    %swap3A_259 = vector.shape_cast %swap3A_258 : vector<16xi32> to vector<16xi32>
    %swap3A_260 = vector.shape_cast %broadcast_in_dim3A_1 : vector<16xi32> to vector<16xi32>
    tpu.vector_store %arg4[%swap3A_257], %swap3A_260 {strides = array<i32>} : memref<3200xi32, #tpu.memory_space<vmem>>, vector<16xi32>,
    %swap3A_261 = arith.constant 3040 : index
    %swap3A_262 = tpu.vector_load %arg4[%swap3A_261] {strides = array<i32>} : memref<3200xi32, #tpu.memory_space<vmem>>, vector<16xi32>,
    %swap3A_263 = vector.shape_cast %swap3A_262 : vector<16xi32> to vector<16xi32>
    %swap3A_264 = vector.shape_cast %broadcast_in_dim3A_1 : vector<16xi32> to vector<16xi32>
    tpu.vector_store %arg4[%swap3A_261], %swap3A_264 {strides = array<i32>} : memref<3200xi32, #tpu.memory_space<vmem>>, vector<16xi32>,
    %swap3A_265 = arith.constant 3056 : index
    %swap3A_266 = tpu.vector_load %arg4[%swap3A_265] {strides = array<i32>} : memref<3200xi32, #tpu.memory_space<vmem>>, vector<16xi32>,
    %swap3A_267 = vector.shape_cast %swap3A_266 : vector<16xi32> to vector<16xi32>
    %swap3A_268 = vector.shape_cast %broadcast_in_dim3A_1 : vector<16xi32> to vector<16xi32>
    tpu.vector_store %arg4[%swap3A_265], %swap3A_268 {strides = array<i32>} : memref<3200xi32, #tpu.memory_space<vmem>>, vector<16xi32>,
    %swap3A_269 = arith.constant 3072 : index
    %swap3A_270 = tpu.vector_load %arg4[%swap3A_269] {strides = array<i32>} : memref<3200xi32, #tpu.memory_space<vmem>>, vector<16xi32>,
    %swap3A_271 = vector.shape_cast %swap3A_270 : vector<16xi32> to vector<16xi32>
    %swap3A_272 = vector.shape_cast %broadcast_in_dim3A_1 : vector<16xi32> to vector<16xi32>
    tpu.vector_store %arg4[%swap3A_269], %swap3A_272 {strides = array<i32>} : memref<3200xi32, #tpu.memory_space<vmem>>, vector<16xi32>,
    %swap3A_273 = arith.constant 3088 : index
    %swap3A_274 = tpu.vector_load %arg4[%swap3A_273] {strides = array<i32>} : memref<3200xi32, #tpu.memory_space<vmem>>, vector<16xi32>,
    %swap3A_275 = vector.shape_cast %swap3A_274 : vector<16xi32> to vector<16xi32>
    %swap3A_276 = vector.shape_cast %broadcast_in_dim3A_1 : vector<16xi32> to vector<16xi32>
    tpu.vector_store %arg4[%swap3A_273], %swap3A_276 {strides = array<i32>} : memref<3200xi32, #tpu.memory_space<vmem>>, vector<16xi32>,
    %swap3A_277 = arith.constant 3104 : index
    %swap3A_278 = tpu.vector_load %arg4[%swap3A_277] {strides = array<i32>} : memref<3200xi32, #tpu.memory_space<vmem>>, vector<16xi32>,
    %swap3A_279 = vector.shape_cast %swap3A_278 : vector<16xi32> to vector<16xi32>
    %swap3A_280 = vector.shape_cast %broadcast_in_dim3A_1 : vector<16xi32> to vector<16xi32>
    tpu.vector_store %arg4[%swap3A_277], %swap3A_280 {strides = array<i32>} : memref<3200xi32, #tpu.memory_space<vmem>>, vector<16xi32>,
    %swap3A_281 = arith.constant 3120 : index
    %swap3A_282 = tpu.vector_load %arg4[%swap3A_281] {strides = array<i32>} : memref<3200xi32, #tpu.memory_space<vmem>>, vector<16xi32>,
    %swap3A_283 = vector.shape_cast %swap3A_282 : vector<16xi32> to vector<16xi32>
    %swap3A_284 = vector.shape_cast %broadcast_in_dim3A_1 : vector<16xi32> to vector<16xi32>
    tpu.vector_store %arg4[%swap3A_281], %swap3A_284 {strides = array<i32>} : memref<3200xi32, #tpu.memory_space<vmem>>, vector<16xi32>,
    %swap3A_285 = arith.constant 3136 : index
    %swap3A_286 = tpu.vector_load %arg4[%swap3A_285] {strides = array<i32>} : memref<3200xi32, #tpu.memory_space<vmem>>, vector<16xi32>,
    %swap3A_287 = vector.shape_cast %swap3A_286 : vector<16xi32> to vector<16xi32>
    %swap3A_288 = vector.shape_cast %broadcast_in_dim3A_1 : vector<16xi32> to vector<16xi32>
    tpu.vector_store %arg4[%swap3A_285], %swap3A_288 {strides = array<i32>} : memref<3200xi32, #tpu.memory_space<vmem>>, vector<16xi32>,
    %swap3A_289 = arith.constant 3152 : index
    %swap3A_290 = tpu.vector_load %arg4[%swap3A_289] {strides = array<i32>} : memref<3200xi32, #tpu.memory_space<vmem>>, vector<16xi32>,
    %swap3A_291 = vector.shape_cast %swap3A_290 : vector<16xi32> to vector<16xi32>
    %swap3A_292 = vector.shape_cast %broadcast_in_dim3A_1 : vector<16xi32> to vector<16xi32>
    tpu.vector_store %arg4[%swap3A_289], %swap3A_292 {strides = array<i32>} : memref<3200xi32, #tpu.memory_space<vmem>>, vector<16xi32>,
    %swap3A_293 = arith.constant 3168 : index
    %swap3A_294 = tpu.vector_load %arg4[%swap3A_293] {strides = array<i32>} : memref<3200xi32, #tpu.memory_space<vmem>>, vector<16xi32>,
    %swap3A_295 = vector.shape_cast %swap3A_294 : vector<16xi32> to vector<16xi32>
    %swap3A_296 = vector.shape_cast %broadcast_in_dim3A_1 : vector<16xi32> to vector<16xi32>
    tpu.vector_store %arg4[%swap3A_293], %swap3A_296 {strides = array<i32>} : memref<3200xi32, #tpu.memory_space<vmem>>, vector<16xi32>,
    %swap3A_297 = arith.constant 3184 : index
    %swap3A_298 = tpu.vector_load %arg4[%swap3A_297] {strides = array<i32>} : memref<3200xi32, #tpu.memory_space<vmem>>, vector<16xi32>,
    %swap3A_299 = vector.shape_cast %swap3A_298 : vector<16xi32> to vector<16xi32>
    %swap3A_300 = vector.shape_cast %broadcast_in_dim3A_1 : vector<16xi32> to vector<16xi32>
    tpu.vector_store %arg4[%swap3A_297], %swap3A_300 {strides = array<i32>} : memref<3200xi32, #tpu.memory_space<vmem>>, vector<16xi32>,
    %lt3A = arith.constant 15 : i32
    %lt3A_301 = arith.cmpi slt, %arg1, %lt3A : i32
    %convert_element_type3A = arith.extui %lt3A_301 : i1 to i32
    %cond3A = arith.constant 0 : i32
    %cond3A_302 = arith.cmpi ne, %convert_element_type3A, %cond3A : i32
    scf.if %cond3A_302 {
      "tpu.region"() ({
        %run_scoped3A = tpu.sem_alloc : memref<!tpu.dma_semaphore, #tpu.memory_space<semaphore_mem>>
        %dma_start3A = tpu.memref_slice %arg2[%mul3A_0] : memref<50000xi32, #tpu.memory_space<hbm>> -> memref<3200xi32, #tpu.memory_space<hbm>>
        %dma_start3A_2214 = tpu.memref_slice %arg2[%mul3A_0] : memref<50000xi32, #tpu.memory_space<hbm>> -> memref<3200xi32, #tpu.memory_space<hbm>>
        tpu.enqueue_dma source(%dma_start3A_2214 : memref<3200xi32, #tpu.memory_space<hbm>>) target(%arg4 : memref<3200xi32, #tpu.memory_space<vmem>>) target_semaphore(%run_scoped3A : memref<!tpu.dma_semaphore, #tpu.memory_space<semaphore_mem>>)
        %dma_wait3A = tpu.memref_slice %arg2[%mul3A_0] : memref<50000xi32, #tpu.memory_space<hbm>> -> memref<3200xi32, #tpu.memory_space<hbm>>
        %dma_wait3A_2215 = tpu.memref_slice %arg2[%mul3A_0] : memref<50000xi32, #tpu.memory_space<hbm>> -> memref<3200xi32, #tpu.memory_space<hbm>>
        tpu.wait_dma2 semaphore(%run_scoped3A : memref<!tpu.dma_semaphore, #tpu.memory_space<semaphore_mem>>) src(%dma_wait3A_2215 : memref<3200xi32, #tpu.memory_space<hbm>>) dst(%arg4 : memref<3200xi32, #tpu.memory_space<vmem>>)
        tpu.yield
      }) : () -> ()
    } else {
    }
    %eq3A = arith.constant 15 : i32
    %eq3A_303 = arith.cmpi eq, %arg1, %eq3A : i32
    %convert_element_type3A_304 = arith.extui %eq3A_303 : i1 to i32
    %cond3A_305 = arith.constant 0 : i32
    %cond3A_306 = arith.cmpi ne, %convert_element_type3A_304, %cond3A_305 : i32
    scf.if %cond3A_306 {
      "tpu.region"() ({
        %run_scoped3A = tpu.sem_alloc : memref<!tpu.dma_semaphore, #tpu.memory_space<semaphore_mem>>
        %dma_start3A = arith.constant 0 : i32
        %dma_start3A_2214 = tpu.memref_slice %arg4[%dma_start3A] : memref<3200xi32, #tpu.memory_space<vmem>> -> memref<2000xi32, #tpu.memory_space<vmem>>
        %dma_start3A_2215 = tpu.memref_slice %arg2[%mul3A_0] : memref<50000xi32, #tpu.memory_space<hbm>> -> memref<2000xi32, #tpu.memory_space<hbm>>
        %dma_start3A_2216 = arith.constant 0 : i32
        %dma_start3A_2217 = tpu.memref_slice %arg4[%dma_start3A_2216] : memref<3200xi32, #tpu.memory_space<vmem>> -> memref<2000xi32, #tpu.memory_space<vmem>>
        %dma_start3A_2218 = tpu.memref_slice %arg2[%mul3A_0] : memref<50000xi32, #tpu.memory_space<hbm>> -> memref<2000xi32, #tpu.memory_space<hbm>>
        tpu.enqueue_dma source(%dma_start3A_2218 : memref<2000xi32, #tpu.memory_space<hbm>>) target(%dma_start3A_2217 : memref<2000xi32, #tpu.memory_space<vmem>>) target_semaphore(%run_scoped3A : memref<!tpu.dma_semaphore, #tpu.memory_space<semaphore_mem>>)
        %dma_wait3A = arith.constant 0 : i32
        %dma_wait3A_2219 = tpu.memref_slice %arg4[%dma_wait3A] : memref<3200xi32, #tpu.memory_space<vmem>> -> memref<2000xi32, #tpu.memory_space<vmem>>
        %dma_wait3A_2220 = tpu.memref_slice %arg2[%mul3A_0] : memref<50000xi32, #tpu.memory_space<hbm>> -> memref<2000xi32, #tpu.memory_space<hbm>>
        %dma_wait3A_2221 = arith.constant 0 : i32
        %dma_wait3A_2222 = tpu.memref_slice %arg4[%dma_wait3A_2221] : memref<3200xi32, #tpu.memory_space<vmem>> -> memref<2000xi32, #tpu.memory_space<vmem>>
        %dma_wait3A_2223 = tpu.memref_slice %arg2[%mul3A_0] : memref<50000xi32, #tpu.memory_space<hbm>> -> memref<2000xi32, #tpu.memory_space<hbm>>
        tpu.wait_dma2 semaphore(%run_scoped3A : memref<!tpu.dma_semaphore, #tpu.memory_space<semaphore_mem>>) src(%dma_wait3A_2223 : memref<2000xi32, #tpu.memory_space<hbm>>) dst(%dma_wait3A_2222 : memref<2000xi32, #tpu.memory_space<vmem>>)
        tpu.yield
      }) : () -> ()
    } else {
    }
    %broadcast_in_dim3A_307 = arith.constant 1.000000e+00 : f32
    %broadcast_in_dim3A_308 = vector.broadcast %broadcast_in_dim3A_307 : f32 to vector<16xf32>
    %swap3A_309 = arith.constant 0 : index
    %swap3A_310 = tpu.vector_load %arg6[%swap3A_309] {strides = array<i32>} : memref<128xf32, #tpu.memory_space<vmem>>, vector<16xf32>,
    %swap3A_311 = vector.shape_cast %swap3A_310 : vector<16xf32> to vector<16xf32>
    %swap3A_312 = vector.shape_cast %broadcast_in_dim3A_308 : vector<16xf32> to vector<16xf32>
    tpu.vector_store %arg6[%swap3A_309], %swap3A_312 {strides = array<i32>} : memref<128xf32, #tpu.memory_space<vmem>>, vector<16xf32>,
    %broadcast_in_dim3A_313 = arith.constant 1.000000e+00 : f32
    %broadcast_in_dim3A_314 = vector.broadcast %broadcast_in_dim3A_313 : f32 to vector<16xf32>
    %swap3A_315 = arith.constant 16 : index
    %swap3A_316 = tpu.vector_load %arg6[%swap3A_315] {strides = array<i32>} : memref<128xf32, #tpu.memory_space<vmem>>, vector<16xf32>,
    %swap3A_317 = vector.shape_cast %swap3A_316 : vector<16xf32> to vector<16xf32>
    %swap3A_318 = vector.shape_cast %broadcast_in_dim3A_314 : vector<16xf32> to vector<16xf32>
    tpu.vector_store %arg6[%swap3A_315], %swap3A_318 {strides = array<i32>} : memref<128xf32, #tpu.memory_space<vmem>>, vector<16xf32>,
    %broadcast_in_dim3A_319 = arith.constant 1.000000e+00 : f32
    %broadcast_in_dim3A_320 = vector.broadcast %broadcast_in_dim3A_319 : f32 to vector<16xf32>
    %swap3A_321 = arith.constant 32 : index
    %swap3A_322 = tpu.vector_load %arg6[%swap3A_321] {strides = array<i32>} : memref<128xf32, #tpu.memory_space<vmem>>, vector<16xf32>,
    %swap3A_323 = vector.shape_cast %swap3A_322 : vector<16xf32> to vector<16xf32>
    %swap3A_324 = vector.shape_cast %broadcast_in_dim3A_320 : vector<16xf32> to vector<16xf32>
    tpu.vector_store %arg6[%swap3A_321], %swap3A_324 {strides = array<i32>} : memref<128xf32, #tpu.memory_space<vmem>>, vector<16xf32>,
    %broadcast_in_dim3A_325 = arith.constant 1.000000e+00 : f32
    %broadcast_in_dim3A_326 = vector.broadcast %broadcast_in_dim3A_325 : f32 to vector<16xf32>
    %swap3A_327 = arith.constant 48 : index
    %swap3A_328 = tpu.vector_load %arg6[%swap3A_327] {strides = array<i32>} : memref<128xf32, #tpu.memory_space<vmem>>, vector<16xf32>,
    %swap3A_329 = vector.shape_cast %swap3A_328 : vector<16xf32> to vector<16xf32>
    %swap3A_330 = vector.shape_cast %broadcast_in_dim3A_326 : vector<16xf32> to vector<16xf32>
    tpu.vector_store %arg6[%swap3A_327], %swap3A_330 {strides = array<i32>} : memref<128xf32, #tpu.memory_space<vmem>>, vector<16xf32>,
    %broadcast_in_dim3A_331 = arith.constant 1.000000e+00 : f32
    %broadcast_in_dim3A_332 = vector.broadcast %broadcast_in_dim3A_331 : f32 to vector<16xf32>
    %swap3A_333 = arith.constant 64 : index
    %swap3A_334 = tpu.vector_load %arg6[%swap3A_333] {strides = array<i32>} : memref<128xf32, #tpu.memory_space<vmem>>, vector<16xf32>,
    %swap3A_335 = vector.shape_cast %swap3A_334 : vector<16xf32> to vector<16xf32>
    %swap3A_336 = vector.shape_cast %broadcast_in_dim3A_332 : vector<16xf32> to vector<16xf32>
    tpu.vector_store %arg6[%swap3A_333], %swap3A_336 {strides = array<i32>} : memref<128xf32, #tpu.memory_space<vmem>>, vector<16xf32>,
    %broadcast_in_dim3A_337 = arith.constant 1.000000e+00 : f32
    %broadcast_in_dim3A_338 = vector.broadcast %broadcast_in_dim3A_337 : f32 to vector<16xf32>
    %swap3A_339 = arith.constant 80 : index
    %swap3A_340 = tpu.vector_load %arg6[%swap3A_339] {strides = array<i32>} : memref<128xf32, #tpu.memory_space<vmem>>, vector<16xf32>,
    %swap3A_341 = vector.shape_cast %swap3A_340 : vector<16xf32> to vector<16xf32>
    %swap3A_342 = vector.shape_cast %broadcast_in_dim3A_338 : vector<16xf32> to vector<16xf32>
    tpu.vector_store %arg6[%swap3A_339], %swap3A_342 {strides = array<i32>} : memref<128xf32, #tpu.memory_space<vmem>>, vector<16xf32>,
    %broadcast_in_dim3A_343 = arith.constant 1.000000e+00 : f32
    %broadcast_in_dim3A_344 = vector.broadcast %broadcast_in_dim3A_343 : f32 to vector<16xf32>
    %swap3A_345 = arith.constant 96 : index
    %swap3A_346 = tpu.vector_load %arg6[%swap3A_345] {strides = array<i32>} : memref<128xf32, #tpu.memory_space<vmem>>, vector<16xf32>,
    %swap3A_347 = vector.shape_cast %swap3A_346 : vector<16xf32> to vector<16xf32>
    %swap3A_348 = vector.shape_cast %broadcast_in_dim3A_344 : vector<16xf32> to vector<16xf32>
    tpu.vector_store %arg6[%swap3A_345], %swap3A_348 {strides = array<i32>} : memref<128xf32, #tpu.memory_space<vmem>>, vector<16xf32>,
    %broadcast_in_dim3A_349 = arith.constant 1.000000e+00 : f32
    %broadcast_in_dim3A_350 = vector.broadcast %broadcast_in_dim3A_349 : f32 to vector<16xf32>
    %swap3A_351 = arith.constant 112 : index
    %swap3A_352 = tpu.vector_load %arg6[%swap3A_351] {strides = array<i32>} : memref<128xf32, #tpu.memory_space<vmem>>, vector<16xf32>,
    %swap3A_353 = vector.shape_cast %swap3A_352 : vector<16xf32> to vector<16xf32>
    %swap3A_354 = vector.shape_cast %broadcast_in_dim3A_350 : vector<16xf32> to vector<16xf32>
    tpu.vector_store %arg6[%swap3A_351], %swap3A_354 {strides = array<i32>} : memref<128xf32, #tpu.memory_space<vmem>>, vector<16xf32>,
    %broadcast_in_dim3A_355 = arith.constant 0.000000e+00 : f32
    %broadcast_in_dim3A_356 = vector.broadcast %broadcast_in_dim3A_355 : f32 to vector<16xf32>
    %swap3A_357 = arith.constant 0 : index
    %swap3A_358 = tpu.vector_load %arg7[%swap3A_357] {strides = array<i32>} : memref<144xf32, #tpu.memory_space<vmem>>, vector<16xf32>,
    %swap3A_359 = vector.shape_cast %swap3A_358 : vector<16xf32> to vector<16xf32>
    %swap3A_360 = vector.shape_cast %broadcast_in_dim3A_356 : vector<16xf32> to vector<16xf32>
    tpu.vector_store %arg7[%swap3A_357], %swap3A_360 {strides = array<i32>} : memref<144xf32, #tpu.memory_space<vmem>>, vector<16xf32>,
    %broadcast_in_dim3A_361 = arith.constant 0.000000e+00 : f32
    %broadcast_in_dim3A_362 = vector.broadcast %broadcast_in_dim3A_361 : f32 to vector<16xf32>
    %swap3A_363 = arith.constant 16 : index
    %swap3A_364 = tpu.vector_load %arg7[%swap3A_363] {strides = array<i32>} : memref<144xf32, #tpu.memory_space<vmem>>, vector<16xf32>,
    %swap3A_365 = vector.shape_cast %swap3A_364 : vector<16xf32> to vector<16xf32>
    %swap3A_366 = vector.shape_cast %broadcast_in_dim3A_362 : vector<16xf32> to vector<16xf32>
    tpu.vector_store %arg7[%swap3A_363], %swap3A_366 {strides = array<i32>} : memref<144xf32, #tpu.memory_space<vmem>>, vector<16xf32>,
    %broadcast_in_dim3A_367 = arith.constant 0.000000e+00 : f32
    %broadcast_in_dim3A_368 = vector.broadcast %broadcast_in_dim3A_367 : f32 to vector<16xf32>
    %swap3A_369 = arith.constant 32 : index
    %swap3A_370 = tpu.vector_load %arg7[%swap3A_369] {strides = array<i32>} : memref<144xf32, #tpu.memory_space<vmem>>, vector<16xf32>,
    %swap3A_371 = vector.shape_cast %swap3A_370 : vector<16xf32> to vector<16xf32>
    %swap3A_372 = vector.shape_cast %broadcast_in_dim3A_368 : vector<16xf32> to vector<16xf32>
    tpu.vector_store %arg7[%swap3A_369], %swap3A_372 {strides = array<i32>} : memref<144xf32, #tpu.memory_space<vmem>>, vector<16xf32>,
    %broadcast_in_dim3A_373 = arith.constant 0.000000e+00 : f32
    %broadcast_in_dim3A_374 = vector.broadcast %broadcast_in_dim3A_373 : f32 to vector<16xf32>
    %swap3A_375 = arith.constant 48 : index
    %swap3A_376 = tpu.vector_load %arg7[%swap3A_375] {strides = array<i32>} : memref<144xf32, #tpu.memory_space<vmem>>, vector<16xf32>,
    %swap3A_377 = vector.shape_cast %swap3A_376 : vector<16xf32> to vector<16xf32>
    %swap3A_378 = vector.shape_cast %broadcast_in_dim3A_374 : vector<16xf32> to vector<16xf32>
    tpu.vector_store %arg7[%swap3A_375], %swap3A_378 {strides = array<i32>} : memref<144xf32, #tpu.memory_space<vmem>>, vector<16xf32>,
    %broadcast_in_dim3A_379 = arith.constant 0.000000e+00 : f32
    %broadcast_in_dim3A_380 = vector.broadcast %broadcast_in_dim3A_379 : f32 to vector<16xf32>
    %swap3A_381 = arith.constant 64 : index
    %swap3A_382 = tpu.vector_load %arg7[%swap3A_381] {strides = array<i32>} : memref<144xf32, #tpu.memory_space<vmem>>, vector<16xf32>,
    %swap3A_383 = vector.shape_cast %swap3A_382 : vector<16xf32> to vector<16xf32>
    %swap3A_384 = vector.shape_cast %broadcast_in_dim3A_380 : vector<16xf32> to vector<16xf32>
    tpu.vector_store %arg7[%swap3A_381], %swap3A_384 {strides = array<i32>} : memref<144xf32, #tpu.memory_space<vmem>>, vector<16xf32>,
    %broadcast_in_dim3A_385 = arith.constant 0.000000e+00 : f32
    %broadcast_in_dim3A_386 = vector.broadcast %broadcast_in_dim3A_385 : f32 to vector<16xf32>
    %swap3A_387 = arith.constant 80 : index
    %swap3A_388 = tpu.vector_load %arg7[%swap3A_387] {strides = array<i32>} : memref<144xf32, #tpu.memory_space<vmem>>, vector<16xf32>,
    %swap3A_389 = vector.shape_cast %swap3A_388 : vector<16xf32> to vector<16xf32>
    %swap3A_390 = vector.shape_cast %broadcast_in_dim3A_386 : vector<16xf32> to vector<16xf32>
    tpu.vector_store %arg7[%swap3A_387], %swap3A_390 {strides = array<i32>} : memref<144xf32, #tpu.memory_space<vmem>>, vector<16xf32>,
    %broadcast_in_dim3A_391 = arith.constant 0.000000e+00 : f32
    %broadcast_in_dim3A_392 = vector.broadcast %broadcast_in_dim3A_391 : f32 to vector<16xf32>
    %swap3A_393 = arith.constant 96 : index
    %swap3A_394 = tpu.vector_load %arg7[%swap3A_393] {strides = array<i32>} : memref<144xf32, #tpu.memory_space<vmem>>, vector<16xf32>,
    %swap3A_395 = vector.shape_cast %swap3A_394 : vector<16xf32> to vector<16xf32>
    %swap3A_396 = vector.shape_cast %broadcast_in_dim3A_392 : vector<16xf32> to vector<16xf32>
    tpu.vector_store %arg7[%swap3A_393], %swap3A_396 {strides = array<i32>} : memref<144xf32, #tpu.memory_space<vmem>>, vector<16xf32>,
    %broadcast_in_dim3A_397 = arith.constant 0.000000e+00 : f32
    %broadcast_in_dim3A_398 = vector.broadcast %broadcast_in_dim3A_397 : f32 to vector<16xf32>
    %swap3A_399 = arith.constant 112 : index
    %swap3A_400 = tpu.vector_load %arg7[%swap3A_399] {strides = array<i32>} : memref<144xf32, #tpu.memory_space<vmem>>, vector<16xf32>,
    %swap3A_401 = vector.shape_cast %swap3A_400 : vector<16xf32> to vector<16xf32>
    %swap3A_402 = vector.shape_cast %broadcast_in_dim3A_398 : vector<16xf32> to vector<16xf32>
    tpu.vector_store %arg7[%swap3A_399], %swap3A_402 {strides = array<i32>} : memref<144xf32, #tpu.memory_space<vmem>>, vector<16xf32>,
    %broadcast_in_dim3A_403 = arith.constant 0.000000e+00 : f32
    %broadcast_in_dim3A_404 = vector.broadcast %broadcast_in_dim3A_403 : f32 to vector<16xf32>
    %swap3A_405 = arith.constant 128 : index
    %swap3A_406 = tpu.vector_load %arg7[%swap3A_405] {strides = array<i32>} : memref<144xf32, #tpu.memory_space<vmem>>, vector<16xf32>,
    %swap3A_407 = vector.shape_cast %swap3A_406 : vector<16xf32> to vector<16xf32>
    %swap3A_408 = vector.shape_cast %broadcast_in_dim3A_404 : vector<16xf32> to vector<16xf32>
    tpu.vector_store %arg7[%swap3A_405], %swap3A_408 {strides = array<i32>} : memref<144xf32, #tpu.memory_space<vmem>>, vector<16xf32>,
    %mul3A_409 = arith.constant 144 : i32
    %mul3A_410 = arith.muli %arg1, %mul3A_409 : i32
    "tpu.region"() ({
      %run_scoped3A = tpu.sem_alloc : memref<!tpu.dma_semaphore, #tpu.memory_space<semaphore_mem>>
      %dma_start3A = tpu.memref_slice %arg10[%mul3A_410] : memref<2304xf32, #tpu.memory_space<vmem_shared>> -> memref<144xf32, #tpu.memory_space<vmem_shared>>
      %dma_start3A_2214 = tpu.memref_slice %arg10[%mul3A_410] : memref<2304xf32, #tpu.memory_space<vmem_shared>> -> memref<144xf32, #tpu.memory_space<vmem_shared>>
      tpu.enqueue_dma source(%arg7 : memref<144xf32, #tpu.memory_space<vmem>>) target(%dma_start3A_2214 : memref<144xf32, #tpu.memory_space<vmem_shared>>) target_semaphore(%run_scoped3A : memref<!tpu.dma_semaphore, #tpu.memory_space<semaphore_mem>>)
      %dma_wait3A = tpu.memref_slice %arg10[%mul3A_410] : memref<2304xf32, #tpu.memory_space<vmem_shared>> -> memref<144xf32, #tpu.memory_space<vmem_shared>>
      %dma_wait3A_2215 = tpu.memref_slice %arg10[%mul3A_410] : memref<2304xf32, #tpu.memory_space<vmem_shared>> -> memref<144xf32, #tpu.memory_space<vmem_shared>>
      tpu.wait_dma2 semaphore(%run_scoped3A : memref<!tpu.dma_semaphore, #tpu.memory_space<semaphore_mem>>) src(%arg7 : memref<144xf32, #tpu.memory_space<vmem>>) dst(%dma_wait3A_2215 : memref<144xf32, #tpu.memory_space<vmem_shared>>)
      tpu.yield
    }) : () -> ()
    %get3A = arith.constant 0 : index
    %get3A_411 = tpu.vector_load %arg4[%get3A] {strides = array<i32>} : memref<3200xi32, #tpu.memory_space<vmem>>, vector<16xi32>,
    %get3A_412 = vector.shape_cast %get3A_411 : vector<16xi32> to vector<16xi32>
    %add3A = vector.broadcast %mul3A_410 : i32 to vector<16xi32>
    %add3A_413 = arith.addi %get3A_412, %add3A : vector<16xi32>
    %swap3A_414 = arith.constant 0 : index
    %swap3A_415 = tpu.vector_load %arg5[%swap3A_414] {strides = array<i32>} : memref<128xi32, #tpu.memory_space<vmem>>, vector<16xi32>,
    %swap3A_416 = vector.shape_cast %swap3A_415 : vector<16xi32> to vector<16xi32>
    %swap3A_417 = vector.shape_cast %add3A_413 : vector<16xi32> to vector<16xi32>
    tpu.vector_store %arg5[%swap3A_414], %swap3A_417 {strides = array<i32>} : memref<128xi32, #tpu.memory_space<vmem>>, vector<16xi32>,
    %get3A_418 = arith.constant 16 : index
    %get3A_419 = tpu.vector_load %arg4[%get3A_418] {strides = array<i32>} : memref<3200xi32, #tpu.memory_space<vmem>>, vector<16xi32>,
    %get3A_420 = vector.shape_cast %get3A_419 : vector<16xi32> to vector<16xi32>
    %add3A_421 = vector.broadcast %mul3A_410 : i32 to vector<16xi32>
    %add3A_422 = arith.addi %get3A_420, %add3A_421 : vector<16xi32>
    %swap3A_423 = arith.constant 16 : index
    %swap3A_424 = tpu.vector_load %arg5[%swap3A_423] {strides = array<i32>} : memref<128xi32, #tpu.memory_space<vmem>>, vector<16xi32>,
    %swap3A_425 = vector.shape_cast %swap3A_424 : vector<16xi32> to vector<16xi32>
    %swap3A_426 = vector.shape_cast %add3A_422 : vector<16xi32> to vector<16xi32>
    tpu.vector_store %arg5[%swap3A_423], %swap3A_426 {strides = array<i32>} : memref<128xi32, #tpu.memory_space<vmem>>, vector<16xi32>,
    %get3A_427 = arith.constant 32 : index
    %get3A_428 = tpu.vector_load %arg4[%get3A_427] {strides = array<i32>} : memref<3200xi32, #tpu.memory_space<vmem>>, vector<16xi32>,
    %get3A_429 = vector.shape_cast %get3A_428 : vector<16xi32> to vector<16xi32>
    %add3A_430 = vector.broadcast %mul3A_410 : i32 to vector<16xi32>
    %add3A_431 = arith.addi %get3A_429, %add3A_430 : vector<16xi32>
    %swap3A_432 = arith.constant 32 : index
    %swap3A_433 = tpu.vector_load %arg5[%swap3A_432] {strides = array<i32>} : memref<128xi32, #tpu.memory_space<vmem>>, vector<16xi32>,
    %swap3A_434 = vector.shape_cast %swap3A_433 : vector<16xi32> to vector<16xi32>
    %swap3A_435 = vector.shape_cast %add3A_431 : vector<16xi32> to vector<16xi32>
    tpu.vector_store %arg5[%swap3A_432], %swap3A_435 {strides = array<i32>} : memref<128xi32, #tpu.memory_space<vmem>>, vector<16xi32>,
    %get3A_436 = arith.constant 48 : index
    %get3A_437 = tpu.vector_load %arg4[%get3A_436] {strides = array<i32>} : memref<3200xi32, #tpu.memory_space<vmem>>, vector<16xi32>,
    %get3A_438 = vector.shape_cast %get3A_437 : vector<16xi32> to vector<16xi32>
    %add3A_439 = vector.broadcast %mul3A_410 : i32 to vector<16xi32>
    %add3A_440 = arith.addi %get3A_438, %add3A_439 : vector<16xi32>
    %swap3A_441 = arith.constant 48 : index
    %swap3A_442 = tpu.vector_load %arg5[%swap3A_441] {strides = array<i32>} : memref<128xi32, #tpu.memory_space<vmem>>, vector<16xi32>,
    %swap3A_443 = vector.shape_cast %swap3A_442 : vector<16xi32> to vector<16xi32>
    %swap3A_444 = vector.shape_cast %add3A_440 : vector<16xi32> to vector<16xi32>
    tpu.vector_store %arg5[%swap3A_441], %swap3A_444 {strides = array<i32>} : memref<128xi32, #tpu.memory_space<vmem>>, vector<16xi32>,
    %get3A_445 = arith.constant 64 : index
    %get3A_446 = tpu.vector_load %arg4[%get3A_445] {strides = array<i32>} : memref<3200xi32, #tpu.memory_space<vmem>>, vector<16xi32>,
    %get3A_447 = vector.shape_cast %get3A_446 : vector<16xi32> to vector<16xi32>
    %add3A_448 = vector.broadcast %mul3A_410 : i32 to vector<16xi32>
    %add3A_449 = arith.addi %get3A_447, %add3A_448 : vector<16xi32>
    %swap3A_450 = arith.constant 64 : index
    %swap3A_451 = tpu.vector_load %arg5[%swap3A_450] {strides = array<i32>} : memref<128xi32, #tpu.memory_space<vmem>>, vector<16xi32>,
    %swap3A_452 = vector.shape_cast %swap3A_451 : vector<16xi32> to vector<16xi32>
    %swap3A_453 = vector.shape_cast %add3A_449 : vector<16xi32> to vector<16xi32>
    tpu.vector_store %arg5[%swap3A_450], %swap3A_453 {strides = array<i32>} : memref<128xi32, #tpu.memory_space<vmem>>, vector<16xi32>,
    %get3A_454 = arith.constant 80 : index
    %get3A_455 = tpu.vector_load %arg4[%get3A_454] {strides = array<i32>} : memref<3200xi32, #tpu.memory_space<vmem>>, vector<16xi32>,
    %get3A_456 = vector.shape_cast %get3A_455 : vector<16xi32> to vector<16xi32>
    %add3A_457 = vector.broadcast %mul3A_410 : i32 to vector<16xi32>
    %add3A_458 = arith.addi %get3A_456, %add3A_457 : vector<16xi32>
    %swap3A_459 = arith.constant 80 : index
    %swap3A_460 = tpu.vector_load %arg5[%swap3A_459] {strides = array<i32>} : memref<128xi32, #tpu.memory_space<vmem>>, vector<16xi32>,
    %swap3A_461 = vector.shape_cast %swap3A_460 : vector<16xi32> to vector<16xi32>
    %swap3A_462 = vector.shape_cast %add3A_458 : vector<16xi32> to vector<16xi32>
    tpu.vector_store %arg5[%swap3A_459], %swap3A_462 {strides = array<i32>} : memref<128xi32, #tpu.memory_space<vmem>>, vector<16xi32>,
    %get3A_463 = arith.constant 96 : index
    %get3A_464 = tpu.vector_load %arg4[%get3A_463] {strides = array<i32>} : memref<3200xi32, #tpu.memory_space<vmem>>, vector<16xi32>,
    %get3A_465 = vector.shape_cast %get3A_464 : vector<16xi32> to vector<16xi32>
    %add3A_466 = vector.broadcast %mul3A_410 : i32 to vector<16xi32>
    %add3A_467 = arith.addi %get3A_465, %add3A_466 : vector<16xi32>
    %swap3A_468 = arith.constant 96 : index
    %swap3A_469 = tpu.vector_load %arg5[%swap3A_468] {strides = array<i32>} : memref<128xi32, #tpu.memory_space<vmem>>, vector<16xi32>,
    %swap3A_470 = vector.shape_cast %swap3A_469 : vector<16xi32> to vector<16xi32>
    %swap3A_471 = vector.shape_cast %add3A_467 : vector<16xi32> to vector<16xi32>
    tpu.vector_store %arg5[%swap3A_468], %swap3A_471 {strides = array<i32>} : memref<128xi32, #tpu.memory_space<vmem>>, vector<16xi32>,
    %get3A_472 = arith.constant 112 : index
    %get3A_473 = tpu.vector_load %arg4[%get3A_472] {strides = array<i32>} : memref<3200xi32, #tpu.memory_space<vmem>>, vector<16xi32>,
    %get3A_474 = vector.shape_cast %get3A_473 : vector<16xi32> to vector<16xi32>
    %add3A_475 = vector.broadcast %mul3A_410 : i32 to vector<16xi32>
    %add3A_476 = arith.addi %get3A_474, %add3A_475 : vector<16xi32>
    %swap3A_477 = arith.constant 112 : index
    %swap3A_478 = tpu.vector_load %arg5[%swap3A_477] {strides = array<i32>} : memref<128xi32, #tpu.memory_space<vmem>>, vector<16xi32>,
    %swap3A_479 = vector.shape_cast %swap3A_478 : vector<16xi32> to vector<16xi32>
    %swap3A_480 = vector.shape_cast %add3A_476 : vector<16xi32> to vector<16xi32>
    tpu.vector_store %arg5[%swap3A_477], %swap3A_480 {strides = array<i32>} : memref<128xi32, #tpu.memory_space<vmem>>, vector<16xi32>,
    "tpu.region"() ({
      %run_scoped3A = tpu.sem_alloc : memref<!tpu.dma_semaphore, #tpu.memory_space<semaphore_mem>>
      %dma_start3A = arith.constant 0 : i32
      %dma_start3A_2214 = tpu.memref_slice %arg10[%dma_start3A] : memref<2304xf32, #tpu.memory_space<vmem_shared>> -> memref<2304xf32, #tpu.memory_space<vmem_shared>>
      tpu.enqueue_indirect_dma source(%arg6 : memref<128xf32, #tpu.memory_space<vmem>>) target(%dma_start3A_2214 : memref<2304xf32, #tpu.memory_space<vmem_shared>>) offsets(%arg5 : memref<128xi32, #tpu.memory_space<vmem>>) semaphore(%run_scoped3A : memref<!tpu.dma_semaphore, #tpu.memory_space<semaphore_mem>>) {add = true}
      %dma_wait3A = arith.constant 0 : i32
      %dma_wait3A_2215 = tpu.memref_slice %arg10[%dma_wait3A] : memref<2304xf32, #tpu.memory_space<vmem_shared>> -> memref<2304xf32, #tpu.memory_space<vmem_shared>>
      tpu.wait_indirect_dma semaphore(%run_scoped3A : memref<!tpu.dma_semaphore, #tpu.memory_space<semaphore_mem>>) src(%arg6 : memref<128xf32, #tpu.memory_space<vmem>>) dst(%dma_wait3A_2215 : memref<2304xf32, #tpu.memory_space<vmem_shared>>)
      tpu.yield
    }) : () -> ()
    %get3A_481 = arith.constant 128 : index
    %get3A_482 = tpu.vector_load %arg4[%get3A_481] {strides = array<i32>} : memref<3200xi32, #tpu.memory_space<vmem>>, vector<16xi32>,
    %get3A_483 = vector.shape_cast %get3A_482 : vector<16xi32> to vector<16xi32>
    %add3A_484 = vector.broadcast %mul3A_410 : i32 to vector<16xi32>
    %add3A_485 = arith.addi %get3A_483, %add3A_484 : vector<16xi32>
    %swap3A_486 = arith.constant 0 : index
    %swap3A_487 = tpu.vector_load %arg5[%swap3A_486] {strides = array<i32>} : memref<128xi32, #tpu.memory_space<vmem>>, vector<16xi32>,
    %swap3A_488 = vector.shape_cast %swap3A_487 : vector<16xi32> to vector<16xi32>
    %swap3A_489 = vector.shape_cast %add3A_485 : vector<16xi32> to vector<16xi32>
    tpu.vector_store %arg5[%swap3A_486], %swap3A_489 {strides = array<i32>} : memref<128xi32, #tpu.memory_space<vmem>>, vector<16xi32>,
    %get3A_490 = arith.constant 144 : index
    %get3A_491 = tpu.vector_load %arg4[%get3A_490] {strides = array<i32>} : memref<3200xi32, #tpu.memory_space<vmem>>, vector<16xi32>,
    %get3A_492 = vector.shape_cast %get3A_491 : vector<16xi32> to vector<16xi32>
    %add3A_493 = vector.broadcast %mul3A_410 : i32 to vector<16xi32>
    %add3A_494 = arith.addi %get3A_492, %add3A_493 : vector<16xi32>
    %swap3A_495 = arith.constant 16 : index
    %swap3A_496 = tpu.vector_load %arg5[%swap3A_495] {strides = array<i32>} : memref<128xi32, #tpu.memory_space<vmem>>, vector<16xi32>,
    %swap3A_497 = vector.shape_cast %swap3A_496 : vector<16xi32> to vector<16xi32>
    %swap3A_498 = vector.shape_cast %add3A_494 : vector<16xi32> to vector<16xi32>
    tpu.vector_store %arg5[%swap3A_495], %swap3A_498 {strides = array<i32>} : memref<128xi32, #tpu.memory_space<vmem>>, vector<16xi32>,
    %get3A_499 = arith.constant 160 : index
    %get3A_500 = tpu.vector_load %arg4[%get3A_499] {strides = array<i32>} : memref<3200xi32, #tpu.memory_space<vmem>>, vector<16xi32>,
    %get3A_501 = vector.shape_cast %get3A_500 : vector<16xi32> to vector<16xi32>
    %add3A_502 = vector.broadcast %mul3A_410 : i32 to vector<16xi32>
    %add3A_503 = arith.addi %get3A_501, %add3A_502 : vector<16xi32>
    %swap3A_504 = arith.constant 32 : index
    %swap3A_505 = tpu.vector_load %arg5[%swap3A_504] {strides = array<i32>} : memref<128xi32, #tpu.memory_space<vmem>>, vector<16xi32>,
    %swap3A_506 = vector.shape_cast %swap3A_505 : vector<16xi32> to vector<16xi32>
    %swap3A_507 = vector.shape_cast %add3A_503 : vector<16xi32> to vector<16xi32>
    tpu.vector_store %arg5[%swap3A_504], %swap3A_507 {strides = array<i32>} : memref<128xi32, #tpu.memory_space<vmem>>, vector<16xi32>,
    %get3A_508 = arith.constant 176 : index
    %get3A_509 = tpu.vector_load %arg4[%get3A_508] {strides = array<i32>} : memref<3200xi32, #tpu.memory_space<vmem>>, vector<16xi32>,
    %get3A_510 = vector.shape_cast %get3A_509 : vector<16xi32> to vector<16xi32>
    %add3A_511 = vector.broadcast %mul3A_410 : i32 to vector<16xi32>
    %add3A_512 = arith.addi %get3A_510, %add3A_511 : vector<16xi32>
    %swap3A_513 = arith.constant 48 : index
    %swap3A_514 = tpu.vector_load %arg5[%swap3A_513] {strides = array<i32>} : memref<128xi32, #tpu.memory_space<vmem>>, vector<16xi32>,
    %swap3A_515 = vector.shape_cast %swap3A_514 : vector<16xi32> to vector<16xi32>
    %swap3A_516 = vector.shape_cast %add3A_512 : vector<16xi32> to vector<16xi32>
    tpu.vector_store %arg5[%swap3A_513], %swap3A_516 {strides = array<i32>} : memref<128xi32, #tpu.memory_space<vmem>>, vector<16xi32>,
    %get3A_517 = arith.constant 192 : index
    %get3A_518 = tpu.vector_load %arg4[%get3A_517] {strides = array<i32>} : memref<3200xi32, #tpu.memory_space<vmem>>, vector<16xi32>,
    %get3A_519 = vector.shape_cast %get3A_518 : vector<16xi32> to vector<16xi32>
    %add3A_520 = vector.broadcast %mul3A_410 : i32 to vector<16xi32>
    %add3A_521 = arith.addi %get3A_519, %add3A_520 : vector<16xi32>
    %swap3A_522 = arith.constant 64 : index
    %swap3A_523 = tpu.vector_load %arg5[%swap3A_522] {strides = array<i32>} : memref<128xi32, #tpu.memory_space<vmem>>, vector<16xi32>,
    %swap3A_524 = vector.shape_cast %swap3A_523 : vector<16xi32> to vector<16xi32>
    %swap3A_525 = vector.shape_cast %add3A_521 : vector<16xi32> to vector<16xi32>
    tpu.vector_store %arg5[%swap3A_522], %swap3A_525 {strides = array<i32>} : memref<128xi32, #tpu.memory_space<vmem>>, vector<16xi32>,
    %get3A_526 = arith.constant 208 : index
    %get3A_527 = tpu.vector_load %arg4[%get3A_526] {strides = array<i32>} : memref<3200xi32, #tpu.memory_space<vmem>>, vector<16xi32>,
    %get3A_528 = vector.shape_cast %get3A_527 : vector<16xi32> to vector<16xi32>
    %add3A_529 = vector.broadcast %mul3A_410 : i32 to vector<16xi32>
    %add3A_530 = arith.addi %get3A_528, %add3A_529 : vector<16xi32>
    %swap3A_531 = arith.constant 80 : index
    %swap3A_532 = tpu.vector_load %arg5[%swap3A_531] {strides = array<i32>} : memref<128xi32, #tpu.memory_space<vmem>>, vector<16xi32>,
    %swap3A_533 = vector.shape_cast %swap3A_532 : vector<16xi32> to vector<16xi32>
    %swap3A_534 = vector.shape_cast %add3A_530 : vector<16xi32> to vector<16xi32>
    tpu.vector_store %arg5[%swap3A_531], %swap3A_534 {strides = array<i32>} : memref<128xi32, #tpu.memory_space<vmem>>, vector<16xi32>,
    %get3A_535 = arith.constant 224 : index
    %get3A_536 = tpu.vector_load %arg4[%get3A_535] {strides = array<i32>} : memref<3200xi32, #tpu.memory_space<vmem>>, vector<16xi32>,
    %get3A_537 = vector.shape_cast %get3A_536 : vector<16xi32> to vector<16xi32>
    %add3A_538 = vector.broadcast %mul3A_410 : i32 to vector<16xi32>
    %add3A_539 = arith.addi %get3A_537, %add3A_538 : vector<16xi32>
    %swap3A_540 = arith.constant 96 : index
    %swap3A_541 = tpu.vector_load %arg5[%swap3A_540] {strides = array<i32>} : memref<128xi32, #tpu.memory_space<vmem>>, vector<16xi32>,
    %swap3A_542 = vector.shape_cast %swap3A_541 : vector<16xi32> to vector<16xi32>
    %swap3A_543 = vector.shape_cast %add3A_539 : vector<16xi32> to vector<16xi32>
    tpu.vector_store %arg5[%swap3A_540], %swap3A_543 {strides = array<i32>} : memref<128xi32, #tpu.memory_space<vmem>>, vector<16xi32>,
    %get3A_544 = arith.constant 240 : index
    %get3A_545 = tpu.vector_load %arg4[%get3A_544] {strides = array<i32>} : memref<3200xi32, #tpu.memory_space<vmem>>, vector<16xi32>,
    %get3A_546 = vector.shape_cast %get3A_545 : vector<16xi32> to vector<16xi32>
    %add3A_547 = vector.broadcast %mul3A_410 : i32 to vector<16xi32>
    %add3A_548 = arith.addi %get3A_546, %add3A_547 : vector<16xi32>
    %swap3A_549 = arith.constant 112 : index
    %swap3A_550 = tpu.vector_load %arg5[%swap3A_549] {strides = array<i32>} : memref<128xi32, #tpu.memory_space<vmem>>, vector<16xi32>,
    %swap3A_551 = vector.shape_cast %swap3A_550 : vector<16xi32> to vector<16xi32>
    %swap3A_552 = vector.shape_cast %add3A_548 : vector<16xi32> to vector<16xi32>
    tpu.vector_store %arg5[%swap3A_549], %swap3A_552 {strides = array<i32>} : memref<128xi32, #tpu.memory_space<vmem>>, vector<16xi32>,
    "tpu.region"() ({
      %run_scoped3A = tpu.sem_alloc : memref<!tpu.dma_semaphore, #tpu.memory_space<semaphore_mem>>
      %dma_start3A = arith.constant 0 : i32
      %dma_start3A_2214 = tpu.memref_slice %arg10[%dma_start3A] : memref<2304xf32, #tpu.memory_space<vmem_shared>> -> memref<2304xf32, #tpu.memory_space<vmem_shared>>
      tpu.enqueue_indirect_dma source(%arg6 : memref<128xf32, #tpu.memory_space<vmem>>) target(%dma_start3A_2214 : memref<2304xf32, #tpu.memory_space<vmem_shared>>) offsets(%arg5 : memref<128xi32, #tpu.memory_space<vmem>>) semaphore(%run_scoped3A : memref<!tpu.dma_semaphore, #tpu.memory_space<semaphore_mem>>) {add = true}
      %dma_wait3A = arith.constant 0 : i32
      %dma_wait3A_2215 = tpu.memref_slice %arg10[%dma_wait3A] : memref<2304xf32, #tpu.memory_space<vmem_shared>> -> memref<2304xf32, #tpu.memory_space<vmem_shared>>
      tpu.wait_indirect_dma semaphore(%run_scoped3A : memref<!tpu.dma_semaphore, #tpu.memory_space<semaphore_mem>>) src(%arg6 : memref<128xf32, #tpu.memory_space<vmem>>) dst(%dma_wait3A_2215 : memref<2304xf32, #tpu.memory_space<vmem_shared>>)
      tpu.yield
    }) : () -> ()
    %get3A_553 = arith.constant 256 : index
    %get3A_554 = tpu.vector_load %arg4[%get3A_553] {strides = array<i32>} : memref<3200xi32, #tpu.memory_space<vmem>>, vector<16xi32>,
    %get3A_555 = vector.shape_cast %get3A_554 : vector<16xi32> to vector<16xi32>
    %add3A_556 = vector.broadcast %mul3A_410 : i32 to vector<16xi32>
    %add3A_557 = arith.addi %get3A_555, %add3A_556 : vector<16xi32>
    %swap3A_558 = arith.constant 0 : index
    %swap3A_559 = tpu.vector_load %arg5[%swap3A_558] {strides = array<i32>} : memref<128xi32, #tpu.memory_space<vmem>>, vector<16xi32>,
    %swap3A_560 = vector.shape_cast %swap3A_559 : vector<16xi32> to vector<16xi32>
    %swap3A_561 = vector.shape_cast %add3A_557 : vector<16xi32> to vector<16xi32>
    tpu.vector_store %arg5[%swap3A_558], %swap3A_561 {strides = array<i32>} : memref<128xi32, #tpu.memory_space<vmem>>, vector<16xi32>,
    %get3A_562 = arith.constant 272 : index
    %get3A_563 = tpu.vector_load %arg4[%get3A_562] {strides = array<i32>} : memref<3200xi32, #tpu.memory_space<vmem>>, vector<16xi32>,
    %get3A_564 = vector.shape_cast %get3A_563 : vector<16xi32> to vector<16xi32>
    %add3A_565 = vector.broadcast %mul3A_410 : i32 to vector<16xi32>
    %add3A_566 = arith.addi %get3A_564, %add3A_565 : vector<16xi32>
    %swap3A_567 = arith.constant 16 : index
    %swap3A_568 = tpu.vector_load %arg5[%swap3A_567] {strides = array<i32>} : memref<128xi32, #tpu.memory_space<vmem>>, vector<16xi32>,
    %swap3A_569 = vector.shape_cast %swap3A_568 : vector<16xi32> to vector<16xi32>
    %swap3A_570 = vector.shape_cast %add3A_566 : vector<16xi32> to vector<16xi32>
    tpu.vector_store %arg5[%swap3A_567], %swap3A_570 {strides = array<i32>} : memref<128xi32, #tpu.memory_space<vmem>>, vector<16xi32>,
    %get3A_571 = arith.constant 288 : index
    %get3A_572 = tpu.vector_load %arg4[%get3A_571] {strides = array<i32>} : memref<3200xi32, #tpu.memory_space<vmem>>, vector<16xi32>,
    %get3A_573 = vector.shape_cast %get3A_572 : vector<16xi32> to vector<16xi32>
    %add3A_574 = vector.broadcast %mul3A_410 : i32 to vector<16xi32>
    %add3A_575 = arith.addi %get3A_573, %add3A_574 : vector<16xi32>
    %swap3A_576 = arith.constant 32 : index
    %swap3A_577 = tpu.vector_load %arg5[%swap3A_576] {strides = array<i32>} : memref<128xi32, #tpu.memory_space<vmem>>, vector<16xi32>,
    %swap3A_578 = vector.shape_cast %swap3A_577 : vector<16xi32> to vector<16xi32>
    %swap3A_579 = vector.shape_cast %add3A_575 : vector<16xi32> to vector<16xi32>
    tpu.vector_store %arg5[%swap3A_576], %swap3A_579 {strides = array<i32>} : memref<128xi32, #tpu.memory_space<vmem>>, vector<16xi32>,
    %get3A_580 = arith.constant 304 : index
    %get3A_581 = tpu.vector_load %arg4[%get3A_580] {strides = array<i32>} : memref<3200xi32, #tpu.memory_space<vmem>>, vector<16xi32>,
    %get3A_582 = vector.shape_cast %get3A_581 : vector<16xi32> to vector<16xi32>
    %add3A_583 = vector.broadcast %mul3A_410 : i32 to vector<16xi32>
    %add3A_584 = arith.addi %get3A_582, %add3A_583 : vector<16xi32>
    %swap3A_585 = arith.constant 48 : index
    %swap3A_586 = tpu.vector_load %arg5[%swap3A_585] {strides = array<i32>} : memref<128xi32, #tpu.memory_space<vmem>>, vector<16xi32>,
    %swap3A_587 = vector.shape_cast %swap3A_586 : vector<16xi32> to vector<16xi32>
    %swap3A_588 = vector.shape_cast %add3A_584 : vector<16xi32> to vector<16xi32>
    tpu.vector_store %arg5[%swap3A_585], %swap3A_588 {strides = array<i32>} : memref<128xi32, #tpu.memory_space<vmem>>, vector<16xi32>,
    %get3A_589 = arith.constant 320 : index
    %get3A_590 = tpu.vector_load %arg4[%get3A_589] {strides = array<i32>} : memref<3200xi32, #tpu.memory_space<vmem>>, vector<16xi32>,
    %get3A_591 = vector.shape_cast %get3A_590 : vector<16xi32> to vector<16xi32>
    %add3A_592 = vector.broadcast %mul3A_410 : i32 to vector<16xi32>
    %add3A_593 = arith.addi %get3A_591, %add3A_592 : vector<16xi32>
    %swap3A_594 = arith.constant 64 : index
    %swap3A_595 = tpu.vector_load %arg5[%swap3A_594] {strides = array<i32>} : memref<128xi32, #tpu.memory_space<vmem>>, vector<16xi32>,
    %swap3A_596 = vector.shape_cast %swap3A_595 : vector<16xi32> to vector<16xi32>
    %swap3A_597 = vector.shape_cast %add3A_593 : vector<16xi32> to vector<16xi32>
    tpu.vector_store %arg5[%swap3A_594], %swap3A_597 {strides = array<i32>} : memref<128xi32, #tpu.memory_space<vmem>>, vector<16xi32>,
    %get3A_598 = arith.constant 336 : index
    %get3A_599 = tpu.vector_load %arg4[%get3A_598] {strides = array<i32>} : memref<3200xi32, #tpu.memory_space<vmem>>, vector<16xi32>,
    %get3A_600 = vector.shape_cast %get3A_599 : vector<16xi32> to vector<16xi32>
    %add3A_601 = vector.broadcast %mul3A_410 : i32 to vector<16xi32>
    %add3A_602 = arith.addi %get3A_600, %add3A_601 : vector<16xi32>
    %swap3A_603 = arith.constant 80 : index
    %swap3A_604 = tpu.vector_load %arg5[%swap3A_603] {strides = array<i32>} : memref<128xi32, #tpu.memory_space<vmem>>, vector<16xi32>,
    %swap3A_605 = vector.shape_cast %swap3A_604 : vector<16xi32> to vector<16xi32>
    %swap3A_606 = vector.shape_cast %add3A_602 : vector<16xi32> to vector<16xi32>
    tpu.vector_store %arg5[%swap3A_603], %swap3A_606 {strides = array<i32>} : memref<128xi32, #tpu.memory_space<vmem>>, vector<16xi32>,
    %get3A_607 = arith.constant 352 : index
    %get3A_608 = tpu.vector_load %arg4[%get3A_607] {strides = array<i32>} : memref<3200xi32, #tpu.memory_space<vmem>>, vector<16xi32>,
    %get3A_609 = vector.shape_cast %get3A_608 : vector<16xi32> to vector<16xi32>
    %add3A_610 = vector.broadcast %mul3A_410 : i32 to vector<16xi32>
    %add3A_611 = arith.addi %get3A_609, %add3A_610 : vector<16xi32>
    %swap3A_612 = arith.constant 96 : index
    %swap3A_613 = tpu.vector_load %arg5[%swap3A_612] {strides = array<i32>} : memref<128xi32, #tpu.memory_space<vmem>>, vector<16xi32>,
    %swap3A_614 = vector.shape_cast %swap3A_613 : vector<16xi32> to vector<16xi32>
    %swap3A_615 = vector.shape_cast %add3A_611 : vector<16xi32> to vector<16xi32>
    tpu.vector_store %arg5[%swap3A_612], %swap3A_615 {strides = array<i32>} : memref<128xi32, #tpu.memory_space<vmem>>, vector<16xi32>,
    %get3A_616 = arith.constant 368 : index
    %get3A_617 = tpu.vector_load %arg4[%get3A_616] {strides = array<i32>} : memref<3200xi32, #tpu.memory_space<vmem>>, vector<16xi32>,
    %get3A_618 = vector.shape_cast %get3A_617 : vector<16xi32> to vector<16xi32>
    %add3A_619 = vector.broadcast %mul3A_410 : i32 to vector<16xi32>
    %add3A_620 = arith.addi %get3A_618, %add3A_619 : vector<16xi32>
    %swap3A_621 = arith.constant 112 : index
    %swap3A_622 = tpu.vector_load %arg5[%swap3A_621] {strides = array<i32>} : memref<128xi32, #tpu.memory_space<vmem>>, vector<16xi32>,
    %swap3A_623 = vector.shape_cast %swap3A_622 : vector<16xi32> to vector<16xi32>
    %swap3A_624 = vector.shape_cast %add3A_620 : vector<16xi32> to vector<16xi32>
    tpu.vector_store %arg5[%swap3A_621], %swap3A_624 {strides = array<i32>} : memref<128xi32, #tpu.memory_space<vmem>>, vector<16xi32>,
    "tpu.region"() ({
      %run_scoped3A = tpu.sem_alloc : memref<!tpu.dma_semaphore, #tpu.memory_space<semaphore_mem>>
      %dma_start3A = arith.constant 0 : i32
      %dma_start3A_2214 = tpu.memref_slice %arg10[%dma_start3A] : memref<2304xf32, #tpu.memory_space<vmem_shared>> -> memref<2304xf32, #tpu.memory_space<vmem_shared>>
      tpu.enqueue_indirect_dma source(%arg6 : memref<128xf32, #tpu.memory_space<vmem>>) target(%dma_start3A_2214 : memref<2304xf32, #tpu.memory_space<vmem_shared>>) offsets(%arg5 : memref<128xi32, #tpu.memory_space<vmem>>) semaphore(%run_scoped3A : memref<!tpu.dma_semaphore, #tpu.memory_space<semaphore_mem>>) {add = true}
      %dma_wait3A = arith.constant 0 : i32
      %dma_wait3A_2215 = tpu.memref_slice %arg10[%dma_wait3A] : memref<2304xf32, #tpu.memory_space<vmem_shared>> -> memref<2304xf32, #tpu.memory_space<vmem_shared>>
      tpu.wait_indirect_dma semaphore(%run_scoped3A : memref<!tpu.dma_semaphore, #tpu.memory_space<semaphore_mem>>) src(%arg6 : memref<128xf32, #tpu.memory_space<vmem>>) dst(%dma_wait3A_2215 : memref<2304xf32, #tpu.memory_space<vmem_shared>>)
      tpu.yield
    }) : () -> ()
    %get3A_625 = arith.constant 384 : index
    %get3A_626 = tpu.vector_load %arg4[%get3A_625] {strides = array<i32>} : memref<3200xi32, #tpu.memory_space<vmem>>, vector<16xi32>,
    %get3A_627 = vector.shape_cast %get3A_626 : vector<16xi32> to vector<16xi32>
    %add3A_628 = vector.broadcast %mul3A_410 : i32 to vector<16xi32>
    %add3A_629 = arith.addi %get3A_627, %add3A_628 : vector<16xi32>
    %swap3A_630 = arith.constant 0 : index
    %swap3A_631 = tpu.vector_load %arg5[%swap3A_630] {strides = array<i32>} : memref<128xi32, #tpu.memory_space<vmem>>, vector<16xi32>,
    %swap3A_632 = vector.shape_cast %swap3A_631 : vector<16xi32> to vector<16xi32>
    %swap3A_633 = vector.shape_cast %add3A_629 : vector<16xi32> to vector<16xi32>
    tpu.vector_store %arg5[%swap3A_630], %swap3A_633 {strides = array<i32>} : memref<128xi32, #tpu.memory_space<vmem>>, vector<16xi32>,
    %get3A_634 = arith.constant 400 : index
    %get3A_635 = tpu.vector_load %arg4[%get3A_634] {strides = array<i32>} : memref<3200xi32, #tpu.memory_space<vmem>>, vector<16xi32>,
    %get3A_636 = vector.shape_cast %get3A_635 : vector<16xi32> to vector<16xi32>
    %add3A_637 = vector.broadcast %mul3A_410 : i32 to vector<16xi32>
    %add3A_638 = arith.addi %get3A_636, %add3A_637 : vector<16xi32>
    %swap3A_639 = arith.constant 16 : index
    %swap3A_640 = tpu.vector_load %arg5[%swap3A_639] {strides = array<i32>} : memref<128xi32, #tpu.memory_space<vmem>>, vector<16xi32>,
    %swap3A_641 = vector.shape_cast %swap3A_640 : vector<16xi32> to vector<16xi32>
    %swap3A_642 = vector.shape_cast %add3A_638 : vector<16xi32> to vector<16xi32>
    tpu.vector_store %arg5[%swap3A_639], %swap3A_642 {strides = array<i32>} : memref<128xi32, #tpu.memory_space<vmem>>, vector<16xi32>,
    %get3A_643 = arith.constant 416 : index
    %get3A_644 = tpu.vector_load %arg4[%get3A_643] {strides = array<i32>} : memref<3200xi32, #tpu.memory_space<vmem>>, vector<16xi32>,
    %get3A_645 = vector.shape_cast %get3A_644 : vector<16xi32> to vector<16xi32>
    %add3A_646 = vector.broadcast %mul3A_410 : i32 to vector<16xi32>
    %add3A_647 = arith.addi %get3A_645, %add3A_646 : vector<16xi32>
    %swap3A_648 = arith.constant 32 : index
    %swap3A_649 = tpu.vector_load %arg5[%swap3A_648] {strides = array<i32>} : memref<128xi32, #tpu.memory_space<vmem>>, vector<16xi32>,
    %swap3A_650 = vector.shape_cast %swap3A_649 : vector<16xi32> to vector<16xi32>
    %swap3A_651 = vector.shape_cast %add3A_647 : vector<16xi32> to vector<16xi32>
    tpu.vector_store %arg5[%swap3A_648], %swap3A_651 {strides = array<i32>} : memref<128xi32, #tpu.memory_space<vmem>>, vector<16xi32>,
    %get3A_652 = arith.constant 432 : index
    %get3A_653 = tpu.vector_load %arg4[%get3A_652] {strides = array<i32>} : memref<3200xi32, #tpu.memory_space<vmem>>, vector<16xi32>,
    %get3A_654 = vector.shape_cast %get3A_653 : vector<16xi32> to vector<16xi32>
    %add3A_655 = vector.broadcast %mul3A_410 : i32 to vector<16xi32>
    %add3A_656 = arith.addi %get3A_654, %add3A_655 : vector<16xi32>
    %swap3A_657 = arith.constant 48 : index
    %swap3A_658 = tpu.vector_load %arg5[%swap3A_657] {strides = array<i32>} : memref<128xi32, #tpu.memory_space<vmem>>, vector<16xi32>,
    %swap3A_659 = vector.shape_cast %swap3A_658 : vector<16xi32> to vector<16xi32>
    %swap3A_660 = vector.shape_cast %add3A_656 : vector<16xi32> to vector<16xi32>
    tpu.vector_store %arg5[%swap3A_657], %swap3A_660 {strides = array<i32>} : memref<128xi32, #tpu.memory_space<vmem>>, vector<16xi32>,
    %get3A_661 = arith.constant 448 : index
    %get3A_662 = tpu.vector_load %arg4[%get3A_661] {strides = array<i32>} : memref<3200xi32, #tpu.memory_space<vmem>>, vector<16xi32>,
    %get3A_663 = vector.shape_cast %get3A_662 : vector<16xi32> to vector<16xi32>
    %add3A_664 = vector.broadcast %mul3A_410 : i32 to vector<16xi32>
    %add3A_665 = arith.addi %get3A_663, %add3A_664 : vector<16xi32>
    %swap3A_666 = arith.constant 64 : index
    %swap3A_667 = tpu.vector_load %arg5[%swap3A_666] {strides = array<i32>} : memref<128xi32, #tpu.memory_space<vmem>>, vector<16xi32>,
    %swap3A_668 = vector.shape_cast %swap3A_667 : vector<16xi32> to vector<16xi32>
    %swap3A_669 = vector.shape_cast %add3A_665 : vector<16xi32> to vector<16xi32>
    tpu.vector_store %arg5[%swap3A_666], %swap3A_669 {strides = array<i32>} : memref<128xi32, #tpu.memory_space<vmem>>, vector<16xi32>,
    %get3A_670 = arith.constant 464 : index
    %get3A_671 = tpu.vector_load %arg4[%get3A_670] {strides = array<i32>} : memref<3200xi32, #tpu.memory_space<vmem>>, vector<16xi32>,
    %get3A_672 = vector.shape_cast %get3A_671 : vector<16xi32> to vector<16xi32>
    %add3A_673 = vector.broadcast %mul3A_410 : i32 to vector<16xi32>
    %add3A_674 = arith.addi %get3A_672, %add3A_673 : vector<16xi32>
    %swap3A_675 = arith.constant 80 : index
    %swap3A_676 = tpu.vector_load %arg5[%swap3A_675] {strides = array<i32>} : memref<128xi32, #tpu.memory_space<vmem>>, vector<16xi32>,
    %swap3A_677 = vector.shape_cast %swap3A_676 : vector<16xi32> to vector<16xi32>
    %swap3A_678 = vector.shape_cast %add3A_674 : vector<16xi32> to vector<16xi32>
    tpu.vector_store %arg5[%swap3A_675], %swap3A_678 {strides = array<i32>} : memref<128xi32, #tpu.memory_space<vmem>>, vector<16xi32>,
    %get3A_679 = arith.constant 480 : index
    %get3A_680 = tpu.vector_load %arg4[%get3A_679] {strides = array<i32>} : memref<3200xi32, #tpu.memory_space<vmem>>, vector<16xi32>,
    %get3A_681 = vector.shape_cast %get3A_680 : vector<16xi32> to vector<16xi32>
    %add3A_682 = vector.broadcast %mul3A_410 : i32 to vector<16xi32>
    %add3A_683 = arith.addi %get3A_681, %add3A_682 : vector<16xi32>
    %swap3A_684 = arith.constant 96 : index
    %swap3A_685 = tpu.vector_load %arg5[%swap3A_684] {strides = array<i32>} : memref<128xi32, #tpu.memory_space<vmem>>, vector<16xi32>,
    %swap3A_686 = vector.shape_cast %swap3A_685 : vector<16xi32> to vector<16xi32>
    %swap3A_687 = vector.shape_cast %add3A_683 : vector<16xi32> to vector<16xi32>
    tpu.vector_store %arg5[%swap3A_684], %swap3A_687 {strides = array<i32>} : memref<128xi32, #tpu.memory_space<vmem>>, vector<16xi32>,
    %get3A_688 = arith.constant 496 : index
    %get3A_689 = tpu.vector_load %arg4[%get3A_688] {strides = array<i32>} : memref<3200xi32, #tpu.memory_space<vmem>>, vector<16xi32>,
    %get3A_690 = vector.shape_cast %get3A_689 : vector<16xi32> to vector<16xi32>
    %add3A_691 = vector.broadcast %mul3A_410 : i32 to vector<16xi32>
    %add3A_692 = arith.addi %get3A_690, %add3A_691 : vector<16xi32>
    %swap3A_693 = arith.constant 112 : index
    %swap3A_694 = tpu.vector_load %arg5[%swap3A_693] {strides = array<i32>} : memref<128xi32, #tpu.memory_space<vmem>>, vector<16xi32>,
    %swap3A_695 = vector.shape_cast %swap3A_694 : vector<16xi32> to vector<16xi32>
    %swap3A_696 = vector.shape_cast %add3A_692 : vector<16xi32> to vector<16xi32>
    tpu.vector_store %arg5[%swap3A_693], %swap3A_696 {strides = array<i32>} : memref<128xi32, #tpu.memory_space<vmem>>, vector<16xi32>,
    "tpu.region"() ({
      %run_scoped3A = tpu.sem_alloc : memref<!tpu.dma_semaphore, #tpu.memory_space<semaphore_mem>>
      %dma_start3A = arith.constant 0 : i32
      %dma_start3A_2214 = tpu.memref_slice %arg10[%dma_start3A] : memref<2304xf32, #tpu.memory_space<vmem_shared>> -> memref<2304xf32, #tpu.memory_space<vmem_shared>>
      tpu.enqueue_indirect_dma source(%arg6 : memref<128xf32, #tpu.memory_space<vmem>>) target(%dma_start3A_2214 : memref<2304xf32, #tpu.memory_space<vmem_shared>>) offsets(%arg5 : memref<128xi32, #tpu.memory_space<vmem>>) semaphore(%run_scoped3A : memref<!tpu.dma_semaphore, #tpu.memory_space<semaphore_mem>>) {add = true}
      %dma_wait3A = arith.constant 0 : i32
      %dma_wait3A_2215 = tpu.memref_slice %arg10[%dma_wait3A] : memref<2304xf32, #tpu.memory_space<vmem_shared>> -> memref<2304xf32, #tpu.memory_space<vmem_shared>>
      tpu.wait_indirect_dma semaphore(%run_scoped3A : memref<!tpu.dma_semaphore, #tpu.memory_space<semaphore_mem>>) src(%arg6 : memref<128xf32, #tpu.memory_space<vmem>>) dst(%dma_wait3A_2215 : memref<2304xf32, #tpu.memory_space<vmem_shared>>)
      tpu.yield
    }) : () -> ()
    %get3A_697 = arith.constant 512 : index
    %get3A_698 = tpu.vector_load %arg4[%get3A_697] {strides = array<i32>} : memref<3200xi32, #tpu.memory_space<vmem>>, vector<16xi32>,
    %get3A_699 = vector.shape_cast %get3A_698 : vector<16xi32> to vector<16xi32>
    %add3A_700 = vector.broadcast %mul3A_410 : i32 to vector<16xi32>
    %add3A_701 = arith.addi %get3A_699, %add3A_700 : vector<16xi32>
    %swap3A_702 = arith.constant 0 : index
    %swap3A_703 = tpu.vector_load %arg5[%swap3A_702] {strides = array<i32>} : memref<128xi32, #tpu.memory_space<vmem>>, vector<16xi32>,
    %swap3A_704 = vector.shape_cast %swap3A_703 : vector<16xi32> to vector<16xi32>
    %swap3A_705 = vector.shape_cast %add3A_701 : vector<16xi32> to vector<16xi32>
    tpu.vector_store %arg5[%swap3A_702], %swap3A_705 {strides = array<i32>} : memref<128xi32, #tpu.memory_space<vmem>>, vector<16xi32>,
    %get3A_706 = arith.constant 528 : index
    %get3A_707 = tpu.vector_load %arg4[%get3A_706] {strides = array<i32>} : memref<3200xi32, #tpu.memory_space<vmem>>, vector<16xi32>,
    %get3A_708 = vector.shape_cast %get3A_707 : vector<16xi32> to vector<16xi32>
    %add3A_709 = vector.broadcast %mul3A_410 : i32 to vector<16xi32>
    %add3A_710 = arith.addi %get3A_708, %add3A_709 : vector<16xi32>
    %swap3A_711 = arith.constant 16 : index
    %swap3A_712 = tpu.vector_load %arg5[%swap3A_711] {strides = array<i32>} : memref<128xi32, #tpu.memory_space<vmem>>, vector<16xi32>,
    %swap3A_713 = vector.shape_cast %swap3A_712 : vector<16xi32> to vector<16xi32>
    %swap3A_714 = vector.shape_cast %add3A_710 : vector<16xi32> to vector<16xi32>
    tpu.vector_store %arg5[%swap3A_711], %swap3A_714 {strides = array<i32>} : memref<128xi32, #tpu.memory_space<vmem>>, vector<16xi32>,
    %get3A_715 = arith.constant 544 : index
    %get3A_716 = tpu.vector_load %arg4[%get3A_715] {strides = array<i32>} : memref<3200xi32, #tpu.memory_space<vmem>>, vector<16xi32>,
    %get3A_717 = vector.shape_cast %get3A_716 : vector<16xi32> to vector<16xi32>
    %add3A_718 = vector.broadcast %mul3A_410 : i32 to vector<16xi32>
    %add3A_719 = arith.addi %get3A_717, %add3A_718 : vector<16xi32>
    %swap3A_720 = arith.constant 32 : index
    %swap3A_721 = tpu.vector_load %arg5[%swap3A_720] {strides = array<i32>} : memref<128xi32, #tpu.memory_space<vmem>>, vector<16xi32>,
    %swap3A_722 = vector.shape_cast %swap3A_721 : vector<16xi32> to vector<16xi32>
    %swap3A_723 = vector.shape_cast %add3A_719 : vector<16xi32> to vector<16xi32>
    tpu.vector_store %arg5[%swap3A_720], %swap3A_723 {strides = array<i32>} : memref<128xi32, #tpu.memory_space<vmem>>, vector<16xi32>,
    %get3A_724 = arith.constant 560 : index
    %get3A_725 = tpu.vector_load %arg4[%get3A_724] {strides = array<i32>} : memref<3200xi32, #tpu.memory_space<vmem>>, vector<16xi32>,
    %get3A_726 = vector.shape_cast %get3A_725 : vector<16xi32> to vector<16xi32>
    %add3A_727 = vector.broadcast %mul3A_410 : i32 to vector<16xi32>
    %add3A_728 = arith.addi %get3A_726, %add3A_727 : vector<16xi32>
    %swap3A_729 = arith.constant 48 : index
    %swap3A_730 = tpu.vector_load %arg5[%swap3A_729] {strides = array<i32>} : memref<128xi32, #tpu.memory_space<vmem>>, vector<16xi32>,
    %swap3A_731 = vector.shape_cast %swap3A_730 : vector<16xi32> to vector<16xi32>
    %swap3A_732 = vector.shape_cast %add3A_728 : vector<16xi32> to vector<16xi32>
    tpu.vector_store %arg5[%swap3A_729], %swap3A_732 {strides = array<i32>} : memref<128xi32, #tpu.memory_space<vmem>>, vector<16xi32>,
    %get3A_733 = arith.constant 576 : index
    %get3A_734 = tpu.vector_load %arg4[%get3A_733] {strides = array<i32>} : memref<3200xi32, #tpu.memory_space<vmem>>, vector<16xi32>,
    %get3A_735 = vector.shape_cast %get3A_734 : vector<16xi32> to vector<16xi32>
    %add3A_736 = vector.broadcast %mul3A_410 : i32 to vector<16xi32>
    %add3A_737 = arith.addi %get3A_735, %add3A_736 : vector<16xi32>
    %swap3A_738 = arith.constant 64 : index
    %swap3A_739 = tpu.vector_load %arg5[%swap3A_738] {strides = array<i32>} : memref<128xi32, #tpu.memory_space<vmem>>, vector<16xi32>,
    %swap3A_740 = vector.shape_cast %swap3A_739 : vector<16xi32> to vector<16xi32>
    %swap3A_741 = vector.shape_cast %add3A_737 : vector<16xi32> to vector<16xi32>
    tpu.vector_store %arg5[%swap3A_738], %swap3A_741 {strides = array<i32>} : memref<128xi32, #tpu.memory_space<vmem>>, vector<16xi32>,
    %get3A_742 = arith.constant 592 : index
    %get3A_743 = tpu.vector_load %arg4[%get3A_742] {strides = array<i32>} : memref<3200xi32, #tpu.memory_space<vmem>>, vector<16xi32>,
    %get3A_744 = vector.shape_cast %get3A_743 : vector<16xi32> to vector<16xi32>
    %add3A_745 = vector.broadcast %mul3A_410 : i32 to vector<16xi32>
    %add3A_746 = arith.addi %get3A_744, %add3A_745 : vector<16xi32>
    %swap3A_747 = arith.constant 80 : index
    %swap3A_748 = tpu.vector_load %arg5[%swap3A_747] {strides = array<i32>} : memref<128xi32, #tpu.memory_space<vmem>>, vector<16xi32>,
    %swap3A_749 = vector.shape_cast %swap3A_748 : vector<16xi32> to vector<16xi32>
    %swap3A_750 = vector.shape_cast %add3A_746 : vector<16xi32> to vector<16xi32>
    tpu.vector_store %arg5[%swap3A_747], %swap3A_750 {strides = array<i32>} : memref<128xi32, #tpu.memory_space<vmem>>, vector<16xi32>,
    %get3A_751 = arith.constant 608 : index
    %get3A_752 = tpu.vector_load %arg4[%get3A_751] {strides = array<i32>} : memref<3200xi32, #tpu.memory_space<vmem>>, vector<16xi32>,
    %get3A_753 = vector.shape_cast %get3A_752 : vector<16xi32> to vector<16xi32>
    %add3A_754 = vector.broadcast %mul3A_410 : i32 to vector<16xi32>
    %add3A_755 = arith.addi %get3A_753, %add3A_754 : vector<16xi32>
    %swap3A_756 = arith.constant 96 : index
    %swap3A_757 = tpu.vector_load %arg5[%swap3A_756] {strides = array<i32>} : memref<128xi32, #tpu.memory_space<vmem>>, vector<16xi32>,
    %swap3A_758 = vector.shape_cast %swap3A_757 : vector<16xi32> to vector<16xi32>
    %swap3A_759 = vector.shape_cast %add3A_755 : vector<16xi32> to vector<16xi32>
    tpu.vector_store %arg5[%swap3A_756], %swap3A_759 {strides = array<i32>} : memref<128xi32, #tpu.memory_space<vmem>>, vector<16xi32>,
    %get3A_760 = arith.constant 624 : index
    %get3A_761 = tpu.vector_load %arg4[%get3A_760] {strides = array<i32>} : memref<3200xi32, #tpu.memory_space<vmem>>, vector<16xi32>,
    %get3A_762 = vector.shape_cast %get3A_761 : vector<16xi32> to vector<16xi32>
    %add3A_763 = vector.broadcast %mul3A_410 : i32 to vector<16xi32>
    %add3A_764 = arith.addi %get3A_762, %add3A_763 : vector<16xi32>
    %swap3A_765 = arith.constant 112 : index
    %swap3A_766 = tpu.vector_load %arg5[%swap3A_765] {strides = array<i32>} : memref<128xi32, #tpu.memory_space<vmem>>, vector<16xi32>,
    %swap3A_767 = vector.shape_cast %swap3A_766 : vector<16xi32> to vector<16xi32>
    %swap3A_768 = vector.shape_cast %add3A_764 : vector<16xi32> to vector<16xi32>
    tpu.vector_store %arg5[%swap3A_765], %swap3A_768 {strides = array<i32>} : memref<128xi32, #tpu.memory_space<vmem>>, vector<16xi32>,
    "tpu.region"() ({
      %run_scoped3A = tpu.sem_alloc : memref<!tpu.dma_semaphore, #tpu.memory_space<semaphore_mem>>
      %dma_start3A = arith.constant 0 : i32
      %dma_start3A_2214 = tpu.memref_slice %arg10[%dma_start3A] : memref<2304xf32, #tpu.memory_space<vmem_shared>> -> memref<2304xf32, #tpu.memory_space<vmem_shared>>
      tpu.enqueue_indirect_dma source(%arg6 : memref<128xf32, #tpu.memory_space<vmem>>) target(%dma_start3A_2214 : memref<2304xf32, #tpu.memory_space<vmem_shared>>) offsets(%arg5 : memref<128xi32, #tpu.memory_space<vmem>>) semaphore(%run_scoped3A : memref<!tpu.dma_semaphore, #tpu.memory_space<semaphore_mem>>) {add = true}
      %dma_wait3A = arith.constant 0 : i32
      %dma_wait3A_2215 = tpu.memref_slice %arg10[%dma_wait3A] : memref<2304xf32, #tpu.memory_space<vmem_shared>> -> memref<2304xf32, #tpu.memory_space<vmem_shared>>
      tpu.wait_indirect_dma semaphore(%run_scoped3A : memref<!tpu.dma_semaphore, #tpu.memory_space<semaphore_mem>>) src(%arg6 : memref<128xf32, #tpu.memory_space<vmem>>) dst(%dma_wait3A_2215 : memref<2304xf32, #tpu.memory_space<vmem_shared>>)
      tpu.yield
    }) : () -> ()
    %get3A_769 = arith.constant 640 : index
    %get3A_770 = tpu.vector_load %arg4[%get3A_769] {strides = array<i32>} : memref<3200xi32, #tpu.memory_space<vmem>>, vector<16xi32>,
    %get3A_771 = vector.shape_cast %get3A_770 : vector<16xi32> to vector<16xi32>
    %add3A_772 = vector.broadcast %mul3A_410 : i32 to vector<16xi32>
    %add3A_773 = arith.addi %get3A_771, %add3A_772 : vector<16xi32>
    %swap3A_774 = arith.constant 0 : index
    %swap3A_775 = tpu.vector_load %arg5[%swap3A_774] {strides = array<i32>} : memref<128xi32, #tpu.memory_space<vmem>>, vector<16xi32>,
    %swap3A_776 = vector.shape_cast %swap3A_775 : vector<16xi32> to vector<16xi32>
    %swap3A_777 = vector.shape_cast %add3A_773 : vector<16xi32> to vector<16xi32>
    tpu.vector_store %arg5[%swap3A_774], %swap3A_777 {strides = array<i32>} : memref<128xi32, #tpu.memory_space<vmem>>, vector<16xi32>,
    %get3A_778 = arith.constant 656 : index
    %get3A_779 = tpu.vector_load %arg4[%get3A_778] {strides = array<i32>} : memref<3200xi32, #tpu.memory_space<vmem>>, vector<16xi32>,
    %get3A_780 = vector.shape_cast %get3A_779 : vector<16xi32> to vector<16xi32>
    %add3A_781 = vector.broadcast %mul3A_410 : i32 to vector<16xi32>
    %add3A_782 = arith.addi %get3A_780, %add3A_781 : vector<16xi32>
    %swap3A_783 = arith.constant 16 : index
    %swap3A_784 = tpu.vector_load %arg5[%swap3A_783] {strides = array<i32>} : memref<128xi32, #tpu.memory_space<vmem>>, vector<16xi32>,
    %swap3A_785 = vector.shape_cast %swap3A_784 : vector<16xi32> to vector<16xi32>
    %swap3A_786 = vector.shape_cast %add3A_782 : vector<16xi32> to vector<16xi32>
    tpu.vector_store %arg5[%swap3A_783], %swap3A_786 {strides = array<i32>} : memref<128xi32, #tpu.memory_space<vmem>>, vector<16xi32>,
    %get3A_787 = arith.constant 672 : index
    %get3A_788 = tpu.vector_load %arg4[%get3A_787] {strides = array<i32>} : memref<3200xi32, #tpu.memory_space<vmem>>, vector<16xi32>,
    %get3A_789 = vector.shape_cast %get3A_788 : vector<16xi32> to vector<16xi32>
    %add3A_790 = vector.broadcast %mul3A_410 : i32 to vector<16xi32>
    %add3A_791 = arith.addi %get3A_789, %add3A_790 : vector<16xi32>
    %swap3A_792 = arith.constant 32 : index
    %swap3A_793 = tpu.vector_load %arg5[%swap3A_792] {strides = array<i32>} : memref<128xi32, #tpu.memory_space<vmem>>, vector<16xi32>,
    %swap3A_794 = vector.shape_cast %swap3A_793 : vector<16xi32> to vector<16xi32>
    %swap3A_795 = vector.shape_cast %add3A_791 : vector<16xi32> to vector<16xi32>
    tpu.vector_store %arg5[%swap3A_792], %swap3A_795 {strides = array<i32>} : memref<128xi32, #tpu.memory_space<vmem>>, vector<16xi32>,
    %get3A_796 = arith.constant 688 : index
    %get3A_797 = tpu.vector_load %arg4[%get3A_796] {strides = array<i32>} : memref<3200xi32, #tpu.memory_space<vmem>>, vector<16xi32>,
    %get3A_798 = vector.shape_cast %get3A_797 : vector<16xi32> to vector<16xi32>
    %add3A_799 = vector.broadcast %mul3A_410 : i32 to vector<16xi32>
    %add3A_800 = arith.addi %get3A_798, %add3A_799 : vector<16xi32>
    %swap3A_801 = arith.constant 48 : index
    %swap3A_802 = tpu.vector_load %arg5[%swap3A_801] {strides = array<i32>} : memref<128xi32, #tpu.memory_space<vmem>>, vector<16xi32>,
    %swap3A_803 = vector.shape_cast %swap3A_802 : vector<16xi32> to vector<16xi32>
    %swap3A_804 = vector.shape_cast %add3A_800 : vector<16xi32> to vector<16xi32>
    tpu.vector_store %arg5[%swap3A_801], %swap3A_804 {strides = array<i32>} : memref<128xi32, #tpu.memory_space<vmem>>, vector<16xi32>,
    %get3A_805 = arith.constant 704 : index
    %get3A_806 = tpu.vector_load %arg4[%get3A_805] {strides = array<i32>} : memref<3200xi32, #tpu.memory_space<vmem>>, vector<16xi32>,
    %get3A_807 = vector.shape_cast %get3A_806 : vector<16xi32> to vector<16xi32>
    %add3A_808 = vector.broadcast %mul3A_410 : i32 to vector<16xi32>
    %add3A_809 = arith.addi %get3A_807, %add3A_808 : vector<16xi32>
    %swap3A_810 = arith.constant 64 : index
    %swap3A_811 = tpu.vector_load %arg5[%swap3A_810] {strides = array<i32>} : memref<128xi32, #tpu.memory_space<vmem>>, vector<16xi32>,
    %swap3A_812 = vector.shape_cast %swap3A_811 : vector<16xi32> to vector<16xi32>
    %swap3A_813 = vector.shape_cast %add3A_809 : vector<16xi32> to vector<16xi32>
    tpu.vector_store %arg5[%swap3A_810], %swap3A_813 {strides = array<i32>} : memref<128xi32, #tpu.memory_space<vmem>>, vector<16xi32>,
    %get3A_814 = arith.constant 720 : index
    %get3A_815 = tpu.vector_load %arg4[%get3A_814] {strides = array<i32>} : memref<3200xi32, #tpu.memory_space<vmem>>, vector<16xi32>,
    %get3A_816 = vector.shape_cast %get3A_815 : vector<16xi32> to vector<16xi32>
    %add3A_817 = vector.broadcast %mul3A_410 : i32 to vector<16xi32>
    %add3A_818 = arith.addi %get3A_816, %add3A_817 : vector<16xi32>
    %swap3A_819 = arith.constant 80 : index
    %swap3A_820 = tpu.vector_load %arg5[%swap3A_819] {strides = array<i32>} : memref<128xi32, #tpu.memory_space<vmem>>, vector<16xi32>,
    %swap3A_821 = vector.shape_cast %swap3A_820 : vector<16xi32> to vector<16xi32>
    %swap3A_822 = vector.shape_cast %add3A_818 : vector<16xi32> to vector<16xi32>
    tpu.vector_store %arg5[%swap3A_819], %swap3A_822 {strides = array<i32>} : memref<128xi32, #tpu.memory_space<vmem>>, vector<16xi32>,
    %get3A_823 = arith.constant 736 : index
    %get3A_824 = tpu.vector_load %arg4[%get3A_823] {strides = array<i32>} : memref<3200xi32, #tpu.memory_space<vmem>>, vector<16xi32>,
    %get3A_825 = vector.shape_cast %get3A_824 : vector<16xi32> to vector<16xi32>
    %add3A_826 = vector.broadcast %mul3A_410 : i32 to vector<16xi32>
    %add3A_827 = arith.addi %get3A_825, %add3A_826 : vector<16xi32>
    %swap3A_828 = arith.constant 96 : index
    %swap3A_829 = tpu.vector_load %arg5[%swap3A_828] {strides = array<i32>} : memref<128xi32, #tpu.memory_space<vmem>>, vector<16xi32>,
    %swap3A_830 = vector.shape_cast %swap3A_829 : vector<16xi32> to vector<16xi32>
    %swap3A_831 = vector.shape_cast %add3A_827 : vector<16xi32> to vector<16xi32>
    tpu.vector_store %arg5[%swap3A_828], %swap3A_831 {strides = array<i32>} : memref<128xi32, #tpu.memory_space<vmem>>, vector<16xi32>,
    %get3A_832 = arith.constant 752 : index
    %get3A_833 = tpu.vector_load %arg4[%get3A_832] {strides = array<i32>} : memref<3200xi32, #tpu.memory_space<vmem>>, vector<16xi32>,
    %get3A_834 = vector.shape_cast %get3A_833 : vector<16xi32> to vector<16xi32>
    %add3A_835 = vector.broadcast %mul3A_410 : i32 to vector<16xi32>
    %add3A_836 = arith.addi %get3A_834, %add3A_835 : vector<16xi32>
    %swap3A_837 = arith.constant 112 : index
    %swap3A_838 = tpu.vector_load %arg5[%swap3A_837] {strides = array<i32>} : memref<128xi32, #tpu.memory_space<vmem>>, vector<16xi32>,
    %swap3A_839 = vector.shape_cast %swap3A_838 : vector<16xi32> to vector<16xi32>
    %swap3A_840 = vector.shape_cast %add3A_836 : vector<16xi32> to vector<16xi32>
    tpu.vector_store %arg5[%swap3A_837], %swap3A_840 {strides = array<i32>} : memref<128xi32, #tpu.memory_space<vmem>>, vector<16xi32>,
    "tpu.region"() ({
      %run_scoped3A = tpu.sem_alloc : memref<!tpu.dma_semaphore, #tpu.memory_space<semaphore_mem>>
      %dma_start3A = arith.constant 0 : i32
      %dma_start3A_2214 = tpu.memref_slice %arg10[%dma_start3A] : memref<2304xf32, #tpu.memory_space<vmem_shared>> -> memref<2304xf32, #tpu.memory_space<vmem_shared>>
      tpu.enqueue_indirect_dma source(%arg6 : memref<128xf32, #tpu.memory_space<vmem>>) target(%dma_start3A_2214 : memref<2304xf32, #tpu.memory_space<vmem_shared>>) offsets(%arg5 : memref<128xi32, #tpu.memory_space<vmem>>) semaphore(%run_scoped3A : memref<!tpu.dma_semaphore, #tpu.memory_space<semaphore_mem>>) {add = true}
      %dma_wait3A = arith.constant 0 : i32
      %dma_wait3A_2215 = tpu.memref_slice %arg10[%dma_wait3A] : memref<2304xf32, #tpu.memory_space<vmem_shared>> -> memref<2304xf32, #tpu.memory_space<vmem_shared>>
      tpu.wait_indirect_dma semaphore(%run_scoped3A : memref<!tpu.dma_semaphore, #tpu.memory_space<semaphore_mem>>) src(%arg6 : memref<128xf32, #tpu.memory_space<vmem>>) dst(%dma_wait3A_2215 : memref<2304xf32, #tpu.memory_space<vmem_shared>>)
      tpu.yield
    }) : () -> ()
    %get3A_841 = arith.constant 768 : index
    %get3A_842 = tpu.vector_load %arg4[%get3A_841] {strides = array<i32>} : memref<3200xi32, #tpu.memory_space<vmem>>, vector<16xi32>,
    %get3A_843 = vector.shape_cast %get3A_842 : vector<16xi32> to vector<16xi32>
    %add3A_844 = vector.broadcast %mul3A_410 : i32 to vector<16xi32>
    %add3A_845 = arith.addi %get3A_843, %add3A_844 : vector<16xi32>
    %swap3A_846 = arith.constant 0 : index
    %swap3A_847 = tpu.vector_load %arg5[%swap3A_846] {strides = array<i32>} : memref<128xi32, #tpu.memory_space<vmem>>, vector<16xi32>,
    %swap3A_848 = vector.shape_cast %swap3A_847 : vector<16xi32> to vector<16xi32>
    %swap3A_849 = vector.shape_cast %add3A_845 : vector<16xi32> to vector<16xi32>
    tpu.vector_store %arg5[%swap3A_846], %swap3A_849 {strides = array<i32>} : memref<128xi32, #tpu.memory_space<vmem>>, vector<16xi32>,
    %get3A_850 = arith.constant 784 : index
    %get3A_851 = tpu.vector_load %arg4[%get3A_850] {strides = array<i32>} : memref<3200xi32, #tpu.memory_space<vmem>>, vector<16xi32>,
    %get3A_852 = vector.shape_cast %get3A_851 : vector<16xi32> to vector<16xi32>
    %add3A_853 = vector.broadcast %mul3A_410 : i32 to vector<16xi32>
    %add3A_854 = arith.addi %get3A_852, %add3A_853 : vector<16xi32>
    %swap3A_855 = arith.constant 16 : index
    %swap3A_856 = tpu.vector_load %arg5[%swap3A_855] {strides = array<i32>} : memref<128xi32, #tpu.memory_space<vmem>>, vector<16xi32>,
    %swap3A_857 = vector.shape_cast %swap3A_856 : vector<16xi32> to vector<16xi32>
    %swap3A_858 = vector.shape_cast %add3A_854 : vector<16xi32> to vector<16xi32>
    tpu.vector_store %arg5[%swap3A_855], %swap3A_858 {strides = array<i32>} : memref<128xi32, #tpu.memory_space<vmem>>, vector<16xi32>,
    %get3A_859 = arith.constant 800 : index
    %get3A_860 = tpu.vector_load %arg4[%get3A_859] {strides = array<i32>} : memref<3200xi32, #tpu.memory_space<vmem>>, vector<16xi32>,
    %get3A_861 = vector.shape_cast %get3A_860 : vector<16xi32> to vector<16xi32>
    %add3A_862 = vector.broadcast %mul3A_410 : i32 to vector<16xi32>
    %add3A_863 = arith.addi %get3A_861, %add3A_862 : vector<16xi32>
    %swap3A_864 = arith.constant 32 : index
    %swap3A_865 = tpu.vector_load %arg5[%swap3A_864] {strides = array<i32>} : memref<128xi32, #tpu.memory_space<vmem>>, vector<16xi32>,
    %swap3A_866 = vector.shape_cast %swap3A_865 : vector<16xi32> to vector<16xi32>
    %swap3A_867 = vector.shape_cast %add3A_863 : vector<16xi32> to vector<16xi32>
    tpu.vector_store %arg5[%swap3A_864], %swap3A_867 {strides = array<i32>} : memref<128xi32, #tpu.memory_space<vmem>>, vector<16xi32>,
    %get3A_868 = arith.constant 816 : index
    %get3A_869 = tpu.vector_load %arg4[%get3A_868] {strides = array<i32>} : memref<3200xi32, #tpu.memory_space<vmem>>, vector<16xi32>,
    %get3A_870 = vector.shape_cast %get3A_869 : vector<16xi32> to vector<16xi32>
    %add3A_871 = vector.broadcast %mul3A_410 : i32 to vector<16xi32>
    %add3A_872 = arith.addi %get3A_870, %add3A_871 : vector<16xi32>
    %swap3A_873 = arith.constant 48 : index
    %swap3A_874 = tpu.vector_load %arg5[%swap3A_873] {strides = array<i32>} : memref<128xi32, #tpu.memory_space<vmem>>, vector<16xi32>,
    %swap3A_875 = vector.shape_cast %swap3A_874 : vector<16xi32> to vector<16xi32>
    %swap3A_876 = vector.shape_cast %add3A_872 : vector<16xi32> to vector<16xi32>
    tpu.vector_store %arg5[%swap3A_873], %swap3A_876 {strides = array<i32>} : memref<128xi32, #tpu.memory_space<vmem>>, vector<16xi32>,
    %get3A_877 = arith.constant 832 : index
    %get3A_878 = tpu.vector_load %arg4[%get3A_877] {strides = array<i32>} : memref<3200xi32, #tpu.memory_space<vmem>>, vector<16xi32>,
    %get3A_879 = vector.shape_cast %get3A_878 : vector<16xi32> to vector<16xi32>
    %add3A_880 = vector.broadcast %mul3A_410 : i32 to vector<16xi32>
    %add3A_881 = arith.addi %get3A_879, %add3A_880 : vector<16xi32>
    %swap3A_882 = arith.constant 64 : index
    %swap3A_883 = tpu.vector_load %arg5[%swap3A_882] {strides = array<i32>} : memref<128xi32, #tpu.memory_space<vmem>>, vector<16xi32>,
    %swap3A_884 = vector.shape_cast %swap3A_883 : vector<16xi32> to vector<16xi32>
    %swap3A_885 = vector.shape_cast %add3A_881 : vector<16xi32> to vector<16xi32>
    tpu.vector_store %arg5[%swap3A_882], %swap3A_885 {strides = array<i32>} : memref<128xi32, #tpu.memory_space<vmem>>, vector<16xi32>,
    %get3A_886 = arith.constant 848 : index
    %get3A_887 = tpu.vector_load %arg4[%get3A_886] {strides = array<i32>} : memref<3200xi32, #tpu.memory_space<vmem>>, vector<16xi32>,
    %get3A_888 = vector.shape_cast %get3A_887 : vector<16xi32> to vector<16xi32>
    %add3A_889 = vector.broadcast %mul3A_410 : i32 to vector<16xi32>
    %add3A_890 = arith.addi %get3A_888, %add3A_889 : vector<16xi32>
    %swap3A_891 = arith.constant 80 : index
    %swap3A_892 = tpu.vector_load %arg5[%swap3A_891] {strides = array<i32>} : memref<128xi32, #tpu.memory_space<vmem>>, vector<16xi32>,
    %swap3A_893 = vector.shape_cast %swap3A_892 : vector<16xi32> to vector<16xi32>
    %swap3A_894 = vector.shape_cast %add3A_890 : vector<16xi32> to vector<16xi32>
    tpu.vector_store %arg5[%swap3A_891], %swap3A_894 {strides = array<i32>} : memref<128xi32, #tpu.memory_space<vmem>>, vector<16xi32>,
    %get3A_895 = arith.constant 864 : index
    %get3A_896 = tpu.vector_load %arg4[%get3A_895] {strides = array<i32>} : memref<3200xi32, #tpu.memory_space<vmem>>, vector<16xi32>,
    %get3A_897 = vector.shape_cast %get3A_896 : vector<16xi32> to vector<16xi32>
    %add3A_898 = vector.broadcast %mul3A_410 : i32 to vector<16xi32>
    %add3A_899 = arith.addi %get3A_897, %add3A_898 : vector<16xi32>
    %swap3A_900 = arith.constant 96 : index
    %swap3A_901 = tpu.vector_load %arg5[%swap3A_900] {strides = array<i32>} : memref<128xi32, #tpu.memory_space<vmem>>, vector<16xi32>,
    %swap3A_902 = vector.shape_cast %swap3A_901 : vector<16xi32> to vector<16xi32>
    %swap3A_903 = vector.shape_cast %add3A_899 : vector<16xi32> to vector<16xi32>
    tpu.vector_store %arg5[%swap3A_900], %swap3A_903 {strides = array<i32>} : memref<128xi32, #tpu.memory_space<vmem>>, vector<16xi32>,
    %get3A_904 = arith.constant 880 : index
    %get3A_905 = tpu.vector_load %arg4[%get3A_904] {strides = array<i32>} : memref<3200xi32, #tpu.memory_space<vmem>>, vector<16xi32>,
    %get3A_906 = vector.shape_cast %get3A_905 : vector<16xi32> to vector<16xi32>
    %add3A_907 = vector.broadcast %mul3A_410 : i32 to vector<16xi32>
    %add3A_908 = arith.addi %get3A_906, %add3A_907 : vector<16xi32>
    %swap3A_909 = arith.constant 112 : index
    %swap3A_910 = tpu.vector_load %arg5[%swap3A_909] {strides = array<i32>} : memref<128xi32, #tpu.memory_space<vmem>>, vector<16xi32>,
    %swap3A_911 = vector.shape_cast %swap3A_910 : vector<16xi32> to vector<16xi32>
    %swap3A_912 = vector.shape_cast %add3A_908 : vector<16xi32> to vector<16xi32>
    tpu.vector_store %arg5[%swap3A_909], %swap3A_912 {strides = array<i32>} : memref<128xi32, #tpu.memory_space<vmem>>, vector<16xi32>,
    "tpu.region"() ({
      %run_scoped3A = tpu.sem_alloc : memref<!tpu.dma_semaphore, #tpu.memory_space<semaphore_mem>>
      %dma_start3A = arith.constant 0 : i32
      %dma_start3A_2214 = tpu.memref_slice %arg10[%dma_start3A] : memref<2304xf32, #tpu.memory_space<vmem_shared>> -> memref<2304xf32, #tpu.memory_space<vmem_shared>>
      tpu.enqueue_indirect_dma source(%arg6 : memref<128xf32, #tpu.memory_space<vmem>>) target(%dma_start3A_2214 : memref<2304xf32, #tpu.memory_space<vmem_shared>>) offsets(%arg5 : memref<128xi32, #tpu.memory_space<vmem>>) semaphore(%run_scoped3A : memref<!tpu.dma_semaphore, #tpu.memory_space<semaphore_mem>>) {add = true}
      %dma_wait3A = arith.constant 0 : i32
      %dma_wait3A_2215 = tpu.memref_slice %arg10[%dma_wait3A] : memref<2304xf32, #tpu.memory_space<vmem_shared>> -> memref<2304xf32, #tpu.memory_space<vmem_shared>>
      tpu.wait_indirect_dma semaphore(%run_scoped3A : memref<!tpu.dma_semaphore, #tpu.memory_space<semaphore_mem>>) src(%arg6 : memref<128xf32, #tpu.memory_space<vmem>>) dst(%dma_wait3A_2215 : memref<2304xf32, #tpu.memory_space<vmem_shared>>)
      tpu.yield
    }) : () -> ()
    %get3A_913 = arith.constant 896 : index
    %get3A_914 = tpu.vector_load %arg4[%get3A_913] {strides = array<i32>} : memref<3200xi32, #tpu.memory_space<vmem>>, vector<16xi32>,
    %get3A_915 = vector.shape_cast %get3A_914 : vector<16xi32> to vector<16xi32>
    %add3A_916 = vector.broadcast %mul3A_410 : i32 to vector<16xi32>
    %add3A_917 = arith.addi %get3A_915, %add3A_916 : vector<16xi32>
    %swap3A_918 = arith.constant 0 : index
    %swap3A_919 = tpu.vector_load %arg5[%swap3A_918] {strides = array<i32>} : memref<128xi32, #tpu.memory_space<vmem>>, vector<16xi32>,
    %swap3A_920 = vector.shape_cast %swap3A_919 : vector<16xi32> to vector<16xi32>
    %swap3A_921 = vector.shape_cast %add3A_917 : vector<16xi32> to vector<16xi32>
    tpu.vector_store %arg5[%swap3A_918], %swap3A_921 {strides = array<i32>} : memref<128xi32, #tpu.memory_space<vmem>>, vector<16xi32>,
    %get3A_922 = arith.constant 912 : index
    %get3A_923 = tpu.vector_load %arg4[%get3A_922] {strides = array<i32>} : memref<3200xi32, #tpu.memory_space<vmem>>, vector<16xi32>,
    %get3A_924 = vector.shape_cast %get3A_923 : vector<16xi32> to vector<16xi32>
    %add3A_925 = vector.broadcast %mul3A_410 : i32 to vector<16xi32>
    %add3A_926 = arith.addi %get3A_924, %add3A_925 : vector<16xi32>
    %swap3A_927 = arith.constant 16 : index
    %swap3A_928 = tpu.vector_load %arg5[%swap3A_927] {strides = array<i32>} : memref<128xi32, #tpu.memory_space<vmem>>, vector<16xi32>,
    %swap3A_929 = vector.shape_cast %swap3A_928 : vector<16xi32> to vector<16xi32>
    %swap3A_930 = vector.shape_cast %add3A_926 : vector<16xi32> to vector<16xi32>
    tpu.vector_store %arg5[%swap3A_927], %swap3A_930 {strides = array<i32>} : memref<128xi32, #tpu.memory_space<vmem>>, vector<16xi32>,
    %get3A_931 = arith.constant 928 : index
    %get3A_932 = tpu.vector_load %arg4[%get3A_931] {strides = array<i32>} : memref<3200xi32, #tpu.memory_space<vmem>>, vector<16xi32>,
    %get3A_933 = vector.shape_cast %get3A_932 : vector<16xi32> to vector<16xi32>
    %add3A_934 = vector.broadcast %mul3A_410 : i32 to vector<16xi32>
    %add3A_935 = arith.addi %get3A_933, %add3A_934 : vector<16xi32>
    %swap3A_936 = arith.constant 32 : index
    %swap3A_937 = tpu.vector_load %arg5[%swap3A_936] {strides = array<i32>} : memref<128xi32, #tpu.memory_space<vmem>>, vector<16xi32>,
    %swap3A_938 = vector.shape_cast %swap3A_937 : vector<16xi32> to vector<16xi32>
    %swap3A_939 = vector.shape_cast %add3A_935 : vector<16xi32> to vector<16xi32>
    tpu.vector_store %arg5[%swap3A_936], %swap3A_939 {strides = array<i32>} : memref<128xi32, #tpu.memory_space<vmem>>, vector<16xi32>,
    %get3A_940 = arith.constant 944 : index
    %get3A_941 = tpu.vector_load %arg4[%get3A_940] {strides = array<i32>} : memref<3200xi32, #tpu.memory_space<vmem>>, vector<16xi32>,
    %get3A_942 = vector.shape_cast %get3A_941 : vector<16xi32> to vector<16xi32>
    %add3A_943 = vector.broadcast %mul3A_410 : i32 to vector<16xi32>
    %add3A_944 = arith.addi %get3A_942, %add3A_943 : vector<16xi32>
    %swap3A_945 = arith.constant 48 : index
    %swap3A_946 = tpu.vector_load %arg5[%swap3A_945] {strides = array<i32>} : memref<128xi32, #tpu.memory_space<vmem>>, vector<16xi32>,
    %swap3A_947 = vector.shape_cast %swap3A_946 : vector<16xi32> to vector<16xi32>
    %swap3A_948 = vector.shape_cast %add3A_944 : vector<16xi32> to vector<16xi32>
    tpu.vector_store %arg5[%swap3A_945], %swap3A_948 {strides = array<i32>} : memref<128xi32, #tpu.memory_space<vmem>>, vector<16xi32>,
    %get3A_949 = arith.constant 960 : index
    %get3A_950 = tpu.vector_load %arg4[%get3A_949] {strides = array<i32>} : memref<3200xi32, #tpu.memory_space<vmem>>, vector<16xi32>,
    %get3A_951 = vector.shape_cast %get3A_950 : vector<16xi32> to vector<16xi32>
    %add3A_952 = vector.broadcast %mul3A_410 : i32 to vector<16xi32>
    %add3A_953 = arith.addi %get3A_951, %add3A_952 : vector<16xi32>
    %swap3A_954 = arith.constant 64 : index
    %swap3A_955 = tpu.vector_load %arg5[%swap3A_954] {strides = array<i32>} : memref<128xi32, #tpu.memory_space<vmem>>, vector<16xi32>,
    %swap3A_956 = vector.shape_cast %swap3A_955 : vector<16xi32> to vector<16xi32>
    %swap3A_957 = vector.shape_cast %add3A_953 : vector<16xi32> to vector<16xi32>
    tpu.vector_store %arg5[%swap3A_954], %swap3A_957 {strides = array<i32>} : memref<128xi32, #tpu.memory_space<vmem>>, vector<16xi32>,
    %get3A_958 = arith.constant 976 : index
    %get3A_959 = tpu.vector_load %arg4[%get3A_958] {strides = array<i32>} : memref<3200xi32, #tpu.memory_space<vmem>>, vector<16xi32>,
    %get3A_960 = vector.shape_cast %get3A_959 : vector<16xi32> to vector<16xi32>
    %add3A_961 = vector.broadcast %mul3A_410 : i32 to vector<16xi32>
    %add3A_962 = arith.addi %get3A_960, %add3A_961 : vector<16xi32>
    %swap3A_963 = arith.constant 80 : index
    %swap3A_964 = tpu.vector_load %arg5[%swap3A_963] {strides = array<i32>} : memref<128xi32, #tpu.memory_space<vmem>>, vector<16xi32>,
    %swap3A_965 = vector.shape_cast %swap3A_964 : vector<16xi32> to vector<16xi32>
    %swap3A_966 = vector.shape_cast %add3A_962 : vector<16xi32> to vector<16xi32>
    tpu.vector_store %arg5[%swap3A_963], %swap3A_966 {strides = array<i32>} : memref<128xi32, #tpu.memory_space<vmem>>, vector<16xi32>,
    %get3A_967 = arith.constant 992 : index
    %get3A_968 = tpu.vector_load %arg4[%get3A_967] {strides = array<i32>} : memref<3200xi32, #tpu.memory_space<vmem>>, vector<16xi32>,
    %get3A_969 = vector.shape_cast %get3A_968 : vector<16xi32> to vector<16xi32>
    %add3A_970 = vector.broadcast %mul3A_410 : i32 to vector<16xi32>
    %add3A_971 = arith.addi %get3A_969, %add3A_970 : vector<16xi32>
    %swap3A_972 = arith.constant 96 : index
    %swap3A_973 = tpu.vector_load %arg5[%swap3A_972] {strides = array<i32>} : memref<128xi32, #tpu.memory_space<vmem>>, vector<16xi32>,
    %swap3A_974 = vector.shape_cast %swap3A_973 : vector<16xi32> to vector<16xi32>
    %swap3A_975 = vector.shape_cast %add3A_971 : vector<16xi32> to vector<16xi32>
    tpu.vector_store %arg5[%swap3A_972], %swap3A_975 {strides = array<i32>} : memref<128xi32, #tpu.memory_space<vmem>>, vector<16xi32>,
    %get3A_976 = arith.constant 1008 : index
    %get3A_977 = tpu.vector_load %arg4[%get3A_976] {strides = array<i32>} : memref<3200xi32, #tpu.memory_space<vmem>>, vector<16xi32>,
    %get3A_978 = vector.shape_cast %get3A_977 : vector<16xi32> to vector<16xi32>
    %add3A_979 = vector.broadcast %mul3A_410 : i32 to vector<16xi32>
    %add3A_980 = arith.addi %get3A_978, %add3A_979 : vector<16xi32>
    %swap3A_981 = arith.constant 112 : index
    %swap3A_982 = tpu.vector_load %arg5[%swap3A_981] {strides = array<i32>} : memref<128xi32, #tpu.memory_space<vmem>>, vector<16xi32>,
    %swap3A_983 = vector.shape_cast %swap3A_982 : vector<16xi32> to vector<16xi32>
    %swap3A_984 = vector.shape_cast %add3A_980 : vector<16xi32> to vector<16xi32>
    tpu.vector_store %arg5[%swap3A_981], %swap3A_984 {strides = array<i32>} : memref<128xi32, #tpu.memory_space<vmem>>, vector<16xi32>,
    "tpu.region"() ({
      %run_scoped3A = tpu.sem_alloc : memref<!tpu.dma_semaphore, #tpu.memory_space<semaphore_mem>>
      %dma_start3A = arith.constant 0 : i32
      %dma_start3A_2214 = tpu.memref_slice %arg10[%dma_start3A] : memref<2304xf32, #tpu.memory_space<vmem_shared>> -> memref<2304xf32, #tpu.memory_space<vmem_shared>>
      tpu.enqueue_indirect_dma source(%arg6 : memref<128xf32, #tpu.memory_space<vmem>>) target(%dma_start3A_2214 : memref<2304xf32, #tpu.memory_space<vmem_shared>>) offsets(%arg5 : memref<128xi32, #tpu.memory_space<vmem>>) semaphore(%run_scoped3A : memref<!tpu.dma_semaphore, #tpu.memory_space<semaphore_mem>>) {add = true}
      %dma_wait3A = arith.constant 0 : i32
      %dma_wait3A_2215 = tpu.memref_slice %arg10[%dma_wait3A] : memref<2304xf32, #tpu.memory_space<vmem_shared>> -> memref<2304xf32, #tpu.memory_space<vmem_shared>>
      tpu.wait_indirect_dma semaphore(%run_scoped3A : memref<!tpu.dma_semaphore, #tpu.memory_space<semaphore_mem>>) src(%arg6 : memref<128xf32, #tpu.memory_space<vmem>>) dst(%dma_wait3A_2215 : memref<2304xf32, #tpu.memory_space<vmem_shared>>)
      tpu.yield
    }) : () -> ()
    %get3A_985 = arith.constant 1024 : index
    %get3A_986 = tpu.vector_load %arg4[%get3A_985] {strides = array<i32>} : memref<3200xi32, #tpu.memory_space<vmem>>, vector<16xi32>,
    %get3A_987 = vector.shape_cast %get3A_986 : vector<16xi32> to vector<16xi32>
    %add3A_988 = vector.broadcast %mul3A_410 : i32 to vector<16xi32>
    %add3A_989 = arith.addi %get3A_987, %add3A_988 : vector<16xi32>
    %swap3A_990 = arith.constant 0 : index
    %swap3A_991 = tpu.vector_load %arg5[%swap3A_990] {strides = array<i32>} : memref<128xi32, #tpu.memory_space<vmem>>, vector<16xi32>,
    %swap3A_992 = vector.shape_cast %swap3A_991 : vector<16xi32> to vector<16xi32>
    %swap3A_993 = vector.shape_cast %add3A_989 : vector<16xi32> to vector<16xi32>
    tpu.vector_store %arg5[%swap3A_990], %swap3A_993 {strides = array<i32>} : memref<128xi32, #tpu.memory_space<vmem>>, vector<16xi32>,
    %get3A_994 = arith.constant 1040 : index
    %get3A_995 = tpu.vector_load %arg4[%get3A_994] {strides = array<i32>} : memref<3200xi32, #tpu.memory_space<vmem>>, vector<16xi32>,
    %get3A_996 = vector.shape_cast %get3A_995 : vector<16xi32> to vector<16xi32>
    %add3A_997 = vector.broadcast %mul3A_410 : i32 to vector<16xi32>
    %add3A_998 = arith.addi %get3A_996, %add3A_997 : vector<16xi32>
    %swap3A_999 = arith.constant 16 : index
    %swap3A_1000 = tpu.vector_load %arg5[%swap3A_999] {strides = array<i32>} : memref<128xi32, #tpu.memory_space<vmem>>, vector<16xi32>,
    %swap3A_1001 = vector.shape_cast %swap3A_1000 : vector<16xi32> to vector<16xi32>
    %swap3A_1002 = vector.shape_cast %add3A_998 : vector<16xi32> to vector<16xi32>
    tpu.vector_store %arg5[%swap3A_999], %swap3A_1002 {strides = array<i32>} : memref<128xi32, #tpu.memory_space<vmem>>, vector<16xi32>,
    %get3A_1003 = arith.constant 1056 : index
    %get3A_1004 = tpu.vector_load %arg4[%get3A_1003] {strides = array<i32>} : memref<3200xi32, #tpu.memory_space<vmem>>, vector<16xi32>,
    %get3A_1005 = vector.shape_cast %get3A_1004 : vector<16xi32> to vector<16xi32>
    %add3A_1006 = vector.broadcast %mul3A_410 : i32 to vector<16xi32>
    %add3A_1007 = arith.addi %get3A_1005, %add3A_1006 : vector<16xi32>
    %swap3A_1008 = arith.constant 32 : index
    %swap3A_1009 = tpu.vector_load %arg5[%swap3A_1008] {strides = array<i32>} : memref<128xi32, #tpu.memory_space<vmem>>, vector<16xi32>,
    %swap3A_1010 = vector.shape_cast %swap3A_1009 : vector<16xi32> to vector<16xi32>
    %swap3A_1011 = vector.shape_cast %add3A_1007 : vector<16xi32> to vector<16xi32>
    tpu.vector_store %arg5[%swap3A_1008], %swap3A_1011 {strides = array<i32>} : memref<128xi32, #tpu.memory_space<vmem>>, vector<16xi32>,
    %get3A_1012 = arith.constant 1072 : index
    %get3A_1013 = tpu.vector_load %arg4[%get3A_1012] {strides = array<i32>} : memref<3200xi32, #tpu.memory_space<vmem>>, vector<16xi32>,
    %get3A_1014 = vector.shape_cast %get3A_1013 : vector<16xi32> to vector<16xi32>
    %add3A_1015 = vector.broadcast %mul3A_410 : i32 to vector<16xi32>
    %add3A_1016 = arith.addi %get3A_1014, %add3A_1015 : vector<16xi32>
    %swap3A_1017 = arith.constant 48 : index
    %swap3A_1018 = tpu.vector_load %arg5[%swap3A_1017] {strides = array<i32>} : memref<128xi32, #tpu.memory_space<vmem>>, vector<16xi32>,
    %swap3A_1019 = vector.shape_cast %swap3A_1018 : vector<16xi32> to vector<16xi32>
    %swap3A_1020 = vector.shape_cast %add3A_1016 : vector<16xi32> to vector<16xi32>
    tpu.vector_store %arg5[%swap3A_1017], %swap3A_1020 {strides = array<i32>} : memref<128xi32, #tpu.memory_space<vmem>>, vector<16xi32>,
    %get3A_1021 = arith.constant 1088 : index
    %get3A_1022 = tpu.vector_load %arg4[%get3A_1021] {strides = array<i32>} : memref<3200xi32, #tpu.memory_space<vmem>>, vector<16xi32>,
    %get3A_1023 = vector.shape_cast %get3A_1022 : vector<16xi32> to vector<16xi32>
    %add3A_1024 = vector.broadcast %mul3A_410 : i32 to vector<16xi32>
    %add3A_1025 = arith.addi %get3A_1023, %add3A_1024 : vector<16xi32>
    %swap3A_1026 = arith.constant 64 : index
    %swap3A_1027 = tpu.vector_load %arg5[%swap3A_1026] {strides = array<i32>} : memref<128xi32, #tpu.memory_space<vmem>>, vector<16xi32>,
    %swap3A_1028 = vector.shape_cast %swap3A_1027 : vector<16xi32> to vector<16xi32>
    %swap3A_1029 = vector.shape_cast %add3A_1025 : vector<16xi32> to vector<16xi32>
    tpu.vector_store %arg5[%swap3A_1026], %swap3A_1029 {strides = array<i32>} : memref<128xi32, #tpu.memory_space<vmem>>, vector<16xi32>,
    %get3A_1030 = arith.constant 1104 : index
    %get3A_1031 = tpu.vector_load %arg4[%get3A_1030] {strides = array<i32>} : memref<3200xi32, #tpu.memory_space<vmem>>, vector<16xi32>,
    %get3A_1032 = vector.shape_cast %get3A_1031 : vector<16xi32> to vector<16xi32>
    %add3A_1033 = vector.broadcast %mul3A_410 : i32 to vector<16xi32>
    %add3A_1034 = arith.addi %get3A_1032, %add3A_1033 : vector<16xi32>
    %swap3A_1035 = arith.constant 80 : index
    %swap3A_1036 = tpu.vector_load %arg5[%swap3A_1035] {strides = array<i32>} : memref<128xi32, #tpu.memory_space<vmem>>, vector<16xi32>,
    %swap3A_1037 = vector.shape_cast %swap3A_1036 : vector<16xi32> to vector<16xi32>
    %swap3A_1038 = vector.shape_cast %add3A_1034 : vector<16xi32> to vector<16xi32>
    tpu.vector_store %arg5[%swap3A_1035], %swap3A_1038 {strides = array<i32>} : memref<128xi32, #tpu.memory_space<vmem>>, vector<16xi32>,
    %get3A_1039 = arith.constant 1120 : index
    %get3A_1040 = tpu.vector_load %arg4[%get3A_1039] {strides = array<i32>} : memref<3200xi32, #tpu.memory_space<vmem>>, vector<16xi32>,
    %get3A_1041 = vector.shape_cast %get3A_1040 : vector<16xi32> to vector<16xi32>
    %add3A_1042 = vector.broadcast %mul3A_410 : i32 to vector<16xi32>
    %add3A_1043 = arith.addi %get3A_1041, %add3A_1042 : vector<16xi32>
    %swap3A_1044 = arith.constant 96 : index
    %swap3A_1045 = tpu.vector_load %arg5[%swap3A_1044] {strides = array<i32>} : memref<128xi32, #tpu.memory_space<vmem>>, vector<16xi32>,
    %swap3A_1046 = vector.shape_cast %swap3A_1045 : vector<16xi32> to vector<16xi32>
    %swap3A_1047 = vector.shape_cast %add3A_1043 : vector<16xi32> to vector<16xi32>
    tpu.vector_store %arg5[%swap3A_1044], %swap3A_1047 {strides = array<i32>} : memref<128xi32, #tpu.memory_space<vmem>>, vector<16xi32>,
    %get3A_1048 = arith.constant 1136 : index
    %get3A_1049 = tpu.vector_load %arg4[%get3A_1048] {strides = array<i32>} : memref<3200xi32, #tpu.memory_space<vmem>>, vector<16xi32>,
    %get3A_1050 = vector.shape_cast %get3A_1049 : vector<16xi32> to vector<16xi32>
    %add3A_1051 = vector.broadcast %mul3A_410 : i32 to vector<16xi32>
    %add3A_1052 = arith.addi %get3A_1050, %add3A_1051 : vector<16xi32>
    %swap3A_1053 = arith.constant 112 : index
    %swap3A_1054 = tpu.vector_load %arg5[%swap3A_1053] {strides = array<i32>} : memref<128xi32, #tpu.memory_space<vmem>>, vector<16xi32>,
    %swap3A_1055 = vector.shape_cast %swap3A_1054 : vector<16xi32> to vector<16xi32>
    %swap3A_1056 = vector.shape_cast %add3A_1052 : vector<16xi32> to vector<16xi32>
    tpu.vector_store %arg5[%swap3A_1053], %swap3A_1056 {strides = array<i32>} : memref<128xi32, #tpu.memory_space<vmem>>, vector<16xi32>,
    "tpu.region"() ({
      %run_scoped3A = tpu.sem_alloc : memref<!tpu.dma_semaphore, #tpu.memory_space<semaphore_mem>>
      %dma_start3A = arith.constant 0 : i32
      %dma_start3A_2214 = tpu.memref_slice %arg10[%dma_start3A] : memref<2304xf32, #tpu.memory_space<vmem_shared>> -> memref<2304xf32, #tpu.memory_space<vmem_shared>>
      tpu.enqueue_indirect_dma source(%arg6 : memref<128xf32, #tpu.memory_space<vmem>>) target(%dma_start3A_2214 : memref<2304xf32, #tpu.memory_space<vmem_shared>>) offsets(%arg5 : memref<128xi32, #tpu.memory_space<vmem>>) semaphore(%run_scoped3A : memref<!tpu.dma_semaphore, #tpu.memory_space<semaphore_mem>>) {add = true}
      %dma_wait3A = arith.constant 0 : i32
      %dma_wait3A_2215 = tpu.memref_slice %arg10[%dma_wait3A] : memref<2304xf32, #tpu.memory_space<vmem_shared>> -> memref<2304xf32, #tpu.memory_space<vmem_shared>>
      tpu.wait_indirect_dma semaphore(%run_scoped3A : memref<!tpu.dma_semaphore, #tpu.memory_space<semaphore_mem>>) src(%arg6 : memref<128xf32, #tpu.memory_space<vmem>>) dst(%dma_wait3A_2215 : memref<2304xf32, #tpu.memory_space<vmem_shared>>)
      tpu.yield
    }) : () -> ()
    %get3A_1057 = arith.constant 1152 : index
    %get3A_1058 = tpu.vector_load %arg4[%get3A_1057] {strides = array<i32>} : memref<3200xi32, #tpu.memory_space<vmem>>, vector<16xi32>,
    %get3A_1059 = vector.shape_cast %get3A_1058 : vector<16xi32> to vector<16xi32>
    %add3A_1060 = vector.broadcast %mul3A_410 : i32 to vector<16xi32>
    %add3A_1061 = arith.addi %get3A_1059, %add3A_1060 : vector<16xi32>
    %swap3A_1062 = arith.constant 0 : index
    %swap3A_1063 = tpu.vector_load %arg5[%swap3A_1062] {strides = array<i32>} : memref<128xi32, #tpu.memory_space<vmem>>, vector<16xi32>,
    %swap3A_1064 = vector.shape_cast %swap3A_1063 : vector<16xi32> to vector<16xi32>
    %swap3A_1065 = vector.shape_cast %add3A_1061 : vector<16xi32> to vector<16xi32>
    tpu.vector_store %arg5[%swap3A_1062], %swap3A_1065 {strides = array<i32>} : memref<128xi32, #tpu.memory_space<vmem>>, vector<16xi32>,
    %get3A_1066 = arith.constant 1168 : index
    %get3A_1067 = tpu.vector_load %arg4[%get3A_1066] {strides = array<i32>} : memref<3200xi32, #tpu.memory_space<vmem>>, vector<16xi32>,
    %get3A_1068 = vector.shape_cast %get3A_1067 : vector<16xi32> to vector<16xi32>
    %add3A_1069 = vector.broadcast %mul3A_410 : i32 to vector<16xi32>
    %add3A_1070 = arith.addi %get3A_1068, %add3A_1069 : vector<16xi32>
    %swap3A_1071 = arith.constant 16 : index
    %swap3A_1072 = tpu.vector_load %arg5[%swap3A_1071] {strides = array<i32>} : memref<128xi32, #tpu.memory_space<vmem>>, vector<16xi32>,
    %swap3A_1073 = vector.shape_cast %swap3A_1072 : vector<16xi32> to vector<16xi32>
    %swap3A_1074 = vector.shape_cast %add3A_1070 : vector<16xi32> to vector<16xi32>
    tpu.vector_store %arg5[%swap3A_1071], %swap3A_1074 {strides = array<i32>} : memref<128xi32, #tpu.memory_space<vmem>>, vector<16xi32>,
    %get3A_1075 = arith.constant 1184 : index
    %get3A_1076 = tpu.vector_load %arg4[%get3A_1075] {strides = array<i32>} : memref<3200xi32, #tpu.memory_space<vmem>>, vector<16xi32>,
    %get3A_1077 = vector.shape_cast %get3A_1076 : vector<16xi32> to vector<16xi32>
    %add3A_1078 = vector.broadcast %mul3A_410 : i32 to vector<16xi32>
    %add3A_1079 = arith.addi %get3A_1077, %add3A_1078 : vector<16xi32>
    %swap3A_1080 = arith.constant 32 : index
    %swap3A_1081 = tpu.vector_load %arg5[%swap3A_1080] {strides = array<i32>} : memref<128xi32, #tpu.memory_space<vmem>>, vector<16xi32>,
    %swap3A_1082 = vector.shape_cast %swap3A_1081 : vector<16xi32> to vector<16xi32>
    %swap3A_1083 = vector.shape_cast %add3A_1079 : vector<16xi32> to vector<16xi32>
    tpu.vector_store %arg5[%swap3A_1080], %swap3A_1083 {strides = array<i32>} : memref<128xi32, #tpu.memory_space<vmem>>, vector<16xi32>,
    %get3A_1084 = arith.constant 1200 : index
    %get3A_1085 = tpu.vector_load %arg4[%get3A_1084] {strides = array<i32>} : memref<3200xi32, #tpu.memory_space<vmem>>, vector<16xi32>,
    %get3A_1086 = vector.shape_cast %get3A_1085 : vector<16xi32> to vector<16xi32>
    %add3A_1087 = vector.broadcast %mul3A_410 : i32 to vector<16xi32>
    %add3A_1088 = arith.addi %get3A_1086, %add3A_1087 : vector<16xi32>
    %swap3A_1089 = arith.constant 48 : index
    %swap3A_1090 = tpu.vector_load %arg5[%swap3A_1089] {strides = array<i32>} : memref<128xi32, #tpu.memory_space<vmem>>, vector<16xi32>,
    %swap3A_1091 = vector.shape_cast %swap3A_1090 : vector<16xi32> to vector<16xi32>
    %swap3A_1092 = vector.shape_cast %add3A_1088 : vector<16xi32> to vector<16xi32>
    tpu.vector_store %arg5[%swap3A_1089], %swap3A_1092 {strides = array<i32>} : memref<128xi32, #tpu.memory_space<vmem>>, vector<16xi32>,
    %get3A_1093 = arith.constant 1216 : index
    %get3A_1094 = tpu.vector_load %arg4[%get3A_1093] {strides = array<i32>} : memref<3200xi32, #tpu.memory_space<vmem>>, vector<16xi32>,
    %get3A_1095 = vector.shape_cast %get3A_1094 : vector<16xi32> to vector<16xi32>
    %add3A_1096 = vector.broadcast %mul3A_410 : i32 to vector<16xi32>
    %add3A_1097 = arith.addi %get3A_1095, %add3A_1096 : vector<16xi32>
    %swap3A_1098 = arith.constant 64 : index
    %swap3A_1099 = tpu.vector_load %arg5[%swap3A_1098] {strides = array<i32>} : memref<128xi32, #tpu.memory_space<vmem>>, vector<16xi32>,
    %swap3A_1100 = vector.shape_cast %swap3A_1099 : vector<16xi32> to vector<16xi32>
    %swap3A_1101 = vector.shape_cast %add3A_1097 : vector<16xi32> to vector<16xi32>
    tpu.vector_store %arg5[%swap3A_1098], %swap3A_1101 {strides = array<i32>} : memref<128xi32, #tpu.memory_space<vmem>>, vector<16xi32>,
    %get3A_1102 = arith.constant 1232 : index
    %get3A_1103 = tpu.vector_load %arg4[%get3A_1102] {strides = array<i32>} : memref<3200xi32, #tpu.memory_space<vmem>>, vector<16xi32>,
    %get3A_1104 = vector.shape_cast %get3A_1103 : vector<16xi32> to vector<16xi32>
    %add3A_1105 = vector.broadcast %mul3A_410 : i32 to vector<16xi32>
    %add3A_1106 = arith.addi %get3A_1104, %add3A_1105 : vector<16xi32>
    %swap3A_1107 = arith.constant 80 : index
    %swap3A_1108 = tpu.vector_load %arg5[%swap3A_1107] {strides = array<i32>} : memref<128xi32, #tpu.memory_space<vmem>>, vector<16xi32>,
    %swap3A_1109 = vector.shape_cast %swap3A_1108 : vector<16xi32> to vector<16xi32>
    %swap3A_1110 = vector.shape_cast %add3A_1106 : vector<16xi32> to vector<16xi32>
    tpu.vector_store %arg5[%swap3A_1107], %swap3A_1110 {strides = array<i32>} : memref<128xi32, #tpu.memory_space<vmem>>, vector<16xi32>,
    %get3A_1111 = arith.constant 1248 : index
    %get3A_1112 = tpu.vector_load %arg4[%get3A_1111] {strides = array<i32>} : memref<3200xi32, #tpu.memory_space<vmem>>, vector<16xi32>,
    %get3A_1113 = vector.shape_cast %get3A_1112 : vector<16xi32> to vector<16xi32>
    %add3A_1114 = vector.broadcast %mul3A_410 : i32 to vector<16xi32>
    %add3A_1115 = arith.addi %get3A_1113, %add3A_1114 : vector<16xi32>
    %swap3A_1116 = arith.constant 96 : index
    %swap3A_1117 = tpu.vector_load %arg5[%swap3A_1116] {strides = array<i32>} : memref<128xi32, #tpu.memory_space<vmem>>, vector<16xi32>,
    %swap3A_1118 = vector.shape_cast %swap3A_1117 : vector<16xi32> to vector<16xi32>
    %swap3A_1119 = vector.shape_cast %add3A_1115 : vector<16xi32> to vector<16xi32>
    tpu.vector_store %arg5[%swap3A_1116], %swap3A_1119 {strides = array<i32>} : memref<128xi32, #tpu.memory_space<vmem>>, vector<16xi32>,
    %get3A_1120 = arith.constant 1264 : index
    %get3A_1121 = tpu.vector_load %arg4[%get3A_1120] {strides = array<i32>} : memref<3200xi32, #tpu.memory_space<vmem>>, vector<16xi32>,
    %get3A_1122 = vector.shape_cast %get3A_1121 : vector<16xi32> to vector<16xi32>
    %add3A_1123 = vector.broadcast %mul3A_410 : i32 to vector<16xi32>
    %add3A_1124 = arith.addi %get3A_1122, %add3A_1123 : vector<16xi32>
    %swap3A_1125 = arith.constant 112 : index
    %swap3A_1126 = tpu.vector_load %arg5[%swap3A_1125] {strides = array<i32>} : memref<128xi32, #tpu.memory_space<vmem>>, vector<16xi32>,
    %swap3A_1127 = vector.shape_cast %swap3A_1126 : vector<16xi32> to vector<16xi32>
    %swap3A_1128 = vector.shape_cast %add3A_1124 : vector<16xi32> to vector<16xi32>
    tpu.vector_store %arg5[%swap3A_1125], %swap3A_1128 {strides = array<i32>} : memref<128xi32, #tpu.memory_space<vmem>>, vector<16xi32>,
    "tpu.region"() ({
      %run_scoped3A = tpu.sem_alloc : memref<!tpu.dma_semaphore, #tpu.memory_space<semaphore_mem>>
      %dma_start3A = arith.constant 0 : i32
      %dma_start3A_2214 = tpu.memref_slice %arg10[%dma_start3A] : memref<2304xf32, #tpu.memory_space<vmem_shared>> -> memref<2304xf32, #tpu.memory_space<vmem_shared>>
      tpu.enqueue_indirect_dma source(%arg6 : memref<128xf32, #tpu.memory_space<vmem>>) target(%dma_start3A_2214 : memref<2304xf32, #tpu.memory_space<vmem_shared>>) offsets(%arg5 : memref<128xi32, #tpu.memory_space<vmem>>) semaphore(%run_scoped3A : memref<!tpu.dma_semaphore, #tpu.memory_space<semaphore_mem>>) {add = true}
      %dma_wait3A = arith.constant 0 : i32
      %dma_wait3A_2215 = tpu.memref_slice %arg10[%dma_wait3A] : memref<2304xf32, #tpu.memory_space<vmem_shared>> -> memref<2304xf32, #tpu.memory_space<vmem_shared>>
      tpu.wait_indirect_dma semaphore(%run_scoped3A : memref<!tpu.dma_semaphore, #tpu.memory_space<semaphore_mem>>) src(%arg6 : memref<128xf32, #tpu.memory_space<vmem>>) dst(%dma_wait3A_2215 : memref<2304xf32, #tpu.memory_space<vmem_shared>>)
      tpu.yield
    }) : () -> ()
    %get3A_1129 = arith.constant 1280 : index
    %get3A_1130 = tpu.vector_load %arg4[%get3A_1129] {strides = array<i32>} : memref<3200xi32, #tpu.memory_space<vmem>>, vector<16xi32>,
    %get3A_1131 = vector.shape_cast %get3A_1130 : vector<16xi32> to vector<16xi32>
    %add3A_1132 = vector.broadcast %mul3A_410 : i32 to vector<16xi32>
    %add3A_1133 = arith.addi %get3A_1131, %add3A_1132 : vector<16xi32>
    %swap3A_1134 = arith.constant 0 : index
    %swap3A_1135 = tpu.vector_load %arg5[%swap3A_1134] {strides = array<i32>} : memref<128xi32, #tpu.memory_space<vmem>>, vector<16xi32>,
    %swap3A_1136 = vector.shape_cast %swap3A_1135 : vector<16xi32> to vector<16xi32>
    %swap3A_1137 = vector.shape_cast %add3A_1133 : vector<16xi32> to vector<16xi32>
    tpu.vector_store %arg5[%swap3A_1134], %swap3A_1137 {strides = array<i32>} : memref<128xi32, #tpu.memory_space<vmem>>, vector<16xi32>,
    %get3A_1138 = arith.constant 1296 : index
    %get3A_1139 = tpu.vector_load %arg4[%get3A_1138] {strides = array<i32>} : memref<3200xi32, #tpu.memory_space<vmem>>, vector<16xi32>,
    %get3A_1140 = vector.shape_cast %get3A_1139 : vector<16xi32> to vector<16xi32>
    %add3A_1141 = vector.broadcast %mul3A_410 : i32 to vector<16xi32>
    %add3A_1142 = arith.addi %get3A_1140, %add3A_1141 : vector<16xi32>
    %swap3A_1143 = arith.constant 16 : index
    %swap3A_1144 = tpu.vector_load %arg5[%swap3A_1143] {strides = array<i32>} : memref<128xi32, #tpu.memory_space<vmem>>, vector<16xi32>,
    %swap3A_1145 = vector.shape_cast %swap3A_1144 : vector<16xi32> to vector<16xi32>
    %swap3A_1146 = vector.shape_cast %add3A_1142 : vector<16xi32> to vector<16xi32>
    tpu.vector_store %arg5[%swap3A_1143], %swap3A_1146 {strides = array<i32>} : memref<128xi32, #tpu.memory_space<vmem>>, vector<16xi32>,
    %get3A_1147 = arith.constant 1312 : index
    %get3A_1148 = tpu.vector_load %arg4[%get3A_1147] {strides = array<i32>} : memref<3200xi32, #tpu.memory_space<vmem>>, vector<16xi32>,
    %get3A_1149 = vector.shape_cast %get3A_1148 : vector<16xi32> to vector<16xi32>
    %add3A_1150 = vector.broadcast %mul3A_410 : i32 to vector<16xi32>
    %add3A_1151 = arith.addi %get3A_1149, %add3A_1150 : vector<16xi32>
    %swap3A_1152 = arith.constant 32 : index
    %swap3A_1153 = tpu.vector_load %arg5[%swap3A_1152] {strides = array<i32>} : memref<128xi32, #tpu.memory_space<vmem>>, vector<16xi32>,
    %swap3A_1154 = vector.shape_cast %swap3A_1153 : vector<16xi32> to vector<16xi32>
    %swap3A_1155 = vector.shape_cast %add3A_1151 : vector<16xi32> to vector<16xi32>
    tpu.vector_store %arg5[%swap3A_1152], %swap3A_1155 {strides = array<i32>} : memref<128xi32, #tpu.memory_space<vmem>>, vector<16xi32>,
    %get3A_1156 = arith.constant 1328 : index
    %get3A_1157 = tpu.vector_load %arg4[%get3A_1156] {strides = array<i32>} : memref<3200xi32, #tpu.memory_space<vmem>>, vector<16xi32>,
    %get3A_1158 = vector.shape_cast %get3A_1157 : vector<16xi32> to vector<16xi32>
    %add3A_1159 = vector.broadcast %mul3A_410 : i32 to vector<16xi32>
    %add3A_1160 = arith.addi %get3A_1158, %add3A_1159 : vector<16xi32>
    %swap3A_1161 = arith.constant 48 : index
    %swap3A_1162 = tpu.vector_load %arg5[%swap3A_1161] {strides = array<i32>} : memref<128xi32, #tpu.memory_space<vmem>>, vector<16xi32>,
    %swap3A_1163 = vector.shape_cast %swap3A_1162 : vector<16xi32> to vector<16xi32>
    %swap3A_1164 = vector.shape_cast %add3A_1160 : vector<16xi32> to vector<16xi32>
    tpu.vector_store %arg5[%swap3A_1161], %swap3A_1164 {strides = array<i32>} : memref<128xi32, #tpu.memory_space<vmem>>, vector<16xi32>,
    %get3A_1165 = arith.constant 1344 : index
    %get3A_1166 = tpu.vector_load %arg4[%get3A_1165] {strides = array<i32>} : memref<3200xi32, #tpu.memory_space<vmem>>, vector<16xi32>,
    %get3A_1167 = vector.shape_cast %get3A_1166 : vector<16xi32> to vector<16xi32>
    %add3A_1168 = vector.broadcast %mul3A_410 : i32 to vector<16xi32>
    %add3A_1169 = arith.addi %get3A_1167, %add3A_1168 : vector<16xi32>
    %swap3A_1170 = arith.constant 64 : index
    %swap3A_1171 = tpu.vector_load %arg5[%swap3A_1170] {strides = array<i32>} : memref<128xi32, #tpu.memory_space<vmem>>, vector<16xi32>,
    %swap3A_1172 = vector.shape_cast %swap3A_1171 : vector<16xi32> to vector<16xi32>
    %swap3A_1173 = vector.shape_cast %add3A_1169 : vector<16xi32> to vector<16xi32>
    tpu.vector_store %arg5[%swap3A_1170], %swap3A_1173 {strides = array<i32>} : memref<128xi32, #tpu.memory_space<vmem>>, vector<16xi32>,
    %get3A_1174 = arith.constant 1360 : index
    %get3A_1175 = tpu.vector_load %arg4[%get3A_1174] {strides = array<i32>} : memref<3200xi32, #tpu.memory_space<vmem>>, vector<16xi32>,
    %get3A_1176 = vector.shape_cast %get3A_1175 : vector<16xi32> to vector<16xi32>
    %add3A_1177 = vector.broadcast %mul3A_410 : i32 to vector<16xi32>
    %add3A_1178 = arith.addi %get3A_1176, %add3A_1177 : vector<16xi32>
    %swap3A_1179 = arith.constant 80 : index
    %swap3A_1180 = tpu.vector_load %arg5[%swap3A_1179] {strides = array<i32>} : memref<128xi32, #tpu.memory_space<vmem>>, vector<16xi32>,
    %swap3A_1181 = vector.shape_cast %swap3A_1180 : vector<16xi32> to vector<16xi32>
    %swap3A_1182 = vector.shape_cast %add3A_1178 : vector<16xi32> to vector<16xi32>
    tpu.vector_store %arg5[%swap3A_1179], %swap3A_1182 {strides = array<i32>} : memref<128xi32, #tpu.memory_space<vmem>>, vector<16xi32>,
    %get3A_1183 = arith.constant 1376 : index
    %get3A_1184 = tpu.vector_load %arg4[%get3A_1183] {strides = array<i32>} : memref<3200xi32, #tpu.memory_space<vmem>>, vector<16xi32>,
    %get3A_1185 = vector.shape_cast %get3A_1184 : vector<16xi32> to vector<16xi32>
    %add3A_1186 = vector.broadcast %mul3A_410 : i32 to vector<16xi32>
    %add3A_1187 = arith.addi %get3A_1185, %add3A_1186 : vector<16xi32>
    %swap3A_1188 = arith.constant 96 : index
    %swap3A_1189 = tpu.vector_load %arg5[%swap3A_1188] {strides = array<i32>} : memref<128xi32, #tpu.memory_space<vmem>>, vector<16xi32>,
    %swap3A_1190 = vector.shape_cast %swap3A_1189 : vector<16xi32> to vector<16xi32>
    %swap3A_1191 = vector.shape_cast %add3A_1187 : vector<16xi32> to vector<16xi32>
    tpu.vector_store %arg5[%swap3A_1188], %swap3A_1191 {strides = array<i32>} : memref<128xi32, #tpu.memory_space<vmem>>, vector<16xi32>,
    %get3A_1192 = arith.constant 1392 : index
    %get3A_1193 = tpu.vector_load %arg4[%get3A_1192] {strides = array<i32>} : memref<3200xi32, #tpu.memory_space<vmem>>, vector<16xi32>,
    %get3A_1194 = vector.shape_cast %get3A_1193 : vector<16xi32> to vector<16xi32>
    %add3A_1195 = vector.broadcast %mul3A_410 : i32 to vector<16xi32>
    %add3A_1196 = arith.addi %get3A_1194, %add3A_1195 : vector<16xi32>
    %swap3A_1197 = arith.constant 112 : index
    %swap3A_1198 = tpu.vector_load %arg5[%swap3A_1197] {strides = array<i32>} : memref<128xi32, #tpu.memory_space<vmem>>, vector<16xi32>,
    %swap3A_1199 = vector.shape_cast %swap3A_1198 : vector<16xi32> to vector<16xi32>
    %swap3A_1200 = vector.shape_cast %add3A_1196 : vector<16xi32> to vector<16xi32>
    tpu.vector_store %arg5[%swap3A_1197], %swap3A_1200 {strides = array<i32>} : memref<128xi32, #tpu.memory_space<vmem>>, vector<16xi32>,
    "tpu.region"() ({
      %run_scoped3A = tpu.sem_alloc : memref<!tpu.dma_semaphore, #tpu.memory_space<semaphore_mem>>
      %dma_start3A = arith.constant 0 : i32
      %dma_start3A_2214 = tpu.memref_slice %arg10[%dma_start3A] : memref<2304xf32, #tpu.memory_space<vmem_shared>> -> memref<2304xf32, #tpu.memory_space<vmem_shared>>
      tpu.enqueue_indirect_dma source(%arg6 : memref<128xf32, #tpu.memory_space<vmem>>) target(%dma_start3A_2214 : memref<2304xf32, #tpu.memory_space<vmem_shared>>) offsets(%arg5 : memref<128xi32, #tpu.memory_space<vmem>>) semaphore(%run_scoped3A : memref<!tpu.dma_semaphore, #tpu.memory_space<semaphore_mem>>) {add = true}
      %dma_wait3A = arith.constant 0 : i32
      %dma_wait3A_2215 = tpu.memref_slice %arg10[%dma_wait3A] : memref<2304xf32, #tpu.memory_space<vmem_shared>> -> memref<2304xf32, #tpu.memory_space<vmem_shared>>
      tpu.wait_indirect_dma semaphore(%run_scoped3A : memref<!tpu.dma_semaphore, #tpu.memory_space<semaphore_mem>>) src(%arg6 : memref<128xf32, #tpu.memory_space<vmem>>) dst(%dma_wait3A_2215 : memref<2304xf32, #tpu.memory_space<vmem_shared>>)
      tpu.yield
    }) : () -> ()
    %get3A_1201 = arith.constant 1408 : index
    %get3A_1202 = tpu.vector_load %arg4[%get3A_1201] {strides = array<i32>} : memref<3200xi32, #tpu.memory_space<vmem>>, vector<16xi32>,
    %get3A_1203 = vector.shape_cast %get3A_1202 : vector<16xi32> to vector<16xi32>
    %add3A_1204 = vector.broadcast %mul3A_410 : i32 to vector<16xi32>
    %add3A_1205 = arith.addi %get3A_1203, %add3A_1204 : vector<16xi32>
    %swap3A_1206 = arith.constant 0 : index
    %swap3A_1207 = tpu.vector_load %arg5[%swap3A_1206] {strides = array<i32>} : memref<128xi32, #tpu.memory_space<vmem>>, vector<16xi32>,
    %swap3A_1208 = vector.shape_cast %swap3A_1207 : vector<16xi32> to vector<16xi32>
    %swap3A_1209 = vector.shape_cast %add3A_1205 : vector<16xi32> to vector<16xi32>
    tpu.vector_store %arg5[%swap3A_1206], %swap3A_1209 {strides = array<i32>} : memref<128xi32, #tpu.memory_space<vmem>>, vector<16xi32>,
    %get3A_1210 = arith.constant 1424 : index
    %get3A_1211 = tpu.vector_load %arg4[%get3A_1210] {strides = array<i32>} : memref<3200xi32, #tpu.memory_space<vmem>>, vector<16xi32>,
    %get3A_1212 = vector.shape_cast %get3A_1211 : vector<16xi32> to vector<16xi32>
    %add3A_1213 = vector.broadcast %mul3A_410 : i32 to vector<16xi32>
    %add3A_1214 = arith.addi %get3A_1212, %add3A_1213 : vector<16xi32>
    %swap3A_1215 = arith.constant 16 : index
    %swap3A_1216 = tpu.vector_load %arg5[%swap3A_1215] {strides = array<i32>} : memref<128xi32, #tpu.memory_space<vmem>>, vector<16xi32>,
    %swap3A_1217 = vector.shape_cast %swap3A_1216 : vector<16xi32> to vector<16xi32>
    %swap3A_1218 = vector.shape_cast %add3A_1214 : vector<16xi32> to vector<16xi32>
    tpu.vector_store %arg5[%swap3A_1215], %swap3A_1218 {strides = array<i32>} : memref<128xi32, #tpu.memory_space<vmem>>, vector<16xi32>,
    %get3A_1219 = arith.constant 1440 : index
    %get3A_1220 = tpu.vector_load %arg4[%get3A_1219] {strides = array<i32>} : memref<3200xi32, #tpu.memory_space<vmem>>, vector<16xi32>,
    %get3A_1221 = vector.shape_cast %get3A_1220 : vector<16xi32> to vector<16xi32>
    %add3A_1222 = vector.broadcast %mul3A_410 : i32 to vector<16xi32>
    %add3A_1223 = arith.addi %get3A_1221, %add3A_1222 : vector<16xi32>
    %swap3A_1224 = arith.constant 32 : index
    %swap3A_1225 = tpu.vector_load %arg5[%swap3A_1224] {strides = array<i32>} : memref<128xi32, #tpu.memory_space<vmem>>, vector<16xi32>,
    %swap3A_1226 = vector.shape_cast %swap3A_1225 : vector<16xi32> to vector<16xi32>
    %swap3A_1227 = vector.shape_cast %add3A_1223 : vector<16xi32> to vector<16xi32>
    tpu.vector_store %arg5[%swap3A_1224], %swap3A_1227 {strides = array<i32>} : memref<128xi32, #tpu.memory_space<vmem>>, vector<16xi32>,
    %get3A_1228 = arith.constant 1456 : index
    %get3A_1229 = tpu.vector_load %arg4[%get3A_1228] {strides = array<i32>} : memref<3200xi32, #tpu.memory_space<vmem>>, vector<16xi32>,
    %get3A_1230 = vector.shape_cast %get3A_1229 : vector<16xi32> to vector<16xi32>
    %add3A_1231 = vector.broadcast %mul3A_410 : i32 to vector<16xi32>
    %add3A_1232 = arith.addi %get3A_1230, %add3A_1231 : vector<16xi32>
    %swap3A_1233 = arith.constant 48 : index
    %swap3A_1234 = tpu.vector_load %arg5[%swap3A_1233] {strides = array<i32>} : memref<128xi32, #tpu.memory_space<vmem>>, vector<16xi32>,
    %swap3A_1235 = vector.shape_cast %swap3A_1234 : vector<16xi32> to vector<16xi32>
    %swap3A_1236 = vector.shape_cast %add3A_1232 : vector<16xi32> to vector<16xi32>
    tpu.vector_store %arg5[%swap3A_1233], %swap3A_1236 {strides = array<i32>} : memref<128xi32, #tpu.memory_space<vmem>>, vector<16xi32>,
    %get3A_1237 = arith.constant 1472 : index
    %get3A_1238 = tpu.vector_load %arg4[%get3A_1237] {strides = array<i32>} : memref<3200xi32, #tpu.memory_space<vmem>>, vector<16xi32>,
    %get3A_1239 = vector.shape_cast %get3A_1238 : vector<16xi32> to vector<16xi32>
    %add3A_1240 = vector.broadcast %mul3A_410 : i32 to vector<16xi32>
    %add3A_1241 = arith.addi %get3A_1239, %add3A_1240 : vector<16xi32>
    %swap3A_1242 = arith.constant 64 : index
    %swap3A_1243 = tpu.vector_load %arg5[%swap3A_1242] {strides = array<i32>} : memref<128xi32, #tpu.memory_space<vmem>>, vector<16xi32>,
    %swap3A_1244 = vector.shape_cast %swap3A_1243 : vector<16xi32> to vector<16xi32>
    %swap3A_1245 = vector.shape_cast %add3A_1241 : vector<16xi32> to vector<16xi32>
    tpu.vector_store %arg5[%swap3A_1242], %swap3A_1245 {strides = array<i32>} : memref<128xi32, #tpu.memory_space<vmem>>, vector<16xi32>,
    %get3A_1246 = arith.constant 1488 : index
    %get3A_1247 = tpu.vector_load %arg4[%get3A_1246] {strides = array<i32>} : memref<3200xi32, #tpu.memory_space<vmem>>, vector<16xi32>,
    %get3A_1248 = vector.shape_cast %get3A_1247 : vector<16xi32> to vector<16xi32>
    %add3A_1249 = vector.broadcast %mul3A_410 : i32 to vector<16xi32>
    %add3A_1250 = arith.addi %get3A_1248, %add3A_1249 : vector<16xi32>
    %swap3A_1251 = arith.constant 80 : index
    %swap3A_1252 = tpu.vector_load %arg5[%swap3A_1251] {strides = array<i32>} : memref<128xi32, #tpu.memory_space<vmem>>, vector<16xi32>,
    %swap3A_1253 = vector.shape_cast %swap3A_1252 : vector<16xi32> to vector<16xi32>
    %swap3A_1254 = vector.shape_cast %add3A_1250 : vector<16xi32> to vector<16xi32>
    tpu.vector_store %arg5[%swap3A_1251], %swap3A_1254 {strides = array<i32>} : memref<128xi32, #tpu.memory_space<vmem>>, vector<16xi32>,
    %get3A_1255 = arith.constant 1504 : index
    %get3A_1256 = tpu.vector_load %arg4[%get3A_1255] {strides = array<i32>} : memref<3200xi32, #tpu.memory_space<vmem>>, vector<16xi32>,
    %get3A_1257 = vector.shape_cast %get3A_1256 : vector<16xi32> to vector<16xi32>
    %add3A_1258 = vector.broadcast %mul3A_410 : i32 to vector<16xi32>
    %add3A_1259 = arith.addi %get3A_1257, %add3A_1258 : vector<16xi32>
    %swap3A_1260 = arith.constant 96 : index
    %swap3A_1261 = tpu.vector_load %arg5[%swap3A_1260] {strides = array<i32>} : memref<128xi32, #tpu.memory_space<vmem>>, vector<16xi32>,
    %swap3A_1262 = vector.shape_cast %swap3A_1261 : vector<16xi32> to vector<16xi32>
    %swap3A_1263 = vector.shape_cast %add3A_1259 : vector<16xi32> to vector<16xi32>
    tpu.vector_store %arg5[%swap3A_1260], %swap3A_1263 {strides = array<i32>} : memref<128xi32, #tpu.memory_space<vmem>>, vector<16xi32>,
    %get3A_1264 = arith.constant 1520 : index
    %get3A_1265 = tpu.vector_load %arg4[%get3A_1264] {strides = array<i32>} : memref<3200xi32, #tpu.memory_space<vmem>>, vector<16xi32>,
    %get3A_1266 = vector.shape_cast %get3A_1265 : vector<16xi32> to vector<16xi32>
    %add3A_1267 = vector.broadcast %mul3A_410 : i32 to vector<16xi32>
    %add3A_1268 = arith.addi %get3A_1266, %add3A_1267 : vector<16xi32>
    %swap3A_1269 = arith.constant 112 : index
    %swap3A_1270 = tpu.vector_load %arg5[%swap3A_1269] {strides = array<i32>} : memref<128xi32, #tpu.memory_space<vmem>>, vector<16xi32>,
    %swap3A_1271 = vector.shape_cast %swap3A_1270 : vector<16xi32> to vector<16xi32>
    %swap3A_1272 = vector.shape_cast %add3A_1268 : vector<16xi32> to vector<16xi32>
    tpu.vector_store %arg5[%swap3A_1269], %swap3A_1272 {strides = array<i32>} : memref<128xi32, #tpu.memory_space<vmem>>, vector<16xi32>,
    "tpu.region"() ({
      %run_scoped3A = tpu.sem_alloc : memref<!tpu.dma_semaphore, #tpu.memory_space<semaphore_mem>>
      %dma_start3A = arith.constant 0 : i32
      %dma_start3A_2214 = tpu.memref_slice %arg10[%dma_start3A] : memref<2304xf32, #tpu.memory_space<vmem_shared>> -> memref<2304xf32, #tpu.memory_space<vmem_shared>>
      tpu.enqueue_indirect_dma source(%arg6 : memref<128xf32, #tpu.memory_space<vmem>>) target(%dma_start3A_2214 : memref<2304xf32, #tpu.memory_space<vmem_shared>>) offsets(%arg5 : memref<128xi32, #tpu.memory_space<vmem>>) semaphore(%run_scoped3A : memref<!tpu.dma_semaphore, #tpu.memory_space<semaphore_mem>>) {add = true}
      %dma_wait3A = arith.constant 0 : i32
      %dma_wait3A_2215 = tpu.memref_slice %arg10[%dma_wait3A] : memref<2304xf32, #tpu.memory_space<vmem_shared>> -> memref<2304xf32, #tpu.memory_space<vmem_shared>>
      tpu.wait_indirect_dma semaphore(%run_scoped3A : memref<!tpu.dma_semaphore, #tpu.memory_space<semaphore_mem>>) src(%arg6 : memref<128xf32, #tpu.memory_space<vmem>>) dst(%dma_wait3A_2215 : memref<2304xf32, #tpu.memory_space<vmem_shared>>)
      tpu.yield
    }) : () -> ()
    %get3A_1273 = arith.constant 1536 : index
    %get3A_1274 = tpu.vector_load %arg4[%get3A_1273] {strides = array<i32>} : memref<3200xi32, #tpu.memory_space<vmem>>, vector<16xi32>,
    %get3A_1275 = vector.shape_cast %get3A_1274 : vector<16xi32> to vector<16xi32>
    %add3A_1276 = vector.broadcast %mul3A_410 : i32 to vector<16xi32>
    %add3A_1277 = arith.addi %get3A_1275, %add3A_1276 : vector<16xi32>
    %swap3A_1278 = arith.constant 0 : index
    %swap3A_1279 = tpu.vector_load %arg5[%swap3A_1278] {strides = array<i32>} : memref<128xi32, #tpu.memory_space<vmem>>, vector<16xi32>,
    %swap3A_1280 = vector.shape_cast %swap3A_1279 : vector<16xi32> to vector<16xi32>
    %swap3A_1281 = vector.shape_cast %add3A_1277 : vector<16xi32> to vector<16xi32>
    tpu.vector_store %arg5[%swap3A_1278], %swap3A_1281 {strides = array<i32>} : memref<128xi32, #tpu.memory_space<vmem>>, vector<16xi32>,
    %get3A_1282 = arith.constant 1552 : index
    %get3A_1283 = tpu.vector_load %arg4[%get3A_1282] {strides = array<i32>} : memref<3200xi32, #tpu.memory_space<vmem>>, vector<16xi32>,
    %get3A_1284 = vector.shape_cast %get3A_1283 : vector<16xi32> to vector<16xi32>
    %add3A_1285 = vector.broadcast %mul3A_410 : i32 to vector<16xi32>
    %add3A_1286 = arith.addi %get3A_1284, %add3A_1285 : vector<16xi32>
    %swap3A_1287 = arith.constant 16 : index
    %swap3A_1288 = tpu.vector_load %arg5[%swap3A_1287] {strides = array<i32>} : memref<128xi32, #tpu.memory_space<vmem>>, vector<16xi32>,
    %swap3A_1289 = vector.shape_cast %swap3A_1288 : vector<16xi32> to vector<16xi32>
    %swap3A_1290 = vector.shape_cast %add3A_1286 : vector<16xi32> to vector<16xi32>
    tpu.vector_store %arg5[%swap3A_1287], %swap3A_1290 {strides = array<i32>} : memref<128xi32, #tpu.memory_space<vmem>>, vector<16xi32>,
    %get3A_1291 = arith.constant 1568 : index
    %get3A_1292 = tpu.vector_load %arg4[%get3A_1291] {strides = array<i32>} : memref<3200xi32, #tpu.memory_space<vmem>>, vector<16xi32>,
    %get3A_1293 = vector.shape_cast %get3A_1292 : vector<16xi32> to vector<16xi32>
    %add3A_1294 = vector.broadcast %mul3A_410 : i32 to vector<16xi32>
    %add3A_1295 = arith.addi %get3A_1293, %add3A_1294 : vector<16xi32>
    %swap3A_1296 = arith.constant 32 : index
    %swap3A_1297 = tpu.vector_load %arg5[%swap3A_1296] {strides = array<i32>} : memref<128xi32, #tpu.memory_space<vmem>>, vector<16xi32>,
    %swap3A_1298 = vector.shape_cast %swap3A_1297 : vector<16xi32> to vector<16xi32>
    %swap3A_1299 = vector.shape_cast %add3A_1295 : vector<16xi32> to vector<16xi32>
    tpu.vector_store %arg5[%swap3A_1296], %swap3A_1299 {strides = array<i32>} : memref<128xi32, #tpu.memory_space<vmem>>, vector<16xi32>,
    %get3A_1300 = arith.constant 1584 : index
    %get3A_1301 = tpu.vector_load %arg4[%get3A_1300] {strides = array<i32>} : memref<3200xi32, #tpu.memory_space<vmem>>, vector<16xi32>,
    %get3A_1302 = vector.shape_cast %get3A_1301 : vector<16xi32> to vector<16xi32>
    %add3A_1303 = vector.broadcast %mul3A_410 : i32 to vector<16xi32>
    %add3A_1304 = arith.addi %get3A_1302, %add3A_1303 : vector<16xi32>
    %swap3A_1305 = arith.constant 48 : index
    %swap3A_1306 = tpu.vector_load %arg5[%swap3A_1305] {strides = array<i32>} : memref<128xi32, #tpu.memory_space<vmem>>, vector<16xi32>,
    %swap3A_1307 = vector.shape_cast %swap3A_1306 : vector<16xi32> to vector<16xi32>
    %swap3A_1308 = vector.shape_cast %add3A_1304 : vector<16xi32> to vector<16xi32>
    tpu.vector_store %arg5[%swap3A_1305], %swap3A_1308 {strides = array<i32>} : memref<128xi32, #tpu.memory_space<vmem>>, vector<16xi32>,
    %get3A_1309 = arith.constant 1600 : index
    %get3A_1310 = tpu.vector_load %arg4[%get3A_1309] {strides = array<i32>} : memref<3200xi32, #tpu.memory_space<vmem>>, vector<16xi32>,
    %get3A_1311 = vector.shape_cast %get3A_1310 : vector<16xi32> to vector<16xi32>
    %add3A_1312 = vector.broadcast %mul3A_410 : i32 to vector<16xi32>
    %add3A_1313 = arith.addi %get3A_1311, %add3A_1312 : vector<16xi32>
    %swap3A_1314 = arith.constant 64 : index
    %swap3A_1315 = tpu.vector_load %arg5[%swap3A_1314] {strides = array<i32>} : memref<128xi32, #tpu.memory_space<vmem>>, vector<16xi32>,
    %swap3A_1316 = vector.shape_cast %swap3A_1315 : vector<16xi32> to vector<16xi32>
    %swap3A_1317 = vector.shape_cast %add3A_1313 : vector<16xi32> to vector<16xi32>
    tpu.vector_store %arg5[%swap3A_1314], %swap3A_1317 {strides = array<i32>} : memref<128xi32, #tpu.memory_space<vmem>>, vector<16xi32>,
    %get3A_1318 = arith.constant 1616 : index
    %get3A_1319 = tpu.vector_load %arg4[%get3A_1318] {strides = array<i32>} : memref<3200xi32, #tpu.memory_space<vmem>>, vector<16xi32>,
    %get3A_1320 = vector.shape_cast %get3A_1319 : vector<16xi32> to vector<16xi32>
    %add3A_1321 = vector.broadcast %mul3A_410 : i32 to vector<16xi32>
    %add3A_1322 = arith.addi %get3A_1320, %add3A_1321 : vector<16xi32>
    %swap3A_1323 = arith.constant 80 : index
    %swap3A_1324 = tpu.vector_load %arg5[%swap3A_1323] {strides = array<i32>} : memref<128xi32, #tpu.memory_space<vmem>>, vector<16xi32>,
    %swap3A_1325 = vector.shape_cast %swap3A_1324 : vector<16xi32> to vector<16xi32>
    %swap3A_1326 = vector.shape_cast %add3A_1322 : vector<16xi32> to vector<16xi32>
    tpu.vector_store %arg5[%swap3A_1323], %swap3A_1326 {strides = array<i32>} : memref<128xi32, #tpu.memory_space<vmem>>, vector<16xi32>,
    %get3A_1327 = arith.constant 1632 : index
    %get3A_1328 = tpu.vector_load %arg4[%get3A_1327] {strides = array<i32>} : memref<3200xi32, #tpu.memory_space<vmem>>, vector<16xi32>,
    %get3A_1329 = vector.shape_cast %get3A_1328 : vector<16xi32> to vector<16xi32>
    %add3A_1330 = vector.broadcast %mul3A_410 : i32 to vector<16xi32>
    %add3A_1331 = arith.addi %get3A_1329, %add3A_1330 : vector<16xi32>
    %swap3A_1332 = arith.constant 96 : index
    %swap3A_1333 = tpu.vector_load %arg5[%swap3A_1332] {strides = array<i32>} : memref<128xi32, #tpu.memory_space<vmem>>, vector<16xi32>,
    %swap3A_1334 = vector.shape_cast %swap3A_1333 : vector<16xi32> to vector<16xi32>
    %swap3A_1335 = vector.shape_cast %add3A_1331 : vector<16xi32> to vector<16xi32>
    tpu.vector_store %arg5[%swap3A_1332], %swap3A_1335 {strides = array<i32>} : memref<128xi32, #tpu.memory_space<vmem>>, vector<16xi32>,
    %get3A_1336 = arith.constant 1648 : index
    %get3A_1337 = tpu.vector_load %arg4[%get3A_1336] {strides = array<i32>} : memref<3200xi32, #tpu.memory_space<vmem>>, vector<16xi32>,
    %get3A_1338 = vector.shape_cast %get3A_1337 : vector<16xi32> to vector<16xi32>
    %add3A_1339 = vector.broadcast %mul3A_410 : i32 to vector<16xi32>
    %add3A_1340 = arith.addi %get3A_1338, %add3A_1339 : vector<16xi32>
    %swap3A_1341 = arith.constant 112 : index
    %swap3A_1342 = tpu.vector_load %arg5[%swap3A_1341] {strides = array<i32>} : memref<128xi32, #tpu.memory_space<vmem>>, vector<16xi32>,
    %swap3A_1343 = vector.shape_cast %swap3A_1342 : vector<16xi32> to vector<16xi32>
    %swap3A_1344 = vector.shape_cast %add3A_1340 : vector<16xi32> to vector<16xi32>
    tpu.vector_store %arg5[%swap3A_1341], %swap3A_1344 {strides = array<i32>} : memref<128xi32, #tpu.memory_space<vmem>>, vector<16xi32>,
    "tpu.region"() ({
      %run_scoped3A = tpu.sem_alloc : memref<!tpu.dma_semaphore, #tpu.memory_space<semaphore_mem>>
      %dma_start3A = arith.constant 0 : i32
      %dma_start3A_2214 = tpu.memref_slice %arg10[%dma_start3A] : memref<2304xf32, #tpu.memory_space<vmem_shared>> -> memref<2304xf32, #tpu.memory_space<vmem_shared>>
      tpu.enqueue_indirect_dma source(%arg6 : memref<128xf32, #tpu.memory_space<vmem>>) target(%dma_start3A_2214 : memref<2304xf32, #tpu.memory_space<vmem_shared>>) offsets(%arg5 : memref<128xi32, #tpu.memory_space<vmem>>) semaphore(%run_scoped3A : memref<!tpu.dma_semaphore, #tpu.memory_space<semaphore_mem>>) {add = true}
      %dma_wait3A = arith.constant 0 : i32
      %dma_wait3A_2215 = tpu.memref_slice %arg10[%dma_wait3A] : memref<2304xf32, #tpu.memory_space<vmem_shared>> -> memref<2304xf32, #tpu.memory_space<vmem_shared>>
      tpu.wait_indirect_dma semaphore(%run_scoped3A : memref<!tpu.dma_semaphore, #tpu.memory_space<semaphore_mem>>) src(%arg6 : memref<128xf32, #tpu.memory_space<vmem>>) dst(%dma_wait3A_2215 : memref<2304xf32, #tpu.memory_space<vmem_shared>>)
      tpu.yield
    }) : () -> ()
    %get3A_1345 = arith.constant 1664 : index
    %get3A_1346 = tpu.vector_load %arg4[%get3A_1345] {strides = array<i32>} : memref<3200xi32, #tpu.memory_space<vmem>>, vector<16xi32>,
    %get3A_1347 = vector.shape_cast %get3A_1346 : vector<16xi32> to vector<16xi32>
    %add3A_1348 = vector.broadcast %mul3A_410 : i32 to vector<16xi32>
    %add3A_1349 = arith.addi %get3A_1347, %add3A_1348 : vector<16xi32>
    %swap3A_1350 = arith.constant 0 : index
    %swap3A_1351 = tpu.vector_load %arg5[%swap3A_1350] {strides = array<i32>} : memref<128xi32, #tpu.memory_space<vmem>>, vector<16xi32>,
    %swap3A_1352 = vector.shape_cast %swap3A_1351 : vector<16xi32> to vector<16xi32>
    %swap3A_1353 = vector.shape_cast %add3A_1349 : vector<16xi32> to vector<16xi32>
    tpu.vector_store %arg5[%swap3A_1350], %swap3A_1353 {strides = array<i32>} : memref<128xi32, #tpu.memory_space<vmem>>, vector<16xi32>,
    %get3A_1354 = arith.constant 1680 : index
    %get3A_1355 = tpu.vector_load %arg4[%get3A_1354] {strides = array<i32>} : memref<3200xi32, #tpu.memory_space<vmem>>, vector<16xi32>,
    %get3A_1356 = vector.shape_cast %get3A_1355 : vector<16xi32> to vector<16xi32>
    %add3A_1357 = vector.broadcast %mul3A_410 : i32 to vector<16xi32>
    %add3A_1358 = arith.addi %get3A_1356, %add3A_1357 : vector<16xi32>
    %swap3A_1359 = arith.constant 16 : index
    %swap3A_1360 = tpu.vector_load %arg5[%swap3A_1359] {strides = array<i32>} : memref<128xi32, #tpu.memory_space<vmem>>, vector<16xi32>,
    %swap3A_1361 = vector.shape_cast %swap3A_1360 : vector<16xi32> to vector<16xi32>
    %swap3A_1362 = vector.shape_cast %add3A_1358 : vector<16xi32> to vector<16xi32>
    tpu.vector_store %arg5[%swap3A_1359], %swap3A_1362 {strides = array<i32>} : memref<128xi32, #tpu.memory_space<vmem>>, vector<16xi32>,
    %get3A_1363 = arith.constant 1696 : index
    %get3A_1364 = tpu.vector_load %arg4[%get3A_1363] {strides = array<i32>} : memref<3200xi32, #tpu.memory_space<vmem>>, vector<16xi32>,
    %get3A_1365 = vector.shape_cast %get3A_1364 : vector<16xi32> to vector<16xi32>
    %add3A_1366 = vector.broadcast %mul3A_410 : i32 to vector<16xi32>
    %add3A_1367 = arith.addi %get3A_1365, %add3A_1366 : vector<16xi32>
    %swap3A_1368 = arith.constant 32 : index
    %swap3A_1369 = tpu.vector_load %arg5[%swap3A_1368] {strides = array<i32>} : memref<128xi32, #tpu.memory_space<vmem>>, vector<16xi32>,
    %swap3A_1370 = vector.shape_cast %swap3A_1369 : vector<16xi32> to vector<16xi32>
    %swap3A_1371 = vector.shape_cast %add3A_1367 : vector<16xi32> to vector<16xi32>
    tpu.vector_store %arg5[%swap3A_1368], %swap3A_1371 {strides = array<i32>} : memref<128xi32, #tpu.memory_space<vmem>>, vector<16xi32>,
    %get3A_1372 = arith.constant 1712 : index
    %get3A_1373 = tpu.vector_load %arg4[%get3A_1372] {strides = array<i32>} : memref<3200xi32, #tpu.memory_space<vmem>>, vector<16xi32>,
    %get3A_1374 = vector.shape_cast %get3A_1373 : vector<16xi32> to vector<16xi32>
    %add3A_1375 = vector.broadcast %mul3A_410 : i32 to vector<16xi32>
    %add3A_1376 = arith.addi %get3A_1374, %add3A_1375 : vector<16xi32>
    %swap3A_1377 = arith.constant 48 : index
    %swap3A_1378 = tpu.vector_load %arg5[%swap3A_1377] {strides = array<i32>} : memref<128xi32, #tpu.memory_space<vmem>>, vector<16xi32>,
    %swap3A_1379 = vector.shape_cast %swap3A_1378 : vector<16xi32> to vector<16xi32>
    %swap3A_1380 = vector.shape_cast %add3A_1376 : vector<16xi32> to vector<16xi32>
    tpu.vector_store %arg5[%swap3A_1377], %swap3A_1380 {strides = array<i32>} : memref<128xi32, #tpu.memory_space<vmem>>, vector<16xi32>,
    %get3A_1381 = arith.constant 1728 : index
    %get3A_1382 = tpu.vector_load %arg4[%get3A_1381] {strides = array<i32>} : memref<3200xi32, #tpu.memory_space<vmem>>, vector<16xi32>,
    %get3A_1383 = vector.shape_cast %get3A_1382 : vector<16xi32> to vector<16xi32>
    %add3A_1384 = vector.broadcast %mul3A_410 : i32 to vector<16xi32>
    %add3A_1385 = arith.addi %get3A_1383, %add3A_1384 : vector<16xi32>
    %swap3A_1386 = arith.constant 64 : index
    %swap3A_1387 = tpu.vector_load %arg5[%swap3A_1386] {strides = array<i32>} : memref<128xi32, #tpu.memory_space<vmem>>, vector<16xi32>,
    %swap3A_1388 = vector.shape_cast %swap3A_1387 : vector<16xi32> to vector<16xi32>
    %swap3A_1389 = vector.shape_cast %add3A_1385 : vector<16xi32> to vector<16xi32>
    tpu.vector_store %arg5[%swap3A_1386], %swap3A_1389 {strides = array<i32>} : memref<128xi32, #tpu.memory_space<vmem>>, vector<16xi32>,
    %get3A_1390 = arith.constant 1744 : index
    %get3A_1391 = tpu.vector_load %arg4[%get3A_1390] {strides = array<i32>} : memref<3200xi32, #tpu.memory_space<vmem>>, vector<16xi32>,
    %get3A_1392 = vector.shape_cast %get3A_1391 : vector<16xi32> to vector<16xi32>
    %add3A_1393 = vector.broadcast %mul3A_410 : i32 to vector<16xi32>
    %add3A_1394 = arith.addi %get3A_1392, %add3A_1393 : vector<16xi32>
    %swap3A_1395 = arith.constant 80 : index
    %swap3A_1396 = tpu.vector_load %arg5[%swap3A_1395] {strides = array<i32>} : memref<128xi32, #tpu.memory_space<vmem>>, vector<16xi32>,
    %swap3A_1397 = vector.shape_cast %swap3A_1396 : vector<16xi32> to vector<16xi32>
    %swap3A_1398 = vector.shape_cast %add3A_1394 : vector<16xi32> to vector<16xi32>
    tpu.vector_store %arg5[%swap3A_1395], %swap3A_1398 {strides = array<i32>} : memref<128xi32, #tpu.memory_space<vmem>>, vector<16xi32>,
    %get3A_1399 = arith.constant 1760 : index
    %get3A_1400 = tpu.vector_load %arg4[%get3A_1399] {strides = array<i32>} : memref<3200xi32, #tpu.memory_space<vmem>>, vector<16xi32>,
    %get3A_1401 = vector.shape_cast %get3A_1400 : vector<16xi32> to vector<16xi32>
    %add3A_1402 = vector.broadcast %mul3A_410 : i32 to vector<16xi32>
    %add3A_1403 = arith.addi %get3A_1401, %add3A_1402 : vector<16xi32>
    %swap3A_1404 = arith.constant 96 : index
    %swap3A_1405 = tpu.vector_load %arg5[%swap3A_1404] {strides = array<i32>} : memref<128xi32, #tpu.memory_space<vmem>>, vector<16xi32>,
    %swap3A_1406 = vector.shape_cast %swap3A_1405 : vector<16xi32> to vector<16xi32>
    %swap3A_1407 = vector.shape_cast %add3A_1403 : vector<16xi32> to vector<16xi32>
    tpu.vector_store %arg5[%swap3A_1404], %swap3A_1407 {strides = array<i32>} : memref<128xi32, #tpu.memory_space<vmem>>, vector<16xi32>,
    %get3A_1408 = arith.constant 1776 : index
    %get3A_1409 = tpu.vector_load %arg4[%get3A_1408] {strides = array<i32>} : memref<3200xi32, #tpu.memory_space<vmem>>, vector<16xi32>,
    %get3A_1410 = vector.shape_cast %get3A_1409 : vector<16xi32> to vector<16xi32>
    %add3A_1411 = vector.broadcast %mul3A_410 : i32 to vector<16xi32>
    %add3A_1412 = arith.addi %get3A_1410, %add3A_1411 : vector<16xi32>
    %swap3A_1413 = arith.constant 112 : index
    %swap3A_1414 = tpu.vector_load %arg5[%swap3A_1413] {strides = array<i32>} : memref<128xi32, #tpu.memory_space<vmem>>, vector<16xi32>,
    %swap3A_1415 = vector.shape_cast %swap3A_1414 : vector<16xi32> to vector<16xi32>
    %swap3A_1416 = vector.shape_cast %add3A_1412 : vector<16xi32> to vector<16xi32>
    tpu.vector_store %arg5[%swap3A_1413], %swap3A_1416 {strides = array<i32>} : memref<128xi32, #tpu.memory_space<vmem>>, vector<16xi32>,
    "tpu.region"() ({
      %run_scoped3A = tpu.sem_alloc : memref<!tpu.dma_semaphore, #tpu.memory_space<semaphore_mem>>
      %dma_start3A = arith.constant 0 : i32
      %dma_start3A_2214 = tpu.memref_slice %arg10[%dma_start3A] : memref<2304xf32, #tpu.memory_space<vmem_shared>> -> memref<2304xf32, #tpu.memory_space<vmem_shared>>
      tpu.enqueue_indirect_dma source(%arg6 : memref<128xf32, #tpu.memory_space<vmem>>) target(%dma_start3A_2214 : memref<2304xf32, #tpu.memory_space<vmem_shared>>) offsets(%arg5 : memref<128xi32, #tpu.memory_space<vmem>>) semaphore(%run_scoped3A : memref<!tpu.dma_semaphore, #tpu.memory_space<semaphore_mem>>) {add = true}
      %dma_wait3A = arith.constant 0 : i32
      %dma_wait3A_2215 = tpu.memref_slice %arg10[%dma_wait3A] : memref<2304xf32, #tpu.memory_space<vmem_shared>> -> memref<2304xf32, #tpu.memory_space<vmem_shared>>
      tpu.wait_indirect_dma semaphore(%run_scoped3A : memref<!tpu.dma_semaphore, #tpu.memory_space<semaphore_mem>>) src(%arg6 : memref<128xf32, #tpu.memory_space<vmem>>) dst(%dma_wait3A_2215 : memref<2304xf32, #tpu.memory_space<vmem_shared>>)
      tpu.yield
    }) : () -> ()
    %get3A_1417 = arith.constant 1792 : index
    %get3A_1418 = tpu.vector_load %arg4[%get3A_1417] {strides = array<i32>} : memref<3200xi32, #tpu.memory_space<vmem>>, vector<16xi32>,
    %get3A_1419 = vector.shape_cast %get3A_1418 : vector<16xi32> to vector<16xi32>
    %add3A_1420 = vector.broadcast %mul3A_410 : i32 to vector<16xi32>
    %add3A_1421 = arith.addi %get3A_1419, %add3A_1420 : vector<16xi32>
    %swap3A_1422 = arith.constant 0 : index
    %swap3A_1423 = tpu.vector_load %arg5[%swap3A_1422] {strides = array<i32>} : memref<128xi32, #tpu.memory_space<vmem>>, vector<16xi32>,
    %swap3A_1424 = vector.shape_cast %swap3A_1423 : vector<16xi32> to vector<16xi32>
    %swap3A_1425 = vector.shape_cast %add3A_1421 : vector<16xi32> to vector<16xi32>
    tpu.vector_store %arg5[%swap3A_1422], %swap3A_1425 {strides = array<i32>} : memref<128xi32, #tpu.memory_space<vmem>>, vector<16xi32>,
    %get3A_1426 = arith.constant 1808 : index
    %get3A_1427 = tpu.vector_load %arg4[%get3A_1426] {strides = array<i32>} : memref<3200xi32, #tpu.memory_space<vmem>>, vector<16xi32>,
    %get3A_1428 = vector.shape_cast %get3A_1427 : vector<16xi32> to vector<16xi32>
    %add3A_1429 = vector.broadcast %mul3A_410 : i32 to vector<16xi32>
    %add3A_1430 = arith.addi %get3A_1428, %add3A_1429 : vector<16xi32>
    %swap3A_1431 = arith.constant 16 : index
    %swap3A_1432 = tpu.vector_load %arg5[%swap3A_1431] {strides = array<i32>} : memref<128xi32, #tpu.memory_space<vmem>>, vector<16xi32>,
    %swap3A_1433 = vector.shape_cast %swap3A_1432 : vector<16xi32> to vector<16xi32>
    %swap3A_1434 = vector.shape_cast %add3A_1430 : vector<16xi32> to vector<16xi32>
    tpu.vector_store %arg5[%swap3A_1431], %swap3A_1434 {strides = array<i32>} : memref<128xi32, #tpu.memory_space<vmem>>, vector<16xi32>,
    %get3A_1435 = arith.constant 1824 : index
    %get3A_1436 = tpu.vector_load %arg4[%get3A_1435] {strides = array<i32>} : memref<3200xi32, #tpu.memory_space<vmem>>, vector<16xi32>,
    %get3A_1437 = vector.shape_cast %get3A_1436 : vector<16xi32> to vector<16xi32>
    %add3A_1438 = vector.broadcast %mul3A_410 : i32 to vector<16xi32>
    %add3A_1439 = arith.addi %get3A_1437, %add3A_1438 : vector<16xi32>
    %swap3A_1440 = arith.constant 32 : index
    %swap3A_1441 = tpu.vector_load %arg5[%swap3A_1440] {strides = array<i32>} : memref<128xi32, #tpu.memory_space<vmem>>, vector<16xi32>,
    %swap3A_1442 = vector.shape_cast %swap3A_1441 : vector<16xi32> to vector<16xi32>
    %swap3A_1443 = vector.shape_cast %add3A_1439 : vector<16xi32> to vector<16xi32>
    tpu.vector_store %arg5[%swap3A_1440], %swap3A_1443 {strides = array<i32>} : memref<128xi32, #tpu.memory_space<vmem>>, vector<16xi32>,
    %get3A_1444 = arith.constant 1840 : index
    %get3A_1445 = tpu.vector_load %arg4[%get3A_1444] {strides = array<i32>} : memref<3200xi32, #tpu.memory_space<vmem>>, vector<16xi32>,
    %get3A_1446 = vector.shape_cast %get3A_1445 : vector<16xi32> to vector<16xi32>
    %add3A_1447 = vector.broadcast %mul3A_410 : i32 to vector<16xi32>
    %add3A_1448 = arith.addi %get3A_1446, %add3A_1447 : vector<16xi32>
    %swap3A_1449 = arith.constant 48 : index
    %swap3A_1450 = tpu.vector_load %arg5[%swap3A_1449] {strides = array<i32>} : memref<128xi32, #tpu.memory_space<vmem>>, vector<16xi32>,
    %swap3A_1451 = vector.shape_cast %swap3A_1450 : vector<16xi32> to vector<16xi32>
    %swap3A_1452 = vector.shape_cast %add3A_1448 : vector<16xi32> to vector<16xi32>
    tpu.vector_store %arg5[%swap3A_1449], %swap3A_1452 {strides = array<i32>} : memref<128xi32, #tpu.memory_space<vmem>>, vector<16xi32>,
    %get3A_1453 = arith.constant 1856 : index
    %get3A_1454 = tpu.vector_load %arg4[%get3A_1453] {strides = array<i32>} : memref<3200xi32, #tpu.memory_space<vmem>>, vector<16xi32>,
    %get3A_1455 = vector.shape_cast %get3A_1454 : vector<16xi32> to vector<16xi32>
    %add3A_1456 = vector.broadcast %mul3A_410 : i32 to vector<16xi32>
    %add3A_1457 = arith.addi %get3A_1455, %add3A_1456 : vector<16xi32>
    %swap3A_1458 = arith.constant 64 : index
    %swap3A_1459 = tpu.vector_load %arg5[%swap3A_1458] {strides = array<i32>} : memref<128xi32, #tpu.memory_space<vmem>>, vector<16xi32>,
    %swap3A_1460 = vector.shape_cast %swap3A_1459 : vector<16xi32> to vector<16xi32>
    %swap3A_1461 = vector.shape_cast %add3A_1457 : vector<16xi32> to vector<16xi32>
    tpu.vector_store %arg5[%swap3A_1458], %swap3A_1461 {strides = array<i32>} : memref<128xi32, #tpu.memory_space<vmem>>, vector<16xi32>,
    %get3A_1462 = arith.constant 1872 : index
    %get3A_1463 = tpu.vector_load %arg4[%get3A_1462] {strides = array<i32>} : memref<3200xi32, #tpu.memory_space<vmem>>, vector<16xi32>,
    %get3A_1464 = vector.shape_cast %get3A_1463 : vector<16xi32> to vector<16xi32>
    %add3A_1465 = vector.broadcast %mul3A_410 : i32 to vector<16xi32>
    %add3A_1466 = arith.addi %get3A_1464, %add3A_1465 : vector<16xi32>
    %swap3A_1467 = arith.constant 80 : index
    %swap3A_1468 = tpu.vector_load %arg5[%swap3A_1467] {strides = array<i32>} : memref<128xi32, #tpu.memory_space<vmem>>, vector<16xi32>,
    %swap3A_1469 = vector.shape_cast %swap3A_1468 : vector<16xi32> to vector<16xi32>
    %swap3A_1470 = vector.shape_cast %add3A_1466 : vector<16xi32> to vector<16xi32>
    tpu.vector_store %arg5[%swap3A_1467], %swap3A_1470 {strides = array<i32>} : memref<128xi32, #tpu.memory_space<vmem>>, vector<16xi32>,
    %get3A_1471 = arith.constant 1888 : index
    %get3A_1472 = tpu.vector_load %arg4[%get3A_1471] {strides = array<i32>} : memref<3200xi32, #tpu.memory_space<vmem>>, vector<16xi32>,
    %get3A_1473 = vector.shape_cast %get3A_1472 : vector<16xi32> to vector<16xi32>
    %add3A_1474 = vector.broadcast %mul3A_410 : i32 to vector<16xi32>
    %add3A_1475 = arith.addi %get3A_1473, %add3A_1474 : vector<16xi32>
    %swap3A_1476 = arith.constant 96 : index
    %swap3A_1477 = tpu.vector_load %arg5[%swap3A_1476] {strides = array<i32>} : memref<128xi32, #tpu.memory_space<vmem>>, vector<16xi32>,
    %swap3A_1478 = vector.shape_cast %swap3A_1477 : vector<16xi32> to vector<16xi32>
    %swap3A_1479 = vector.shape_cast %add3A_1475 : vector<16xi32> to vector<16xi32>
    tpu.vector_store %arg5[%swap3A_1476], %swap3A_1479 {strides = array<i32>} : memref<128xi32, #tpu.memory_space<vmem>>, vector<16xi32>,
    %get3A_1480 = arith.constant 1904 : index
    %get3A_1481 = tpu.vector_load %arg4[%get3A_1480] {strides = array<i32>} : memref<3200xi32, #tpu.memory_space<vmem>>, vector<16xi32>,
    %get3A_1482 = vector.shape_cast %get3A_1481 : vector<16xi32> to vector<16xi32>
    %add3A_1483 = vector.broadcast %mul3A_410 : i32 to vector<16xi32>
    %add3A_1484 = arith.addi %get3A_1482, %add3A_1483 : vector<16xi32>
    %swap3A_1485 = arith.constant 112 : index
    %swap3A_1486 = tpu.vector_load %arg5[%swap3A_1485] {strides = array<i32>} : memref<128xi32, #tpu.memory_space<vmem>>, vector<16xi32>,
    %swap3A_1487 = vector.shape_cast %swap3A_1486 : vector<16xi32> to vector<16xi32>
    %swap3A_1488 = vector.shape_cast %add3A_1484 : vector<16xi32> to vector<16xi32>
    tpu.vector_store %arg5[%swap3A_1485], %swap3A_1488 {strides = array<i32>} : memref<128xi32, #tpu.memory_space<vmem>>, vector<16xi32>,
    "tpu.region"() ({
      %run_scoped3A = tpu.sem_alloc : memref<!tpu.dma_semaphore, #tpu.memory_space<semaphore_mem>>
      %dma_start3A = arith.constant 0 : i32
      %dma_start3A_2214 = tpu.memref_slice %arg10[%dma_start3A] : memref<2304xf32, #tpu.memory_space<vmem_shared>> -> memref<2304xf32, #tpu.memory_space<vmem_shared>>
      tpu.enqueue_indirect_dma source(%arg6 : memref<128xf32, #tpu.memory_space<vmem>>) target(%dma_start3A_2214 : memref<2304xf32, #tpu.memory_space<vmem_shared>>) offsets(%arg5 : memref<128xi32, #tpu.memory_space<vmem>>) semaphore(%run_scoped3A : memref<!tpu.dma_semaphore, #tpu.memory_space<semaphore_mem>>) {add = true}
      %dma_wait3A = arith.constant 0 : i32
      %dma_wait3A_2215 = tpu.memref_slice %arg10[%dma_wait3A] : memref<2304xf32, #tpu.memory_space<vmem_shared>> -> memref<2304xf32, #tpu.memory_space<vmem_shared>>
      tpu.wait_indirect_dma semaphore(%run_scoped3A : memref<!tpu.dma_semaphore, #tpu.memory_space<semaphore_mem>>) src(%arg6 : memref<128xf32, #tpu.memory_space<vmem>>) dst(%dma_wait3A_2215 : memref<2304xf32, #tpu.memory_space<vmem_shared>>)
      tpu.yield
    }) : () -> ()
    %get3A_1489 = arith.constant 1920 : index
    %get3A_1490 = tpu.vector_load %arg4[%get3A_1489] {strides = array<i32>} : memref<3200xi32, #tpu.memory_space<vmem>>, vector<16xi32>,
    %get3A_1491 = vector.shape_cast %get3A_1490 : vector<16xi32> to vector<16xi32>
    %add3A_1492 = vector.broadcast %mul3A_410 : i32 to vector<16xi32>
    %add3A_1493 = arith.addi %get3A_1491, %add3A_1492 : vector<16xi32>
    %swap3A_1494 = arith.constant 0 : index
    %swap3A_1495 = tpu.vector_load %arg5[%swap3A_1494] {strides = array<i32>} : memref<128xi32, #tpu.memory_space<vmem>>, vector<16xi32>,
    %swap3A_1496 = vector.shape_cast %swap3A_1495 : vector<16xi32> to vector<16xi32>
    %swap3A_1497 = vector.shape_cast %add3A_1493 : vector<16xi32> to vector<16xi32>
    tpu.vector_store %arg5[%swap3A_1494], %swap3A_1497 {strides = array<i32>} : memref<128xi32, #tpu.memory_space<vmem>>, vector<16xi32>,
    %get3A_1498 = arith.constant 1936 : index
    %get3A_1499 = tpu.vector_load %arg4[%get3A_1498] {strides = array<i32>} : memref<3200xi32, #tpu.memory_space<vmem>>, vector<16xi32>,
    %get3A_1500 = vector.shape_cast %get3A_1499 : vector<16xi32> to vector<16xi32>
    %add3A_1501 = vector.broadcast %mul3A_410 : i32 to vector<16xi32>
    %add3A_1502 = arith.addi %get3A_1500, %add3A_1501 : vector<16xi32>
    %swap3A_1503 = arith.constant 16 : index
    %swap3A_1504 = tpu.vector_load %arg5[%swap3A_1503] {strides = array<i32>} : memref<128xi32, #tpu.memory_space<vmem>>, vector<16xi32>,
    %swap3A_1505 = vector.shape_cast %swap3A_1504 : vector<16xi32> to vector<16xi32>
    %swap3A_1506 = vector.shape_cast %add3A_1502 : vector<16xi32> to vector<16xi32>
    tpu.vector_store %arg5[%swap3A_1503], %swap3A_1506 {strides = array<i32>} : memref<128xi32, #tpu.memory_space<vmem>>, vector<16xi32>,
    %get3A_1507 = arith.constant 1952 : index
    %get3A_1508 = tpu.vector_load %arg4[%get3A_1507] {strides = array<i32>} : memref<3200xi32, #tpu.memory_space<vmem>>, vector<16xi32>,
    %get3A_1509 = vector.shape_cast %get3A_1508 : vector<16xi32> to vector<16xi32>
    %add3A_1510 = vector.broadcast %mul3A_410 : i32 to vector<16xi32>
    %add3A_1511 = arith.addi %get3A_1509, %add3A_1510 : vector<16xi32>
    %swap3A_1512 = arith.constant 32 : index
    %swap3A_1513 = tpu.vector_load %arg5[%swap3A_1512] {strides = array<i32>} : memref<128xi32, #tpu.memory_space<vmem>>, vector<16xi32>,
    %swap3A_1514 = vector.shape_cast %swap3A_1513 : vector<16xi32> to vector<16xi32>
    %swap3A_1515 = vector.shape_cast %add3A_1511 : vector<16xi32> to vector<16xi32>
    tpu.vector_store %arg5[%swap3A_1512], %swap3A_1515 {strides = array<i32>} : memref<128xi32, #tpu.memory_space<vmem>>, vector<16xi32>,
    %get3A_1516 = arith.constant 1968 : index
    %get3A_1517 = tpu.vector_load %arg4[%get3A_1516] {strides = array<i32>} : memref<3200xi32, #tpu.memory_space<vmem>>, vector<16xi32>,
    %get3A_1518 = vector.shape_cast %get3A_1517 : vector<16xi32> to vector<16xi32>
    %add3A_1519 = vector.broadcast %mul3A_410 : i32 to vector<16xi32>
    %add3A_1520 = arith.addi %get3A_1518, %add3A_1519 : vector<16xi32>
    %swap3A_1521 = arith.constant 48 : index
    %swap3A_1522 = tpu.vector_load %arg5[%swap3A_1521] {strides = array<i32>} : memref<128xi32, #tpu.memory_space<vmem>>, vector<16xi32>,
    %swap3A_1523 = vector.shape_cast %swap3A_1522 : vector<16xi32> to vector<16xi32>
    %swap3A_1524 = vector.shape_cast %add3A_1520 : vector<16xi32> to vector<16xi32>
    tpu.vector_store %arg5[%swap3A_1521], %swap3A_1524 {strides = array<i32>} : memref<128xi32, #tpu.memory_space<vmem>>, vector<16xi32>,
    %get3A_1525 = arith.constant 1984 : index
    %get3A_1526 = tpu.vector_load %arg4[%get3A_1525] {strides = array<i32>} : memref<3200xi32, #tpu.memory_space<vmem>>, vector<16xi32>,
    %get3A_1527 = vector.shape_cast %get3A_1526 : vector<16xi32> to vector<16xi32>
    %add3A_1528 = vector.broadcast %mul3A_410 : i32 to vector<16xi32>
    %add3A_1529 = arith.addi %get3A_1527, %add3A_1528 : vector<16xi32>
    %swap3A_1530 = arith.constant 64 : index
    %swap3A_1531 = tpu.vector_load %arg5[%swap3A_1530] {strides = array<i32>} : memref<128xi32, #tpu.memory_space<vmem>>, vector<16xi32>,
    %swap3A_1532 = vector.shape_cast %swap3A_1531 : vector<16xi32> to vector<16xi32>
    %swap3A_1533 = vector.shape_cast %add3A_1529 : vector<16xi32> to vector<16xi32>
    tpu.vector_store %arg5[%swap3A_1530], %swap3A_1533 {strides = array<i32>} : memref<128xi32, #tpu.memory_space<vmem>>, vector<16xi32>,
    %get3A_1534 = arith.constant 2000 : index
    %get3A_1535 = tpu.vector_load %arg4[%get3A_1534] {strides = array<i32>} : memref<3200xi32, #tpu.memory_space<vmem>>, vector<16xi32>,
    %get3A_1536 = vector.shape_cast %get3A_1535 : vector<16xi32> to vector<16xi32>
    %add3A_1537 = vector.broadcast %mul3A_410 : i32 to vector<16xi32>
    %add3A_1538 = arith.addi %get3A_1536, %add3A_1537 : vector<16xi32>
    %swap3A_1539 = arith.constant 80 : index
    %swap3A_1540 = tpu.vector_load %arg5[%swap3A_1539] {strides = array<i32>} : memref<128xi32, #tpu.memory_space<vmem>>, vector<16xi32>,
    %swap3A_1541 = vector.shape_cast %swap3A_1540 : vector<16xi32> to vector<16xi32>
    %swap3A_1542 = vector.shape_cast %add3A_1538 : vector<16xi32> to vector<16xi32>
    tpu.vector_store %arg5[%swap3A_1539], %swap3A_1542 {strides = array<i32>} : memref<128xi32, #tpu.memory_space<vmem>>, vector<16xi32>,
    %get3A_1543 = arith.constant 2016 : index
    %get3A_1544 = tpu.vector_load %arg4[%get3A_1543] {strides = array<i32>} : memref<3200xi32, #tpu.memory_space<vmem>>, vector<16xi32>,
    %get3A_1545 = vector.shape_cast %get3A_1544 : vector<16xi32> to vector<16xi32>
    %add3A_1546 = vector.broadcast %mul3A_410 : i32 to vector<16xi32>
    %add3A_1547 = arith.addi %get3A_1545, %add3A_1546 : vector<16xi32>
    %swap3A_1548 = arith.constant 96 : index
    %swap3A_1549 = tpu.vector_load %arg5[%swap3A_1548] {strides = array<i32>} : memref<128xi32, #tpu.memory_space<vmem>>, vector<16xi32>,
    %swap3A_1550 = vector.shape_cast %swap3A_1549 : vector<16xi32> to vector<16xi32>
    %swap3A_1551 = vector.shape_cast %add3A_1547 : vector<16xi32> to vector<16xi32>
    tpu.vector_store %arg5[%swap3A_1548], %swap3A_1551 {strides = array<i32>} : memref<128xi32, #tpu.memory_space<vmem>>, vector<16xi32>,
    %get3A_1552 = arith.constant 2032 : index
    %get3A_1553 = tpu.vector_load %arg4[%get3A_1552] {strides = array<i32>} : memref<3200xi32, #tpu.memory_space<vmem>>, vector<16xi32>,
    %get3A_1554 = vector.shape_cast %get3A_1553 : vector<16xi32> to vector<16xi32>
    %add3A_1555 = vector.broadcast %mul3A_410 : i32 to vector<16xi32>
    %add3A_1556 = arith.addi %get3A_1554, %add3A_1555 : vector<16xi32>
    %swap3A_1557 = arith.constant 112 : index
    %swap3A_1558 = tpu.vector_load %arg5[%swap3A_1557] {strides = array<i32>} : memref<128xi32, #tpu.memory_space<vmem>>, vector<16xi32>,
    %swap3A_1559 = vector.shape_cast %swap3A_1558 : vector<16xi32> to vector<16xi32>
    %swap3A_1560 = vector.shape_cast %add3A_1556 : vector<16xi32> to vector<16xi32>
    tpu.vector_store %arg5[%swap3A_1557], %swap3A_1560 {strides = array<i32>} : memref<128xi32, #tpu.memory_space<vmem>>, vector<16xi32>,
    "tpu.region"() ({
      %run_scoped3A = tpu.sem_alloc : memref<!tpu.dma_semaphore, #tpu.memory_space<semaphore_mem>>
      %dma_start3A = arith.constant 0 : i32
      %dma_start3A_2214 = tpu.memref_slice %arg10[%dma_start3A] : memref<2304xf32, #tpu.memory_space<vmem_shared>> -> memref<2304xf32, #tpu.memory_space<vmem_shared>>
      tpu.enqueue_indirect_dma source(%arg6 : memref<128xf32, #tpu.memory_space<vmem>>) target(%dma_start3A_2214 : memref<2304xf32, #tpu.memory_space<vmem_shared>>) offsets(%arg5 : memref<128xi32, #tpu.memory_space<vmem>>) semaphore(%run_scoped3A : memref<!tpu.dma_semaphore, #tpu.memory_space<semaphore_mem>>) {add = true}
      %dma_wait3A = arith.constant 0 : i32
      %dma_wait3A_2215 = tpu.memref_slice %arg10[%dma_wait3A] : memref<2304xf32, #tpu.memory_space<vmem_shared>> -> memref<2304xf32, #tpu.memory_space<vmem_shared>>
      tpu.wait_indirect_dma semaphore(%run_scoped3A : memref<!tpu.dma_semaphore, #tpu.memory_space<semaphore_mem>>) src(%arg6 : memref<128xf32, #tpu.memory_space<vmem>>) dst(%dma_wait3A_2215 : memref<2304xf32, #tpu.memory_space<vmem_shared>>)
      tpu.yield
    }) : () -> ()
    %get3A_1561 = arith.constant 2048 : index
    %get3A_1562 = tpu.vector_load %arg4[%get3A_1561] {strides = array<i32>} : memref<3200xi32, #tpu.memory_space<vmem>>, vector<16xi32>,
    %get3A_1563 = vector.shape_cast %get3A_1562 : vector<16xi32> to vector<16xi32>
    %add3A_1564 = vector.broadcast %mul3A_410 : i32 to vector<16xi32>
    %add3A_1565 = arith.addi %get3A_1563, %add3A_1564 : vector<16xi32>
    %swap3A_1566 = arith.constant 0 : index
    %swap3A_1567 = tpu.vector_load %arg5[%swap3A_1566] {strides = array<i32>} : memref<128xi32, #tpu.memory_space<vmem>>, vector<16xi32>,
    %swap3A_1568 = vector.shape_cast %swap3A_1567 : vector<16xi32> to vector<16xi32>
    %swap3A_1569 = vector.shape_cast %add3A_1565 : vector<16xi32> to vector<16xi32>
    tpu.vector_store %arg5[%swap3A_1566], %swap3A_1569 {strides = array<i32>} : memref<128xi32, #tpu.memory_space<vmem>>, vector<16xi32>,
    %get3A_1570 = arith.constant 2064 : index
    %get3A_1571 = tpu.vector_load %arg4[%get3A_1570] {strides = array<i32>} : memref<3200xi32, #tpu.memory_space<vmem>>, vector<16xi32>,
    %get3A_1572 = vector.shape_cast %get3A_1571 : vector<16xi32> to vector<16xi32>
    %add3A_1573 = vector.broadcast %mul3A_410 : i32 to vector<16xi32>
    %add3A_1574 = arith.addi %get3A_1572, %add3A_1573 : vector<16xi32>
    %swap3A_1575 = arith.constant 16 : index
    %swap3A_1576 = tpu.vector_load %arg5[%swap3A_1575] {strides = array<i32>} : memref<128xi32, #tpu.memory_space<vmem>>, vector<16xi32>,
    %swap3A_1577 = vector.shape_cast %swap3A_1576 : vector<16xi32> to vector<16xi32>
    %swap3A_1578 = vector.shape_cast %add3A_1574 : vector<16xi32> to vector<16xi32>
    tpu.vector_store %arg5[%swap3A_1575], %swap3A_1578 {strides = array<i32>} : memref<128xi32, #tpu.memory_space<vmem>>, vector<16xi32>,
    %get3A_1579 = arith.constant 2080 : index
    %get3A_1580 = tpu.vector_load %arg4[%get3A_1579] {strides = array<i32>} : memref<3200xi32, #tpu.memory_space<vmem>>, vector<16xi32>,
    %get3A_1581 = vector.shape_cast %get3A_1580 : vector<16xi32> to vector<16xi32>
    %add3A_1582 = vector.broadcast %mul3A_410 : i32 to vector<16xi32>
    %add3A_1583 = arith.addi %get3A_1581, %add3A_1582 : vector<16xi32>
    %swap3A_1584 = arith.constant 32 : index
    %swap3A_1585 = tpu.vector_load %arg5[%swap3A_1584] {strides = array<i32>} : memref<128xi32, #tpu.memory_space<vmem>>, vector<16xi32>,
    %swap3A_1586 = vector.shape_cast %swap3A_1585 : vector<16xi32> to vector<16xi32>
    %swap3A_1587 = vector.shape_cast %add3A_1583 : vector<16xi32> to vector<16xi32>
    tpu.vector_store %arg5[%swap3A_1584], %swap3A_1587 {strides = array<i32>} : memref<128xi32, #tpu.memory_space<vmem>>, vector<16xi32>,
    %get3A_1588 = arith.constant 2096 : index
    %get3A_1589 = tpu.vector_load %arg4[%get3A_1588] {strides = array<i32>} : memref<3200xi32, #tpu.memory_space<vmem>>, vector<16xi32>,
    %get3A_1590 = vector.shape_cast %get3A_1589 : vector<16xi32> to vector<16xi32>
    %add3A_1591 = vector.broadcast %mul3A_410 : i32 to vector<16xi32>
    %add3A_1592 = arith.addi %get3A_1590, %add3A_1591 : vector<16xi32>
    %swap3A_1593 = arith.constant 48 : index
    %swap3A_1594 = tpu.vector_load %arg5[%swap3A_1593] {strides = array<i32>} : memref<128xi32, #tpu.memory_space<vmem>>, vector<16xi32>,
    %swap3A_1595 = vector.shape_cast %swap3A_1594 : vector<16xi32> to vector<16xi32>
    %swap3A_1596 = vector.shape_cast %add3A_1592 : vector<16xi32> to vector<16xi32>
    tpu.vector_store %arg5[%swap3A_1593], %swap3A_1596 {strides = array<i32>} : memref<128xi32, #tpu.memory_space<vmem>>, vector<16xi32>,
    %get3A_1597 = arith.constant 2112 : index
    %get3A_1598 = tpu.vector_load %arg4[%get3A_1597] {strides = array<i32>} : memref<3200xi32, #tpu.memory_space<vmem>>, vector<16xi32>,
    %get3A_1599 = vector.shape_cast %get3A_1598 : vector<16xi32> to vector<16xi32>
    %add3A_1600 = vector.broadcast %mul3A_410 : i32 to vector<16xi32>
    %add3A_1601 = arith.addi %get3A_1599, %add3A_1600 : vector<16xi32>
    %swap3A_1602 = arith.constant 64 : index
    %swap3A_1603 = tpu.vector_load %arg5[%swap3A_1602] {strides = array<i32>} : memref<128xi32, #tpu.memory_space<vmem>>, vector<16xi32>,
    %swap3A_1604 = vector.shape_cast %swap3A_1603 : vector<16xi32> to vector<16xi32>
    %swap3A_1605 = vector.shape_cast %add3A_1601 : vector<16xi32> to vector<16xi32>
    tpu.vector_store %arg5[%swap3A_1602], %swap3A_1605 {strides = array<i32>} : memref<128xi32, #tpu.memory_space<vmem>>, vector<16xi32>,
    %get3A_1606 = arith.constant 2128 : index
    %get3A_1607 = tpu.vector_load %arg4[%get3A_1606] {strides = array<i32>} : memref<3200xi32, #tpu.memory_space<vmem>>, vector<16xi32>,
    %get3A_1608 = vector.shape_cast %get3A_1607 : vector<16xi32> to vector<16xi32>
    %add3A_1609 = vector.broadcast %mul3A_410 : i32 to vector<16xi32>
    %add3A_1610 = arith.addi %get3A_1608, %add3A_1609 : vector<16xi32>
    %swap3A_1611 = arith.constant 80 : index
    %swap3A_1612 = tpu.vector_load %arg5[%swap3A_1611] {strides = array<i32>} : memref<128xi32, #tpu.memory_space<vmem>>, vector<16xi32>,
    %swap3A_1613 = vector.shape_cast %swap3A_1612 : vector<16xi32> to vector<16xi32>
    %swap3A_1614 = vector.shape_cast %add3A_1610 : vector<16xi32> to vector<16xi32>
    tpu.vector_store %arg5[%swap3A_1611], %swap3A_1614 {strides = array<i32>} : memref<128xi32, #tpu.memory_space<vmem>>, vector<16xi32>,
    %get3A_1615 = arith.constant 2144 : index
    %get3A_1616 = tpu.vector_load %arg4[%get3A_1615] {strides = array<i32>} : memref<3200xi32, #tpu.memory_space<vmem>>, vector<16xi32>,
    %get3A_1617 = vector.shape_cast %get3A_1616 : vector<16xi32> to vector<16xi32>
    %add3A_1618 = vector.broadcast %mul3A_410 : i32 to vector<16xi32>
    %add3A_1619 = arith.addi %get3A_1617, %add3A_1618 : vector<16xi32>
    %swap3A_1620 = arith.constant 96 : index
    %swap3A_1621 = tpu.vector_load %arg5[%swap3A_1620] {strides = array<i32>} : memref<128xi32, #tpu.memory_space<vmem>>, vector<16xi32>,
    %swap3A_1622 = vector.shape_cast %swap3A_1621 : vector<16xi32> to vector<16xi32>
    %swap3A_1623 = vector.shape_cast %add3A_1619 : vector<16xi32> to vector<16xi32>
    tpu.vector_store %arg5[%swap3A_1620], %swap3A_1623 {strides = array<i32>} : memref<128xi32, #tpu.memory_space<vmem>>, vector<16xi32>,
    %get3A_1624 = arith.constant 2160 : index
    %get3A_1625 = tpu.vector_load %arg4[%get3A_1624] {strides = array<i32>} : memref<3200xi32, #tpu.memory_space<vmem>>, vector<16xi32>,
    %get3A_1626 = vector.shape_cast %get3A_1625 : vector<16xi32> to vector<16xi32>
    %add3A_1627 = vector.broadcast %mul3A_410 : i32 to vector<16xi32>
    %add3A_1628 = arith.addi %get3A_1626, %add3A_1627 : vector<16xi32>
    %swap3A_1629 = arith.constant 112 : index
    %swap3A_1630 = tpu.vector_load %arg5[%swap3A_1629] {strides = array<i32>} : memref<128xi32, #tpu.memory_space<vmem>>, vector<16xi32>,
    %swap3A_1631 = vector.shape_cast %swap3A_1630 : vector<16xi32> to vector<16xi32>
    %swap3A_1632 = vector.shape_cast %add3A_1628 : vector<16xi32> to vector<16xi32>
    tpu.vector_store %arg5[%swap3A_1629], %swap3A_1632 {strides = array<i32>} : memref<128xi32, #tpu.memory_space<vmem>>, vector<16xi32>,
    "tpu.region"() ({
      %run_scoped3A = tpu.sem_alloc : memref<!tpu.dma_semaphore, #tpu.memory_space<semaphore_mem>>
      %dma_start3A = arith.constant 0 : i32
      %dma_start3A_2214 = tpu.memref_slice %arg10[%dma_start3A] : memref<2304xf32, #tpu.memory_space<vmem_shared>> -> memref<2304xf32, #tpu.memory_space<vmem_shared>>
      tpu.enqueue_indirect_dma source(%arg6 : memref<128xf32, #tpu.memory_space<vmem>>) target(%dma_start3A_2214 : memref<2304xf32, #tpu.memory_space<vmem_shared>>) offsets(%arg5 : memref<128xi32, #tpu.memory_space<vmem>>) semaphore(%run_scoped3A : memref<!tpu.dma_semaphore, #tpu.memory_space<semaphore_mem>>) {add = true}
      %dma_wait3A = arith.constant 0 : i32
      %dma_wait3A_2215 = tpu.memref_slice %arg10[%dma_wait3A] : memref<2304xf32, #tpu.memory_space<vmem_shared>> -> memref<2304xf32, #tpu.memory_space<vmem_shared>>
      tpu.wait_indirect_dma semaphore(%run_scoped3A : memref<!tpu.dma_semaphore, #tpu.memory_space<semaphore_mem>>) src(%arg6 : memref<128xf32, #tpu.memory_space<vmem>>) dst(%dma_wait3A_2215 : memref<2304xf32, #tpu.memory_space<vmem_shared>>)
      tpu.yield
    }) : () -> ()
    %get3A_1633 = arith.constant 2176 : index
    %get3A_1634 = tpu.vector_load %arg4[%get3A_1633] {strides = array<i32>} : memref<3200xi32, #tpu.memory_space<vmem>>, vector<16xi32>,
    %get3A_1635 = vector.shape_cast %get3A_1634 : vector<16xi32> to vector<16xi32>
    %add3A_1636 = vector.broadcast %mul3A_410 : i32 to vector<16xi32>
    %add3A_1637 = arith.addi %get3A_1635, %add3A_1636 : vector<16xi32>
    %swap3A_1638 = arith.constant 0 : index
    %swap3A_1639 = tpu.vector_load %arg5[%swap3A_1638] {strides = array<i32>} : memref<128xi32, #tpu.memory_space<vmem>>, vector<16xi32>,
    %swap3A_1640 = vector.shape_cast %swap3A_1639 : vector<16xi32> to vector<16xi32>
    %swap3A_1641 = vector.shape_cast %add3A_1637 : vector<16xi32> to vector<16xi32>
    tpu.vector_store %arg5[%swap3A_1638], %swap3A_1641 {strides = array<i32>} : memref<128xi32, #tpu.memory_space<vmem>>, vector<16xi32>,
    %get3A_1642 = arith.constant 2192 : index
    %get3A_1643 = tpu.vector_load %arg4[%get3A_1642] {strides = array<i32>} : memref<3200xi32, #tpu.memory_space<vmem>>, vector<16xi32>,
    %get3A_1644 = vector.shape_cast %get3A_1643 : vector<16xi32> to vector<16xi32>
    %add3A_1645 = vector.broadcast %mul3A_410 : i32 to vector<16xi32>
    %add3A_1646 = arith.addi %get3A_1644, %add3A_1645 : vector<16xi32>
    %swap3A_1647 = arith.constant 16 : index
    %swap3A_1648 = tpu.vector_load %arg5[%swap3A_1647] {strides = array<i32>} : memref<128xi32, #tpu.memory_space<vmem>>, vector<16xi32>,
    %swap3A_1649 = vector.shape_cast %swap3A_1648 : vector<16xi32> to vector<16xi32>
    %swap3A_1650 = vector.shape_cast %add3A_1646 : vector<16xi32> to vector<16xi32>
    tpu.vector_store %arg5[%swap3A_1647], %swap3A_1650 {strides = array<i32>} : memref<128xi32, #tpu.memory_space<vmem>>, vector<16xi32>,
    %get3A_1651 = arith.constant 2208 : index
    %get3A_1652 = tpu.vector_load %arg4[%get3A_1651] {strides = array<i32>} : memref<3200xi32, #tpu.memory_space<vmem>>, vector<16xi32>,
    %get3A_1653 = vector.shape_cast %get3A_1652 : vector<16xi32> to vector<16xi32>
    %add3A_1654 = vector.broadcast %mul3A_410 : i32 to vector<16xi32>
    %add3A_1655 = arith.addi %get3A_1653, %add3A_1654 : vector<16xi32>
    %swap3A_1656 = arith.constant 32 : index
    %swap3A_1657 = tpu.vector_load %arg5[%swap3A_1656] {strides = array<i32>} : memref<128xi32, #tpu.memory_space<vmem>>, vector<16xi32>,
    %swap3A_1658 = vector.shape_cast %swap3A_1657 : vector<16xi32> to vector<16xi32>
    %swap3A_1659 = vector.shape_cast %add3A_1655 : vector<16xi32> to vector<16xi32>
    tpu.vector_store %arg5[%swap3A_1656], %swap3A_1659 {strides = array<i32>} : memref<128xi32, #tpu.memory_space<vmem>>, vector<16xi32>,
    %get3A_1660 = arith.constant 2224 : index
    %get3A_1661 = tpu.vector_load %arg4[%get3A_1660] {strides = array<i32>} : memref<3200xi32, #tpu.memory_space<vmem>>, vector<16xi32>,
    %get3A_1662 = vector.shape_cast %get3A_1661 : vector<16xi32> to vector<16xi32>
    %add3A_1663 = vector.broadcast %mul3A_410 : i32 to vector<16xi32>
    %add3A_1664 = arith.addi %get3A_1662, %add3A_1663 : vector<16xi32>
    %swap3A_1665 = arith.constant 48 : index
    %swap3A_1666 = tpu.vector_load %arg5[%swap3A_1665] {strides = array<i32>} : memref<128xi32, #tpu.memory_space<vmem>>, vector<16xi32>,
    %swap3A_1667 = vector.shape_cast %swap3A_1666 : vector<16xi32> to vector<16xi32>
    %swap3A_1668 = vector.shape_cast %add3A_1664 : vector<16xi32> to vector<16xi32>
    tpu.vector_store %arg5[%swap3A_1665], %swap3A_1668 {strides = array<i32>} : memref<128xi32, #tpu.memory_space<vmem>>, vector<16xi32>,
    %get3A_1669 = arith.constant 2240 : index
    %get3A_1670 = tpu.vector_load %arg4[%get3A_1669] {strides = array<i32>} : memref<3200xi32, #tpu.memory_space<vmem>>, vector<16xi32>,
    %get3A_1671 = vector.shape_cast %get3A_1670 : vector<16xi32> to vector<16xi32>
    %add3A_1672 = vector.broadcast %mul3A_410 : i32 to vector<16xi32>
    %add3A_1673 = arith.addi %get3A_1671, %add3A_1672 : vector<16xi32>
    %swap3A_1674 = arith.constant 64 : index
    %swap3A_1675 = tpu.vector_load %arg5[%swap3A_1674] {strides = array<i32>} : memref<128xi32, #tpu.memory_space<vmem>>, vector<16xi32>,
    %swap3A_1676 = vector.shape_cast %swap3A_1675 : vector<16xi32> to vector<16xi32>
    %swap3A_1677 = vector.shape_cast %add3A_1673 : vector<16xi32> to vector<16xi32>
    tpu.vector_store %arg5[%swap3A_1674], %swap3A_1677 {strides = array<i32>} : memref<128xi32, #tpu.memory_space<vmem>>, vector<16xi32>,
    %get3A_1678 = arith.constant 2256 : index
    %get3A_1679 = tpu.vector_load %arg4[%get3A_1678] {strides = array<i32>} : memref<3200xi32, #tpu.memory_space<vmem>>, vector<16xi32>,
    %get3A_1680 = vector.shape_cast %get3A_1679 : vector<16xi32> to vector<16xi32>
    %add3A_1681 = vector.broadcast %mul3A_410 : i32 to vector<16xi32>
    %add3A_1682 = arith.addi %get3A_1680, %add3A_1681 : vector<16xi32>
    %swap3A_1683 = arith.constant 80 : index
    %swap3A_1684 = tpu.vector_load %arg5[%swap3A_1683] {strides = array<i32>} : memref<128xi32, #tpu.memory_space<vmem>>, vector<16xi32>,
    %swap3A_1685 = vector.shape_cast %swap3A_1684 : vector<16xi32> to vector<16xi32>
    %swap3A_1686 = vector.shape_cast %add3A_1682 : vector<16xi32> to vector<16xi32>
    tpu.vector_store %arg5[%swap3A_1683], %swap3A_1686 {strides = array<i32>} : memref<128xi32, #tpu.memory_space<vmem>>, vector<16xi32>,
    %get3A_1687 = arith.constant 2272 : index
    %get3A_1688 = tpu.vector_load %arg4[%get3A_1687] {strides = array<i32>} : memref<3200xi32, #tpu.memory_space<vmem>>, vector<16xi32>,
    %get3A_1689 = vector.shape_cast %get3A_1688 : vector<16xi32> to vector<16xi32>
    %add3A_1690 = vector.broadcast %mul3A_410 : i32 to vector<16xi32>
    %add3A_1691 = arith.addi %get3A_1689, %add3A_1690 : vector<16xi32>
    %swap3A_1692 = arith.constant 96 : index
    %swap3A_1693 = tpu.vector_load %arg5[%swap3A_1692] {strides = array<i32>} : memref<128xi32, #tpu.memory_space<vmem>>, vector<16xi32>,
    %swap3A_1694 = vector.shape_cast %swap3A_1693 : vector<16xi32> to vector<16xi32>
    %swap3A_1695 = vector.shape_cast %add3A_1691 : vector<16xi32> to vector<16xi32>
    tpu.vector_store %arg5[%swap3A_1692], %swap3A_1695 {strides = array<i32>} : memref<128xi32, #tpu.memory_space<vmem>>, vector<16xi32>,
    %get3A_1696 = arith.constant 2288 : index
    %get3A_1697 = tpu.vector_load %arg4[%get3A_1696] {strides = array<i32>} : memref<3200xi32, #tpu.memory_space<vmem>>, vector<16xi32>,
    %get3A_1698 = vector.shape_cast %get3A_1697 : vector<16xi32> to vector<16xi32>
    %add3A_1699 = vector.broadcast %mul3A_410 : i32 to vector<16xi32>
    %add3A_1700 = arith.addi %get3A_1698, %add3A_1699 : vector<16xi32>
    %swap3A_1701 = arith.constant 112 : index
    %swap3A_1702 = tpu.vector_load %arg5[%swap3A_1701] {strides = array<i32>} : memref<128xi32, #tpu.memory_space<vmem>>, vector<16xi32>,
    %swap3A_1703 = vector.shape_cast %swap3A_1702 : vector<16xi32> to vector<16xi32>
    %swap3A_1704 = vector.shape_cast %add3A_1700 : vector<16xi32> to vector<16xi32>
    tpu.vector_store %arg5[%swap3A_1701], %swap3A_1704 {strides = array<i32>} : memref<128xi32, #tpu.memory_space<vmem>>, vector<16xi32>,
    "tpu.region"() ({
      %run_scoped3A = tpu.sem_alloc : memref<!tpu.dma_semaphore, #tpu.memory_space<semaphore_mem>>
      %dma_start3A = arith.constant 0 : i32
      %dma_start3A_2214 = tpu.memref_slice %arg10[%dma_start3A] : memref<2304xf32, #tpu.memory_space<vmem_shared>> -> memref<2304xf32, #tpu.memory_space<vmem_shared>>
      tpu.enqueue_indirect_dma source(%arg6 : memref<128xf32, #tpu.memory_space<vmem>>) target(%dma_start3A_2214 : memref<2304xf32, #tpu.memory_space<vmem_shared>>) offsets(%arg5 : memref<128xi32, #tpu.memory_space<vmem>>) semaphore(%run_scoped3A : memref<!tpu.dma_semaphore, #tpu.memory_space<semaphore_mem>>) {add = true}
      %dma_wait3A = arith.constant 0 : i32
      %dma_wait3A_2215 = tpu.memref_slice %arg10[%dma_wait3A] : memref<2304xf32, #tpu.memory_space<vmem_shared>> -> memref<2304xf32, #tpu.memory_space<vmem_shared>>
      tpu.wait_indirect_dma semaphore(%run_scoped3A : memref<!tpu.dma_semaphore, #tpu.memory_space<semaphore_mem>>) src(%arg6 : memref<128xf32, #tpu.memory_space<vmem>>) dst(%dma_wait3A_2215 : memref<2304xf32, #tpu.memory_space<vmem_shared>>)
      tpu.yield
    }) : () -> ()
    %get3A_1705 = arith.constant 2304 : index
    %get3A_1706 = tpu.vector_load %arg4[%get3A_1705] {strides = array<i32>} : memref<3200xi32, #tpu.memory_space<vmem>>, vector<16xi32>,
    %get3A_1707 = vector.shape_cast %get3A_1706 : vector<16xi32> to vector<16xi32>
    %add3A_1708 = vector.broadcast %mul3A_410 : i32 to vector<16xi32>
    %add3A_1709 = arith.addi %get3A_1707, %add3A_1708 : vector<16xi32>
    %swap3A_1710 = arith.constant 0 : index
    %swap3A_1711 = tpu.vector_load %arg5[%swap3A_1710] {strides = array<i32>} : memref<128xi32, #tpu.memory_space<vmem>>, vector<16xi32>,
    %swap3A_1712 = vector.shape_cast %swap3A_1711 : vector<16xi32> to vector<16xi32>
    %swap3A_1713 = vector.shape_cast %add3A_1709 : vector<16xi32> to vector<16xi32>
    tpu.vector_store %arg5[%swap3A_1710], %swap3A_1713 {strides = array<i32>} : memref<128xi32, #tpu.memory_space<vmem>>, vector<16xi32>,
    %get3A_1714 = arith.constant 2320 : index
    %get3A_1715 = tpu.vector_load %arg4[%get3A_1714] {strides = array<i32>} : memref<3200xi32, #tpu.memory_space<vmem>>, vector<16xi32>,
    %get3A_1716 = vector.shape_cast %get3A_1715 : vector<16xi32> to vector<16xi32>
    %add3A_1717 = vector.broadcast %mul3A_410 : i32 to vector<16xi32>
    %add3A_1718 = arith.addi %get3A_1716, %add3A_1717 : vector<16xi32>
    %swap3A_1719 = arith.constant 16 : index
    %swap3A_1720 = tpu.vector_load %arg5[%swap3A_1719] {strides = array<i32>} : memref<128xi32, #tpu.memory_space<vmem>>, vector<16xi32>,
    %swap3A_1721 = vector.shape_cast %swap3A_1720 : vector<16xi32> to vector<16xi32>
    %swap3A_1722 = vector.shape_cast %add3A_1718 : vector<16xi32> to vector<16xi32>
    tpu.vector_store %arg5[%swap3A_1719], %swap3A_1722 {strides = array<i32>} : memref<128xi32, #tpu.memory_space<vmem>>, vector<16xi32>,
    %get3A_1723 = arith.constant 2336 : index
    %get3A_1724 = tpu.vector_load %arg4[%get3A_1723] {strides = array<i32>} : memref<3200xi32, #tpu.memory_space<vmem>>, vector<16xi32>,
    %get3A_1725 = vector.shape_cast %get3A_1724 : vector<16xi32> to vector<16xi32>
    %add3A_1726 = vector.broadcast %mul3A_410 : i32 to vector<16xi32>
    %add3A_1727 = arith.addi %get3A_1725, %add3A_1726 : vector<16xi32>
    %swap3A_1728 = arith.constant 32 : index
    %swap3A_1729 = tpu.vector_load %arg5[%swap3A_1728] {strides = array<i32>} : memref<128xi32, #tpu.memory_space<vmem>>, vector<16xi32>,
    %swap3A_1730 = vector.shape_cast %swap3A_1729 : vector<16xi32> to vector<16xi32>
    %swap3A_1731 = vector.shape_cast %add3A_1727 : vector<16xi32> to vector<16xi32>
    tpu.vector_store %arg5[%swap3A_1728], %swap3A_1731 {strides = array<i32>} : memref<128xi32, #tpu.memory_space<vmem>>, vector<16xi32>,
    %get3A_1732 = arith.constant 2352 : index
    %get3A_1733 = tpu.vector_load %arg4[%get3A_1732] {strides = array<i32>} : memref<3200xi32, #tpu.memory_space<vmem>>, vector<16xi32>,
    %get3A_1734 = vector.shape_cast %get3A_1733 : vector<16xi32> to vector<16xi32>
    %add3A_1735 = vector.broadcast %mul3A_410 : i32 to vector<16xi32>
    %add3A_1736 = arith.addi %get3A_1734, %add3A_1735 : vector<16xi32>
    %swap3A_1737 = arith.constant 48 : index
    %swap3A_1738 = tpu.vector_load %arg5[%swap3A_1737] {strides = array<i32>} : memref<128xi32, #tpu.memory_space<vmem>>, vector<16xi32>,
    %swap3A_1739 = vector.shape_cast %swap3A_1738 : vector<16xi32> to vector<16xi32>
    %swap3A_1740 = vector.shape_cast %add3A_1736 : vector<16xi32> to vector<16xi32>
    tpu.vector_store %arg5[%swap3A_1737], %swap3A_1740 {strides = array<i32>} : memref<128xi32, #tpu.memory_space<vmem>>, vector<16xi32>,
    %get3A_1741 = arith.constant 2368 : index
    %get3A_1742 = tpu.vector_load %arg4[%get3A_1741] {strides = array<i32>} : memref<3200xi32, #tpu.memory_space<vmem>>, vector<16xi32>,
    %get3A_1743 = vector.shape_cast %get3A_1742 : vector<16xi32> to vector<16xi32>
    %add3A_1744 = vector.broadcast %mul3A_410 : i32 to vector<16xi32>
    %add3A_1745 = arith.addi %get3A_1743, %add3A_1744 : vector<16xi32>
    %swap3A_1746 = arith.constant 64 : index
    %swap3A_1747 = tpu.vector_load %arg5[%swap3A_1746] {strides = array<i32>} : memref<128xi32, #tpu.memory_space<vmem>>, vector<16xi32>,
    %swap3A_1748 = vector.shape_cast %swap3A_1747 : vector<16xi32> to vector<16xi32>
    %swap3A_1749 = vector.shape_cast %add3A_1745 : vector<16xi32> to vector<16xi32>
    tpu.vector_store %arg5[%swap3A_1746], %swap3A_1749 {strides = array<i32>} : memref<128xi32, #tpu.memory_space<vmem>>, vector<16xi32>,
    %get3A_1750 = arith.constant 2384 : index
    %get3A_1751 = tpu.vector_load %arg4[%get3A_1750] {strides = array<i32>} : memref<3200xi32, #tpu.memory_space<vmem>>, vector<16xi32>,
    %get3A_1752 = vector.shape_cast %get3A_1751 : vector<16xi32> to vector<16xi32>
    %add3A_1753 = vector.broadcast %mul3A_410 : i32 to vector<16xi32>
    %add3A_1754 = arith.addi %get3A_1752, %add3A_1753 : vector<16xi32>
    %swap3A_1755 = arith.constant 80 : index
    %swap3A_1756 = tpu.vector_load %arg5[%swap3A_1755] {strides = array<i32>} : memref<128xi32, #tpu.memory_space<vmem>>, vector<16xi32>,
    %swap3A_1757 = vector.shape_cast %swap3A_1756 : vector<16xi32> to vector<16xi32>
    %swap3A_1758 = vector.shape_cast %add3A_1754 : vector<16xi32> to vector<16xi32>
    tpu.vector_store %arg5[%swap3A_1755], %swap3A_1758 {strides = array<i32>} : memref<128xi32, #tpu.memory_space<vmem>>, vector<16xi32>,
    %get3A_1759 = arith.constant 2400 : index
    %get3A_1760 = tpu.vector_load %arg4[%get3A_1759] {strides = array<i32>} : memref<3200xi32, #tpu.memory_space<vmem>>, vector<16xi32>,
    %get3A_1761 = vector.shape_cast %get3A_1760 : vector<16xi32> to vector<16xi32>
    %add3A_1762 = vector.broadcast %mul3A_410 : i32 to vector<16xi32>
    %add3A_1763 = arith.addi %get3A_1761, %add3A_1762 : vector<16xi32>
    %swap3A_1764 = arith.constant 96 : index
    %swap3A_1765 = tpu.vector_load %arg5[%swap3A_1764] {strides = array<i32>} : memref<128xi32, #tpu.memory_space<vmem>>, vector<16xi32>,
    %swap3A_1766 = vector.shape_cast %swap3A_1765 : vector<16xi32> to vector<16xi32>
    %swap3A_1767 = vector.shape_cast %add3A_1763 : vector<16xi32> to vector<16xi32>
    tpu.vector_store %arg5[%swap3A_1764], %swap3A_1767 {strides = array<i32>} : memref<128xi32, #tpu.memory_space<vmem>>, vector<16xi32>,
    %get3A_1768 = arith.constant 2416 : index
    %get3A_1769 = tpu.vector_load %arg4[%get3A_1768] {strides = array<i32>} : memref<3200xi32, #tpu.memory_space<vmem>>, vector<16xi32>,
    %get3A_1770 = vector.shape_cast %get3A_1769 : vector<16xi32> to vector<16xi32>
    %add3A_1771 = vector.broadcast %mul3A_410 : i32 to vector<16xi32>
    %add3A_1772 = arith.addi %get3A_1770, %add3A_1771 : vector<16xi32>
    %swap3A_1773 = arith.constant 112 : index
    %swap3A_1774 = tpu.vector_load %arg5[%swap3A_1773] {strides = array<i32>} : memref<128xi32, #tpu.memory_space<vmem>>, vector<16xi32>,
    %swap3A_1775 = vector.shape_cast %swap3A_1774 : vector<16xi32> to vector<16xi32>
    %swap3A_1776 = vector.shape_cast %add3A_1772 : vector<16xi32> to vector<16xi32>
    tpu.vector_store %arg5[%swap3A_1773], %swap3A_1776 {strides = array<i32>} : memref<128xi32, #tpu.memory_space<vmem>>, vector<16xi32>,
    "tpu.region"() ({
      %run_scoped3A = tpu.sem_alloc : memref<!tpu.dma_semaphore, #tpu.memory_space<semaphore_mem>>
      %dma_start3A = arith.constant 0 : i32
      %dma_start3A_2214 = tpu.memref_slice %arg10[%dma_start3A] : memref<2304xf32, #tpu.memory_space<vmem_shared>> -> memref<2304xf32, #tpu.memory_space<vmem_shared>>
      tpu.enqueue_indirect_dma source(%arg6 : memref<128xf32, #tpu.memory_space<vmem>>) target(%dma_start3A_2214 : memref<2304xf32, #tpu.memory_space<vmem_shared>>) offsets(%arg5 : memref<128xi32, #tpu.memory_space<vmem>>) semaphore(%run_scoped3A : memref<!tpu.dma_semaphore, #tpu.memory_space<semaphore_mem>>) {add = true}
      %dma_wait3A = arith.constant 0 : i32
      %dma_wait3A_2215 = tpu.memref_slice %arg10[%dma_wait3A] : memref<2304xf32, #tpu.memory_space<vmem_shared>> -> memref<2304xf32, #tpu.memory_space<vmem_shared>>
      tpu.wait_indirect_dma semaphore(%run_scoped3A : memref<!tpu.dma_semaphore, #tpu.memory_space<semaphore_mem>>) src(%arg6 : memref<128xf32, #tpu.memory_space<vmem>>) dst(%dma_wait3A_2215 : memref<2304xf32, #tpu.memory_space<vmem_shared>>)
      tpu.yield
    }) : () -> ()
    %get3A_1777 = arith.constant 2432 : index
    %get3A_1778 = tpu.vector_load %arg4[%get3A_1777] {strides = array<i32>} : memref<3200xi32, #tpu.memory_space<vmem>>, vector<16xi32>,
    %get3A_1779 = vector.shape_cast %get3A_1778 : vector<16xi32> to vector<16xi32>
    %add3A_1780 = vector.broadcast %mul3A_410 : i32 to vector<16xi32>
    %add3A_1781 = arith.addi %get3A_1779, %add3A_1780 : vector<16xi32>
    %swap3A_1782 = arith.constant 0 : index
    %swap3A_1783 = tpu.vector_load %arg5[%swap3A_1782] {strides = array<i32>} : memref<128xi32, #tpu.memory_space<vmem>>, vector<16xi32>,
    %swap3A_1784 = vector.shape_cast %swap3A_1783 : vector<16xi32> to vector<16xi32>
    %swap3A_1785 = vector.shape_cast %add3A_1781 : vector<16xi32> to vector<16xi32>
    tpu.vector_store %arg5[%swap3A_1782], %swap3A_1785 {strides = array<i32>} : memref<128xi32, #tpu.memory_space<vmem>>, vector<16xi32>,
    %get3A_1786 = arith.constant 2448 : index
    %get3A_1787 = tpu.vector_load %arg4[%get3A_1786] {strides = array<i32>} : memref<3200xi32, #tpu.memory_space<vmem>>, vector<16xi32>,
    %get3A_1788 = vector.shape_cast %get3A_1787 : vector<16xi32> to vector<16xi32>
    %add3A_1789 = vector.broadcast %mul3A_410 : i32 to vector<16xi32>
    %add3A_1790 = arith.addi %get3A_1788, %add3A_1789 : vector<16xi32>
    %swap3A_1791 = arith.constant 16 : index
    %swap3A_1792 = tpu.vector_load %arg5[%swap3A_1791] {strides = array<i32>} : memref<128xi32, #tpu.memory_space<vmem>>, vector<16xi32>,
    %swap3A_1793 = vector.shape_cast %swap3A_1792 : vector<16xi32> to vector<16xi32>
    %swap3A_1794 = vector.shape_cast %add3A_1790 : vector<16xi32> to vector<16xi32>
    tpu.vector_store %arg5[%swap3A_1791], %swap3A_1794 {strides = array<i32>} : memref<128xi32, #tpu.memory_space<vmem>>, vector<16xi32>,
    %get3A_1795 = arith.constant 2464 : index
    %get3A_1796 = tpu.vector_load %arg4[%get3A_1795] {strides = array<i32>} : memref<3200xi32, #tpu.memory_space<vmem>>, vector<16xi32>,
    %get3A_1797 = vector.shape_cast %get3A_1796 : vector<16xi32> to vector<16xi32>
    %add3A_1798 = vector.broadcast %mul3A_410 : i32 to vector<16xi32>
    %add3A_1799 = arith.addi %get3A_1797, %add3A_1798 : vector<16xi32>
    %swap3A_1800 = arith.constant 32 : index
    %swap3A_1801 = tpu.vector_load %arg5[%swap3A_1800] {strides = array<i32>} : memref<128xi32, #tpu.memory_space<vmem>>, vector<16xi32>,
    %swap3A_1802 = vector.shape_cast %swap3A_1801 : vector<16xi32> to vector<16xi32>
    %swap3A_1803 = vector.shape_cast %add3A_1799 : vector<16xi32> to vector<16xi32>
    tpu.vector_store %arg5[%swap3A_1800], %swap3A_1803 {strides = array<i32>} : memref<128xi32, #tpu.memory_space<vmem>>, vector<16xi32>,
    %get3A_1804 = arith.constant 2480 : index
    %get3A_1805 = tpu.vector_load %arg4[%get3A_1804] {strides = array<i32>} : memref<3200xi32, #tpu.memory_space<vmem>>, vector<16xi32>,
    %get3A_1806 = vector.shape_cast %get3A_1805 : vector<16xi32> to vector<16xi32>
    %add3A_1807 = vector.broadcast %mul3A_410 : i32 to vector<16xi32>
    %add3A_1808 = arith.addi %get3A_1806, %add3A_1807 : vector<16xi32>
    %swap3A_1809 = arith.constant 48 : index
    %swap3A_1810 = tpu.vector_load %arg5[%swap3A_1809] {strides = array<i32>} : memref<128xi32, #tpu.memory_space<vmem>>, vector<16xi32>,
    %swap3A_1811 = vector.shape_cast %swap3A_1810 : vector<16xi32> to vector<16xi32>
    %swap3A_1812 = vector.shape_cast %add3A_1808 : vector<16xi32> to vector<16xi32>
    tpu.vector_store %arg5[%swap3A_1809], %swap3A_1812 {strides = array<i32>} : memref<128xi32, #tpu.memory_space<vmem>>, vector<16xi32>,
    %get3A_1813 = arith.constant 2496 : index
    %get3A_1814 = tpu.vector_load %arg4[%get3A_1813] {strides = array<i32>} : memref<3200xi32, #tpu.memory_space<vmem>>, vector<16xi32>,
    %get3A_1815 = vector.shape_cast %get3A_1814 : vector<16xi32> to vector<16xi32>
    %add3A_1816 = vector.broadcast %mul3A_410 : i32 to vector<16xi32>
    %add3A_1817 = arith.addi %get3A_1815, %add3A_1816 : vector<16xi32>
    %swap3A_1818 = arith.constant 64 : index
    %swap3A_1819 = tpu.vector_load %arg5[%swap3A_1818] {strides = array<i32>} : memref<128xi32, #tpu.memory_space<vmem>>, vector<16xi32>,
    %swap3A_1820 = vector.shape_cast %swap3A_1819 : vector<16xi32> to vector<16xi32>
    %swap3A_1821 = vector.shape_cast %add3A_1817 : vector<16xi32> to vector<16xi32>
    tpu.vector_store %arg5[%swap3A_1818], %swap3A_1821 {strides = array<i32>} : memref<128xi32, #tpu.memory_space<vmem>>, vector<16xi32>,
    %get3A_1822 = arith.constant 2512 : index
    %get3A_1823 = tpu.vector_load %arg4[%get3A_1822] {strides = array<i32>} : memref<3200xi32, #tpu.memory_space<vmem>>, vector<16xi32>,
    %get3A_1824 = vector.shape_cast %get3A_1823 : vector<16xi32> to vector<16xi32>
    %add3A_1825 = vector.broadcast %mul3A_410 : i32 to vector<16xi32>
    %add3A_1826 = arith.addi %get3A_1824, %add3A_1825 : vector<16xi32>
    %swap3A_1827 = arith.constant 80 : index
    %swap3A_1828 = tpu.vector_load %arg5[%swap3A_1827] {strides = array<i32>} : memref<128xi32, #tpu.memory_space<vmem>>, vector<16xi32>,
    %swap3A_1829 = vector.shape_cast %swap3A_1828 : vector<16xi32> to vector<16xi32>
    %swap3A_1830 = vector.shape_cast %add3A_1826 : vector<16xi32> to vector<16xi32>
    tpu.vector_store %arg5[%swap3A_1827], %swap3A_1830 {strides = array<i32>} : memref<128xi32, #tpu.memory_space<vmem>>, vector<16xi32>,
    %get3A_1831 = arith.constant 2528 : index
    %get3A_1832 = tpu.vector_load %arg4[%get3A_1831] {strides = array<i32>} : memref<3200xi32, #tpu.memory_space<vmem>>, vector<16xi32>,
    %get3A_1833 = vector.shape_cast %get3A_1832 : vector<16xi32> to vector<16xi32>
    %add3A_1834 = vector.broadcast %mul3A_410 : i32 to vector<16xi32>
    %add3A_1835 = arith.addi %get3A_1833, %add3A_1834 : vector<16xi32>
    %swap3A_1836 = arith.constant 96 : index
    %swap3A_1837 = tpu.vector_load %arg5[%swap3A_1836] {strides = array<i32>} : memref<128xi32, #tpu.memory_space<vmem>>, vector<16xi32>,
    %swap3A_1838 = vector.shape_cast %swap3A_1837 : vector<16xi32> to vector<16xi32>
    %swap3A_1839 = vector.shape_cast %add3A_1835 : vector<16xi32> to vector<16xi32>
    tpu.vector_store %arg5[%swap3A_1836], %swap3A_1839 {strides = array<i32>} : memref<128xi32, #tpu.memory_space<vmem>>, vector<16xi32>,
    %get3A_1840 = arith.constant 2544 : index
    %get3A_1841 = tpu.vector_load %arg4[%get3A_1840] {strides = array<i32>} : memref<3200xi32, #tpu.memory_space<vmem>>, vector<16xi32>,
    %get3A_1842 = vector.shape_cast %get3A_1841 : vector<16xi32> to vector<16xi32>
    %add3A_1843 = vector.broadcast %mul3A_410 : i32 to vector<16xi32>
    %add3A_1844 = arith.addi %get3A_1842, %add3A_1843 : vector<16xi32>
    %swap3A_1845 = arith.constant 112 : index
    %swap3A_1846 = tpu.vector_load %arg5[%swap3A_1845] {strides = array<i32>} : memref<128xi32, #tpu.memory_space<vmem>>, vector<16xi32>,
    %swap3A_1847 = vector.shape_cast %swap3A_1846 : vector<16xi32> to vector<16xi32>
    %swap3A_1848 = vector.shape_cast %add3A_1844 : vector<16xi32> to vector<16xi32>
    tpu.vector_store %arg5[%swap3A_1845], %swap3A_1848 {strides = array<i32>} : memref<128xi32, #tpu.memory_space<vmem>>, vector<16xi32>,
    "tpu.region"() ({
      %run_scoped3A = tpu.sem_alloc : memref<!tpu.dma_semaphore, #tpu.memory_space<semaphore_mem>>
      %dma_start3A = arith.constant 0 : i32
      %dma_start3A_2214 = tpu.memref_slice %arg10[%dma_start3A] : memref<2304xf32, #tpu.memory_space<vmem_shared>> -> memref<2304xf32, #tpu.memory_space<vmem_shared>>
      tpu.enqueue_indirect_dma source(%arg6 : memref<128xf32, #tpu.memory_space<vmem>>) target(%dma_start3A_2214 : memref<2304xf32, #tpu.memory_space<vmem_shared>>) offsets(%arg5 : memref<128xi32, #tpu.memory_space<vmem>>) semaphore(%run_scoped3A : memref<!tpu.dma_semaphore, #tpu.memory_space<semaphore_mem>>) {add = true}
      %dma_wait3A = arith.constant 0 : i32
      %dma_wait3A_2215 = tpu.memref_slice %arg10[%dma_wait3A] : memref<2304xf32, #tpu.memory_space<vmem_shared>> -> memref<2304xf32, #tpu.memory_space<vmem_shared>>
      tpu.wait_indirect_dma semaphore(%run_scoped3A : memref<!tpu.dma_semaphore, #tpu.memory_space<semaphore_mem>>) src(%arg6 : memref<128xf32, #tpu.memory_space<vmem>>) dst(%dma_wait3A_2215 : memref<2304xf32, #tpu.memory_space<vmem_shared>>)
      tpu.yield
    }) : () -> ()
    %get3A_1849 = arith.constant 2560 : index
    %get3A_1850 = tpu.vector_load %arg4[%get3A_1849] {strides = array<i32>} : memref<3200xi32, #tpu.memory_space<vmem>>, vector<16xi32>,
    %get3A_1851 = vector.shape_cast %get3A_1850 : vector<16xi32> to vector<16xi32>
    %add3A_1852 = vector.broadcast %mul3A_410 : i32 to vector<16xi32>
    %add3A_1853 = arith.addi %get3A_1851, %add3A_1852 : vector<16xi32>
    %swap3A_1854 = arith.constant 0 : index
    %swap3A_1855 = tpu.vector_load %arg5[%swap3A_1854] {strides = array<i32>} : memref<128xi32, #tpu.memory_space<vmem>>, vector<16xi32>,
    %swap3A_1856 = vector.shape_cast %swap3A_1855 : vector<16xi32> to vector<16xi32>
    %swap3A_1857 = vector.shape_cast %add3A_1853 : vector<16xi32> to vector<16xi32>
    tpu.vector_store %arg5[%swap3A_1854], %swap3A_1857 {strides = array<i32>} : memref<128xi32, #tpu.memory_space<vmem>>, vector<16xi32>,
    %get3A_1858 = arith.constant 2576 : index
    %get3A_1859 = tpu.vector_load %arg4[%get3A_1858] {strides = array<i32>} : memref<3200xi32, #tpu.memory_space<vmem>>, vector<16xi32>,
    %get3A_1860 = vector.shape_cast %get3A_1859 : vector<16xi32> to vector<16xi32>
    %add3A_1861 = vector.broadcast %mul3A_410 : i32 to vector<16xi32>
    %add3A_1862 = arith.addi %get3A_1860, %add3A_1861 : vector<16xi32>
    %swap3A_1863 = arith.constant 16 : index
    %swap3A_1864 = tpu.vector_load %arg5[%swap3A_1863] {strides = array<i32>} : memref<128xi32, #tpu.memory_space<vmem>>, vector<16xi32>,
    %swap3A_1865 = vector.shape_cast %swap3A_1864 : vector<16xi32> to vector<16xi32>
    %swap3A_1866 = vector.shape_cast %add3A_1862 : vector<16xi32> to vector<16xi32>
    tpu.vector_store %arg5[%swap3A_1863], %swap3A_1866 {strides = array<i32>} : memref<128xi32, #tpu.memory_space<vmem>>, vector<16xi32>,
    %get3A_1867 = arith.constant 2592 : index
    %get3A_1868 = tpu.vector_load %arg4[%get3A_1867] {strides = array<i32>} : memref<3200xi32, #tpu.memory_space<vmem>>, vector<16xi32>,
    %get3A_1869 = vector.shape_cast %get3A_1868 : vector<16xi32> to vector<16xi32>
    %add3A_1870 = vector.broadcast %mul3A_410 : i32 to vector<16xi32>
    %add3A_1871 = arith.addi %get3A_1869, %add3A_1870 : vector<16xi32>
    %swap3A_1872 = arith.constant 32 : index
    %swap3A_1873 = tpu.vector_load %arg5[%swap3A_1872] {strides = array<i32>} : memref<128xi32, #tpu.memory_space<vmem>>, vector<16xi32>,
    %swap3A_1874 = vector.shape_cast %swap3A_1873 : vector<16xi32> to vector<16xi32>
    %swap3A_1875 = vector.shape_cast %add3A_1871 : vector<16xi32> to vector<16xi32>
    tpu.vector_store %arg5[%swap3A_1872], %swap3A_1875 {strides = array<i32>} : memref<128xi32, #tpu.memory_space<vmem>>, vector<16xi32>,
    %get3A_1876 = arith.constant 2608 : index
    %get3A_1877 = tpu.vector_load %arg4[%get3A_1876] {strides = array<i32>} : memref<3200xi32, #tpu.memory_space<vmem>>, vector<16xi32>,
    %get3A_1878 = vector.shape_cast %get3A_1877 : vector<16xi32> to vector<16xi32>
    %add3A_1879 = vector.broadcast %mul3A_410 : i32 to vector<16xi32>
    %add3A_1880 = arith.addi %get3A_1878, %add3A_1879 : vector<16xi32>
    %swap3A_1881 = arith.constant 48 : index
    %swap3A_1882 = tpu.vector_load %arg5[%swap3A_1881] {strides = array<i32>} : memref<128xi32, #tpu.memory_space<vmem>>, vector<16xi32>,
    %swap3A_1883 = vector.shape_cast %swap3A_1882 : vector<16xi32> to vector<16xi32>
    %swap3A_1884 = vector.shape_cast %add3A_1880 : vector<16xi32> to vector<16xi32>
    tpu.vector_store %arg5[%swap3A_1881], %swap3A_1884 {strides = array<i32>} : memref<128xi32, #tpu.memory_space<vmem>>, vector<16xi32>,
    %get3A_1885 = arith.constant 2624 : index
    %get3A_1886 = tpu.vector_load %arg4[%get3A_1885] {strides = array<i32>} : memref<3200xi32, #tpu.memory_space<vmem>>, vector<16xi32>,
    %get3A_1887 = vector.shape_cast %get3A_1886 : vector<16xi32> to vector<16xi32>
    %add3A_1888 = vector.broadcast %mul3A_410 : i32 to vector<16xi32>
    %add3A_1889 = arith.addi %get3A_1887, %add3A_1888 : vector<16xi32>
    %swap3A_1890 = arith.constant 64 : index
    %swap3A_1891 = tpu.vector_load %arg5[%swap3A_1890] {strides = array<i32>} : memref<128xi32, #tpu.memory_space<vmem>>, vector<16xi32>,
    %swap3A_1892 = vector.shape_cast %swap3A_1891 : vector<16xi32> to vector<16xi32>
    %swap3A_1893 = vector.shape_cast %add3A_1889 : vector<16xi32> to vector<16xi32>
    tpu.vector_store %arg5[%swap3A_1890], %swap3A_1893 {strides = array<i32>} : memref<128xi32, #tpu.memory_space<vmem>>, vector<16xi32>,
    %get3A_1894 = arith.constant 2640 : index
    %get3A_1895 = tpu.vector_load %arg4[%get3A_1894] {strides = array<i32>} : memref<3200xi32, #tpu.memory_space<vmem>>, vector<16xi32>,
    %get3A_1896 = vector.shape_cast %get3A_1895 : vector<16xi32> to vector<16xi32>
    %add3A_1897 = vector.broadcast %mul3A_410 : i32 to vector<16xi32>
    %add3A_1898 = arith.addi %get3A_1896, %add3A_1897 : vector<16xi32>
    %swap3A_1899 = arith.constant 80 : index
    %swap3A_1900 = tpu.vector_load %arg5[%swap3A_1899] {strides = array<i32>} : memref<128xi32, #tpu.memory_space<vmem>>, vector<16xi32>,
    %swap3A_1901 = vector.shape_cast %swap3A_1900 : vector<16xi32> to vector<16xi32>
    %swap3A_1902 = vector.shape_cast %add3A_1898 : vector<16xi32> to vector<16xi32>
    tpu.vector_store %arg5[%swap3A_1899], %swap3A_1902 {strides = array<i32>} : memref<128xi32, #tpu.memory_space<vmem>>, vector<16xi32>,
    %get3A_1903 = arith.constant 2656 : index
    %get3A_1904 = tpu.vector_load %arg4[%get3A_1903] {strides = array<i32>} : memref<3200xi32, #tpu.memory_space<vmem>>, vector<16xi32>,
    %get3A_1905 = vector.shape_cast %get3A_1904 : vector<16xi32> to vector<16xi32>
    %add3A_1906 = vector.broadcast %mul3A_410 : i32 to vector<16xi32>
    %add3A_1907 = arith.addi %get3A_1905, %add3A_1906 : vector<16xi32>
    %swap3A_1908 = arith.constant 96 : index
    %swap3A_1909 = tpu.vector_load %arg5[%swap3A_1908] {strides = array<i32>} : memref<128xi32, #tpu.memory_space<vmem>>, vector<16xi32>,
    %swap3A_1910 = vector.shape_cast %swap3A_1909 : vector<16xi32> to vector<16xi32>
    %swap3A_1911 = vector.shape_cast %add3A_1907 : vector<16xi32> to vector<16xi32>
    tpu.vector_store %arg5[%swap3A_1908], %swap3A_1911 {strides = array<i32>} : memref<128xi32, #tpu.memory_space<vmem>>, vector<16xi32>,
    %get3A_1912 = arith.constant 2672 : index
    %get3A_1913 = tpu.vector_load %arg4[%get3A_1912] {strides = array<i32>} : memref<3200xi32, #tpu.memory_space<vmem>>, vector<16xi32>,
    %get3A_1914 = vector.shape_cast %get3A_1913 : vector<16xi32> to vector<16xi32>
    %add3A_1915 = vector.broadcast %mul3A_410 : i32 to vector<16xi32>
    %add3A_1916 = arith.addi %get3A_1914, %add3A_1915 : vector<16xi32>
    %swap3A_1917 = arith.constant 112 : index
    %swap3A_1918 = tpu.vector_load %arg5[%swap3A_1917] {strides = array<i32>} : memref<128xi32, #tpu.memory_space<vmem>>, vector<16xi32>,
    %swap3A_1919 = vector.shape_cast %swap3A_1918 : vector<16xi32> to vector<16xi32>
    %swap3A_1920 = vector.shape_cast %add3A_1916 : vector<16xi32> to vector<16xi32>
    tpu.vector_store %arg5[%swap3A_1917], %swap3A_1920 {strides = array<i32>} : memref<128xi32, #tpu.memory_space<vmem>>, vector<16xi32>,
    "tpu.region"() ({
      %run_scoped3A = tpu.sem_alloc : memref<!tpu.dma_semaphore, #tpu.memory_space<semaphore_mem>>
      %dma_start3A = arith.constant 0 : i32
      %dma_start3A_2214 = tpu.memref_slice %arg10[%dma_start3A] : memref<2304xf32, #tpu.memory_space<vmem_shared>> -> memref<2304xf32, #tpu.memory_space<vmem_shared>>
      tpu.enqueue_indirect_dma source(%arg6 : memref<128xf32, #tpu.memory_space<vmem>>) target(%dma_start3A_2214 : memref<2304xf32, #tpu.memory_space<vmem_shared>>) offsets(%arg5 : memref<128xi32, #tpu.memory_space<vmem>>) semaphore(%run_scoped3A : memref<!tpu.dma_semaphore, #tpu.memory_space<semaphore_mem>>) {add = true}
      %dma_wait3A = arith.constant 0 : i32
      %dma_wait3A_2215 = tpu.memref_slice %arg10[%dma_wait3A] : memref<2304xf32, #tpu.memory_space<vmem_shared>> -> memref<2304xf32, #tpu.memory_space<vmem_shared>>
      tpu.wait_indirect_dma semaphore(%run_scoped3A : memref<!tpu.dma_semaphore, #tpu.memory_space<semaphore_mem>>) src(%arg6 : memref<128xf32, #tpu.memory_space<vmem>>) dst(%dma_wait3A_2215 : memref<2304xf32, #tpu.memory_space<vmem_shared>>)
      tpu.yield
    }) : () -> ()
    %get3A_1921 = arith.constant 2688 : index
    %get3A_1922 = tpu.vector_load %arg4[%get3A_1921] {strides = array<i32>} : memref<3200xi32, #tpu.memory_space<vmem>>, vector<16xi32>,
    %get3A_1923 = vector.shape_cast %get3A_1922 : vector<16xi32> to vector<16xi32>
    %add3A_1924 = vector.broadcast %mul3A_410 : i32 to vector<16xi32>
    %add3A_1925 = arith.addi %get3A_1923, %add3A_1924 : vector<16xi32>
    %swap3A_1926 = arith.constant 0 : index
    %swap3A_1927 = tpu.vector_load %arg5[%swap3A_1926] {strides = array<i32>} : memref<128xi32, #tpu.memory_space<vmem>>, vector<16xi32>,
    %swap3A_1928 = vector.shape_cast %swap3A_1927 : vector<16xi32> to vector<16xi32>
    %swap3A_1929 = vector.shape_cast %add3A_1925 : vector<16xi32> to vector<16xi32>
    tpu.vector_store %arg5[%swap3A_1926], %swap3A_1929 {strides = array<i32>} : memref<128xi32, #tpu.memory_space<vmem>>, vector<16xi32>,
    %get3A_1930 = arith.constant 2704 : index
    %get3A_1931 = tpu.vector_load %arg4[%get3A_1930] {strides = array<i32>} : memref<3200xi32, #tpu.memory_space<vmem>>, vector<16xi32>,
    %get3A_1932 = vector.shape_cast %get3A_1931 : vector<16xi32> to vector<16xi32>
    %add3A_1933 = vector.broadcast %mul3A_410 : i32 to vector<16xi32>
    %add3A_1934 = arith.addi %get3A_1932, %add3A_1933 : vector<16xi32>
    %swap3A_1935 = arith.constant 16 : index
    %swap3A_1936 = tpu.vector_load %arg5[%swap3A_1935] {strides = array<i32>} : memref<128xi32, #tpu.memory_space<vmem>>, vector<16xi32>,
    %swap3A_1937 = vector.shape_cast %swap3A_1936 : vector<16xi32> to vector<16xi32>
    %swap3A_1938 = vector.shape_cast %add3A_1934 : vector<16xi32> to vector<16xi32>
    tpu.vector_store %arg5[%swap3A_1935], %swap3A_1938 {strides = array<i32>} : memref<128xi32, #tpu.memory_space<vmem>>, vector<16xi32>,
    %get3A_1939 = arith.constant 2720 : index
    %get3A_1940 = tpu.vector_load %arg4[%get3A_1939] {strides = array<i32>} : memref<3200xi32, #tpu.memory_space<vmem>>, vector<16xi32>,
    %get3A_1941 = vector.shape_cast %get3A_1940 : vector<16xi32> to vector<16xi32>
    %add3A_1942 = vector.broadcast %mul3A_410 : i32 to vector<16xi32>
    %add3A_1943 = arith.addi %get3A_1941, %add3A_1942 : vector<16xi32>
    %swap3A_1944 = arith.constant 32 : index
    %swap3A_1945 = tpu.vector_load %arg5[%swap3A_1944] {strides = array<i32>} : memref<128xi32, #tpu.memory_space<vmem>>, vector<16xi32>,
    %swap3A_1946 = vector.shape_cast %swap3A_1945 : vector<16xi32> to vector<16xi32>
    %swap3A_1947 = vector.shape_cast %add3A_1943 : vector<16xi32> to vector<16xi32>
    tpu.vector_store %arg5[%swap3A_1944], %swap3A_1947 {strides = array<i32>} : memref<128xi32, #tpu.memory_space<vmem>>, vector<16xi32>,
    %get3A_1948 = arith.constant 2736 : index
    %get3A_1949 = tpu.vector_load %arg4[%get3A_1948] {strides = array<i32>} : memref<3200xi32, #tpu.memory_space<vmem>>, vector<16xi32>,
    %get3A_1950 = vector.shape_cast %get3A_1949 : vector<16xi32> to vector<16xi32>
    %add3A_1951 = vector.broadcast %mul3A_410 : i32 to vector<16xi32>
    %add3A_1952 = arith.addi %get3A_1950, %add3A_1951 : vector<16xi32>
    %swap3A_1953 = arith.constant 48 : index
    %swap3A_1954 = tpu.vector_load %arg5[%swap3A_1953] {strides = array<i32>} : memref<128xi32, #tpu.memory_space<vmem>>, vector<16xi32>,
    %swap3A_1955 = vector.shape_cast %swap3A_1954 : vector<16xi32> to vector<16xi32>
    %swap3A_1956 = vector.shape_cast %add3A_1952 : vector<16xi32> to vector<16xi32>
    tpu.vector_store %arg5[%swap3A_1953], %swap3A_1956 {strides = array<i32>} : memref<128xi32, #tpu.memory_space<vmem>>, vector<16xi32>,
    %get3A_1957 = arith.constant 2752 : index
    %get3A_1958 = tpu.vector_load %arg4[%get3A_1957] {strides = array<i32>} : memref<3200xi32, #tpu.memory_space<vmem>>, vector<16xi32>,
    %get3A_1959 = vector.shape_cast %get3A_1958 : vector<16xi32> to vector<16xi32>
    %add3A_1960 = vector.broadcast %mul3A_410 : i32 to vector<16xi32>
    %add3A_1961 = arith.addi %get3A_1959, %add3A_1960 : vector<16xi32>
    %swap3A_1962 = arith.constant 64 : index
    %swap3A_1963 = tpu.vector_load %arg5[%swap3A_1962] {strides = array<i32>} : memref<128xi32, #tpu.memory_space<vmem>>, vector<16xi32>,
    %swap3A_1964 = vector.shape_cast %swap3A_1963 : vector<16xi32> to vector<16xi32>
    %swap3A_1965 = vector.shape_cast %add3A_1961 : vector<16xi32> to vector<16xi32>
    tpu.vector_store %arg5[%swap3A_1962], %swap3A_1965 {strides = array<i32>} : memref<128xi32, #tpu.memory_space<vmem>>, vector<16xi32>,
    %get3A_1966 = arith.constant 2768 : index
    %get3A_1967 = tpu.vector_load %arg4[%get3A_1966] {strides = array<i32>} : memref<3200xi32, #tpu.memory_space<vmem>>, vector<16xi32>,
    %get3A_1968 = vector.shape_cast %get3A_1967 : vector<16xi32> to vector<16xi32>
    %add3A_1969 = vector.broadcast %mul3A_410 : i32 to vector<16xi32>
    %add3A_1970 = arith.addi %get3A_1968, %add3A_1969 : vector<16xi32>
    %swap3A_1971 = arith.constant 80 : index
    %swap3A_1972 = tpu.vector_load %arg5[%swap3A_1971] {strides = array<i32>} : memref<128xi32, #tpu.memory_space<vmem>>, vector<16xi32>,
    %swap3A_1973 = vector.shape_cast %swap3A_1972 : vector<16xi32> to vector<16xi32>
    %swap3A_1974 = vector.shape_cast %add3A_1970 : vector<16xi32> to vector<16xi32>
    tpu.vector_store %arg5[%swap3A_1971], %swap3A_1974 {strides = array<i32>} : memref<128xi32, #tpu.memory_space<vmem>>, vector<16xi32>,
    %get3A_1975 = arith.constant 2784 : index
    %get3A_1976 = tpu.vector_load %arg4[%get3A_1975] {strides = array<i32>} : memref<3200xi32, #tpu.memory_space<vmem>>, vector<16xi32>,
    %get3A_1977 = vector.shape_cast %get3A_1976 : vector<16xi32> to vector<16xi32>
    %add3A_1978 = vector.broadcast %mul3A_410 : i32 to vector<16xi32>
    %add3A_1979 = arith.addi %get3A_1977, %add3A_1978 : vector<16xi32>
    %swap3A_1980 = arith.constant 96 : index
    %swap3A_1981 = tpu.vector_load %arg5[%swap3A_1980] {strides = array<i32>} : memref<128xi32, #tpu.memory_space<vmem>>, vector<16xi32>,
    %swap3A_1982 = vector.shape_cast %swap3A_1981 : vector<16xi32> to vector<16xi32>
    %swap3A_1983 = vector.shape_cast %add3A_1979 : vector<16xi32> to vector<16xi32>
    tpu.vector_store %arg5[%swap3A_1980], %swap3A_1983 {strides = array<i32>} : memref<128xi32, #tpu.memory_space<vmem>>, vector<16xi32>,
    %get3A_1984 = arith.constant 2800 : index
    %get3A_1985 = tpu.vector_load %arg4[%get3A_1984] {strides = array<i32>} : memref<3200xi32, #tpu.memory_space<vmem>>, vector<16xi32>,
    %get3A_1986 = vector.shape_cast %get3A_1985 : vector<16xi32> to vector<16xi32>
    %add3A_1987 = vector.broadcast %mul3A_410 : i32 to vector<16xi32>
    %add3A_1988 = arith.addi %get3A_1986, %add3A_1987 : vector<16xi32>
    %swap3A_1989 = arith.constant 112 : index
    %swap3A_1990 = tpu.vector_load %arg5[%swap3A_1989] {strides = array<i32>} : memref<128xi32, #tpu.memory_space<vmem>>, vector<16xi32>,
    %swap3A_1991 = vector.shape_cast %swap3A_1990 : vector<16xi32> to vector<16xi32>
    %swap3A_1992 = vector.shape_cast %add3A_1988 : vector<16xi32> to vector<16xi32>
    tpu.vector_store %arg5[%swap3A_1989], %swap3A_1992 {strides = array<i32>} : memref<128xi32, #tpu.memory_space<vmem>>, vector<16xi32>,
    "tpu.region"() ({
      %run_scoped3A = tpu.sem_alloc : memref<!tpu.dma_semaphore, #tpu.memory_space<semaphore_mem>>
      %dma_start3A = arith.constant 0 : i32
      %dma_start3A_2214 = tpu.memref_slice %arg10[%dma_start3A] : memref<2304xf32, #tpu.memory_space<vmem_shared>> -> memref<2304xf32, #tpu.memory_space<vmem_shared>>
      tpu.enqueue_indirect_dma source(%arg6 : memref<128xf32, #tpu.memory_space<vmem>>) target(%dma_start3A_2214 : memref<2304xf32, #tpu.memory_space<vmem_shared>>) offsets(%arg5 : memref<128xi32, #tpu.memory_space<vmem>>) semaphore(%run_scoped3A : memref<!tpu.dma_semaphore, #tpu.memory_space<semaphore_mem>>) {add = true}
      %dma_wait3A = arith.constant 0 : i32
      %dma_wait3A_2215 = tpu.memref_slice %arg10[%dma_wait3A] : memref<2304xf32, #tpu.memory_space<vmem_shared>> -> memref<2304xf32, #tpu.memory_space<vmem_shared>>
      tpu.wait_indirect_dma semaphore(%run_scoped3A : memref<!tpu.dma_semaphore, #tpu.memory_space<semaphore_mem>>) src(%arg6 : memref<128xf32, #tpu.memory_space<vmem>>) dst(%dma_wait3A_2215 : memref<2304xf32, #tpu.memory_space<vmem_shared>>)
      tpu.yield
    }) : () -> ()
    %get3A_1993 = arith.constant 2816 : index
    %get3A_1994 = tpu.vector_load %arg4[%get3A_1993] {strides = array<i32>} : memref<3200xi32, #tpu.memory_space<vmem>>, vector<16xi32>,
    %get3A_1995 = vector.shape_cast %get3A_1994 : vector<16xi32> to vector<16xi32>
    %add3A_1996 = vector.broadcast %mul3A_410 : i32 to vector<16xi32>
    %add3A_1997 = arith.addi %get3A_1995, %add3A_1996 : vector<16xi32>
    %swap3A_1998 = arith.constant 0 : index
    %swap3A_1999 = tpu.vector_load %arg5[%swap3A_1998] {strides = array<i32>} : memref<128xi32, #tpu.memory_space<vmem>>, vector<16xi32>,
    %swap3A_2000 = vector.shape_cast %swap3A_1999 : vector<16xi32> to vector<16xi32>
    %swap3A_2001 = vector.shape_cast %add3A_1997 : vector<16xi32> to vector<16xi32>
    tpu.vector_store %arg5[%swap3A_1998], %swap3A_2001 {strides = array<i32>} : memref<128xi32, #tpu.memory_space<vmem>>, vector<16xi32>,
    %get3A_2002 = arith.constant 2832 : index
    %get3A_2003 = tpu.vector_load %arg4[%get3A_2002] {strides = array<i32>} : memref<3200xi32, #tpu.memory_space<vmem>>, vector<16xi32>,
    %get3A_2004 = vector.shape_cast %get3A_2003 : vector<16xi32> to vector<16xi32>
    %add3A_2005 = vector.broadcast %mul3A_410 : i32 to vector<16xi32>
    %add3A_2006 = arith.addi %get3A_2004, %add3A_2005 : vector<16xi32>
    %swap3A_2007 = arith.constant 16 : index
    %swap3A_2008 = tpu.vector_load %arg5[%swap3A_2007] {strides = array<i32>} : memref<128xi32, #tpu.memory_space<vmem>>, vector<16xi32>,
    %swap3A_2009 = vector.shape_cast %swap3A_2008 : vector<16xi32> to vector<16xi32>
    %swap3A_2010 = vector.shape_cast %add3A_2006 : vector<16xi32> to vector<16xi32>
    tpu.vector_store %arg5[%swap3A_2007], %swap3A_2010 {strides = array<i32>} : memref<128xi32, #tpu.memory_space<vmem>>, vector<16xi32>,
    %get3A_2011 = arith.constant 2848 : index
    %get3A_2012 = tpu.vector_load %arg4[%get3A_2011] {strides = array<i32>} : memref<3200xi32, #tpu.memory_space<vmem>>, vector<16xi32>,
    %get3A_2013 = vector.shape_cast %get3A_2012 : vector<16xi32> to vector<16xi32>
    %add3A_2014 = vector.broadcast %mul3A_410 : i32 to vector<16xi32>
    %add3A_2015 = arith.addi %get3A_2013, %add3A_2014 : vector<16xi32>
    %swap3A_2016 = arith.constant 32 : index
    %swap3A_2017 = tpu.vector_load %arg5[%swap3A_2016] {strides = array<i32>} : memref<128xi32, #tpu.memory_space<vmem>>, vector<16xi32>,
    %swap3A_2018 = vector.shape_cast %swap3A_2017 : vector<16xi32> to vector<16xi32>
    %swap3A_2019 = vector.shape_cast %add3A_2015 : vector<16xi32> to vector<16xi32>
    tpu.vector_store %arg5[%swap3A_2016], %swap3A_2019 {strides = array<i32>} : memref<128xi32, #tpu.memory_space<vmem>>, vector<16xi32>,
    %get3A_2020 = arith.constant 2864 : index
    %get3A_2021 = tpu.vector_load %arg4[%get3A_2020] {strides = array<i32>} : memref<3200xi32, #tpu.memory_space<vmem>>, vector<16xi32>,
    %get3A_2022 = vector.shape_cast %get3A_2021 : vector<16xi32> to vector<16xi32>
    %add3A_2023 = vector.broadcast %mul3A_410 : i32 to vector<16xi32>
    %add3A_2024 = arith.addi %get3A_2022, %add3A_2023 : vector<16xi32>
    %swap3A_2025 = arith.constant 48 : index
    %swap3A_2026 = tpu.vector_load %arg5[%swap3A_2025] {strides = array<i32>} : memref<128xi32, #tpu.memory_space<vmem>>, vector<16xi32>,
    %swap3A_2027 = vector.shape_cast %swap3A_2026 : vector<16xi32> to vector<16xi32>
    %swap3A_2028 = vector.shape_cast %add3A_2024 : vector<16xi32> to vector<16xi32>
    tpu.vector_store %arg5[%swap3A_2025], %swap3A_2028 {strides = array<i32>} : memref<128xi32, #tpu.memory_space<vmem>>, vector<16xi32>,
    %get3A_2029 = arith.constant 2880 : index
    %get3A_2030 = tpu.vector_load %arg4[%get3A_2029] {strides = array<i32>} : memref<3200xi32, #tpu.memory_space<vmem>>, vector<16xi32>,
    %get3A_2031 = vector.shape_cast %get3A_2030 : vector<16xi32> to vector<16xi32>
    %add3A_2032 = vector.broadcast %mul3A_410 : i32 to vector<16xi32>
    %add3A_2033 = arith.addi %get3A_2031, %add3A_2032 : vector<16xi32>
    %swap3A_2034 = arith.constant 64 : index
    %swap3A_2035 = tpu.vector_load %arg5[%swap3A_2034] {strides = array<i32>} : memref<128xi32, #tpu.memory_space<vmem>>, vector<16xi32>,
    %swap3A_2036 = vector.shape_cast %swap3A_2035 : vector<16xi32> to vector<16xi32>
    %swap3A_2037 = vector.shape_cast %add3A_2033 : vector<16xi32> to vector<16xi32>
    tpu.vector_store %arg5[%swap3A_2034], %swap3A_2037 {strides = array<i32>} : memref<128xi32, #tpu.memory_space<vmem>>, vector<16xi32>,
    %get3A_2038 = arith.constant 2896 : index
    %get3A_2039 = tpu.vector_load %arg4[%get3A_2038] {strides = array<i32>} : memref<3200xi32, #tpu.memory_space<vmem>>, vector<16xi32>,
    %get3A_2040 = vector.shape_cast %get3A_2039 : vector<16xi32> to vector<16xi32>
    %add3A_2041 = vector.broadcast %mul3A_410 : i32 to vector<16xi32>
    %add3A_2042 = arith.addi %get3A_2040, %add3A_2041 : vector<16xi32>
    %swap3A_2043 = arith.constant 80 : index
    %swap3A_2044 = tpu.vector_load %arg5[%swap3A_2043] {strides = array<i32>} : memref<128xi32, #tpu.memory_space<vmem>>, vector<16xi32>,
    %swap3A_2045 = vector.shape_cast %swap3A_2044 : vector<16xi32> to vector<16xi32>
    %swap3A_2046 = vector.shape_cast %add3A_2042 : vector<16xi32> to vector<16xi32>
    tpu.vector_store %arg5[%swap3A_2043], %swap3A_2046 {strides = array<i32>} : memref<128xi32, #tpu.memory_space<vmem>>, vector<16xi32>,
    %get3A_2047 = arith.constant 2912 : index
    %get3A_2048 = tpu.vector_load %arg4[%get3A_2047] {strides = array<i32>} : memref<3200xi32, #tpu.memory_space<vmem>>, vector<16xi32>,
    %get3A_2049 = vector.shape_cast %get3A_2048 : vector<16xi32> to vector<16xi32>
    %add3A_2050 = vector.broadcast %mul3A_410 : i32 to vector<16xi32>
    %add3A_2051 = arith.addi %get3A_2049, %add3A_2050 : vector<16xi32>
    %swap3A_2052 = arith.constant 96 : index
    %swap3A_2053 = tpu.vector_load %arg5[%swap3A_2052] {strides = array<i32>} : memref<128xi32, #tpu.memory_space<vmem>>, vector<16xi32>,
    %swap3A_2054 = vector.shape_cast %swap3A_2053 : vector<16xi32> to vector<16xi32>
    %swap3A_2055 = vector.shape_cast %add3A_2051 : vector<16xi32> to vector<16xi32>
    tpu.vector_store %arg5[%swap3A_2052], %swap3A_2055 {strides = array<i32>} : memref<128xi32, #tpu.memory_space<vmem>>, vector<16xi32>,
    %get3A_2056 = arith.constant 2928 : index
    %get3A_2057 = tpu.vector_load %arg4[%get3A_2056] {strides = array<i32>} : memref<3200xi32, #tpu.memory_space<vmem>>, vector<16xi32>,
    %get3A_2058 = vector.shape_cast %get3A_2057 : vector<16xi32> to vector<16xi32>
    %add3A_2059 = vector.broadcast %mul3A_410 : i32 to vector<16xi32>
    %add3A_2060 = arith.addi %get3A_2058, %add3A_2059 : vector<16xi32>
    %swap3A_2061 = arith.constant 112 : index
    %swap3A_2062 = tpu.vector_load %arg5[%swap3A_2061] {strides = array<i32>} : memref<128xi32, #tpu.memory_space<vmem>>, vector<16xi32>,
    %swap3A_2063 = vector.shape_cast %swap3A_2062 : vector<16xi32> to vector<16xi32>
    %swap3A_2064 = vector.shape_cast %add3A_2060 : vector<16xi32> to vector<16xi32>
    tpu.vector_store %arg5[%swap3A_2061], %swap3A_2064 {strides = array<i32>} : memref<128xi32, #tpu.memory_space<vmem>>, vector<16xi32>,
    "tpu.region"() ({
      %run_scoped3A = tpu.sem_alloc : memref<!tpu.dma_semaphore, #tpu.memory_space<semaphore_mem>>
      %dma_start3A = arith.constant 0 : i32
      %dma_start3A_2214 = tpu.memref_slice %arg10[%dma_start3A] : memref<2304xf32, #tpu.memory_space<vmem_shared>> -> memref<2304xf32, #tpu.memory_space<vmem_shared>>
      tpu.enqueue_indirect_dma source(%arg6 : memref<128xf32, #tpu.memory_space<vmem>>) target(%dma_start3A_2214 : memref<2304xf32, #tpu.memory_space<vmem_shared>>) offsets(%arg5 : memref<128xi32, #tpu.memory_space<vmem>>) semaphore(%run_scoped3A : memref<!tpu.dma_semaphore, #tpu.memory_space<semaphore_mem>>) {add = true}
      %dma_wait3A = arith.constant 0 : i32
      %dma_wait3A_2215 = tpu.memref_slice %arg10[%dma_wait3A] : memref<2304xf32, #tpu.memory_space<vmem_shared>> -> memref<2304xf32, #tpu.memory_space<vmem_shared>>
      tpu.wait_indirect_dma semaphore(%run_scoped3A : memref<!tpu.dma_semaphore, #tpu.memory_space<semaphore_mem>>) src(%arg6 : memref<128xf32, #tpu.memory_space<vmem>>) dst(%dma_wait3A_2215 : memref<2304xf32, #tpu.memory_space<vmem_shared>>)
      tpu.yield
    }) : () -> ()
    %get3A_2065 = arith.constant 2944 : index
    %get3A_2066 = tpu.vector_load %arg4[%get3A_2065] {strides = array<i32>} : memref<3200xi32, #tpu.memory_space<vmem>>, vector<16xi32>,
    %get3A_2067 = vector.shape_cast %get3A_2066 : vector<16xi32> to vector<16xi32>
    %add3A_2068 = vector.broadcast %mul3A_410 : i32 to vector<16xi32>
    %add3A_2069 = arith.addi %get3A_2067, %add3A_2068 : vector<16xi32>
    %swap3A_2070 = arith.constant 0 : index
    %swap3A_2071 = tpu.vector_load %arg5[%swap3A_2070] {strides = array<i32>} : memref<128xi32, #tpu.memory_space<vmem>>, vector<16xi32>,
    %swap3A_2072 = vector.shape_cast %swap3A_2071 : vector<16xi32> to vector<16xi32>
    %swap3A_2073 = vector.shape_cast %add3A_2069 : vector<16xi32> to vector<16xi32>
    tpu.vector_store %arg5[%swap3A_2070], %swap3A_2073 {strides = array<i32>} : memref<128xi32, #tpu.memory_space<vmem>>, vector<16xi32>,
    %get3A_2074 = arith.constant 2960 : index
    %get3A_2075 = tpu.vector_load %arg4[%get3A_2074] {strides = array<i32>} : memref<3200xi32, #tpu.memory_space<vmem>>, vector<16xi32>,
    %get3A_2076 = vector.shape_cast %get3A_2075 : vector<16xi32> to vector<16xi32>
    %add3A_2077 = vector.broadcast %mul3A_410 : i32 to vector<16xi32>
    %add3A_2078 = arith.addi %get3A_2076, %add3A_2077 : vector<16xi32>
    %swap3A_2079 = arith.constant 16 : index
    %swap3A_2080 = tpu.vector_load %arg5[%swap3A_2079] {strides = array<i32>} : memref<128xi32, #tpu.memory_space<vmem>>, vector<16xi32>,
    %swap3A_2081 = vector.shape_cast %swap3A_2080 : vector<16xi32> to vector<16xi32>
    %swap3A_2082 = vector.shape_cast %add3A_2078 : vector<16xi32> to vector<16xi32>
    tpu.vector_store %arg5[%swap3A_2079], %swap3A_2082 {strides = array<i32>} : memref<128xi32, #tpu.memory_space<vmem>>, vector<16xi32>,
    %get3A_2083 = arith.constant 2976 : index
    %get3A_2084 = tpu.vector_load %arg4[%get3A_2083] {strides = array<i32>} : memref<3200xi32, #tpu.memory_space<vmem>>, vector<16xi32>,
    %get3A_2085 = vector.shape_cast %get3A_2084 : vector<16xi32> to vector<16xi32>
    %add3A_2086 = vector.broadcast %mul3A_410 : i32 to vector<16xi32>
    %add3A_2087 = arith.addi %get3A_2085, %add3A_2086 : vector<16xi32>
    %swap3A_2088 = arith.constant 32 : index
    %swap3A_2089 = tpu.vector_load %arg5[%swap3A_2088] {strides = array<i32>} : memref<128xi32, #tpu.memory_space<vmem>>, vector<16xi32>,
    %swap3A_2090 = vector.shape_cast %swap3A_2089 : vector<16xi32> to vector<16xi32>
    %swap3A_2091 = vector.shape_cast %add3A_2087 : vector<16xi32> to vector<16xi32>
    tpu.vector_store %arg5[%swap3A_2088], %swap3A_2091 {strides = array<i32>} : memref<128xi32, #tpu.memory_space<vmem>>, vector<16xi32>,
    %get3A_2092 = arith.constant 2992 : index
    %get3A_2093 = tpu.vector_load %arg4[%get3A_2092] {strides = array<i32>} : memref<3200xi32, #tpu.memory_space<vmem>>, vector<16xi32>,
    %get3A_2094 = vector.shape_cast %get3A_2093 : vector<16xi32> to vector<16xi32>
    %add3A_2095 = vector.broadcast %mul3A_410 : i32 to vector<16xi32>
    %add3A_2096 = arith.addi %get3A_2094, %add3A_2095 : vector<16xi32>
    %swap3A_2097 = arith.constant 48 : index
    %swap3A_2098 = tpu.vector_load %arg5[%swap3A_2097] {strides = array<i32>} : memref<128xi32, #tpu.memory_space<vmem>>, vector<16xi32>,
    %swap3A_2099 = vector.shape_cast %swap3A_2098 : vector<16xi32> to vector<16xi32>
    %swap3A_2100 = vector.shape_cast %add3A_2096 : vector<16xi32> to vector<16xi32>
    tpu.vector_store %arg5[%swap3A_2097], %swap3A_2100 {strides = array<i32>} : memref<128xi32, #tpu.memory_space<vmem>>, vector<16xi32>,
    %get3A_2101 = arith.constant 3008 : index
    %get3A_2102 = tpu.vector_load %arg4[%get3A_2101] {strides = array<i32>} : memref<3200xi32, #tpu.memory_space<vmem>>, vector<16xi32>,
    %get3A_2103 = vector.shape_cast %get3A_2102 : vector<16xi32> to vector<16xi32>
    %add3A_2104 = vector.broadcast %mul3A_410 : i32 to vector<16xi32>
    %add3A_2105 = arith.addi %get3A_2103, %add3A_2104 : vector<16xi32>
    %swap3A_2106 = arith.constant 64 : index
    %swap3A_2107 = tpu.vector_load %arg5[%swap3A_2106] {strides = array<i32>} : memref<128xi32, #tpu.memory_space<vmem>>, vector<16xi32>,
    %swap3A_2108 = vector.shape_cast %swap3A_2107 : vector<16xi32> to vector<16xi32>
    %swap3A_2109 = vector.shape_cast %add3A_2105 : vector<16xi32> to vector<16xi32>
    tpu.vector_store %arg5[%swap3A_2106], %swap3A_2109 {strides = array<i32>} : memref<128xi32, #tpu.memory_space<vmem>>, vector<16xi32>,
    %get3A_2110 = arith.constant 3024 : index
    %get3A_2111 = tpu.vector_load %arg4[%get3A_2110] {strides = array<i32>} : memref<3200xi32, #tpu.memory_space<vmem>>, vector<16xi32>,
    %get3A_2112 = vector.shape_cast %get3A_2111 : vector<16xi32> to vector<16xi32>
    %add3A_2113 = vector.broadcast %mul3A_410 : i32 to vector<16xi32>
    %add3A_2114 = arith.addi %get3A_2112, %add3A_2113 : vector<16xi32>
    %swap3A_2115 = arith.constant 80 : index
    %swap3A_2116 = tpu.vector_load %arg5[%swap3A_2115] {strides = array<i32>} : memref<128xi32, #tpu.memory_space<vmem>>, vector<16xi32>,
    %swap3A_2117 = vector.shape_cast %swap3A_2116 : vector<16xi32> to vector<16xi32>
    %swap3A_2118 = vector.shape_cast %add3A_2114 : vector<16xi32> to vector<16xi32>
    tpu.vector_store %arg5[%swap3A_2115], %swap3A_2118 {strides = array<i32>} : memref<128xi32, #tpu.memory_space<vmem>>, vector<16xi32>,
    %get3A_2119 = arith.constant 3040 : index
    %get3A_2120 = tpu.vector_load %arg4[%get3A_2119] {strides = array<i32>} : memref<3200xi32, #tpu.memory_space<vmem>>, vector<16xi32>,
    %get3A_2121 = vector.shape_cast %get3A_2120 : vector<16xi32> to vector<16xi32>
    %add3A_2122 = vector.broadcast %mul3A_410 : i32 to vector<16xi32>
    %add3A_2123 = arith.addi %get3A_2121, %add3A_2122 : vector<16xi32>
    %swap3A_2124 = arith.constant 96 : index
    %swap3A_2125 = tpu.vector_load %arg5[%swap3A_2124] {strides = array<i32>} : memref<128xi32, #tpu.memory_space<vmem>>, vector<16xi32>,
    %swap3A_2126 = vector.shape_cast %swap3A_2125 : vector<16xi32> to vector<16xi32>
    %swap3A_2127 = vector.shape_cast %add3A_2123 : vector<16xi32> to vector<16xi32>
    tpu.vector_store %arg5[%swap3A_2124], %swap3A_2127 {strides = array<i32>} : memref<128xi32, #tpu.memory_space<vmem>>, vector<16xi32>,
    %get3A_2128 = arith.constant 3056 : index
    %get3A_2129 = tpu.vector_load %arg4[%get3A_2128] {strides = array<i32>} : memref<3200xi32, #tpu.memory_space<vmem>>, vector<16xi32>,
    %get3A_2130 = vector.shape_cast %get3A_2129 : vector<16xi32> to vector<16xi32>
    %add3A_2131 = vector.broadcast %mul3A_410 : i32 to vector<16xi32>
    %add3A_2132 = arith.addi %get3A_2130, %add3A_2131 : vector<16xi32>
    %swap3A_2133 = arith.constant 112 : index
    %swap3A_2134 = tpu.vector_load %arg5[%swap3A_2133] {strides = array<i32>} : memref<128xi32, #tpu.memory_space<vmem>>, vector<16xi32>,
    %swap3A_2135 = vector.shape_cast %swap3A_2134 : vector<16xi32> to vector<16xi32>
    %swap3A_2136 = vector.shape_cast %add3A_2132 : vector<16xi32> to vector<16xi32>
    tpu.vector_store %arg5[%swap3A_2133], %swap3A_2136 {strides = array<i32>} : memref<128xi32, #tpu.memory_space<vmem>>, vector<16xi32>,
    "tpu.region"() ({
      %run_scoped3A = tpu.sem_alloc : memref<!tpu.dma_semaphore, #tpu.memory_space<semaphore_mem>>
      %dma_start3A = arith.constant 0 : i32
      %dma_start3A_2214 = tpu.memref_slice %arg10[%dma_start3A] : memref<2304xf32, #tpu.memory_space<vmem_shared>> -> memref<2304xf32, #tpu.memory_space<vmem_shared>>
      tpu.enqueue_indirect_dma source(%arg6 : memref<128xf32, #tpu.memory_space<vmem>>) target(%dma_start3A_2214 : memref<2304xf32, #tpu.memory_space<vmem_shared>>) offsets(%arg5 : memref<128xi32, #tpu.memory_space<vmem>>) semaphore(%run_scoped3A : memref<!tpu.dma_semaphore, #tpu.memory_space<semaphore_mem>>) {add = true}
      %dma_wait3A = arith.constant 0 : i32
      %dma_wait3A_2215 = tpu.memref_slice %arg10[%dma_wait3A] : memref<2304xf32, #tpu.memory_space<vmem_shared>> -> memref<2304xf32, #tpu.memory_space<vmem_shared>>
      tpu.wait_indirect_dma semaphore(%run_scoped3A : memref<!tpu.dma_semaphore, #tpu.memory_space<semaphore_mem>>) src(%arg6 : memref<128xf32, #tpu.memory_space<vmem>>) dst(%dma_wait3A_2215 : memref<2304xf32, #tpu.memory_space<vmem_shared>>)
      tpu.yield
    }) : () -> ()
    %get3A_2137 = arith.constant 3072 : index
    %get3A_2138 = tpu.vector_load %arg4[%get3A_2137] {strides = array<i32>} : memref<3200xi32, #tpu.memory_space<vmem>>, vector<16xi32>,
    %get3A_2139 = vector.shape_cast %get3A_2138 : vector<16xi32> to vector<16xi32>
    %add3A_2140 = vector.broadcast %mul3A_410 : i32 to vector<16xi32>
    %add3A_2141 = arith.addi %get3A_2139, %add3A_2140 : vector<16xi32>
    %swap3A_2142 = arith.constant 0 : index
    %swap3A_2143 = tpu.vector_load %arg5[%swap3A_2142] {strides = array<i32>} : memref<128xi32, #tpu.memory_space<vmem>>, vector<16xi32>,
    %swap3A_2144 = vector.shape_cast %swap3A_2143 : vector<16xi32> to vector<16xi32>
    %swap3A_2145 = vector.shape_cast %add3A_2141 : vector<16xi32> to vector<16xi32>
    tpu.vector_store %arg5[%swap3A_2142], %swap3A_2145 {strides = array<i32>} : memref<128xi32, #tpu.memory_space<vmem>>, vector<16xi32>,
    %get3A_2146 = arith.constant 3088 : index
    %get3A_2147 = tpu.vector_load %arg4[%get3A_2146] {strides = array<i32>} : memref<3200xi32, #tpu.memory_space<vmem>>, vector<16xi32>,
    %get3A_2148 = vector.shape_cast %get3A_2147 : vector<16xi32> to vector<16xi32>
    %add3A_2149 = vector.broadcast %mul3A_410 : i32 to vector<16xi32>
    %add3A_2150 = arith.addi %get3A_2148, %add3A_2149 : vector<16xi32>
    %swap3A_2151 = arith.constant 16 : index
    %swap3A_2152 = tpu.vector_load %arg5[%swap3A_2151] {strides = array<i32>} : memref<128xi32, #tpu.memory_space<vmem>>, vector<16xi32>,
    %swap3A_2153 = vector.shape_cast %swap3A_2152 : vector<16xi32> to vector<16xi32>
    %swap3A_2154 = vector.shape_cast %add3A_2150 : vector<16xi32> to vector<16xi32>
    tpu.vector_store %arg5[%swap3A_2151], %swap3A_2154 {strides = array<i32>} : memref<128xi32, #tpu.memory_space<vmem>>, vector<16xi32>,
    %get3A_2155 = arith.constant 3104 : index
    %get3A_2156 = tpu.vector_load %arg4[%get3A_2155] {strides = array<i32>} : memref<3200xi32, #tpu.memory_space<vmem>>, vector<16xi32>,
    %get3A_2157 = vector.shape_cast %get3A_2156 : vector<16xi32> to vector<16xi32>
    %add3A_2158 = vector.broadcast %mul3A_410 : i32 to vector<16xi32>
    %add3A_2159 = arith.addi %get3A_2157, %add3A_2158 : vector<16xi32>
    %swap3A_2160 = arith.constant 32 : index
    %swap3A_2161 = tpu.vector_load %arg5[%swap3A_2160] {strides = array<i32>} : memref<128xi32, #tpu.memory_space<vmem>>, vector<16xi32>,
    %swap3A_2162 = vector.shape_cast %swap3A_2161 : vector<16xi32> to vector<16xi32>
    %swap3A_2163 = vector.shape_cast %add3A_2159 : vector<16xi32> to vector<16xi32>
    tpu.vector_store %arg5[%swap3A_2160], %swap3A_2163 {strides = array<i32>} : memref<128xi32, #tpu.memory_space<vmem>>, vector<16xi32>,
    %get3A_2164 = arith.constant 3120 : index
    %get3A_2165 = tpu.vector_load %arg4[%get3A_2164] {strides = array<i32>} : memref<3200xi32, #tpu.memory_space<vmem>>, vector<16xi32>,
    %get3A_2166 = vector.shape_cast %get3A_2165 : vector<16xi32> to vector<16xi32>
    %add3A_2167 = vector.broadcast %mul3A_410 : i32 to vector<16xi32>
    %add3A_2168 = arith.addi %get3A_2166, %add3A_2167 : vector<16xi32>
    %swap3A_2169 = arith.constant 48 : index
    %swap3A_2170 = tpu.vector_load %arg5[%swap3A_2169] {strides = array<i32>} : memref<128xi32, #tpu.memory_space<vmem>>, vector<16xi32>,
    %swap3A_2171 = vector.shape_cast %swap3A_2170 : vector<16xi32> to vector<16xi32>
    %swap3A_2172 = vector.shape_cast %add3A_2168 : vector<16xi32> to vector<16xi32>
    tpu.vector_store %arg5[%swap3A_2169], %swap3A_2172 {strides = array<i32>} : memref<128xi32, #tpu.memory_space<vmem>>, vector<16xi32>,
    %get3A_2173 = arith.constant 3136 : index
    %get3A_2174 = tpu.vector_load %arg4[%get3A_2173] {strides = array<i32>} : memref<3200xi32, #tpu.memory_space<vmem>>, vector<16xi32>,
    %get3A_2175 = vector.shape_cast %get3A_2174 : vector<16xi32> to vector<16xi32>
    %add3A_2176 = vector.broadcast %mul3A_410 : i32 to vector<16xi32>
    %add3A_2177 = arith.addi %get3A_2175, %add3A_2176 : vector<16xi32>
    %swap3A_2178 = arith.constant 64 : index
    %swap3A_2179 = tpu.vector_load %arg5[%swap3A_2178] {strides = array<i32>} : memref<128xi32, #tpu.memory_space<vmem>>, vector<16xi32>,
    %swap3A_2180 = vector.shape_cast %swap3A_2179 : vector<16xi32> to vector<16xi32>
    %swap3A_2181 = vector.shape_cast %add3A_2177 : vector<16xi32> to vector<16xi32>
    tpu.vector_store %arg5[%swap3A_2178], %swap3A_2181 {strides = array<i32>} : memref<128xi32, #tpu.memory_space<vmem>>, vector<16xi32>,
    %get3A_2182 = arith.constant 3152 : index
    %get3A_2183 = tpu.vector_load %arg4[%get3A_2182] {strides = array<i32>} : memref<3200xi32, #tpu.memory_space<vmem>>, vector<16xi32>,
    %get3A_2184 = vector.shape_cast %get3A_2183 : vector<16xi32> to vector<16xi32>
    %add3A_2185 = vector.broadcast %mul3A_410 : i32 to vector<16xi32>
    %add3A_2186 = arith.addi %get3A_2184, %add3A_2185 : vector<16xi32>
    %swap3A_2187 = arith.constant 80 : index
    %swap3A_2188 = tpu.vector_load %arg5[%swap3A_2187] {strides = array<i32>} : memref<128xi32, #tpu.memory_space<vmem>>, vector<16xi32>,
    %swap3A_2189 = vector.shape_cast %swap3A_2188 : vector<16xi32> to vector<16xi32>
    %swap3A_2190 = vector.shape_cast %add3A_2186 : vector<16xi32> to vector<16xi32>
    tpu.vector_store %arg5[%swap3A_2187], %swap3A_2190 {strides = array<i32>} : memref<128xi32, #tpu.memory_space<vmem>>, vector<16xi32>,
    %get3A_2191 = arith.constant 3168 : index
    %get3A_2192 = tpu.vector_load %arg4[%get3A_2191] {strides = array<i32>} : memref<3200xi32, #tpu.memory_space<vmem>>, vector<16xi32>,
    %get3A_2193 = vector.shape_cast %get3A_2192 : vector<16xi32> to vector<16xi32>
    %add3A_2194 = vector.broadcast %mul3A_410 : i32 to vector<16xi32>
    %add3A_2195 = arith.addi %get3A_2193, %add3A_2194 : vector<16xi32>
    %swap3A_2196 = arith.constant 96 : index
    %swap3A_2197 = tpu.vector_load %arg5[%swap3A_2196] {strides = array<i32>} : memref<128xi32, #tpu.memory_space<vmem>>, vector<16xi32>,
    %swap3A_2198 = vector.shape_cast %swap3A_2197 : vector<16xi32> to vector<16xi32>
    %swap3A_2199 = vector.shape_cast %add3A_2195 : vector<16xi32> to vector<16xi32>
    tpu.vector_store %arg5[%swap3A_2196], %swap3A_2199 {strides = array<i32>} : memref<128xi32, #tpu.memory_space<vmem>>, vector<16xi32>,
    %get3A_2200 = arith.constant 3184 : index
    %get3A_2201 = tpu.vector_load %arg4[%get3A_2200] {strides = array<i32>} : memref<3200xi32, #tpu.memory_space<vmem>>, vector<16xi32>,
    %get3A_2202 = vector.shape_cast %get3A_2201 : vector<16xi32> to vector<16xi32>
    %add3A_2203 = vector.broadcast %mul3A_410 : i32 to vector<16xi32>
    %add3A_2204 = arith.addi %get3A_2202, %add3A_2203 : vector<16xi32>
    %swap3A_2205 = arith.constant 112 : index
    %swap3A_2206 = tpu.vector_load %arg5[%swap3A_2205] {strides = array<i32>} : memref<128xi32, #tpu.memory_space<vmem>>, vector<16xi32>,
    %swap3A_2207 = vector.shape_cast %swap3A_2206 : vector<16xi32> to vector<16xi32>
    %swap3A_2208 = vector.shape_cast %add3A_2204 : vector<16xi32> to vector<16xi32>
    tpu.vector_store %arg5[%swap3A_2205], %swap3A_2208 {strides = array<i32>} : memref<128xi32, #tpu.memory_space<vmem>>, vector<16xi32>,
    "tpu.region"() ({
      %run_scoped3A = tpu.sem_alloc : memref<!tpu.dma_semaphore, #tpu.memory_space<semaphore_mem>>
      %dma_start3A = arith.constant 0 : i32
      %dma_start3A_2214 = tpu.memref_slice %arg10[%dma_start3A] : memref<2304xf32, #tpu.memory_space<vmem_shared>> -> memref<2304xf32, #tpu.memory_space<vmem_shared>>
      tpu.enqueue_indirect_dma source(%arg6 : memref<128xf32, #tpu.memory_space<vmem>>) target(%dma_start3A_2214 : memref<2304xf32, #tpu.memory_space<vmem_shared>>) offsets(%arg5 : memref<128xi32, #tpu.memory_space<vmem>>) semaphore(%run_scoped3A : memref<!tpu.dma_semaphore, #tpu.memory_space<semaphore_mem>>) {add = true}
      %dma_wait3A = arith.constant 0 : i32
      %dma_wait3A_2215 = tpu.memref_slice %arg10[%dma_wait3A] : memref<2304xf32, #tpu.memory_space<vmem_shared>> -> memref<2304xf32, #tpu.memory_space<vmem_shared>>
      tpu.wait_indirect_dma semaphore(%run_scoped3A : memref<!tpu.dma_semaphore, #tpu.memory_space<semaphore_mem>>) src(%arg6 : memref<128xf32, #tpu.memory_space<vmem>>) dst(%dma_wait3A_2215 : memref<2304xf32, #tpu.memory_space<vmem_shared>>)
      tpu.yield
    }) : () -> ()
    %barrier3A = arith.constant 0 : index
    tpu.barrier barrier_id(%barrier3A)
    %eq3A_2209 = arith.constant 0 : i32
    %eq3A_2210 = arith.cmpi eq, %arg1, %eq3A_2209 : i32
    %convert_element_type3A_2211 = arith.extui %eq3A_2210 : i1 to i32
    %cond3A_2212 = arith.constant 0 : i32
    %cond3A_2213 = arith.cmpi ne, %convert_element_type3A_2211, %cond3A_2212 : i32
    scf.if %cond3A_2213 {
      "tpu.region"() ({
        %run_scoped3A = tpu.sem_alloc : memref<!tpu.dma_semaphore, #tpu.memory_space<semaphore_mem>>
        tpu.enqueue_dma source(%arg10 : memref<2304xf32, #tpu.memory_space<vmem_shared>>) target(%arg8 : memref<2304xf32, #tpu.memory_space<vmem>>) target_semaphore(%run_scoped3A : memref<!tpu.dma_semaphore, #tpu.memory_space<semaphore_mem>>)
        tpu.wait_dma2 semaphore(%run_scoped3A : memref<!tpu.dma_semaphore, #tpu.memory_space<semaphore_mem>>) src(%arg10 : memref<2304xf32, #tpu.memory_space<vmem_shared>>) dst(%arg8 : memref<2304xf32, #tpu.memory_space<vmem>>)
        tpu.yield
      }) : () -> ()
      %broadcast_in_dim3A_2214 = arith.constant 0.000000e+00 : f32
      %broadcast_in_dim3A_2215 = vector.broadcast %broadcast_in_dim3A_2214 : f32 to vector<16xf32>
      %get3A_2216 = arith.constant 0 : index
      %get3A_2217 = tpu.vector_load %arg8[%get3A_2216] {strides = array<i32>} : memref<2304xf32, #tpu.memory_space<vmem>>, vector<16xf32>,
      %get3A_2218 = vector.shape_cast %get3A_2217 : vector<16xf32> to vector<16xf32>
      %add3A_2219 = arith.addf %broadcast_in_dim3A_2215, %get3A_2218 : vector<16xf32>
      %get3A_2220 = arith.constant 144 : index
      %get3A_2221 = tpu.vector_load %arg8[%get3A_2220] {strides = array<i32>} : memref<2304xf32, #tpu.memory_space<vmem>>, vector<16xf32>,
      %get3A_2222 = vector.shape_cast %get3A_2221 : vector<16xf32> to vector<16xf32>
      %add3A_2223 = arith.addf %add3A_2219, %get3A_2222 : vector<16xf32>
      %get3A_2224 = arith.constant 288 : index
      %get3A_2225 = tpu.vector_load %arg8[%get3A_2224] {strides = array<i32>} : memref<2304xf32, #tpu.memory_space<vmem>>, vector<16xf32>,
      %get3A_2226 = vector.shape_cast %get3A_2225 : vector<16xf32> to vector<16xf32>
      %add3A_2227 = arith.addf %add3A_2223, %get3A_2226 : vector<16xf32>
      %get3A_2228 = arith.constant 432 : index
      %get3A_2229 = tpu.vector_load %arg8[%get3A_2228] {strides = array<i32>} : memref<2304xf32, #tpu.memory_space<vmem>>, vector<16xf32>,
      %get3A_2230 = vector.shape_cast %get3A_2229 : vector<16xf32> to vector<16xf32>
      %add3A_2231 = arith.addf %add3A_2227, %get3A_2230 : vector<16xf32>
      %get3A_2232 = arith.constant 576 : index
      %get3A_2233 = tpu.vector_load %arg8[%get3A_2232] {strides = array<i32>} : memref<2304xf32, #tpu.memory_space<vmem>>, vector<16xf32>,
      %get3A_2234 = vector.shape_cast %get3A_2233 : vector<16xf32> to vector<16xf32>
      %add3A_2235 = arith.addf %add3A_2231, %get3A_2234 : vector<16xf32>
      %get3A_2236 = arith.constant 720 : index
      %get3A_2237 = tpu.vector_load %arg8[%get3A_2236] {strides = array<i32>} : memref<2304xf32, #tpu.memory_space<vmem>>, vector<16xf32>,
      %get3A_2238 = vector.shape_cast %get3A_2237 : vector<16xf32> to vector<16xf32>
      %add3A_2239 = arith.addf %add3A_2235, %get3A_2238 : vector<16xf32>
      %get3A_2240 = arith.constant 864 : index
      %get3A_2241 = tpu.vector_load %arg8[%get3A_2240] {strides = array<i32>} : memref<2304xf32, #tpu.memory_space<vmem>>, vector<16xf32>,
      %get3A_2242 = vector.shape_cast %get3A_2241 : vector<16xf32> to vector<16xf32>
      %add3A_2243 = arith.addf %add3A_2239, %get3A_2242 : vector<16xf32>
      %get3A_2244 = arith.constant 1008 : index
      %get3A_2245 = tpu.vector_load %arg8[%get3A_2244] {strides = array<i32>} : memref<2304xf32, #tpu.memory_space<vmem>>, vector<16xf32>,
      %get3A_2246 = vector.shape_cast %get3A_2245 : vector<16xf32> to vector<16xf32>
      %add3A_2247 = arith.addf %add3A_2243, %get3A_2246 : vector<16xf32>
      %get3A_2248 = arith.constant 1152 : index
      %get3A_2249 = tpu.vector_load %arg8[%get3A_2248] {strides = array<i32>} : memref<2304xf32, #tpu.memory_space<vmem>>, vector<16xf32>,
      %get3A_2250 = vector.shape_cast %get3A_2249 : vector<16xf32> to vector<16xf32>
      %add3A_2251 = arith.addf %add3A_2247, %get3A_2250 : vector<16xf32>
      %get3A_2252 = arith.constant 1296 : index
      %get3A_2253 = tpu.vector_load %arg8[%get3A_2252] {strides = array<i32>} : memref<2304xf32, #tpu.memory_space<vmem>>, vector<16xf32>,
      %get3A_2254 = vector.shape_cast %get3A_2253 : vector<16xf32> to vector<16xf32>
      %add3A_2255 = arith.addf %add3A_2251, %get3A_2254 : vector<16xf32>
      %get3A_2256 = arith.constant 1440 : index
      %get3A_2257 = tpu.vector_load %arg8[%get3A_2256] {strides = array<i32>} : memref<2304xf32, #tpu.memory_space<vmem>>, vector<16xf32>,
      %get3A_2258 = vector.shape_cast %get3A_2257 : vector<16xf32> to vector<16xf32>
      %add3A_2259 = arith.addf %add3A_2255, %get3A_2258 : vector<16xf32>
      %get3A_2260 = arith.constant 1584 : index
      %get3A_2261 = tpu.vector_load %arg8[%get3A_2260] {strides = array<i32>} : memref<2304xf32, #tpu.memory_space<vmem>>, vector<16xf32>,
      %get3A_2262 = vector.shape_cast %get3A_2261 : vector<16xf32> to vector<16xf32>
      %add3A_2263 = arith.addf %add3A_2259, %get3A_2262 : vector<16xf32>
      %get3A_2264 = arith.constant 1728 : index
      %get3A_2265 = tpu.vector_load %arg8[%get3A_2264] {strides = array<i32>} : memref<2304xf32, #tpu.memory_space<vmem>>, vector<16xf32>,
      %get3A_2266 = vector.shape_cast %get3A_2265 : vector<16xf32> to vector<16xf32>
      %add3A_2267 = arith.addf %add3A_2263, %get3A_2266 : vector<16xf32>
      %get3A_2268 = arith.constant 1872 : index
      %get3A_2269 = tpu.vector_load %arg8[%get3A_2268] {strides = array<i32>} : memref<2304xf32, #tpu.memory_space<vmem>>, vector<16xf32>,
      %get3A_2270 = vector.shape_cast %get3A_2269 : vector<16xf32> to vector<16xf32>
      %add3A_2271 = arith.addf %add3A_2267, %get3A_2270 : vector<16xf32>
      %get3A_2272 = arith.constant 2016 : index
      %get3A_2273 = tpu.vector_load %arg8[%get3A_2272] {strides = array<i32>} : memref<2304xf32, #tpu.memory_space<vmem>>, vector<16xf32>,
      %get3A_2274 = vector.shape_cast %get3A_2273 : vector<16xf32> to vector<16xf32>
      %add3A_2275 = arith.addf %add3A_2271, %get3A_2274 : vector<16xf32>
      %get3A_2276 = arith.constant 2160 : index
      %get3A_2277 = tpu.vector_load %arg8[%get3A_2276] {strides = array<i32>} : memref<2304xf32, #tpu.memory_space<vmem>>, vector<16xf32>,
      %get3A_2278 = vector.shape_cast %get3A_2277 : vector<16xf32> to vector<16xf32>
      %add3A_2279 = arith.addf %add3A_2275, %get3A_2278 : vector<16xf32>
      %swap3A_2280 = arith.constant 0 : index
      %swap3A_2281 = tpu.vector_load %arg9[%swap3A_2280] {strides = array<i32>} : memref<128xf32, #tpu.memory_space<vmem>>, vector<16xf32>,
      %swap3A_2282 = vector.shape_cast %swap3A_2281 : vector<16xf32> to vector<16xf32>
      %swap3A_2283 = vector.shape_cast %add3A_2279 : vector<16xf32> to vector<16xf32>
      tpu.vector_store %arg9[%swap3A_2280], %swap3A_2283 {strides = array<i32>} : memref<128xf32, #tpu.memory_space<vmem>>, vector<16xf32>,
      %broadcast_in_dim3A_2284 = arith.constant 0.000000e+00 : f32
      %broadcast_in_dim3A_2285 = vector.broadcast %broadcast_in_dim3A_2284 : f32 to vector<16xf32>
      %get3A_2286 = arith.constant 16 : index
      %get3A_2287 = tpu.vector_load %arg8[%get3A_2286] {strides = array<i32>} : memref<2304xf32, #tpu.memory_space<vmem>>, vector<16xf32>,
      %get3A_2288 = vector.shape_cast %get3A_2287 : vector<16xf32> to vector<16xf32>
      %add3A_2289 = arith.addf %broadcast_in_dim3A_2285, %get3A_2288 : vector<16xf32>
      %get3A_2290 = arith.constant 160 : index
      %get3A_2291 = tpu.vector_load %arg8[%get3A_2290] {strides = array<i32>} : memref<2304xf32, #tpu.memory_space<vmem>>, vector<16xf32>,
      %get3A_2292 = vector.shape_cast %get3A_2291 : vector<16xf32> to vector<16xf32>
      %add3A_2293 = arith.addf %add3A_2289, %get3A_2292 : vector<16xf32>
      %get3A_2294 = arith.constant 304 : index
      %get3A_2295 = tpu.vector_load %arg8[%get3A_2294] {strides = array<i32>} : memref<2304xf32, #tpu.memory_space<vmem>>, vector<16xf32>,
      %get3A_2296 = vector.shape_cast %get3A_2295 : vector<16xf32> to vector<16xf32>
      %add3A_2297 = arith.addf %add3A_2293, %get3A_2296 : vector<16xf32>
      %get3A_2298 = arith.constant 448 : index
      %get3A_2299 = tpu.vector_load %arg8[%get3A_2298] {strides = array<i32>} : memref<2304xf32, #tpu.memory_space<vmem>>, vector<16xf32>,
      %get3A_2300 = vector.shape_cast %get3A_2299 : vector<16xf32> to vector<16xf32>
      %add3A_2301 = arith.addf %add3A_2297, %get3A_2300 : vector<16xf32>
      %get3A_2302 = arith.constant 592 : index
      %get3A_2303 = tpu.vector_load %arg8[%get3A_2302] {strides = array<i32>} : memref<2304xf32, #tpu.memory_space<vmem>>, vector<16xf32>,
      %get3A_2304 = vector.shape_cast %get3A_2303 : vector<16xf32> to vector<16xf32>
      %add3A_2305 = arith.addf %add3A_2301, %get3A_2304 : vector<16xf32>
      %get3A_2306 = arith.constant 736 : index
      %get3A_2307 = tpu.vector_load %arg8[%get3A_2306] {strides = array<i32>} : memref<2304xf32, #tpu.memory_space<vmem>>, vector<16xf32>,
      %get3A_2308 = vector.shape_cast %get3A_2307 : vector<16xf32> to vector<16xf32>
      %add3A_2309 = arith.addf %add3A_2305, %get3A_2308 : vector<16xf32>
      %get3A_2310 = arith.constant 880 : index
      %get3A_2311 = tpu.vector_load %arg8[%get3A_2310] {strides = array<i32>} : memref<2304xf32, #tpu.memory_space<vmem>>, vector<16xf32>,
      %get3A_2312 = vector.shape_cast %get3A_2311 : vector<16xf32> to vector<16xf32>
      %add3A_2313 = arith.addf %add3A_2309, %get3A_2312 : vector<16xf32>
      %get3A_2314 = arith.constant 1024 : index
      %get3A_2315 = tpu.vector_load %arg8[%get3A_2314] {strides = array<i32>} : memref<2304xf32, #tpu.memory_space<vmem>>, vector<16xf32>,
      %get3A_2316 = vector.shape_cast %get3A_2315 : vector<16xf32> to vector<16xf32>
      %add3A_2317 = arith.addf %add3A_2313, %get3A_2316 : vector<16xf32>
      %get3A_2318 = arith.constant 1168 : index
      %get3A_2319 = tpu.vector_load %arg8[%get3A_2318] {strides = array<i32>} : memref<2304xf32, #tpu.memory_space<vmem>>, vector<16xf32>,
      %get3A_2320 = vector.shape_cast %get3A_2319 : vector<16xf32> to vector<16xf32>
      %add3A_2321 = arith.addf %add3A_2317, %get3A_2320 : vector<16xf32>
      %get3A_2322 = arith.constant 1312 : index
      %get3A_2323 = tpu.vector_load %arg8[%get3A_2322] {strides = array<i32>} : memref<2304xf32, #tpu.memory_space<vmem>>, vector<16xf32>,
      %get3A_2324 = vector.shape_cast %get3A_2323 : vector<16xf32> to vector<16xf32>
      %add3A_2325 = arith.addf %add3A_2321, %get3A_2324 : vector<16xf32>
      %get3A_2326 = arith.constant 1456 : index
      %get3A_2327 = tpu.vector_load %arg8[%get3A_2326] {strides = array<i32>} : memref<2304xf32, #tpu.memory_space<vmem>>, vector<16xf32>,
      %get3A_2328 = vector.shape_cast %get3A_2327 : vector<16xf32> to vector<16xf32>
      %add3A_2329 = arith.addf %add3A_2325, %get3A_2328 : vector<16xf32>
      %get3A_2330 = arith.constant 1600 : index
      %get3A_2331 = tpu.vector_load %arg8[%get3A_2330] {strides = array<i32>} : memref<2304xf32, #tpu.memory_space<vmem>>, vector<16xf32>,
      %get3A_2332 = vector.shape_cast %get3A_2331 : vector<16xf32> to vector<16xf32>
      %add3A_2333 = arith.addf %add3A_2329, %get3A_2332 : vector<16xf32>
      %get3A_2334 = arith.constant 1744 : index
      %get3A_2335 = tpu.vector_load %arg8[%get3A_2334] {strides = array<i32>} : memref<2304xf32, #tpu.memory_space<vmem>>, vector<16xf32>,
      %get3A_2336 = vector.shape_cast %get3A_2335 : vector<16xf32> to vector<16xf32>
      %add3A_2337 = arith.addf %add3A_2333, %get3A_2336 : vector<16xf32>
      %get3A_2338 = arith.constant 1888 : index
      %get3A_2339 = tpu.vector_load %arg8[%get3A_2338] {strides = array<i32>} : memref<2304xf32, #tpu.memory_space<vmem>>, vector<16xf32>,
      %get3A_2340 = vector.shape_cast %get3A_2339 : vector<16xf32> to vector<16xf32>
      %add3A_2341 = arith.addf %add3A_2337, %get3A_2340 : vector<16xf32>
      %get3A_2342 = arith.constant 2032 : index
      %get3A_2343 = tpu.vector_load %arg8[%get3A_2342] {strides = array<i32>} : memref<2304xf32, #tpu.memory_space<vmem>>, vector<16xf32>,
      %get3A_2344 = vector.shape_cast %get3A_2343 : vector<16xf32> to vector<16xf32>
      %add3A_2345 = arith.addf %add3A_2341, %get3A_2344 : vector<16xf32>
      %get3A_2346 = arith.constant 2176 : index
      %get3A_2347 = tpu.vector_load %arg8[%get3A_2346] {strides = array<i32>} : memref<2304xf32, #tpu.memory_space<vmem>>, vector<16xf32>,
      %get3A_2348 = vector.shape_cast %get3A_2347 : vector<16xf32> to vector<16xf32>
      %add3A_2349 = arith.addf %add3A_2345, %get3A_2348 : vector<16xf32>
      %swap3A_2350 = arith.constant 16 : index
      %swap3A_2351 = tpu.vector_load %arg9[%swap3A_2350] {strides = array<i32>} : memref<128xf32, #tpu.memory_space<vmem>>, vector<16xf32>,
      %swap3A_2352 = vector.shape_cast %swap3A_2351 : vector<16xf32> to vector<16xf32>
      %swap3A_2353 = vector.shape_cast %add3A_2349 : vector<16xf32> to vector<16xf32>
      tpu.vector_store %arg9[%swap3A_2350], %swap3A_2353 {strides = array<i32>} : memref<128xf32, #tpu.memory_space<vmem>>, vector<16xf32>,
      %broadcast_in_dim3A_2354 = arith.constant 0.000000e+00 : f32
      %broadcast_in_dim3A_2355 = vector.broadcast %broadcast_in_dim3A_2354 : f32 to vector<16xf32>
      %get3A_2356 = arith.constant 32 : index
      %get3A_2357 = tpu.vector_load %arg8[%get3A_2356] {strides = array<i32>} : memref<2304xf32, #tpu.memory_space<vmem>>, vector<16xf32>,
      %get3A_2358 = vector.shape_cast %get3A_2357 : vector<16xf32> to vector<16xf32>
      %add3A_2359 = arith.addf %broadcast_in_dim3A_2355, %get3A_2358 : vector<16xf32>
      %get3A_2360 = arith.constant 176 : index
      %get3A_2361 = tpu.vector_load %arg8[%get3A_2360] {strides = array<i32>} : memref<2304xf32, #tpu.memory_space<vmem>>, vector<16xf32>,
      %get3A_2362 = vector.shape_cast %get3A_2361 : vector<16xf32> to vector<16xf32>
      %add3A_2363 = arith.addf %add3A_2359, %get3A_2362 : vector<16xf32>
      %get3A_2364 = arith.constant 320 : index
      %get3A_2365 = tpu.vector_load %arg8[%get3A_2364] {strides = array<i32>} : memref<2304xf32, #tpu.memory_space<vmem>>, vector<16xf32>,
      %get3A_2366 = vector.shape_cast %get3A_2365 : vector<16xf32> to vector<16xf32>
      %add3A_2367 = arith.addf %add3A_2363, %get3A_2366 : vector<16xf32>
      %get3A_2368 = arith.constant 464 : index
      %get3A_2369 = tpu.vector_load %arg8[%get3A_2368] {strides = array<i32>} : memref<2304xf32, #tpu.memory_space<vmem>>, vector<16xf32>,
      %get3A_2370 = vector.shape_cast %get3A_2369 : vector<16xf32> to vector<16xf32>
      %add3A_2371 = arith.addf %add3A_2367, %get3A_2370 : vector<16xf32>
      %get3A_2372 = arith.constant 608 : index
      %get3A_2373 = tpu.vector_load %arg8[%get3A_2372] {strides = array<i32>} : memref<2304xf32, #tpu.memory_space<vmem>>, vector<16xf32>,
      %get3A_2374 = vector.shape_cast %get3A_2373 : vector<16xf32> to vector<16xf32>
      %add3A_2375 = arith.addf %add3A_2371, %get3A_2374 : vector<16xf32>
      %get3A_2376 = arith.constant 752 : index
      %get3A_2377 = tpu.vector_load %arg8[%get3A_2376] {strides = array<i32>} : memref<2304xf32, #tpu.memory_space<vmem>>, vector<16xf32>,
      %get3A_2378 = vector.shape_cast %get3A_2377 : vector<16xf32> to vector<16xf32>
      %add3A_2379 = arith.addf %add3A_2375, %get3A_2378 : vector<16xf32>
      %get3A_2380 = arith.constant 896 : index
      %get3A_2381 = tpu.vector_load %arg8[%get3A_2380] {strides = array<i32>} : memref<2304xf32, #tpu.memory_space<vmem>>, vector<16xf32>,
      %get3A_2382 = vector.shape_cast %get3A_2381 : vector<16xf32> to vector<16xf32>
      %add3A_2383 = arith.addf %add3A_2379, %get3A_2382 : vector<16xf32>
      %get3A_2384 = arith.constant 1040 : index
      %get3A_2385 = tpu.vector_load %arg8[%get3A_2384] {strides = array<i32>} : memref<2304xf32, #tpu.memory_space<vmem>>, vector<16xf32>,
      %get3A_2386 = vector.shape_cast %get3A_2385 : vector<16xf32> to vector<16xf32>
      %add3A_2387 = arith.addf %add3A_2383, %get3A_2386 : vector<16xf32>
      %get3A_2388 = arith.constant 1184 : index
      %get3A_2389 = tpu.vector_load %arg8[%get3A_2388] {strides = array<i32>} : memref<2304xf32, #tpu.memory_space<vmem>>, vector<16xf32>,
      %get3A_2390 = vector.shape_cast %get3A_2389 : vector<16xf32> to vector<16xf32>
      %add3A_2391 = arith.addf %add3A_2387, %get3A_2390 : vector<16xf32>
      %get3A_2392 = arith.constant 1328 : index
      %get3A_2393 = tpu.vector_load %arg8[%get3A_2392] {strides = array<i32>} : memref<2304xf32, #tpu.memory_space<vmem>>, vector<16xf32>,
      %get3A_2394 = vector.shape_cast %get3A_2393 : vector<16xf32> to vector<16xf32>
      %add3A_2395 = arith.addf %add3A_2391, %get3A_2394 : vector<16xf32>
      %get3A_2396 = arith.constant 1472 : index
      %get3A_2397 = tpu.vector_load %arg8[%get3A_2396] {strides = array<i32>} : memref<2304xf32, #tpu.memory_space<vmem>>, vector<16xf32>,
      %get3A_2398 = vector.shape_cast %get3A_2397 : vector<16xf32> to vector<16xf32>
      %add3A_2399 = arith.addf %add3A_2395, %get3A_2398 : vector<16xf32>
      %get3A_2400 = arith.constant 1616 : index
      %get3A_2401 = tpu.vector_load %arg8[%get3A_2400] {strides = array<i32>} : memref<2304xf32, #tpu.memory_space<vmem>>, vector<16xf32>,
      %get3A_2402 = vector.shape_cast %get3A_2401 : vector<16xf32> to vector<16xf32>
      %add3A_2403 = arith.addf %add3A_2399, %get3A_2402 : vector<16xf32>
      %get3A_2404 = arith.constant 1760 : index
      %get3A_2405 = tpu.vector_load %arg8[%get3A_2404] {strides = array<i32>} : memref<2304xf32, #tpu.memory_space<vmem>>, vector<16xf32>,
      %get3A_2406 = vector.shape_cast %get3A_2405 : vector<16xf32> to vector<16xf32>
      %add3A_2407 = arith.addf %add3A_2403, %get3A_2406 : vector<16xf32>
      %get3A_2408 = arith.constant 1904 : index
      %get3A_2409 = tpu.vector_load %arg8[%get3A_2408] {strides = array<i32>} : memref<2304xf32, #tpu.memory_space<vmem>>, vector<16xf32>,
      %get3A_2410 = vector.shape_cast %get3A_2409 : vector<16xf32> to vector<16xf32>
      %add3A_2411 = arith.addf %add3A_2407, %get3A_2410 : vector<16xf32>
      %get3A_2412 = arith.constant 2048 : index
      %get3A_2413 = tpu.vector_load %arg8[%get3A_2412] {strides = array<i32>} : memref<2304xf32, #tpu.memory_space<vmem>>, vector<16xf32>,
      %get3A_2414 = vector.shape_cast %get3A_2413 : vector<16xf32> to vector<16xf32>
      %add3A_2415 = arith.addf %add3A_2411, %get3A_2414 : vector<16xf32>
      %get3A_2416 = arith.constant 2192 : index
      %get3A_2417 = tpu.vector_load %arg8[%get3A_2416] {strides = array<i32>} : memref<2304xf32, #tpu.memory_space<vmem>>, vector<16xf32>,
      %get3A_2418 = vector.shape_cast %get3A_2417 : vector<16xf32> to vector<16xf32>
      %add3A_2419 = arith.addf %add3A_2415, %get3A_2418 : vector<16xf32>
      %swap3A_2420 = arith.constant 32 : index
      %swap3A_2421 = tpu.vector_load %arg9[%swap3A_2420] {strides = array<i32>} : memref<128xf32, #tpu.memory_space<vmem>>, vector<16xf32>,
      %swap3A_2422 = vector.shape_cast %swap3A_2421 : vector<16xf32> to vector<16xf32>
      %swap3A_2423 = vector.shape_cast %add3A_2419 : vector<16xf32> to vector<16xf32>
      tpu.vector_store %arg9[%swap3A_2420], %swap3A_2423 {strides = array<i32>} : memref<128xf32, #tpu.memory_space<vmem>>, vector<16xf32>,
      %broadcast_in_dim3A_2424 = arith.constant 0.000000e+00 : f32
      %broadcast_in_dim3A_2425 = vector.broadcast %broadcast_in_dim3A_2424 : f32 to vector<16xf32>
      %get3A_2426 = arith.constant 48 : index
      %get3A_2427 = tpu.vector_load %arg8[%get3A_2426] {strides = array<i32>} : memref<2304xf32, #tpu.memory_space<vmem>>, vector<16xf32>,
      %get3A_2428 = vector.shape_cast %get3A_2427 : vector<16xf32> to vector<16xf32>
      %add3A_2429 = arith.addf %broadcast_in_dim3A_2425, %get3A_2428 : vector<16xf32>
      %get3A_2430 = arith.constant 192 : index
      %get3A_2431 = tpu.vector_load %arg8[%get3A_2430] {strides = array<i32>} : memref<2304xf32, #tpu.memory_space<vmem>>, vector<16xf32>,
      %get3A_2432 = vector.shape_cast %get3A_2431 : vector<16xf32> to vector<16xf32>
      %add3A_2433 = arith.addf %add3A_2429, %get3A_2432 : vector<16xf32>
      %get3A_2434 = arith.constant 336 : index
      %get3A_2435 = tpu.vector_load %arg8[%get3A_2434] {strides = array<i32>} : memref<2304xf32, #tpu.memory_space<vmem>>, vector<16xf32>,
      %get3A_2436 = vector.shape_cast %get3A_2435 : vector<16xf32> to vector<16xf32>
      %add3A_2437 = arith.addf %add3A_2433, %get3A_2436 : vector<16xf32>
      %get3A_2438 = arith.constant 480 : index
      %get3A_2439 = tpu.vector_load %arg8[%get3A_2438] {strides = array<i32>} : memref<2304xf32, #tpu.memory_space<vmem>>, vector<16xf32>,
      %get3A_2440 = vector.shape_cast %get3A_2439 : vector<16xf32> to vector<16xf32>
      %add3A_2441 = arith.addf %add3A_2437, %get3A_2440 : vector<16xf32>
      %get3A_2442 = arith.constant 624 : index
      %get3A_2443 = tpu.vector_load %arg8[%get3A_2442] {strides = array<i32>} : memref<2304xf32, #tpu.memory_space<vmem>>, vector<16xf32>,
      %get3A_2444 = vector.shape_cast %get3A_2443 : vector<16xf32> to vector<16xf32>
      %add3A_2445 = arith.addf %add3A_2441, %get3A_2444 : vector<16xf32>
      %get3A_2446 = arith.constant 768 : index
      %get3A_2447 = tpu.vector_load %arg8[%get3A_2446] {strides = array<i32>} : memref<2304xf32, #tpu.memory_space<vmem>>, vector<16xf32>,
      %get3A_2448 = vector.shape_cast %get3A_2447 : vector<16xf32> to vector<16xf32>
      %add3A_2449 = arith.addf %add3A_2445, %get3A_2448 : vector<16xf32>
      %get3A_2450 = arith.constant 912 : index
      %get3A_2451 = tpu.vector_load %arg8[%get3A_2450] {strides = array<i32>} : memref<2304xf32, #tpu.memory_space<vmem>>, vector<16xf32>,
      %get3A_2452 = vector.shape_cast %get3A_2451 : vector<16xf32> to vector<16xf32>
      %add3A_2453 = arith.addf %add3A_2449, %get3A_2452 : vector<16xf32>
      %get3A_2454 = arith.constant 1056 : index
      %get3A_2455 = tpu.vector_load %arg8[%get3A_2454] {strides = array<i32>} : memref<2304xf32, #tpu.memory_space<vmem>>, vector<16xf32>,
      %get3A_2456 = vector.shape_cast %get3A_2455 : vector<16xf32> to vector<16xf32>
      %add3A_2457 = arith.addf %add3A_2453, %get3A_2456 : vector<16xf32>
      %get3A_2458 = arith.constant 1200 : index
      %get3A_2459 = tpu.vector_load %arg8[%get3A_2458] {strides = array<i32>} : memref<2304xf32, #tpu.memory_space<vmem>>, vector<16xf32>,
      %get3A_2460 = vector.shape_cast %get3A_2459 : vector<16xf32> to vector<16xf32>
      %add3A_2461 = arith.addf %add3A_2457, %get3A_2460 : vector<16xf32>
      %get3A_2462 = arith.constant 1344 : index
      %get3A_2463 = tpu.vector_load %arg8[%get3A_2462] {strides = array<i32>} : memref<2304xf32, #tpu.memory_space<vmem>>, vector<16xf32>,
      %get3A_2464 = vector.shape_cast %get3A_2463 : vector<16xf32> to vector<16xf32>
      %add3A_2465 = arith.addf %add3A_2461, %get3A_2464 : vector<16xf32>
      %get3A_2466 = arith.constant 1488 : index
      %get3A_2467 = tpu.vector_load %arg8[%get3A_2466] {strides = array<i32>} : memref<2304xf32, #tpu.memory_space<vmem>>, vector<16xf32>,
      %get3A_2468 = vector.shape_cast %get3A_2467 : vector<16xf32> to vector<16xf32>
      %add3A_2469 = arith.addf %add3A_2465, %get3A_2468 : vector<16xf32>
      %get3A_2470 = arith.constant 1632 : index
      %get3A_2471 = tpu.vector_load %arg8[%get3A_2470] {strides = array<i32>} : memref<2304xf32, #tpu.memory_space<vmem>>, vector<16xf32>,
      %get3A_2472 = vector.shape_cast %get3A_2471 : vector<16xf32> to vector<16xf32>
      %add3A_2473 = arith.addf %add3A_2469, %get3A_2472 : vector<16xf32>
      %get3A_2474 = arith.constant 1776 : index
      %get3A_2475 = tpu.vector_load %arg8[%get3A_2474] {strides = array<i32>} : memref<2304xf32, #tpu.memory_space<vmem>>, vector<16xf32>,
      %get3A_2476 = vector.shape_cast %get3A_2475 : vector<16xf32> to vector<16xf32>
      %add3A_2477 = arith.addf %add3A_2473, %get3A_2476 : vector<16xf32>
      %get3A_2478 = arith.constant 1920 : index
      %get3A_2479 = tpu.vector_load %arg8[%get3A_2478] {strides = array<i32>} : memref<2304xf32, #tpu.memory_space<vmem>>, vector<16xf32>,
      %get3A_2480 = vector.shape_cast %get3A_2479 : vector<16xf32> to vector<16xf32>
      %add3A_2481 = arith.addf %add3A_2477, %get3A_2480 : vector<16xf32>
      %get3A_2482 = arith.constant 2064 : index
      %get3A_2483 = tpu.vector_load %arg8[%get3A_2482] {strides = array<i32>} : memref<2304xf32, #tpu.memory_space<vmem>>, vector<16xf32>,
      %get3A_2484 = vector.shape_cast %get3A_2483 : vector<16xf32> to vector<16xf32>
      %add3A_2485 = arith.addf %add3A_2481, %get3A_2484 : vector<16xf32>
      %get3A_2486 = arith.constant 2208 : index
      %get3A_2487 = tpu.vector_load %arg8[%get3A_2486] {strides = array<i32>} : memref<2304xf32, #tpu.memory_space<vmem>>, vector<16xf32>,
      %get3A_2488 = vector.shape_cast %get3A_2487 : vector<16xf32> to vector<16xf32>
      %add3A_2489 = arith.addf %add3A_2485, %get3A_2488 : vector<16xf32>
      %swap3A_2490 = arith.constant 48 : index
      %swap3A_2491 = tpu.vector_load %arg9[%swap3A_2490] {strides = array<i32>} : memref<128xf32, #tpu.memory_space<vmem>>, vector<16xf32>,
      %swap3A_2492 = vector.shape_cast %swap3A_2491 : vector<16xf32> to vector<16xf32>
      %swap3A_2493 = vector.shape_cast %add3A_2489 : vector<16xf32> to vector<16xf32>
      tpu.vector_store %arg9[%swap3A_2490], %swap3A_2493 {strides = array<i32>} : memref<128xf32, #tpu.memory_space<vmem>>, vector<16xf32>,
      %broadcast_in_dim3A_2494 = arith.constant 0.000000e+00 : f32
      %broadcast_in_dim3A_2495 = vector.broadcast %broadcast_in_dim3A_2494 : f32 to vector<16xf32>
      %get3A_2496 = arith.constant 64 : index
      %get3A_2497 = tpu.vector_load %arg8[%get3A_2496] {strides = array<i32>} : memref<2304xf32, #tpu.memory_space<vmem>>, vector<16xf32>,
      %get3A_2498 = vector.shape_cast %get3A_2497 : vector<16xf32> to vector<16xf32>
      %add3A_2499 = arith.addf %broadcast_in_dim3A_2495, %get3A_2498 : vector<16xf32>
      %get3A_2500 = arith.constant 208 : index
      %get3A_2501 = tpu.vector_load %arg8[%get3A_2500] {strides = array<i32>} : memref<2304xf32, #tpu.memory_space<vmem>>, vector<16xf32>,
      %get3A_2502 = vector.shape_cast %get3A_2501 : vector<16xf32> to vector<16xf32>
      %add3A_2503 = arith.addf %add3A_2499, %get3A_2502 : vector<16xf32>
      %get3A_2504 = arith.constant 352 : index
      %get3A_2505 = tpu.vector_load %arg8[%get3A_2504] {strides = array<i32>} : memref<2304xf32, #tpu.memory_space<vmem>>, vector<16xf32>,
      %get3A_2506 = vector.shape_cast %get3A_2505 : vector<16xf32> to vector<16xf32>
      %add3A_2507 = arith.addf %add3A_2503, %get3A_2506 : vector<16xf32>
      %get3A_2508 = arith.constant 496 : index
      %get3A_2509 = tpu.vector_load %arg8[%get3A_2508] {strides = array<i32>} : memref<2304xf32, #tpu.memory_space<vmem>>, vector<16xf32>,
      %get3A_2510 = vector.shape_cast %get3A_2509 : vector<16xf32> to vector<16xf32>
      %add3A_2511 = arith.addf %add3A_2507, %get3A_2510 : vector<16xf32>
      %get3A_2512 = arith.constant 640 : index
      %get3A_2513 = tpu.vector_load %arg8[%get3A_2512] {strides = array<i32>} : memref<2304xf32, #tpu.memory_space<vmem>>, vector<16xf32>,
      %get3A_2514 = vector.shape_cast %get3A_2513 : vector<16xf32> to vector<16xf32>
      %add3A_2515 = arith.addf %add3A_2511, %get3A_2514 : vector<16xf32>
      %get3A_2516 = arith.constant 784 : index
      %get3A_2517 = tpu.vector_load %arg8[%get3A_2516] {strides = array<i32>} : memref<2304xf32, #tpu.memory_space<vmem>>, vector<16xf32>,
      %get3A_2518 = vector.shape_cast %get3A_2517 : vector<16xf32> to vector<16xf32>
      %add3A_2519 = arith.addf %add3A_2515, %get3A_2518 : vector<16xf32>
      %get3A_2520 = arith.constant 928 : index
      %get3A_2521 = tpu.vector_load %arg8[%get3A_2520] {strides = array<i32>} : memref<2304xf32, #tpu.memory_space<vmem>>, vector<16xf32>,
      %get3A_2522 = vector.shape_cast %get3A_2521 : vector<16xf32> to vector<16xf32>
      %add3A_2523 = arith.addf %add3A_2519, %get3A_2522 : vector<16xf32>
      %get3A_2524 = arith.constant 1072 : index
      %get3A_2525 = tpu.vector_load %arg8[%get3A_2524] {strides = array<i32>} : memref<2304xf32, #tpu.memory_space<vmem>>, vector<16xf32>,
      %get3A_2526 = vector.shape_cast %get3A_2525 : vector<16xf32> to vector<16xf32>
      %add3A_2527 = arith.addf %add3A_2523, %get3A_2526 : vector<16xf32>
      %get3A_2528 = arith.constant 1216 : index
      %get3A_2529 = tpu.vector_load %arg8[%get3A_2528] {strides = array<i32>} : memref<2304xf32, #tpu.memory_space<vmem>>, vector<16xf32>,
      %get3A_2530 = vector.shape_cast %get3A_2529 : vector<16xf32> to vector<16xf32>
      %add3A_2531 = arith.addf %add3A_2527, %get3A_2530 : vector<16xf32>
      %get3A_2532 = arith.constant 1360 : index
      %get3A_2533 = tpu.vector_load %arg8[%get3A_2532] {strides = array<i32>} : memref<2304xf32, #tpu.memory_space<vmem>>, vector<16xf32>,
      %get3A_2534 = vector.shape_cast %get3A_2533 : vector<16xf32> to vector<16xf32>
      %add3A_2535 = arith.addf %add3A_2531, %get3A_2534 : vector<16xf32>
      %get3A_2536 = arith.constant 1504 : index
      %get3A_2537 = tpu.vector_load %arg8[%get3A_2536] {strides = array<i32>} : memref<2304xf32, #tpu.memory_space<vmem>>, vector<16xf32>,
      %get3A_2538 = vector.shape_cast %get3A_2537 : vector<16xf32> to vector<16xf32>
      %add3A_2539 = arith.addf %add3A_2535, %get3A_2538 : vector<16xf32>
      %get3A_2540 = arith.constant 1648 : index
      %get3A_2541 = tpu.vector_load %arg8[%get3A_2540] {strides = array<i32>} : memref<2304xf32, #tpu.memory_space<vmem>>, vector<16xf32>,
      %get3A_2542 = vector.shape_cast %get3A_2541 : vector<16xf32> to vector<16xf32>
      %add3A_2543 = arith.addf %add3A_2539, %get3A_2542 : vector<16xf32>
      %get3A_2544 = arith.constant 1792 : index
      %get3A_2545 = tpu.vector_load %arg8[%get3A_2544] {strides = array<i32>} : memref<2304xf32, #tpu.memory_space<vmem>>, vector<16xf32>,
      %get3A_2546 = vector.shape_cast %get3A_2545 : vector<16xf32> to vector<16xf32>
      %add3A_2547 = arith.addf %add3A_2543, %get3A_2546 : vector<16xf32>
      %get3A_2548 = arith.constant 1936 : index
      %get3A_2549 = tpu.vector_load %arg8[%get3A_2548] {strides = array<i32>} : memref<2304xf32, #tpu.memory_space<vmem>>, vector<16xf32>,
      %get3A_2550 = vector.shape_cast %get3A_2549 : vector<16xf32> to vector<16xf32>
      %add3A_2551 = arith.addf %add3A_2547, %get3A_2550 : vector<16xf32>
      %get3A_2552 = arith.constant 2080 : index
      %get3A_2553 = tpu.vector_load %arg8[%get3A_2552] {strides = array<i32>} : memref<2304xf32, #tpu.memory_space<vmem>>, vector<16xf32>,
      %get3A_2554 = vector.shape_cast %get3A_2553 : vector<16xf32> to vector<16xf32>
      %add3A_2555 = arith.addf %add3A_2551, %get3A_2554 : vector<16xf32>
      %get3A_2556 = arith.constant 2224 : index
      %get3A_2557 = tpu.vector_load %arg8[%get3A_2556] {strides = array<i32>} : memref<2304xf32, #tpu.memory_space<vmem>>, vector<16xf32>,
      %get3A_2558 = vector.shape_cast %get3A_2557 : vector<16xf32> to vector<16xf32>
      %add3A_2559 = arith.addf %add3A_2555, %get3A_2558 : vector<16xf32>
      %swap3A_2560 = arith.constant 64 : index
      %swap3A_2561 = tpu.vector_load %arg9[%swap3A_2560] {strides = array<i32>} : memref<128xf32, #tpu.memory_space<vmem>>, vector<16xf32>,
      %swap3A_2562 = vector.shape_cast %swap3A_2561 : vector<16xf32> to vector<16xf32>
      %swap3A_2563 = vector.shape_cast %add3A_2559 : vector<16xf32> to vector<16xf32>
      tpu.vector_store %arg9[%swap3A_2560], %swap3A_2563 {strides = array<i32>} : memref<128xf32, #tpu.memory_space<vmem>>, vector<16xf32>,
      %broadcast_in_dim3A_2564 = arith.constant 0.000000e+00 : f32
      %broadcast_in_dim3A_2565 = vector.broadcast %broadcast_in_dim3A_2564 : f32 to vector<16xf32>
      %get3A_2566 = arith.constant 80 : index
      %get3A_2567 = tpu.vector_load %arg8[%get3A_2566] {strides = array<i32>} : memref<2304xf32, #tpu.memory_space<vmem>>, vector<16xf32>,
      %get3A_2568 = vector.shape_cast %get3A_2567 : vector<16xf32> to vector<16xf32>
      %add3A_2569 = arith.addf %broadcast_in_dim3A_2565, %get3A_2568 : vector<16xf32>
      %get3A_2570 = arith.constant 224 : index
      %get3A_2571 = tpu.vector_load %arg8[%get3A_2570] {strides = array<i32>} : memref<2304xf32, #tpu.memory_space<vmem>>, vector<16xf32>,
      %get3A_2572 = vector.shape_cast %get3A_2571 : vector<16xf32> to vector<16xf32>
      %add3A_2573 = arith.addf %add3A_2569, %get3A_2572 : vector<16xf32>
      %get3A_2574 = arith.constant 368 : index
      %get3A_2575 = tpu.vector_load %arg8[%get3A_2574] {strides = array<i32>} : memref<2304xf32, #tpu.memory_space<vmem>>, vector<16xf32>,
      %get3A_2576 = vector.shape_cast %get3A_2575 : vector<16xf32> to vector<16xf32>
      %add3A_2577 = arith.addf %add3A_2573, %get3A_2576 : vector<16xf32>
      %get3A_2578 = arith.constant 512 : index
      %get3A_2579 = tpu.vector_load %arg8[%get3A_2578] {strides = array<i32>} : memref<2304xf32, #tpu.memory_space<vmem>>, vector<16xf32>,
      %get3A_2580 = vector.shape_cast %get3A_2579 : vector<16xf32> to vector<16xf32>
      %add3A_2581 = arith.addf %add3A_2577, %get3A_2580 : vector<16xf32>
      %get3A_2582 = arith.constant 656 : index
      %get3A_2583 = tpu.vector_load %arg8[%get3A_2582] {strides = array<i32>} : memref<2304xf32, #tpu.memory_space<vmem>>, vector<16xf32>,
      %get3A_2584 = vector.shape_cast %get3A_2583 : vector<16xf32> to vector<16xf32>
      %add3A_2585 = arith.addf %add3A_2581, %get3A_2584 : vector<16xf32>
      %get3A_2586 = arith.constant 800 : index
      %get3A_2587 = tpu.vector_load %arg8[%get3A_2586] {strides = array<i32>} : memref<2304xf32, #tpu.memory_space<vmem>>, vector<16xf32>,
      %get3A_2588 = vector.shape_cast %get3A_2587 : vector<16xf32> to vector<16xf32>
      %add3A_2589 = arith.addf %add3A_2585, %get3A_2588 : vector<16xf32>
      %get3A_2590 = arith.constant 944 : index
      %get3A_2591 = tpu.vector_load %arg8[%get3A_2590] {strides = array<i32>} : memref<2304xf32, #tpu.memory_space<vmem>>, vector<16xf32>,
      %get3A_2592 = vector.shape_cast %get3A_2591 : vector<16xf32> to vector<16xf32>
      %add3A_2593 = arith.addf %add3A_2589, %get3A_2592 : vector<16xf32>
      %get3A_2594 = arith.constant 1088 : index
      %get3A_2595 = tpu.vector_load %arg8[%get3A_2594] {strides = array<i32>} : memref<2304xf32, #tpu.memory_space<vmem>>, vector<16xf32>,
      %get3A_2596 = vector.shape_cast %get3A_2595 : vector<16xf32> to vector<16xf32>
      %add3A_2597 = arith.addf %add3A_2593, %get3A_2596 : vector<16xf32>
      %get3A_2598 = arith.constant 1232 : index
      %get3A_2599 = tpu.vector_load %arg8[%get3A_2598] {strides = array<i32>} : memref<2304xf32, #tpu.memory_space<vmem>>, vector<16xf32>,
      %get3A_2600 = vector.shape_cast %get3A_2599 : vector<16xf32> to vector<16xf32>
      %add3A_2601 = arith.addf %add3A_2597, %get3A_2600 : vector<16xf32>
      %get3A_2602 = arith.constant 1376 : index
      %get3A_2603 = tpu.vector_load %arg8[%get3A_2602] {strides = array<i32>} : memref<2304xf32, #tpu.memory_space<vmem>>, vector<16xf32>,
      %get3A_2604 = vector.shape_cast %get3A_2603 : vector<16xf32> to vector<16xf32>
      %add3A_2605 = arith.addf %add3A_2601, %get3A_2604 : vector<16xf32>
      %get3A_2606 = arith.constant 1520 : index
      %get3A_2607 = tpu.vector_load %arg8[%get3A_2606] {strides = array<i32>} : memref<2304xf32, #tpu.memory_space<vmem>>, vector<16xf32>,
      %get3A_2608 = vector.shape_cast %get3A_2607 : vector<16xf32> to vector<16xf32>
      %add3A_2609 = arith.addf %add3A_2605, %get3A_2608 : vector<16xf32>
      %get3A_2610 = arith.constant 1664 : index
      %get3A_2611 = tpu.vector_load %arg8[%get3A_2610] {strides = array<i32>} : memref<2304xf32, #tpu.memory_space<vmem>>, vector<16xf32>,
      %get3A_2612 = vector.shape_cast %get3A_2611 : vector<16xf32> to vector<16xf32>
      %add3A_2613 = arith.addf %add3A_2609, %get3A_2612 : vector<16xf32>
      %get3A_2614 = arith.constant 1808 : index
      %get3A_2615 = tpu.vector_load %arg8[%get3A_2614] {strides = array<i32>} : memref<2304xf32, #tpu.memory_space<vmem>>, vector<16xf32>,
      %get3A_2616 = vector.shape_cast %get3A_2615 : vector<16xf32> to vector<16xf32>
      %add3A_2617 = arith.addf %add3A_2613, %get3A_2616 : vector<16xf32>
      %get3A_2618 = arith.constant 1952 : index
      %get3A_2619 = tpu.vector_load %arg8[%get3A_2618] {strides = array<i32>} : memref<2304xf32, #tpu.memory_space<vmem>>, vector<16xf32>,
      %get3A_2620 = vector.shape_cast %get3A_2619 : vector<16xf32> to vector<16xf32>
      %add3A_2621 = arith.addf %add3A_2617, %get3A_2620 : vector<16xf32>
      %get3A_2622 = arith.constant 2096 : index
      %get3A_2623 = tpu.vector_load %arg8[%get3A_2622] {strides = array<i32>} : memref<2304xf32, #tpu.memory_space<vmem>>, vector<16xf32>,
      %get3A_2624 = vector.shape_cast %get3A_2623 : vector<16xf32> to vector<16xf32>
      %add3A_2625 = arith.addf %add3A_2621, %get3A_2624 : vector<16xf32>
      %get3A_2626 = arith.constant 2240 : index
      %get3A_2627 = tpu.vector_load %arg8[%get3A_2626] {strides = array<i32>} : memref<2304xf32, #tpu.memory_space<vmem>>, vector<16xf32>,
      %get3A_2628 = vector.shape_cast %get3A_2627 : vector<16xf32> to vector<16xf32>
      %add3A_2629 = arith.addf %add3A_2625, %get3A_2628 : vector<16xf32>
      %swap3A_2630 = arith.constant 80 : index
      %swap3A_2631 = tpu.vector_load %arg9[%swap3A_2630] {strides = array<i32>} : memref<128xf32, #tpu.memory_space<vmem>>, vector<16xf32>,
      %swap3A_2632 = vector.shape_cast %swap3A_2631 : vector<16xf32> to vector<16xf32>
      %swap3A_2633 = vector.shape_cast %add3A_2629 : vector<16xf32> to vector<16xf32>
      tpu.vector_store %arg9[%swap3A_2630], %swap3A_2633 {strides = array<i32>} : memref<128xf32, #tpu.memory_space<vmem>>, vector<16xf32>,
      %broadcast_in_dim3A_2634 = arith.constant 0.000000e+00 : f32
      %broadcast_in_dim3A_2635 = vector.broadcast %broadcast_in_dim3A_2634 : f32 to vector<16xf32>
      %get3A_2636 = arith.constant 96 : index
      %get3A_2637 = tpu.vector_load %arg8[%get3A_2636] {strides = array<i32>} : memref<2304xf32, #tpu.memory_space<vmem>>, vector<16xf32>,
      %get3A_2638 = vector.shape_cast %get3A_2637 : vector<16xf32> to vector<16xf32>
      %add3A_2639 = arith.addf %broadcast_in_dim3A_2635, %get3A_2638 : vector<16xf32>
      %get3A_2640 = arith.constant 240 : index
      %get3A_2641 = tpu.vector_load %arg8[%get3A_2640] {strides = array<i32>} : memref<2304xf32, #tpu.memory_space<vmem>>, vector<16xf32>,
      %get3A_2642 = vector.shape_cast %get3A_2641 : vector<16xf32> to vector<16xf32>
      %add3A_2643 = arith.addf %add3A_2639, %get3A_2642 : vector<16xf32>
      %get3A_2644 = arith.constant 384 : index
      %get3A_2645 = tpu.vector_load %arg8[%get3A_2644] {strides = array<i32>} : memref<2304xf32, #tpu.memory_space<vmem>>, vector<16xf32>,
      %get3A_2646 = vector.shape_cast %get3A_2645 : vector<16xf32> to vector<16xf32>
      %add3A_2647 = arith.addf %add3A_2643, %get3A_2646 : vector<16xf32>
      %get3A_2648 = arith.constant 528 : index
      %get3A_2649 = tpu.vector_load %arg8[%get3A_2648] {strides = array<i32>} : memref<2304xf32, #tpu.memory_space<vmem>>, vector<16xf32>,
      %get3A_2650 = vector.shape_cast %get3A_2649 : vector<16xf32> to vector<16xf32>
      %add3A_2651 = arith.addf %add3A_2647, %get3A_2650 : vector<16xf32>
      %get3A_2652 = arith.constant 672 : index
      %get3A_2653 = tpu.vector_load %arg8[%get3A_2652] {strides = array<i32>} : memref<2304xf32, #tpu.memory_space<vmem>>, vector<16xf32>,
      %get3A_2654 = vector.shape_cast %get3A_2653 : vector<16xf32> to vector<16xf32>
      %add3A_2655 = arith.addf %add3A_2651, %get3A_2654 : vector<16xf32>
      %get3A_2656 = arith.constant 816 : index
      %get3A_2657 = tpu.vector_load %arg8[%get3A_2656] {strides = array<i32>} : memref<2304xf32, #tpu.memory_space<vmem>>, vector<16xf32>,
      %get3A_2658 = vector.shape_cast %get3A_2657 : vector<16xf32> to vector<16xf32>
      %add3A_2659 = arith.addf %add3A_2655, %get3A_2658 : vector<16xf32>
      %get3A_2660 = arith.constant 960 : index
      %get3A_2661 = tpu.vector_load %arg8[%get3A_2660] {strides = array<i32>} : memref<2304xf32, #tpu.memory_space<vmem>>, vector<16xf32>,
      %get3A_2662 = vector.shape_cast %get3A_2661 : vector<16xf32> to vector<16xf32>
      %add3A_2663 = arith.addf %add3A_2659, %get3A_2662 : vector<16xf32>
      %get3A_2664 = arith.constant 1104 : index
      %get3A_2665 = tpu.vector_load %arg8[%get3A_2664] {strides = array<i32>} : memref<2304xf32, #tpu.memory_space<vmem>>, vector<16xf32>,
      %get3A_2666 = vector.shape_cast %get3A_2665 : vector<16xf32> to vector<16xf32>
      %add3A_2667 = arith.addf %add3A_2663, %get3A_2666 : vector<16xf32>
      %get3A_2668 = arith.constant 1248 : index
      %get3A_2669 = tpu.vector_load %arg8[%get3A_2668] {strides = array<i32>} : memref<2304xf32, #tpu.memory_space<vmem>>, vector<16xf32>,
      %get3A_2670 = vector.shape_cast %get3A_2669 : vector<16xf32> to vector<16xf32>
      %add3A_2671 = arith.addf %add3A_2667, %get3A_2670 : vector<16xf32>
      %get3A_2672 = arith.constant 1392 : index
      %get3A_2673 = tpu.vector_load %arg8[%get3A_2672] {strides = array<i32>} : memref<2304xf32, #tpu.memory_space<vmem>>, vector<16xf32>,
      %get3A_2674 = vector.shape_cast %get3A_2673 : vector<16xf32> to vector<16xf32>
      %add3A_2675 = arith.addf %add3A_2671, %get3A_2674 : vector<16xf32>
      %get3A_2676 = arith.constant 1536 : index
      %get3A_2677 = tpu.vector_load %arg8[%get3A_2676] {strides = array<i32>} : memref<2304xf32, #tpu.memory_space<vmem>>, vector<16xf32>,
      %get3A_2678 = vector.shape_cast %get3A_2677 : vector<16xf32> to vector<16xf32>
      %add3A_2679 = arith.addf %add3A_2675, %get3A_2678 : vector<16xf32>
      %get3A_2680 = arith.constant 1680 : index
      %get3A_2681 = tpu.vector_load %arg8[%get3A_2680] {strides = array<i32>} : memref<2304xf32, #tpu.memory_space<vmem>>, vector<16xf32>,
      %get3A_2682 = vector.shape_cast %get3A_2681 : vector<16xf32> to vector<16xf32>
      %add3A_2683 = arith.addf %add3A_2679, %get3A_2682 : vector<16xf32>
      %get3A_2684 = arith.constant 1824 : index
      %get3A_2685 = tpu.vector_load %arg8[%get3A_2684] {strides = array<i32>} : memref<2304xf32, #tpu.memory_space<vmem>>, vector<16xf32>,
      %get3A_2686 = vector.shape_cast %get3A_2685 : vector<16xf32> to vector<16xf32>
      %add3A_2687 = arith.addf %add3A_2683, %get3A_2686 : vector<16xf32>
      %get3A_2688 = arith.constant 1968 : index
      %get3A_2689 = tpu.vector_load %arg8[%get3A_2688] {strides = array<i32>} : memref<2304xf32, #tpu.memory_space<vmem>>, vector<16xf32>,
      %get3A_2690 = vector.shape_cast %get3A_2689 : vector<16xf32> to vector<16xf32>
      %add3A_2691 = arith.addf %add3A_2687, %get3A_2690 : vector<16xf32>
      %get3A_2692 = arith.constant 2112 : index
      %get3A_2693 = tpu.vector_load %arg8[%get3A_2692] {strides = array<i32>} : memref<2304xf32, #tpu.memory_space<vmem>>, vector<16xf32>,
      %get3A_2694 = vector.shape_cast %get3A_2693 : vector<16xf32> to vector<16xf32>
      %add3A_2695 = arith.addf %add3A_2691, %get3A_2694 : vector<16xf32>
      %get3A_2696 = arith.constant 2256 : index
      %get3A_2697 = tpu.vector_load %arg8[%get3A_2696] {strides = array<i32>} : memref<2304xf32, #tpu.memory_space<vmem>>, vector<16xf32>,
      %get3A_2698 = vector.shape_cast %get3A_2697 : vector<16xf32> to vector<16xf32>
      %add3A_2699 = arith.addf %add3A_2695, %get3A_2698 : vector<16xf32>
      %swap3A_2700 = arith.constant 96 : index
      %swap3A_2701 = tpu.vector_load %arg9[%swap3A_2700] {strides = array<i32>} : memref<128xf32, #tpu.memory_space<vmem>>, vector<16xf32>,
      %swap3A_2702 = vector.shape_cast %swap3A_2701 : vector<16xf32> to vector<16xf32>
      %swap3A_2703 = vector.shape_cast %add3A_2699 : vector<16xf32> to vector<16xf32>
      tpu.vector_store %arg9[%swap3A_2700], %swap3A_2703 {strides = array<i32>} : memref<128xf32, #tpu.memory_space<vmem>>, vector<16xf32>,
      %broadcast_in_dim3A_2704 = arith.constant 0.000000e+00 : f32
      %broadcast_in_dim3A_2705 = vector.broadcast %broadcast_in_dim3A_2704 : f32 to vector<16xf32>
      %get3A_2706 = arith.constant 112 : index
      %get3A_2707 = tpu.vector_load %arg8[%get3A_2706] {strides = array<i32>} : memref<2304xf32, #tpu.memory_space<vmem>>, vector<16xf32>,
      %get3A_2708 = vector.shape_cast %get3A_2707 : vector<16xf32> to vector<16xf32>
      %add3A_2709 = arith.addf %broadcast_in_dim3A_2705, %get3A_2708 : vector<16xf32>
      %get3A_2710 = arith.constant 256 : index
      %get3A_2711 = tpu.vector_load %arg8[%get3A_2710] {strides = array<i32>} : memref<2304xf32, #tpu.memory_space<vmem>>, vector<16xf32>,
      %get3A_2712 = vector.shape_cast %get3A_2711 : vector<16xf32> to vector<16xf32>
      %add3A_2713 = arith.addf %add3A_2709, %get3A_2712 : vector<16xf32>
      %get3A_2714 = arith.constant 400 : index
      %get3A_2715 = tpu.vector_load %arg8[%get3A_2714] {strides = array<i32>} : memref<2304xf32, #tpu.memory_space<vmem>>, vector<16xf32>,
      %get3A_2716 = vector.shape_cast %get3A_2715 : vector<16xf32> to vector<16xf32>
      %add3A_2717 = arith.addf %add3A_2713, %get3A_2716 : vector<16xf32>
      %get3A_2718 = arith.constant 544 : index
      %get3A_2719 = tpu.vector_load %arg8[%get3A_2718] {strides = array<i32>} : memref<2304xf32, #tpu.memory_space<vmem>>, vector<16xf32>,
      %get3A_2720 = vector.shape_cast %get3A_2719 : vector<16xf32> to vector<16xf32>
      %add3A_2721 = arith.addf %add3A_2717, %get3A_2720 : vector<16xf32>
      %get3A_2722 = arith.constant 688 : index
      %get3A_2723 = tpu.vector_load %arg8[%get3A_2722] {strides = array<i32>} : memref<2304xf32, #tpu.memory_space<vmem>>, vector<16xf32>,
      %get3A_2724 = vector.shape_cast %get3A_2723 : vector<16xf32> to vector<16xf32>
      %add3A_2725 = arith.addf %add3A_2721, %get3A_2724 : vector<16xf32>
      %get3A_2726 = arith.constant 832 : index
      %get3A_2727 = tpu.vector_load %arg8[%get3A_2726] {strides = array<i32>} : memref<2304xf32, #tpu.memory_space<vmem>>, vector<16xf32>,
      %get3A_2728 = vector.shape_cast %get3A_2727 : vector<16xf32> to vector<16xf32>
      %add3A_2729 = arith.addf %add3A_2725, %get3A_2728 : vector<16xf32>
      %get3A_2730 = arith.constant 976 : index
      %get3A_2731 = tpu.vector_load %arg8[%get3A_2730] {strides = array<i32>} : memref<2304xf32, #tpu.memory_space<vmem>>, vector<16xf32>,
      %get3A_2732 = vector.shape_cast %get3A_2731 : vector<16xf32> to vector<16xf32>
      %add3A_2733 = arith.addf %add3A_2729, %get3A_2732 : vector<16xf32>
      %get3A_2734 = arith.constant 1120 : index
      %get3A_2735 = tpu.vector_load %arg8[%get3A_2734] {strides = array<i32>} : memref<2304xf32, #tpu.memory_space<vmem>>, vector<16xf32>,
      %get3A_2736 = vector.shape_cast %get3A_2735 : vector<16xf32> to vector<16xf32>
      %add3A_2737 = arith.addf %add3A_2733, %get3A_2736 : vector<16xf32>
      %get3A_2738 = arith.constant 1264 : index
      %get3A_2739 = tpu.vector_load %arg8[%get3A_2738] {strides = array<i32>} : memref<2304xf32, #tpu.memory_space<vmem>>, vector<16xf32>,
      %get3A_2740 = vector.shape_cast %get3A_2739 : vector<16xf32> to vector<16xf32>
      %add3A_2741 = arith.addf %add3A_2737, %get3A_2740 : vector<16xf32>
      %get3A_2742 = arith.constant 1408 : index
      %get3A_2743 = tpu.vector_load %arg8[%get3A_2742] {strides = array<i32>} : memref<2304xf32, #tpu.memory_space<vmem>>, vector<16xf32>,
      %get3A_2744 = vector.shape_cast %get3A_2743 : vector<16xf32> to vector<16xf32>
      %add3A_2745 = arith.addf %add3A_2741, %get3A_2744 : vector<16xf32>
      %get3A_2746 = arith.constant 1552 : index
      %get3A_2747 = tpu.vector_load %arg8[%get3A_2746] {strides = array<i32>} : memref<2304xf32, #tpu.memory_space<vmem>>, vector<16xf32>,
      %get3A_2748 = vector.shape_cast %get3A_2747 : vector<16xf32> to vector<16xf32>
      %add3A_2749 = arith.addf %add3A_2745, %get3A_2748 : vector<16xf32>
      %get3A_2750 = arith.constant 1696 : index
      %get3A_2751 = tpu.vector_load %arg8[%get3A_2750] {strides = array<i32>} : memref<2304xf32, #tpu.memory_space<vmem>>, vector<16xf32>,
      %get3A_2752 = vector.shape_cast %get3A_2751 : vector<16xf32> to vector<16xf32>
      %add3A_2753 = arith.addf %add3A_2749, %get3A_2752 : vector<16xf32>
      %get3A_2754 = arith.constant 1840 : index
      %get3A_2755 = tpu.vector_load %arg8[%get3A_2754] {strides = array<i32>} : memref<2304xf32, #tpu.memory_space<vmem>>, vector<16xf32>,
      %get3A_2756 = vector.shape_cast %get3A_2755 : vector<16xf32> to vector<16xf32>
      %add3A_2757 = arith.addf %add3A_2753, %get3A_2756 : vector<16xf32>
      %get3A_2758 = arith.constant 1984 : index
      %get3A_2759 = tpu.vector_load %arg8[%get3A_2758] {strides = array<i32>} : memref<2304xf32, #tpu.memory_space<vmem>>, vector<16xf32>,
      %get3A_2760 = vector.shape_cast %get3A_2759 : vector<16xf32> to vector<16xf32>
      %add3A_2761 = arith.addf %add3A_2757, %get3A_2760 : vector<16xf32>
      %get3A_2762 = arith.constant 2128 : index
      %get3A_2763 = tpu.vector_load %arg8[%get3A_2762] {strides = array<i32>} : memref<2304xf32, #tpu.memory_space<vmem>>, vector<16xf32>,
      %get3A_2764 = vector.shape_cast %get3A_2763 : vector<16xf32> to vector<16xf32>
      %add3A_2765 = arith.addf %add3A_2761, %get3A_2764 : vector<16xf32>
      %get3A_2766 = arith.constant 2272 : index
      %get3A_2767 = tpu.vector_load %arg8[%get3A_2766] {strides = array<i32>} : memref<2304xf32, #tpu.memory_space<vmem>>, vector<16xf32>,
      %get3A_2768 = vector.shape_cast %get3A_2767 : vector<16xf32> to vector<16xf32>
      %add3A_2769 = arith.addf %add3A_2765, %get3A_2768 : vector<16xf32>
      %swap3A_2770 = arith.constant 112 : index
      %swap3A_2771 = tpu.vector_load %arg9[%swap3A_2770] {strides = array<i32>} : memref<128xf32, #tpu.memory_space<vmem>>, vector<16xf32>,
      %swap3A_2772 = vector.shape_cast %swap3A_2771 : vector<16xf32> to vector<16xf32>
      %swap3A_2773 = vector.shape_cast %add3A_2769 : vector<16xf32> to vector<16xf32>
      tpu.vector_store %arg9[%swap3A_2770], %swap3A_2773 {strides = array<i32>} : memref<128xf32, #tpu.memory_space<vmem>>, vector<16xf32>,
      "tpu.region"() ({
        %run_scoped3A = tpu.sem_alloc : memref<!tpu.dma_semaphore, #tpu.memory_space<semaphore_mem>>
        tpu.enqueue_dma source(%arg9 : memref<128xf32, #tpu.memory_space<vmem>>) target(%arg3 : memref<128xf32, #tpu.memory_space<hbm>>) target_semaphore(%run_scoped3A : memref<!tpu.dma_semaphore, #tpu.memory_space<semaphore_mem>>)
        tpu.wait_dma2 semaphore(%run_scoped3A : memref<!tpu.dma_semaphore, #tpu.memory_space<semaphore_mem>>) src(%arg9 : memref<128xf32, #tpu.memory_space<vmem>>) dst(%arg3 : memref<128xf32, #tpu.memory_space<hbm>>)
        tpu.yield
      }) : () -> ()
    } else {
    }
    return
  }
}

module attributes {stable_mosaic.version = 14 : i64} {
  func.func @_combine_body(%arg0: memref<128x256xf32, #tpu.memory_space<vmem>>, %arg1: memref<128xf32, #tpu.memory_space<vmem>>, %arg2: memref<1x1xf32, #tpu.memory_space<vmem>>) attributes {dimension_semantics = [], scalar_prefetch = 0 : i64, scratch_operands = 0 : i64, tpu.core_type = #tpu.core_type<tc>} {
    %get3A = arith.constant 0 : index
    %get3A_0 = arith.constant 0 : index
    %get3A_1 = vector.load %arg0[%get3A, %get3A_0] : memref<128x256xf32, #tpu.memory_space<vmem>>, vector<128x256xf32>
    %reduce_sum3A = arith.constant dense<0.000000e+00> : vector<128xf32>
    %reduce_sum3A_2 = vector.multi_reduction <add>, %get3A_1, %reduce_sum3A [1] : vector<128x256xf32> to vector<128xf32>
    %get3A_3 = arith.constant 0 : index
    %get3A_4 = vector.load %arg1[%get3A_3] : memref<128xf32, #tpu.memory_space<vmem>>, vector<128xf32>
    %max3A = arith.constant 1.000000e+00 : f32
    %max3A_5 = vector.broadcast %max3A : f32 to vector<128xf32>
    %max3A_6 = arith.maximumf %get3A_4, %max3A_5 : vector<128xf32>
    %div3A = arith.divf %reduce_sum3A_2, %max3A_6 : vector<128xf32>
    %reduce_sum3A_7 = vector.shape_cast %div3A : vector<128xf32> to vector<1x128xf32>
    %reduce_sum3A_8 = arith.constant dense<0.000000e+00> : vector<1xf32>
    %reduce_sum3A_9 = vector.multi_reduction <add>, %reduce_sum3A_7, %reduce_sum3A_8 [1] : vector<1x128xf32> to vector<1xf32>
    %reduce_sum3A_10 = vector.shape_cast %reduce_sum3A_9 : vector<1xf32> to vector<1x1xf32>
    %reduce_sum3A_11 = vector.extract %reduce_sum3A_10[0, 0] : f32 from vector<1x1xf32>
    %div3A_12 = arith.constant 3.276800e+04 : f32
    %div3A_13 = arith.divf %reduce_sum3A_11, %div3A_12 : f32
    %reshape3A = vector.broadcast %div3A_13 : f32 to vector<1x1xf32>
    %swap3A = arith.constant 0 : index
    %swap3A_14 = arith.constant 0 : index
    %swap3A_15 = vector.load %arg2[%swap3A, %swap3A_14] : memref<1x1xf32, #tpu.memory_space<vmem>>, vector<1x1xf32>
    tpu.vector_store %arg2[%swap3A, %swap3A_14], %reshape3A {strides = array<i32>} : memref<1x1xf32, #tpu.memory_space<vmem>>, vector<1x1xf32>,
    return
  }
}

module attributes {stable_mosaic.version = 14 : i64} {
  func.func @_tc_body(%arg0: i32, %arg1: memref<1x1x5000xi32, #tpu.memory_space<vmem>>, %arg2: memref<5000x256xf32, #tpu.memory_space<vmem>>, %arg3: memref<5000x256xf32, #tpu.memory_space<vmem>>, %arg4: memref<128x256xf32, #tpu.memory_space<vmem>>, %arg5: memref<128x256xf32, #tpu.memory_space<vmem>>) attributes {dimension_semantics = [#tpu.dimension_semantics<arbitrary>], iteration_bounds = array<i64: 10>, scalar_prefetch = 0 : i64, scratch_operands = 1 : i64, tpu.core_type = #tpu.core_type<tc>, window_params = [{transform_indices = @transform_0, window_bounds = array<i64: 1, 1, 5000>}, {transform_indices = @transform_1, window_bounds = array<i64: 5000, 256>}, {transform_indices = @transform_2, window_bounds = array<i64: 5000, 256>}, {pipeline_mode = #tpu.pipeline_mode<synchronous>, transform_indices = @transform_3, window_bounds = array<i64: 128, 256>}]} {
    %eq3A = arith.constant 0 : i32
    %eq3A_0 = arith.cmpi eq, %arg0, %eq3A : i32
    %convert_element_type3A = arith.extui %eq3A_0 : i1 to i32
    %cond3A = arith.constant 0 : i32
    %cond3A_1 = arith.cmpi ne, %convert_element_type3A, %cond3A : i32
    scf.if %cond3A_1 {
      %broadcast_in_dim3A_30 = arith.constant 0.000000e+00 : f32
      %broadcast_in_dim3A_31 = vector.broadcast %broadcast_in_dim3A_30 : f32 to vector<128x256xf32>
      %swap3A_32 = arith.constant 0 : index
      %swap3A_33 = arith.constant 0 : index
      %swap3A_34 = vector.load %arg5[%swap3A_32, %swap3A_33] : memref<128x256xf32, #tpu.memory_space<vmem>>, vector<128x256xf32>
      tpu.vector_store %arg5[%swap3A_32, %swap3A_33], %broadcast_in_dim3A_31 {strides = array<i32>} : memref<128x256xf32, #tpu.memory_space<vmem>>, vector<128x256xf32>,
    } else {
    }
    %get3A = arith.constant 0 : index
    %get3A_2 = arith.constant 0 : index
    %get3A_3 = vector.load %arg2[%get3A, %get3A_2] : memref<5000x256xf32, #tpu.memory_space<vmem>>, vector<5000x256xf32>
    %get3A_4 = arith.constant 0 : index
    %get3A_5 = arith.constant 0 : index
    %get3A_6 = vector.load %arg3[%get3A_4, %get3A_5] : memref<5000x256xf32, #tpu.memory_space<vmem>>, vector<5000x256xf32>
    %sub3A = arith.subf %get3A_3, %get3A_6 : vector<5000x256xf32>
    %mul3A = arith.mulf %sub3A, %sub3A : vector<5000x256xf32>
    %convert_element_type3A_7 = arith.truncf %mul3A : vector<5000x256xf32> to vector<5000x256xbf16>
    %get3A_8 = arith.constant 0 : index
    %get3A_9 = arith.constant 0 : index
    %get3A_10 = arith.constant 0 : index
    %get3A_11 = vector.load %arg1[%get3A_8, %get3A_9, %get3A_10] : memref<1x1x5000xi32, #tpu.memory_space<vmem>>, vector<1x1x5000xi32>
    %get3A_12 = vector.shape_cast %get3A_11 : vector<1x1x5000xi32> to vector<5000xi32>
    %iota3A = tpu.iota {dimensions = array<i32: 0>} : vector<128x5000xi32>
    %broadcast_in_dim3A = vector.shape_cast %get3A_12 : vector<5000xi32> to vector<1x5000xi32>
    %eq3A_13 = vector.broadcast %broadcast_in_dim3A : vector<1x5000xi32> to vector<128x5000xi32>
    %eq3A_14 = arith.cmpi eq, %iota3A, %eq3A_13 : vector<128x5000xi32>
    %jit3A = arith.constant 1.000000e+00 : f32
    %jit3A_15 = arith.constant 0.000000e+00 : f32
    %broadcast_in_dim3A_16 = vector.broadcast %jit3A : f32 to vector<128x5000xf32>
    %broadcast_in_dim3A_17 = vector.broadcast %jit3A_15 : f32 to vector<128x5000xf32>
    %select_n3A = arith.select %eq3A_14, %broadcast_in_dim3A_16, %broadcast_in_dim3A_17 : vector<128x5000xi1>, vector<128x5000xf32>
    %convert_element_type3A_18 = arith.truncf %select_n3A : vector<128x5000xf32> to vector<128x5000xbf16>
    %get3A_19 = arith.constant 0 : index
    %get3A_20 = arith.constant 0 : index
    %get3A_21 = vector.load %arg5[%get3A_19, %get3A_20] : memref<128x256xf32, #tpu.memory_space<vmem>>, vector<128x256xf32>
    %dot_general3A = arith.constant dense<0.000000e+00> : vector<128x256xf32>
    %dot_general3A_22 = tpu.matmul %convert_element_type3A_18, %convert_element_type3A_7, %dot_general3A {dimension_numbers = #tpu.dot_dimension_numbers<[1], [0], [0], [1], [0, 0, 1, 1], [], []>, transpose_lhs_hint = false} : vector<128x5000xbf16>, vector<5000x256xbf16>, vector<128x256xf32> -> vector<128x256xf32>
    %add3A = arith.addf %get3A_21, %dot_general3A_22 : vector<128x256xf32>
    %swap3A = arith.constant 0 : index
    %swap3A_23 = arith.constant 0 : index
    %swap3A_24 = vector.load %arg5[%swap3A, %swap3A_23] : memref<128x256xf32, #tpu.memory_space<vmem>>, vector<128x256xf32>
    tpu.vector_store %arg5[%swap3A, %swap3A_23], %add3A {strides = array<i32>} : memref<128x256xf32, #tpu.memory_space<vmem>>, vector<128x256xf32>,
    %eq3A_25 = arith.constant 9 : i32
    %eq3A_26 = arith.cmpi eq, %arg0, %eq3A_25 : i32
    %convert_element_type3A_27 = arith.extui %eq3A_26 : i1 to i32
    %cond3A_28 = arith.constant 0 : i32
    %cond3A_29 = arith.cmpi ne, %convert_element_type3A_27, %cond3A_28 : i32
    scf.if %cond3A_29 {
      %get3A_30 = arith.constant 0 : index
      %get3A_31 = arith.constant 0 : index
      %get3A_32 = vector.load %arg5[%get3A_30, %get3A_31] : memref<128x256xf32, #tpu.memory_space<vmem>>, vector<128x256xf32>
      %swap3A_33 = arith.constant 0 : index
      %swap3A_34 = arith.constant 0 : index
      %swap3A_35 = vector.load %arg4[%swap3A_33, %swap3A_34] : memref<128x256xf32, #tpu.memory_space<vmem>>, vector<128x256xf32>
      tpu.vector_store %arg4[%swap3A_33, %swap3A_34], %get3A_32 {strides = array<i32>} : memref<128x256xf32, #tpu.memory_space<vmem>>, vector<128x256xf32>,
    } else {
    }
    return
  }
  func.func @transform_0(%arg0: i32) -> (i32, i32, i32) {
    %c0_i32 = arith.constant 0 : i32
    %c0_i32_0 = arith.constant 0 : i32
    %c0_i32_1 = arith.constant 0 : i32
    return %arg0, %c0_i32, %c0_i32_0 : i32, i32, i32
  }
  func.func @transform_1(%arg0: i32) -> (i32, i32) {
    %c0_i32 = arith.constant 0 : i32
    %c0_i32_0 = arith.constant 0 : i32
    return %arg0, %c0_i32 : i32, i32
  }
  func.func @transform_2(%arg0: i32) -> (i32, i32) {
    %c0_i32 = arith.constant 0 : i32
    %c0_i32_0 = arith.constant 0 : i32
    return %arg0, %c0_i32 : i32, i32
  }
  func.func @transform_3(%arg0: i32) -> (i32, i32) {
    %c0_i32 = arith.constant 0 : i32
    %c0_i32_0 = arith.constant 0 : i32
    %c0_i32_1 = arith.constant 0 : i32
    return %c0_i32, %c0_i32_0 : i32, i32
  }
}

</mosaic_0001>

<sc_bundles>
// kernel: kernel.5.cloned.1.call-start
scs
__scs_entry_jumppad:
0x0: {  	(pc) =	sbr.rel $0x88, $3  }
0x1: {  	(tag) =	ssettag $0x0;
	lr =	simm.s32 $0x1  }
0x2: {  	[smem:$0x3F9E] =	sst lr;
	_ =	strace $0xD0000000  }
0x3: {  	_ = 	snop  }
0x4: {  	_ = 	snop  }
0x5: {  	_ = 	snop  }
0x6: {  	_ = 	snop  }
0x7: {  	_ = 	snop  }
__scs_overlays_trampoline_lowered:
0x8: {  	[smem:$0x3FAD] =	sst s0  }
0x9: {  	[smem:$0x3FAE] =	sst s1  }
0xa: {  	[smem:$0x3FAF] =	sst s2  }
0xb: {  	[smem:$0x3FB0] =	sst s3  }
0xc: {  	[smem:$0x3FB1] =	sst s4  }
0xd: {  	[smem:$0x3FB2] =	sst s5  }
0xe: {  	[smem:$0x3FB3] =	sst s6  }
0xf: {  	[smem:$0x3FB4] =	sst s7  }
0x10: {  	[smem:$0x3FB5] =	sst s8  }
0x11: {  	[smem:$0x3FB6] =	sst s9;
	s0 =	simm.s32 @!p0 $0x0  }
0x12: {  	s1 =	sld [smem:$0x3F9C];
	s0 =	simm.s32 @p0 $0x1  }
0x13: {  	[smem:$0x3FB7] =	sst s0;
	s0 =	simm.s32 @!p1 $0x0  }
0x14: {  	s2 =	sld [smem:$0x3F9B];
	s0 =	simm.s32 @p1 $0x1  }
0x15: {  	[smem:$0x3FB8] =	sst s0;
	s0 =	simm.s32 @!p2 $0x0  }
0x16: {  	s3 =	sld [smem:$0x3FDB];
	s0 =	simm.s32 @p2 $0x1  }
0x17: {  	s4 =	simm.s32 $0x1BF5;
	[smem:$0x3FBA] =	sst s0  }
0x18: {  	s0 =	sld [smem:$0x3F9D];
	_ =	swait.ge [sflag:s4], $0x0  }
0x19: {  	s7 =	sld [smem:$0x3F9E]  }
0x1a: {  	s8 =	sadd.s32 $0xFFFFE003, lr  }
0x1b: {  	s9 =	sadd.s32 $0xFFFFFEF7, lr;
	s5 =	simm.s32 $0xFFFFFFFF;
	p2 =	slt.u32 s8, $0xFFFFF086  }
0x1c: {  	p1 =	slt.u32 s9, $0xF7A;
	s5 =	simm.s32 @!p2 $0x0  }
0x1d: {  	s5 =	simm.s32 @p1 $0x1;
	p0 =	seq.s32 s7, s2  }
0x1e: {  	s7 =	smul.u32 @!p0 $0xF7A, s2;
	p2 =	seq.s32 @!p0 s5, $0x0  }
0x1f: {  	s9 =	smul.u32 $0xF7A, s1;
	s8 =	simm.s32 @!p0 $0x1BF5;
	p2 =	por !p2, p0  }
0x20: {  	[sflag:s8] =	ssyncset.s32 @!p0 $0xFFFFF086;
	s6 =	sadd.s32 @!p0 s3, s7;
	s7 =	simm.s32 @!p0 $0x108  }
0x21: {  	s3 =	sadd.s32 s3, s9;
	s6 =	sadd.s32 @!p0 $0x88, s6;
	s7 =	simm.s32 @p2 $0x1082  }
0x22: {  	[simem:s7], [sflag:s8] =	dma.local @!p0 [hbm:s6], $0xF7A  }
0x23: {  	s9 =	sor.u32 $0xD0000000, s2;
	s6 =	simm.s32 $0x108;
	_ =	swait.ge @!p0 [sflag:s8], $0x0  }
0x24: {  	s3 =	sadd.s32 $0x88, s3;
	s6 =	simm.s32 @!p1 $0x1082;
	[sflag:s4] =	ssyncset.s32 $0xFFFFF086  }
0x25: {  	[simem:s6], [sflag:s4] =	dma.local [hbm:s3], $0xF7A  }
0x26: {  	[smem:$0x3F9E] =	sst s1;
	(tag) =	ssettag s2;
	_ =	strace s9  }
0x27: {  	s1 =	sld [smem:$0x3FAE]  }
0x28: {  	s2 =	sld [smem:$0x3FAF]  }
0x29: {  	s4 =	sld [smem:$0x3FB1]  }
0x2a: {  	p0 =	seq.s32 s5, $0x0;
	s5 =	sld [smem:$0x3FB2]  }
0x2b: {  	s6 =	sld [smem:$0x3FB3]  }
0x2c: {  	s7 =	sld [smem:$0x3FB4]  }
0x2d: {  	s3 =	simm.s32 $0x108;
	s8 =	sld [smem:$0x3FB5]  }
0x2e: {  	s3 =	simm.s32 @!p0 $0x1082;
	s9 =	sld [smem:$0x3FB6]  }
0x2f: {  	lr =	sadd.s32 s0, s3;
	s0 =	sld [smem:$0x3FAD]  }
0x30: {  	s3 =	sld [smem:$0x3FB0]  }
0x31: {  	[smem:$0x3FB9] =	sst s10  }
0x32: {  	s10 =	sld [smem:$0x3FB7];
	_ =	sdelay $0x3  }
0x33: {  	p0 =	seq.s32 s10, $0x1;
	s10 =	sld [smem:$0x3FB9];
	_ =	sdelay $0x3  }
0x34: {  	[smem:$0x3FB9] =	sst s10  }
0x35: {  	s10 =	sld [smem:$0x3FB8];
	_ =	sdelay $0x3  }
0x36: {  	p1 =	seq.s32 s10, $0x1;
	s10 =	sld [smem:$0x3FB9];
	_ =	sdelay $0x3  }
0x37: {  	[smem:$0x3FB9] =	sst s10  }
0x38: {  	s10 =	sld [smem:$0x3FBA]  }
0x39: {  	_ = 	snop;
	(pc) =	sbr.ind lr, $3  }
0x3a: {  	_ = 	snop  }
0x3b: {  	_ = 	snop  }
0x3c: {  	p2 =	seq.s32 s10, $0x1;
	s10 =	sld [smem:$0x3FB9]  }
0x3d: {  	_ =	shalt  }
0x3e: {  	_ =	shalt  }
0x3f: {  	_ =	shalt  }
0x40: {  	_ =	shalt  }
0x41: {  	_ =	shalt  }
0x42: {  	_ =	shalt  }
0x43: {  	_ =	shalt  }
0x44: {  	_ =	shalt  }
0x45: {  	_ =	shalt  }
0x46: {  	_ =	shalt  }
0x47: {  	_ =	shalt  }
0x48: {  	_ =	shalt  }
0x49: {  	_ =	shalt  }
0x4a: {  	_ =	shalt  }
0x4b: {  	_ =	shalt  }
0x4c: {  	_ =	shalt  }
0x4d: {  	_ =	shalt  }
0x4e: {  	_ =	shalt  }
0x4f: {  	_ =	shalt  }
0x50: {  	_ =	shalt  }
0x51: {  	_ =	shalt  }
0x52: {  	_ =	shalt  }
0x53: {  	_ =	shalt  }
0x54: {  	_ =	shalt  }
0x55: {  	_ =	shalt  }
0x56: {  	_ =	shalt  }
0x57: {  	_ =	shalt  }
0x58: {  	_ =	shalt  }
0x59: {  	_ =	shalt  }
0x5a: {  	_ =	shalt  }
0x5b: {  	_ =	shalt  }
0x5c: {  	_ =	shalt  }
0x5d: {  	_ =	shalt  }
0x5e: {  	_ =	shalt  }
0x5f: {  	_ =	shalt  }
0x60: {  	_ =	shalt  }
0x61: {  	_ =	shalt  }
0x62: {  	_ =	shalt  }
0x63: {  	_ =	shalt  }
0x64: {  	_ =	shalt  }
0x65: {  	_ =	shalt  }
0x66: {  	_ =	shalt  }
0x67: {  	_ =	shalt  }
0x68: {  	_ =	shalt  }
0x69: {  	_ =	shalt  }
0x6a: {  	_ =	shalt  }
0x6b: {  	_ =	shalt  }
0x6c: {  	_ =	shalt  }
0x6d: {  	_ =	shalt  }
0x6e: {  	_ =	shalt  }
0x6f: {  	_ =	shalt  }
0x70: {  	_ =	shalt  }
0x71: {  	_ =	shalt  }
0x72: {  	_ =	shalt  }
0x73: {  	_ =	shalt  }
0x74: {  	_ =	shalt  }
0x75: {  	_ =	shalt  }
0x76: {  	_ =	shalt  }
0x77: {  	_ =	shalt  }
0x78: {  	_ =	shalt  }
0x79: {  	_ =	shalt  }
0x7a: {  	_ =	shalt  }
0x7b: {  	_ =	shalt  }
0x7c: {  	_ =	shalt  }
0x7d: {  	_ =	shalt  }
0x7e: {  	_ =	shalt  }
0x7f: {  	_ =	shalt  }
0x80: {  	_ =	shalt  }
0x81: {  	_ =	shalt  }
0x82: {  	_ =	shalt  }
0x83: {  	_ =	shalt  }
0x84: {  	_ =	shalt  }
0x85: {  	_ =	shalt  }
0x86: {  	_ =	shalt  }
0x87: {  	_ =	shalt  }
.Lfunc_end0:
.L_simem_size_0:
called_computation_lowered:
.L_overlay_start_0:
0x88: {  	s0 =	sld [smem:$0x3FD9]  }
0x89: {  	s1 =	sld [smem:$0x3FFE];
	_ =	sdelay $0x3  }
0x8a: {  	s0 =	sadd.s32 s1, s0  }
0x8b: {  	[smem:$0x3FC5] =	sst s0  }
0x8c: {  	_ = 	snop  }
0x8d: {  	s0 =	sld [smem:$0x3FC7]  }
0x8e: {  	s17 =	sld [smem:$0x3FD0];
	(tm) =	ssettm $0x1  }
0x8f: {  	s2 =	sld [smem:$0x3FFB];
	_ =	sdelay $0x3  }
0x90: {  	_ =	strace s2  }
0x91: {  	s2 =	sld [smem:$0x3FFC];
	_ =	sdelay $0x3  }
0x92: {  	_ =	strace s2  }
0x93: {  	s2 =	sld [smem:$0x3FFD];
	_ =	sdelay $0x3  }
0x94: {  	_ =	strace s2  }
0x95: {  	_ =	strace $0x8FFFFFFF  }
0x96: {  	s18 =	sld [smem:$0x3FDB];
	_ =	sdelay $0x1  }
0x97: {  	s3 =	simm.s32 $_scs_section_size  }
0x98: {  	s4 =	simm.s32 $_size__tile_overlayer_lowered;
	s5 =	simm.s32 $_tile_overlayer_lowered  }
0x99: {  	s21 =	simm.s32 $0x1BFF;
	s20 =	sshll.u32 s5, $0x1;
	s2 =	sadd.s32 s3, s18  }
0x9a: {  	s6 =	simm.s32 $0x0;
	s19 =	sshll.u32 s4, $0x1;
	s4 =	sadd.s32 s20, s2  }
0x9b: {  	[timem:s6], [sflag:s21] =	dma.local [hbm:s4], s19  }
0x9c: {  	_ =	swait.ge [sflag:s21], s19  }
0x9d: {  	s3 =	ssub.s32 $0x0, s19;
	[sflag:s21] =	ssyncset.done $0x0  }
0x9e: {  	[sflag:s21] =	ssyncadd.s32 s3;
	_ =	sdelay $0x1  }
0x9f: {  	s22 =	simm.s32 $0x1B8B  }
0xa0: {  	_ =	swait.ge [sflag:s22], $0x1  }
0xa1: {  	[sflag:s22] =	ssyncset.done $0x0  }
0xa2: {  	s23 =	simm.s32 $0x1B8E;
	[sflag:s22] =	ssyncadd.s32 $0xFFFFFFFF  }
0xa3: {  	s24 =	simm.s32 $execute0_lowered;
	[smem:$0x3FD2] =	sst s23  }
0xa4: {  	s3 =	sshll.u32 s24, $0x1;
	_ =	strace $0x80000046;
	[dreg:$0x1] =	wrdreg $0xFFFFFFFF  }
0xa5: {  	s25 =	simm.s32 $_size_execute0_lowered;
	s2 =	sadd.s32 s2, s3;
	[dreg:$0x0] =	wrdreg $0x0  }
0xa6: {  	s3 =	sshll.u32 s25, $0x1;
	[dreg:$0x2] =	wrdreg s2  }
0xa7: {  	[dreg:$0x3] =	wrdreg s3  }
0xa8: {  	[dreg:$0x4] =	wrdreg $0xC0  }
0xa9: {  	_ =	task [dreg:s6], $0x5FFFF  }
0xaa: {  	[dreg:$0x1] =	wrdreg $0xFFFFFFFF  }
0xab: {  	[dreg:$0x0] =	wrdreg $0x60  }
0xac: {  	[dreg:$0x2] =	wrdreg s0  }
0xad: {  	[dreg:$0x3] =	wrdreg s17  }
0xae: {  	[dreg:$0x4] =	wrdreg $0x18000  }
0xaf: {  	[dreg:$0x5] =	wrdreg $0x9  }
0xb0: {  	_ =	task.clear_ibuf [dreg:s6], $0x6FFFF;
	_ =	strace $0x90000046  }
0xb1: {  	s26 =	simm.s32 $0x9;
	_ =	strace $0x80000048  }
0xb2: {  	_ =	swait.ge [sflag:s26], $0x1  }
0xb3: {  	[sflag:s26] =	ssyncadd.s32 $0xFFFFFFFF  }
0xb4: {  	_ =	strace $0x90000048  }
0xb5: {  	_ =	sfence  }
0xb6: {  	s28 =	sld [smem:$0x0];
	_ =	sdelay $0x1  }
0xb7: {  	s29 =	srdreg.scid  }
0xb8: {  	s30 =	sshll.u32 s29, $0xD;
	s31 =	sshrl.u32 s29, $0x2  }
0xb9: {  	s1 =	sand.u32 $0x1, s29;
	s2 =	sand.u32 $0x4000, s30;
	s0 =	sadd.s32 s31, s28  }
0xba: {  	s1 =	sor.u32 s2, s1;
	s0 =	sshll.u32 s0, $0x11  }
0xbb: {  	s0 =	sor.u32 s0, s1  }
0xbc: {  	s0 =	sadd.s32 $0x8F2B, s0  }
0xbd: {  	[sflag:s0] =	ssyncadd.remote.s32 $0x1  }
0xbe: {  	_ =	sfence.sel $0xFFFF  }
0xbf: {  	[dreg:$0x0] =	wrdreg $0xFFFFFFFF;
	(pc) =	sbr.abs _section_cstart, $3  }
0xc0: {  	[dreg:$0x1] =	wrdreg $0xFFFFFFFF  }
0xc1: {  	_ =	task.clear_ibuf [dreg:s6], $0x2FFFF;
	_ =	strace $0x9FFFFFFF  }
0xc2: {  	(tm) =	ssettm $0x7FFFFFFF  }
0xc3: {  	_ =	shalt  }
tec
execute0_lowered:
.L_overlay_start_1:
0x0: {  	(tag) =	ssettag $0x1  }
0x1: {  	s3 =	rddreg [dreg:$0x0]  }
0x2: {  	s1 =	rddreg [dreg:$0x1]  }
0x3: {  	s4 =	rddreg [dreg:$0x2];
	s2 =	simm.s32 $0x0  }
0x4: {  	v0 =	vimm.s32 $0x80;
	[smem:$0x7FF] =	sst s2  }
0x5: {  	s0 =	rddreg [dreg:$0x3];
	_ =	strace $0x80000047;
	[tilespmem:$0x7D0] =	vst v0  }
0x6: {  	[tilespmem:$0x7E0] =	vst v0  }
0x7: {  	[tilespmem:$0x7F0] =	vst v0  }
0x8: {  	[tilespmem:$0x800] =	vst v0  }
0x9: {  	[tilespmem:$0x810] =	vst v0  }
0xa: {  	[tilespmem:$0x820] =	vst v0  }
0xb: {  	[tilespmem:$0x830] =	vst v0  }
0xc: {  	[tilespmem:$0x840] =	vst v0  }
0xd: {  	[tilespmem:$0x850] =	vst v0  }
0xe: {  	[tilespmem:$0x860] =	vst v0  }
0xf: {  	[tilespmem:$0x870] =	vst v0  }
0x10: {  	[tilespmem:$0x880] =	vst v0  }
0x11: {  	[tilespmem:$0x890] =	vst v0  }
0x12: {  	[tilespmem:$0x8A0] =	vst v0  }
0x13: {  	[tilespmem:$0x8B0] =	vst v0  }
0x14: {  	[tilespmem:$0x8C0] =	vst v0  }
0x15: {  	[tilespmem:$0x8D0] =	vst v0  }
0x16: {  	[tilespmem:$0x8E0] =	vst v0  }
0x17: {  	[tilespmem:$0x8F0] =	vst v0  }
0x18: {  	[tilespmem:$0x900] =	vst v0  }
0x19: {  	[tilespmem:$0x910] =	vst v0  }
0x1a: {  	[tilespmem:$0x920] =	vst v0  }
0x1b: {  	[tilespmem:$0x930] =	vst v0  }
0x1c: {  	[tilespmem:$0x940] =	vst v0  }
0x1d: {  	[tilespmem:$0x950] =	vst v0  }
0x1e: {  	[tilespmem:$0x960] =	vst v0  }
0x1f: {  	[tilespmem:$0x970] =	vst v0  }
0x20: {  	[tilespmem:$0x980] =	vst v0  }
0x21: {  	[tilespmem:$0x990] =	vst v0  }
0x22: {  	[tilespmem:$0x9A0] =	vst v0  }
0x23: {  	[tilespmem:$0x9B0] =	vst v0  }
0x24: {  	[tilespmem:$0x9C0] =	vst v0  }
0x25: {  	[tilespmem:$0x9D0] =	vst v0  }
0x26: {  	[tilespmem:$0x9E0] =	vst v0  }
0x27: {  	[tilespmem:$0x9F0] =	vst v0  }
0x28: {  	[tilespmem:$0xA00] =	vst v0  }
0x29: {  	[tilespmem:$0xA10] =	vst v0  }
0x2a: {  	[tilespmem:$0xA20] =	vst v0  }
0x2b: {  	[tilespmem:$0xA30] =	vst v0  }
0x2c: {  	[tilespmem:$0xA40] =	vst v0  }
0x2d: {  	[tilespmem:$0xA50] =	vst v0  }
0x2e: {  	[tilespmem:$0xA60] =	vst v0  }
0x2f: {  	[tilespmem:$0xA70] =	vst v0  }
0x30: {  	[tilespmem:$0xA80] =	vst v0  }
0x31: {  	[tilespmem:$0xA90] =	vst v0  }
0x32: {  	[tilespmem:$0xAA0] =	vst v0  }
0x33: {  	[tilespmem:$0xAB0] =	vst v0  }
0x34: {  	[tilespmem:$0xAC0] =	vst v0  }
0x35: {  	[tilespmem:$0xAD0] =	vst v0  }
0x36: {  	[tilespmem:$0xAE0] =	vst v0  }
0x37: {  	[tilespmem:$0xAF0] =	vst v0  }
0x38: {  	[tilespmem:$0xB00] =	vst v0  }
0x39: {  	[tilespmem:$0xB10] =	vst v0  }
0x3a: {  	[tilespmem:$0xB20] =	vst v0  }
0x3b: {  	[tilespmem:$0xB30] =	vst v0  }
0x3c: {  	[tilespmem:$0xB40] =	vst v0  }
0x3d: {  	[tilespmem:$0xB50] =	vst v0  }
0x3e: {  	[tilespmem:$0xB60] =	vst v0  }
0x3f: {  	[tilespmem:$0xB70] =	vst v0  }
0x40: {  	[tilespmem:$0xB80] =	vst v0  }
0x41: {  	[tilespmem:$0xB90] =	vst v0  }
0x42: {  	[tilespmem:$0xBA0] =	vst v0  }
0x43: {  	[tilespmem:$0xBB0] =	vst v0  }
0x44: {  	[tilespmem:$0xBC0] =	vst v0  }
0x45: {  	[tilespmem:$0xBD0] =	vst v0  }
0x46: {  	[tilespmem:$0xBE0] =	vst v0  }
0x47: {  	[tilespmem:$0xBF0] =	vst v0  }
0x48: {  	[tilespmem:$0xC00] =	vst v0  }
0x49: {  	[tilespmem:$0xC10] =	vst v0  }
0x4a: {  	[tilespmem:$0xC20] =	vst v0  }
0x4b: {  	[tilespmem:$0xC30] =	vst v0  }
0x4c: {  	[tilespmem:$0xC40] =	vst v0  }
0x4d: {  	s5 =	stileid.u32;
	[tilespmem:$0xC50] =	vst v0  }
0x4e: {  	p0 =	seq.s32 s5, $0xF;
	[tilespmem:$0xC60] =	vst v0  }
0x4f: {  	[tilespmem:$0xC70] =	vst v0;
	s6 =	sadd.s32 @p0 $0x1770, s3;
	s8 =	simm.s32 @p0 $0x0  }
0x50: {  	[tilespmem:s8], [sflag:$0x1] =	stream.linear.gather @p0 [hbm4b:s6+s8], $0x7D0, $0x38;
	[tilespmem:$0x1890] =	vst v63  }
0x51: {  	s7 =	simm.s32 @p0 $0x1;
	s6 =	smul.u32 @!p0 $0x190, s5  }
0x52: {  	_ =	swait.ge @p0 [sflag:s7], $0x7D0  }
0x53: {  	[sflag:s7] =	ssyncset.done @p0 $0x0;
	s3 =	sadd.s32 @!p0 s3, s6  }
0x54: {  	s6 =	simm.s32 @!p0 $0x1;
	[sflag:s7] =	ssyncadd.s32 @p0 $0xFFFFF830;
	s7 =	simm.s32 @!p0 $0x0  }
0x55: {  	[tilespmem:s7], [sflag:$0x1] =	stream.linear.gather @!p0 [hbm4b:s3+s7], $0xC80, $0x38;
	[tilespmem:$0x1890] =	vst v63  }
0x56: {  	_ =	swait.ge @!p0 [sflag:s6], $0xC80  }
0x57: {  	[sflag:s6] =	ssyncset.done @!p0 $0x0  }
0x58: {  	v43 =	vimm.f32 $1.000000000e+00;
	[sflag:s6] =	ssyncadd.s32 @!p0 $0xFFFFF380  }
0x59: {  	[tilespmem:$0xD00] =	vst v43  }
0x5a: {  	[tilespmem:$0xD10] =	vst v43  }
0x5b: {  	[tilespmem:$0xD20] =	vst v43  }
0x5c: {  	[tilespmem:$0xD30] =	vst v43  }
0x5d: {  	[tilespmem:$0xD40] =	vst v43  }
0x5e: {  	[tilespmem:$0xD50] =	vst v43  }
0x5f: {  	[tilespmem:$0xD60] =	vst v43  }
0x60: {  	v44 =	vimm.f32 $0.0e+00;
	[tilespmem:$0xD70] =	vst v43  }
0x61: {  	[tilespmem:$0xD80] =	vst v44  }
0x62: {  	[tilespmem:$0xD90] =	vst v44  }
0x63: {  	[tilespmem:$0xDA0] =	vst v44  }
0x64: {  	[tilespmem:$0xDB0] =	vst v44  }
0x65: {  	[tilespmem:$0xDC0] =	vst v44  }
0x66: {  	[tilespmem:$0xDD0] =	vst v44  }
0x67: {  	s25 =	smul.u32 $0x90, s5;
	[tilespmem:$0xDE0] =	vst v44  }
0x68: {  	[tilespmem:$0xDF0] =	vst v44  }
0x69: {  	s28 =	simm.s32 $0xD80;
	s26 =	sadd.s32 s25, s4;
	s3 =	simm.s32 $0x1;
	[tilespmem:$0xE00] =	vst v44  }
0x6a: {  	[spmem:s26] =	stream.linear.scatter [tilespmem:s28], [sflag:$0x1], $0x90, $0x38;
	[tilespmem:$0x1890] =	vst v63  }
0x6b: {  	_ =	swait.ge [sflag:s3], $0x90  }
0x6c: {  	[sflag:s3] =	ssyncset.done $0x0  }
0x6d: {  	[sflag:s3] =	ssyncadd.s32 $0xFFFFFF70  }
0x6e: {  	v1 =	vld [tilespmem:$0x0]  }
0x6f: {  	v2 =	vld [tilespmem:$0x10]  }
0x70: {  	v3 =	vld [tilespmem:$0x20]  }
0x71: {  	v4 =	vld [tilespmem:$0x30]  }
0x72: {  	v0 =	vmov s25;
	v5 =	vld [tilespmem:$0x40]  }
0x73: {  	v6 =	vld [tilespmem:$0x50];
	v1 =	vadd.s32 v0, v1  }
0x74: {  	v46 =	vld [tilespmem:$0x60];
	v45 =	vadd.s32 v0, v2;
	[tilespmem:$0xC80] =	vst v1  }
0x75: {  	v48 =	vld [tilespmem:$0x70];
	v47 =	vadd.s32 v0, v3;
	[tilespmem:$0xC90] =	vst v45  }
0x76: {  	v49 =	vadd.s32 v0, v4;
	[tilespmem:$0xCA0] =	vst v47  }
0x77: {  	v50 =	vadd.s32 v0, v5;
	[tilespmem:$0xCB0] =	vst v49  }
0x78: {  	v51 =	vadd.s32 v0, v6;
	[tilespmem:$0xCC0] =	vst v50  }
0x79: {  	v52 =	vadd.s32 v0, v46;
	[tilespmem:$0xCD0] =	vst v51  }
0x7a: {  	v53 =	vadd.s32 v0, v48;
	[tilespmem:$0xCE0] =	vst v52  }
0x7b: {  	s29 =	simm.s32 $0x80;
	s30 =	simm.s32 $0xC80;
	s31 =	simm.s32 $0xD00;
	[tilespmem:$0xCF0] =	vst v53  }
0x7c: {  	[spmem:s4] =	stream.indirect.scatter.add.f32 [tilespmem:s31], [sflag:$0x1], $0x1, s30, s29, $0xb8;
	[tilespmem:$0x1890] =	vst v63  }
0x7d: {  	_ =	swait.ge [sflag:s3], $0x80  }
0x7e: {  	[sflag:s3] =	ssyncset.done $0x0  }
0x7f: {  	[sflag:s3] =	ssyncadd.s32 $0xFFFFFF80  }
0x80: {  	v54 =	vld [tilespmem:$0x80]  }
0x81: {  	v55 =	vld [tilespmem:$0x90]  }
0x82: {  	v56 =	vld [tilespmem:$0xA0]  }
0x83: {  	v57 =	vld [tilespmem:$0xB0]  }
0x84: {  	v58 =	vld [tilespmem:$0xC0]  }
0x85: {  	v59 =	vld [tilespmem:$0xD0];
	v1 =	vadd.s32 v0, v54  }
0x86: {  	v61 =	vld [tilespmem:$0xE0];
	v60 =	vadd.s32 v0, v55;
	[tilespmem:$0xC80] =	vst v1  }
0x87: {  	v63 =	vld [tilespmem:$0xF0];
	v62 =	vadd.s32 v0, v56;
	[tilespmem:$0xC90] =	vst v60  }
0x88: {  	v4 =	vadd.s32 v0, v57;
	[tilespmem:$0xCA0] =	vst v62  }
0x89: {  	v5 =	vadd.s32 v0, v58;
	[tilespmem:$0xCB0] =	vst v4  }
0x8a: {  	v6 =	vadd.s32 v0, v59;
	[tilespmem:$0xCC0] =	vst v5  }
0x8b: {  	v7 =	vadd.s32 v0, v61;
	[tilespmem:$0xCD0] =	vst v6  }
0x8c: {  	v8 =	vadd.s32 v0, v63;
	[tilespmem:$0xCE0] =	vst v7  }
0x8d: {  	[tilespmem:$0xCF0] =	vst v8  }
0x8e: {  	[spmem:s4] =	stream.indirect.scatter.add.f32 [tilespmem:s31], [sflag:$0x1], $0x1, s30, s29, $0xb8;
	[tilespmem:$0x1890] =	vst v63  }
0x8f: {  	_ =	swait.ge [sflag:s3], $0x80  }
0x90: {  	[sflag:s3] =	ssyncset.done $0x0  }
0x91: {  	[sflag:s3] =	ssyncadd.s32 $0xFFFFFF80  }
0x92: {  	v9 =	vld [tilespmem:$0x100]  }
0x93: {  	v10 =	vld [tilespmem:$0x110]  }
0x94: {  	v11 =	vld [tilespmem:$0x120]  }
0x95: {  	v12 =	vld [tilespmem:$0x130]  }
0x96: {  	v13 =	vld [tilespmem:$0x140]  }
0x97: {  	v14 =	vld [tilespmem:$0x150];
	v1 =	vadd.s32 v0, v9  }
0x98: {  	v16 =	vld [tilespmem:$0x160];
	v15 =	vadd.s32 v0, v10;
	[tilespmem:$0xC80] =	vst v1  }
0x99: {  	v18 =	vld [tilespmem:$0x170];
	v17 =	vadd.s32 v0, v11;
	[tilespmem:$0xC90] =	vst v15  }
0x9a: {  	v19 =	vadd.s32 v0, v12;
	[tilespmem:$0xCA0] =	vst v17  }
0x9b: {  	v20 =	vadd.s32 v0, v13;
	[tilespmem:$0xCB0] =	vst v19  }
0x9c: {  	v21 =	vadd.s32 v0, v14;
	[tilespmem:$0xCC0] =	vst v20  }
0x9d: {  	v22 =	vadd.s32 v0, v16;
	[tilespmem:$0xCD0] =	vst v21  }
0x9e: {  	v23 =	vadd.s32 v0, v18;
	[tilespmem:$0xCE0] =	vst v22  }
0x9f: {  	[tilespmem:$0xCF0] =	vst v23  }
0xa0: {  	[spmem:s4] =	stream.indirect.scatter.add.f32 [tilespmem:s31], [sflag:$0x1], $0x1, s30, s29, $0xb8;
	[tilespmem:$0x1890] =	vst v63  }
0xa1: {  	_ =	swait.ge [sflag:s3], $0x80  }
0xa2: {  	[sflag:s3] =	ssyncset.done $0x0  }
0xa3: {  	[sflag:s3] =	ssyncadd.s32 $0xFFFFFF80  }
0xa4: {  	v24 =	vld [tilespmem:$0x180]  }
0xa5: {  	v25 =	vld [tilespmem:$0x190]  }
0xa6: {  	v26 =	vld [tilespmem:$0x1A0]  }
0xa7: {  	v27 =	vld [tilespmem:$0x1B0]  }
0xa8: {  	v28 =	vld [tilespmem:$0x1C0]  }
0xa9: {  	v29 =	vld [tilespmem:$0x1D0];
	v1 =	vadd.s32 v0, v24  }
0xaa: {  	v31 =	vld [tilespmem:$0x1E0];
	v30 =	vadd.s32 v0, v25;
	[tilespmem:$0xC80] =	vst v1  }
0xab: {  	v33 =	vld [tilespmem:$0x1F0];
	v32 =	vadd.s32 v0, v26;
	[tilespmem:$0xC90] =	vst v30  }
0xac: {  	v34 =	vadd.s32 v0, v27;
	[tilespmem:$0xCA0] =	vst v32  }
0xad: {  	v35 =	vadd.s32 v0, v28;
	[tilespmem:$0xCB0] =	vst v34  }
0xae: {  	v36 =	vadd.s32 v0, v29;
	[tilespmem:$0xCC0] =	vst v35  }
0xaf: {  	v37 =	vadd.s32 v0, v31;
	[tilespmem:$0xCD0] =	vst v36  }
0xb0: {  	v38 =	vadd.s32 v0, v33;
	[tilespmem:$0xCE0] =	vst v37  }
0xb1: {  	[tilespmem:$0xCF0] =	vst v38  }
0xb2: {  	[spmem:s4] =	stream.indirect.scatter.add.f32 [tilespmem:s31], [sflag:$0x1], $0x1, s30, s29, $0xb8;
	[tilespmem:$0x1890] =	vst v63  }
0xb3: {  	_ =	swait.ge [sflag:s3], $0x80  }
0xb4: {  	[sflag:s3] =	ssyncset.done $0x0  }
0xb5: {  	[sflag:s3] =	ssyncadd.s32 $0xFFFFFF80  }
0xb6: {  	v39 =	vld [tilespmem:$0x200]  }
0xb7: {  	v40 =	vld [tilespmem:$0x210]  }
0xb8: {  	v41 =	vld [tilespmem:$0x220]  }
0xb9: {  	v42 =	vld [tilespmem:$0x230]  }
0xba: {  	v43 =	vld [tilespmem:$0x240]  }
0xbb: {  	v44 =	vld [tilespmem:$0x250];
	v1 =	vadd.s32 v0, v39  }
0xbc: {  	v46 =	vld [tilespmem:$0x260];
	v45 =	vadd.s32 v0, v40;
	[tilespmem:$0xC80] =	vst v1  }
0xbd: {  	v48 =	vld [tilespmem:$0x270];
	v47 =	vadd.s32 v0, v41;
	[tilespmem:$0xC90] =	vst v45  }
0xbe: {  	v49 =	vadd.s32 v0, v42;
	[tilespmem:$0xCA0] =	vst v47  }
0xbf: {  	v50 =	vadd.s32 v0, v43;
	[tilespmem:$0xCB0] =	vst v49  }
0xc0: {  	v51 =	vadd.s32 v0, v44;
	[tilespmem:$0xCC0] =	vst v50  }
0xc1: {  	v52 =	vadd.s32 v0, v46;
	[tilespmem:$0xCD0] =	vst v51  }
0xc2: {  	v53 =	vadd.s32 v0, v48;
	[tilespmem:$0xCE0] =	vst v52  }
0xc3: {  	[tilespmem:$0xCF0] =	vst v53  }
0xc4: {  	[spmem:s4] =	stream.indirect.scatter.add.f32 [tilespmem:s31], [sflag:$0x1], $0x1, s30, s29, $0xb8;
	[tilespmem:$0x1890] =	vst v63  }
0xc5: {  	_ =	swait.ge [sflag:s3], $0x80  }
0xc6: {  	[sflag:s3] =	ssyncset.done $0x0  }
0xc7: {  	[sflag:s3] =	ssyncadd.s32 $0xFFFFFF80  }
0xc8: {  	v54 =	vld [tilespmem:$0x280]  }
0xc9: {  	v55 =	vld [tilespmem:$0x290]  }
0xca: {  	v56 =	vld [tilespmem:$0x2A0]  }
0xcb: {  	v57 =	vld [tilespmem:$0x2B0]  }
0xcc: {  	v58 =	vld [tilespmem:$0x2C0]  }
0xcd: {  	v59 =	vld [tilespmem:$0x2D0];
	v1 =	vadd.s32 v0, v54  }
0xce: {  	v61 =	vld [tilespmem:$0x2E0];
	v60 =	vadd.s32 v0, v55;
	[tilespmem:$0xC80] =	vst v1  }
0xcf: {  	v63 =	vld [tilespmem:$0x2F0];
	v62 =	vadd.s32 v0, v56;
	[tilespmem:$0xC90] =	vst v60  }
0xd0: {  	v4 =	vadd.s32 v0, v57;
	[tilespmem:$0xCA0] =	vst v62  }
0xd1: {  	v5 =	vadd.s32 v0, v58;
	[tilespmem:$0xCB0] =	vst v4  }
0xd2: {  	v6 =	vadd.s32 v0, v59;
	[tilespmem:$0xCC0] =	vst v5  }
0xd3: {  	v7 =	vadd.s32 v0, v61;
	[tilespmem:$0xCD0] =	vst v6  }
0xd4: {  	v8 =	vadd.s32 v0, v63;
	[tilespmem:$0xCE0] =	vst v7  }
0xd5: {  	[tilespmem:$0xCF0] =	vst v8  }
0xd6: {  	[spmem:s4] =	stream.indirect.scatter.add.f32 [tilespmem:s31], [sflag:$0x1], $0x1, s30, s29, $0xb8;
	[tilespmem:$0x1890] =	vst v63  }
0xd7: {  	_ =	swait.ge [sflag:s3], $0x80  }
0xd8: {  	[sflag:s3] =	ssyncset.done $0x0  }
0xd9: {  	[sflag:s3] =	ssyncadd.s32 $0xFFFFFF80  }
0xda: {  	v9 =	vld [tilespmem:$0x300]  }
0xdb: {  	v10 =	vld [tilespmem:$0x310]  }
0xdc: {  	v11 =	vld [tilespmem:$0x320]  }
0xdd: {  	v12 =	vld [tilespmem:$0x330]  }
0xde: {  	v13 =	vld [tilespmem:$0x340]  }
0xdf: {  	v14 =	vld [tilespmem:$0x350];
	v1 =	vadd.s32 v0, v9  }
0xe0: {  	v16 =	vld [tilespmem:$0x360];
	v15 =	vadd.s32 v0, v10;
	[tilespmem:$0xC80] =	vst v1  }
0xe1: {  	v18 =	vld [tilespmem:$0x370];
	v17 =	vadd.s32 v0, v11;
	[tilespmem:$0xC90] =	vst v15  }
0xe2: {  	v19 =	vadd.s32 v0, v12;
	[tilespmem:$0xCA0] =	vst v17  }
0xe3: {  	v20 =	vadd.s32 v0, v13;
	[tilespmem:$0xCB0] =	vst v19  }
0xe4: {  	v21 =	vadd.s32 v0, v14;
	[tilespmem:$0xCC0] =	vst v20  }
0xe5: {  	v22 =	vadd.s32 v0, v16;
	[tilespmem:$0xCD0] =	vst v21  }
0xe6: {  	v23 =	vadd.s32 v0, v18;
	[tilespmem:$0xCE0] =	vst v22  }
0xe7: {  	[tilespmem:$0xCF0] =	vst v23  }
0xe8: {  	[spmem:s4] =	stream.indirect.scatter.add.f32 [tilespmem:s31], [sflag:$0x1], $0x1, s30, s29, $0xb8;
	[tilespmem:$0x1890] =	vst v63  }
0xe9: {  	_ =	swait.ge [sflag:s3], $0x80  }
0xea: {  	[sflag:s3] =	ssyncset.done $0x0  }
0xeb: {  	[sflag:s3] =	ssyncadd.s32 $0xFFFFFF80  }
0xec: {  	v24 =	vld [tilespmem:$0x380]  }
0xed: {  	v25 =	vld [tilespmem:$0x390]  }
0xee: {  	v26 =	vld [tilespmem:$0x3A0]  }
0xef: {  	v27 =	vld [tilespmem:$0x3B0]  }
0xf0: {  	v28 =	vld [tilespmem:$0x3C0]  }
0xf1: {  	v29 =	vld [tilespmem:$0x3D0];
	v1 =	vadd.s32 v0, v24  }
0xf2: {  	v31 =	vld [tilespmem:$0x3E0];
	v30 =	vadd.s32 v0, v25;
	[tilespmem:$0xC80] =	vst v1  }
0xf3: {  	v33 =	vld [tilespmem:$0x3F0];
	v32 =	vadd.s32 v0, v26;
	[tilespmem:$0xC90] =	vst v30  }
0xf4: {  	v34 =	vadd.s32 v0, v27;
	[tilespmem:$0xCA0] =	vst v32  }
0xf5: {  	v35 =	vadd.s32 v0, v28;
	[tilespmem:$0xCB0] =	vst v34  }
0xf6: {  	v36 =	vadd.s32 v0, v29;
	[tilespmem:$0xCC0] =	vst v35  }
0xf7: {  	v37 =	vadd.s32 v0, v31;
	[tilespmem:$0xCD0] =	vst v36  }
0xf8: {  	v38 =	vadd.s32 v0, v33;
	[tilespmem:$0xCE0] =	vst v37  }
0xf9: {  	[tilespmem:$0xCF0] =	vst v38  }
0xfa: {  	[spmem:s4] =	stream.indirect.scatter.add.f32 [tilespmem:s31], [sflag:$0x1], $0x1, s30, s29, $0xb8;
	[tilespmem:$0x1890] =	vst v63  }
0xfb: {  	_ =	swait.ge [sflag:s3], $0x80  }
0xfc: {  	[sflag:s3] =	ssyncset.done $0x0  }
0xfd: {  	[sflag:s3] =	ssyncadd.s32 $0xFFFFFF80  }
0xfe: {  	v39 =	vld [tilespmem:$0x400]  }
0xff: {  	v40 =	vld [tilespmem:$0x410]  }
0x100: {  	v41 =	vld [tilespmem:$0x420]  }
0x101: {  	v42 =	vld [tilespmem:$0x430]  }
0x102: {  	v43 =	vld [tilespmem:$0x440]  }
0x103: {  	v44 =	vld [tilespmem:$0x450];
	v1 =	vadd.s32 v0, v39  }
0x104: {  	v46 =	vld [tilespmem:$0x460];
	v45 =	vadd.s32 v0, v40;
	[tilespmem:$0xC80] =	vst v1  }
0x105: {  	v48 =	vld [tilespmem:$0x470];
	v47 =	vadd.s32 v0, v41;
	[tilespmem:$0xC90] =	vst v45  }
0x106: {  	v49 =	vadd.s32 v0, v42;
	[tilespmem:$0xCA0] =	vst v47  }
0x107: {  	v50 =	vadd.s32 v0, v43;
	[tilespmem:$0xCB0] =	vst v49  }
0x108: {  	v51 =	vadd.s32 v0, v44;
	[tilespmem:$0xCC0] =	vst v50  }
0x109: {  	v52 =	vadd.s32 v0, v46;
	[tilespmem:$0xCD0] =	vst v51  }
0x10a: {  	v53 =	vadd.s32 v0, v48;
	[tilespmem:$0xCE0] =	vst v52  }
0x10b: {  	[tilespmem:$0xCF0] =	vst v53  }
0x10c: {  	[spmem:s4] =	stream.indirect.scatter.add.f32 [tilespmem:s31], [sflag:$0x1], $0x1, s30, s29, $0xb8;
	[tilespmem:$0x1890] =	vst v63  }
0x10d: {  	_ =	swait.ge [sflag:s3], $0x80  }
0x10e: {  	[sflag:s3] =	ssyncset.done $0x0  }
0x10f: {  	[sflag:s3] =	ssyncadd.s32 $0xFFFFFF80  }
0x110: {  	v54 =	vld [tilespmem:$0x480]  }
0x111: {  	v55 =	vld [tilespmem:$0x490]  }
0x112: {  	v56 =	vld [tilespmem:$0x4A0]  }
0x113: {  	v57 =	vld [tilespmem:$0x4B0]  }
0x114: {  	v58 =	vld [tilespmem:$0x4C0]  }
0x115: {  	v59 =	vld [tilespmem:$0x4D0];
	v1 =	vadd.s32 v0, v54  }
0x116: {  	v61 =	vld [tilespmem:$0x4E0];
	v60 =	vadd.s32 v0, v55;
	[tilespmem:$0xC80] =	vst v1  }
0x117: {  	v63 =	vld [tilespmem:$0x4F0];
	v62 =	vadd.s32 v0, v56;
	[tilespmem:$0xC90] =	vst v60  }
0x118: {  	v4 =	vadd.s32 v0, v57;
	[tilespmem:$0xCA0] =	vst v62  }
0x119: {  	v5 =	vadd.s32 v0, v58;
	[tilespmem:$0xCB0] =	vst v4  }
0x11a: {  	v6 =	vadd.s32 v0, v59;
	[tilespmem:$0xCC0] =	vst v5  }
0x11b: {  	v7 =	vadd.s32 v0, v61;
	[tilespmem:$0xCD0] =	vst v6  }
0x11c: {  	v8 =	vadd.s32 v0, v63;
	[tilespmem:$0xCE0] =	vst v7  }
0x11d: {  	[tilespmem:$0xCF0] =	vst v8  }
0x11e: {  	[spmem:s4] =	stream.indirect.scatter.add.f32 [tilespmem:s31], [sflag:$0x1], $0x1, s30, s29, $0xb8;
	[tilespmem:$0x1890] =	vst v63  }
0x11f: {  	_ =	swait.ge [sflag:s3], $0x80  }
0x120: {  	[sflag:s3] =	ssyncset.done $0x0  }
0x121: {  	[sflag:s3] =	ssyncadd.s32 $0xFFFFFF80  }
0x122: {  	v9 =	vld [tilespmem:$0x500]  }
0x123: {  	v10 =	vld [tilespmem:$0x510]  }
0x124: {  	v11 =	vld [tilespmem:$0x520]  }
0x125: {  	v12 =	vld [tilespmem:$0x530]  }
0x126: {  	v13 =	vld [tilespmem:$0x540]  }
0x127: {  	v14 =	vld [tilespmem:$0x550];
	v1 =	vadd.s32 v0, v9  }
0x128: {  	v16 =	vld [tilespmem:$0x560];
	v15 =	vadd.s32 v0, v10;
	[tilespmem:$0xC80] =	vst v1  }
0x129: {  	v18 =	vld [tilespmem:$0x570];
	v17 =	vadd.s32 v0, v11;
	[tilespmem:$0xC90] =	vst v15  }
0x12a: {  	v19 =	vadd.s32 v0, v12;
	[tilespmem:$0xCA0] =	vst v17  }
0x12b: {  	v20 =	vadd.s32 v0, v13;
	[tilespmem:$0xCB0] =	vst v19  }
0x12c: {  	v21 =	vadd.s32 v0, v14;
	[tilespmem:$0xCC0] =	vst v20  }
0x12d: {  	v22 =	vadd.s32 v0, v16;
	[tilespmem:$0xCD0] =	vst v21  }
0x12e: {  	v23 =	vadd.s32 v0, v18;
	[tilespmem:$0xCE0] =	vst v22  }
0x12f: {  	[tilespmem:$0xCF0] =	vst v23  }
0x130: {  	[spmem:s4] =	stream.indirect.scatter.add.f32 [tilespmem:s31], [sflag:$0x1], $0x1, s30, s29, $0xb8;
	[tilespmem:$0x1890] =	vst v63  }
0x131: {  	_ =	swait.ge [sflag:s3], $0x80  }
0x132: {  	[sflag:s3] =	ssyncset.done $0x0  }
0x133: {  	[sflag:s3] =	ssyncadd.s32 $0xFFFFFF80  }
0x134: {  	v24 =	vld [tilespmem:$0x580]  }
0x135: {  	v25 =	vld [tilespmem:$0x590]  }
0x136: {  	v26 =	vld [tilespmem:$0x5A0]  }
0x137: {  	v27 =	vld [tilespmem:$0x5B0]  }
0x138: {  	v28 =	vld [tilespmem:$0x5C0]  }
0x139: {  	v29 =	vld [tilespmem:$0x5D0];
	v1 =	vadd.s32 v0, v24  }
0x13a: {  	v31 =	vld [tilespmem:$0x5E0];
	v30 =	vadd.s32 v0, v25;
	[tilespmem:$0xC80] =	vst v1  }
0x13b: {  	v33 =	vld [tilespmem:$0x5F0];
	v32 =	vadd.s32 v0, v26;
	[tilespmem:$0xC90] =	vst v30  }
0x13c: {  	v34 =	vadd.s32 v0, v27;
	[tilespmem:$0xCA0] =	vst v32  }
0x13d: {  	v35 =	vadd.s32 v0, v28;
	[tilespmem:$0xCB0] =	vst v34  }
0x13e: {  	v36 =	vadd.s32 v0, v29;
	[tilespmem:$0xCC0] =	vst v35  }
0x13f: {  	v37 =	vadd.s32 v0, v31;
	[tilespmem:$0xCD0] =	vst v36  }
0x140: {  	v38 =	vadd.s32 v0, v33;
	[tilespmem:$0xCE0] =	vst v37  }
0x141: {  	[tilespmem:$0xCF0] =	vst v38  }
0x142: {  	[spmem:s4] =	stream.indirect.scatter.add.f32 [tilespmem:s31], [sflag:$0x1], $0x1, s30, s29, $0xb8;
	[tilespmem:$0x1890] =	vst v63  }
0x143: {  	_ =	swait.ge [sflag:s3], $0x80  }
0x144: {  	[sflag:s3] =	ssyncset.done $0x0  }
0x145: {  	[sflag:s3] =	ssyncadd.s32 $0xFFFFFF80  }
0x146: {  	v39 =	vld [tilespmem:$0x600]  }
0x147: {  	v40 =	vld [tilespmem:$0x610]  }
0x148: {  	v41 =	vld [tilespmem:$0x620]  }
0x149: {  	v42 =	vld [tilespmem:$0x630]  }
0x14a: {  	v43 =	vld [tilespmem:$0x640]  }
0x14b: {  	v44 =	vld [tilespmem:$0x650];
	v1 =	vadd.s32 v0, v39  }
0x14c: {  	v46 =	vld [tilespmem:$0x660];
	v45 =	vadd.s32 v0, v40;
	[tilespmem:$0xC80] =	vst v1  }
0x14d: {  	v48 =	vld [tilespmem:$0x670];
	v47 =	vadd.s32 v0, v41;
	[tilespmem:$0xC90] =	vst v45  }
0x14e: {  	v49 =	vadd.s32 v0, v42;
	[tilespmem:$0xCA0] =	vst v47  }
0x14f: {  	v50 =	vadd.s32 v0, v43;
	[tilespmem:$0xCB0] =	vst v49  }
0x150: {  	v51 =	vadd.s32 v0, v44;
	[tilespmem:$0xCC0] =	vst v50  }
0x151: {  	v52 =	vadd.s32 v0, v46;
	[tilespmem:$0xCD0] =	vst v51  }
0x152: {  	v53 =	vadd.s32 v0, v48;
	[tilespmem:$0xCE0] =	vst v52  }
0x153: {  	[tilespmem:$0xCF0] =	vst v53  }
0x154: {  	[spmem:s4] =	stream.indirect.scatter.add.f32 [tilespmem:s31], [sflag:$0x1], $0x1, s30, s29, $0xb8;
	[tilespmem:$0x1890] =	vst v63  }
0x155: {  	_ =	swait.ge [sflag:s3], $0x80  }
0x156: {  	[sflag:s3] =	ssyncset.done $0x0  }
0x157: {  	[sflag:s3] =	ssyncadd.s32 $0xFFFFFF80  }
0x158: {  	v54 =	vld [tilespmem:$0x680]  }
0x159: {  	v55 =	vld [tilespmem:$0x690]  }
0x15a: {  	v56 =	vld [tilespmem:$0x6A0]  }
0x15b: {  	v57 =	vld [tilespmem:$0x6B0]  }
0x15c: {  	v58 =	vld [tilespmem:$0x6C0]  }
0x15d: {  	v59 =	vld [tilespmem:$0x6D0];
	v1 =	vadd.s32 v0, v54  }
0x15e: {  	v61 =	vld [tilespmem:$0x6E0];
	v60 =	vadd.s32 v0, v55;
	[tilespmem:$0xC80] =	vst v1  }
0x15f: {  	v63 =	vld [tilespmem:$0x6F0];
	v62 =	vadd.s32 v0, v56;
	[tilespmem:$0xC90] =	vst v60  }
0x160: {  	v7 =	vadd.s32 v0, v57;
	[tilespmem:$0xCA0] =	vst v62  }
0x161: {  	v8 =	vadd.s32 v0, v58;
	[tilespmem:$0xCB0] =	vst v7  }
0x162: {  	v9 =	vadd.s32 v0, v59;
	[tilespmem:$0xCC0] =	vst v8  }
0x163: {  	v10 =	vadd.s32 v0, v61;
	[tilespmem:$0xCD0] =	vst v9  }
0x164: {  	v11 =	vadd.s32 v0, v63;
	[tilespmem:$0xCE0] =	vst v10  }
0x165: {  	[tilespmem:$0xCF0] =	vst v11  }
0x166: {  	[spmem:s4] =	stream.indirect.scatter.add.f32 [tilespmem:s31], [sflag:$0x1], $0x1, s30, s29, $0xb8;
	[tilespmem:$0x1890] =	vst v63  }
0x167: {  	_ =	swait.ge [sflag:s3], $0x80  }
0x168: {  	[sflag:s3] =	ssyncset.done $0x0  }
0x169: {  	[sflag:s3] =	ssyncadd.s32 $0xFFFFFF80  }
0x16a: {  	v12 =	vld [tilespmem:$0x700]  }
0x16b: {  	v13 =	vld [tilespmem:$0x710]  }
0x16c: {  	v14 =	vld [tilespmem:$0x720]  }
0x16d: {  	v15 =	vld [tilespmem:$0x730]  }
0x16e: {  	v16 =	vld [tilespmem:$0x740]  }
0x16f: {  	v17 =	vld [tilespmem:$0x750];
	v1 =	vadd.s32 v0, v12  }
0x170: {  	v19 =	vld [tilespmem:$0x760];
	v18 =	vadd.s32 v0, v13;
	[tilespmem:$0xC80] =	vst v1  }
0x171: {  	v21 =	vld [tilespmem:$0x770];
	v20 =	vadd.s32 v0, v14;
	[tilespmem:$0xC90] =	vst v18  }
0x172: {  	v22 =	vadd.s32 v0, v15;
	[tilespmem:$0xCA0] =	vst v20  }
0x173: {  	v23 =	vadd.s32 v0, v16;
	[tilespmem:$0xCB0] =	vst v22  }
0x174: {  	v24 =	vadd.s32 v0, v17;
	[tilespmem:$0xCC0] =	vst v23  }
0x175: {  	v25 =	vadd.s32 v0, v19;
	[tilespmem:$0xCD0] =	vst v24  }
0x176: {  	v26 =	vadd.s32 v0, v21;
	[tilespmem:$0xCE0] =	vst v25  }
0x177: {  	[tilespmem:$0xCF0] =	vst v26  }
0x178: {  	[spmem:s4] =	stream.indirect.scatter.add.f32 [tilespmem:s31], [sflag:$0x1], $0x1, s30, s29, $0xb8;
	[tilespmem:$0x1890] =	vst v63  }
0x179: {  	_ =	swait.ge [sflag:s3], $0x80  }
0x17a: {  	[sflag:s3] =	ssyncset.done $0x0  }
0x17b: {  	[sflag:s3] =	ssyncadd.s32 $0xFFFFFF80  }
0x17c: {  	v27 =	vld [tilespmem:$0x780]  }
0x17d: {  	v28 =	vld [tilespmem:$0x790]  }
0x17e: {  	v29 =	vld [tilespmem:$0x7A0]  }
0x17f: {  	v30 =	vld [tilespmem:$0x7B0]  }
0x180: {  	v31 =	vld [tilespmem:$0x7C0]  }
0x181: {  	v32 =	vld [tilespmem:$0x7D0];
	v1 =	vadd.s32 v0, v27  }
0x182: {  	v34 =	vld [tilespmem:$0x7E0];
	v33 =	vadd.s32 v0, v28;
	[tilespmem:$0xC80] =	vst v1  }
0x183: {  	v36 =	vld [tilespmem:$0x7F0];
	v35 =	vadd.s32 v0, v29;
	[tilespmem:$0xC90] =	vst v33  }
0x184: {  	v37 =	vadd.s32 v0, v30;
	[tilespmem:$0xCA0] =	vst v35  }
0x185: {  	v38 =	vadd.s32 v0, v31;
	[tilespmem:$0xCB0] =	vst v37  }
0x186: {  	v39 =	vadd.s32 v0, v32;
	[tilespmem:$0xCC0] =	vst v38  }
0x187: {  	v40 =	vadd.s32 v0, v34;
	[tilespmem:$0xCD0] =	vst v39  }
0x188: {  	v41 =	vadd.s32 v0, v36;
	[tilespmem:$0xCE0] =	vst v40  }
0x189: {  	[tilespmem:$0xCF0] =	vst v41  }
0x18a: {  	[spmem:s4] =	stream.indirect.scatter.add.f32 [tilespmem:s31], [sflag:$0x1], $0x1, s30, s29, $0xb8;
	[tilespmem:$0x1890] =	vst v63  }
0x18b: {  	_ =	swait.ge [sflag:s3], $0x80  }
0x18c: {  	[sflag:s3] =	ssyncset.done $0x0  }
0x18d: {  	[sflag:s3] =	ssyncadd.s32 $0xFFFFFF80  }
0x18e: {  	v42 =	vld [tilespmem:$0x800]  }
0x18f: {  	v43 =	vld [tilespmem:$0x810]  }
0x190: {  	v44 =	vld [tilespmem:$0x820]  }
0x191: {  	v45 =	vld [tilespmem:$0x830]  }
0x192: {  	v46 =	vld [tilespmem:$0x840]  }
0x193: {  	v47 =	vld [tilespmem:$0x850];
	v1 =	vadd.s32 v0, v42  }
0x194: {  	v49 =	vld [tilespmem:$0x860];
	v48 =	vadd.s32 v0, v43;
	[tilespmem:$0xC80] =	vst v1  }
0x195: {  	v51 =	vld [tilespmem:$0x870];
	v50 =	vadd.s32 v0, v44;
	[tilespmem:$0xC90] =	vst v48  }
0x196: {  	v52 =	vadd.s32 v0, v45;
	[tilespmem:$0xCA0] =	vst v50  }
0x197: {  	v53 =	vadd.s32 v0, v46;
	[tilespmem:$0xCB0] =	vst v52  }
0x198: {  	v54 =	vadd.s32 v0, v47;
	[tilespmem:$0xCC0] =	vst v53  }
0x199: {  	v55 =	vadd.s32 v0, v49;
	[tilespmem:$0xCD0] =	vst v54  }
0x19a: {  	v56 =	vadd.s32 v0, v51;
	[tilespmem:$0xCE0] =	vst v55  }
0x19b: {  	[tilespmem:$0xCF0] =	vst v56  }
0x19c: {  	[spmem:s4] =	stream.indirect.scatter.add.f32 [tilespmem:s31], [sflag:$0x1], $0x1, s30, s29, $0xb8;
	[tilespmem:$0x1890] =	vst v63  }
0x19d: {  	_ =	swait.ge [sflag:s3], $0x80  }
0x19e: {  	[sflag:s3] =	ssyncset.done $0x0  }
0x19f: {  	[sflag:s3] =	ssyncadd.s32 $0xFFFFFF80  }
0x1a0: {  	v57 =	vld [tilespmem:$0x880]  }
0x1a1: {  	v58 =	vld [tilespmem:$0x890]  }
0x1a2: {  	v59 =	vld [tilespmem:$0x8A0]  }
0x1a3: {  	v60 =	vld [tilespmem:$0x8B0]  }
0x1a4: {  	v61 =	vld [tilespmem:$0x8C0]  }
0x1a5: {  	v62 =	vld [tilespmem:$0x8D0];
	v1 =	vadd.s32 v0, v57  }
0x1a6: {  	v7 =	vld [tilespmem:$0x8E0];
	v63 =	vadd.s32 v0, v58;
	[tilespmem:$0xC80] =	vst v1  }
0x1a7: {  	v9 =	vld [tilespmem:$0x8F0];
	v8 =	vadd.s32 v0, v59;
	[tilespmem:$0xC90] =	vst v63  }
0x1a8: {  	v10 =	vadd.s32 v0, v60;
	[tilespmem:$0xCA0] =	vst v8  }
0x1a9: {  	v11 =	vadd.s32 v0, v61;
	[tilespmem:$0xCB0] =	vst v10  }
0x1aa: {  	v12 =	vadd.s32 v0, v62;
	[tilespmem:$0xCC0] =	vst v11  }
0x1ab: {  	v13 =	vadd.s32 v0, v7;
	[tilespmem:$0xCD0] =	vst v12  }
0x1ac: {  	v14 =	vadd.s32 v0, v9;
	[tilespmem:$0xCE0] =	vst v13  }
0x1ad: {  	[tilespmem:$0xCF0] =	vst v14  }
0x1ae: {  	[spmem:s4] =	stream.indirect.scatter.add.f32 [tilespmem:s31], [sflag:$0x1], $0x1, s30, s29, $0xb8;
	[tilespmem:$0x1890] =	vst v63  }
0x1af: {  	_ =	swait.ge [sflag:s3], $0x80  }
0x1b0: {  	[sflag:s3] =	ssyncset.done $0x0  }
0x1b1: {  	[sflag:s3] =	ssyncadd.s32 $0xFFFFFF80  }
0x1b2: {  	v15 =	vld [tilespmem:$0x900]  }
0x1b3: {  	v16 =	vld [tilespmem:$0x910]  }
0x1b4: {  	v17 =	vld [tilespmem:$0x920]  }
0x1b5: {  	v18 =	vld [tilespmem:$0x930]  }
0x1b6: {  	v19 =	vld [tilespmem:$0x940]  }
0x1b7: {  	v20 =	vld [tilespmem:$0x950];
	v1 =	vadd.s32 v0, v15  }
0x1b8: {  	v22 =	vld [tilespmem:$0x960];
	v21 =	vadd.s32 v0, v16;
	[tilespmem:$0xC80] =	vst v1  }
0x1b9: {  	v24 =	vld [tilespmem:$0x970];
	v23 =	vadd.s32 v0, v17;
	[tilespmem:$0xC90] =	vst v21  }
0x1ba: {  	v25 =	vadd.s32 v0, v18;
	[tilespmem:$0xCA0] =	vst v23  }
0x1bb: {  	v26 =	vadd.s32 v0, v19;
	[tilespmem:$0xCB0] =	vst v25  }
0x1bc: {  	v27 =	vadd.s32 v0, v20;
	[tilespmem:$0xCC0] =	vst v26  }
0x1bd: {  	v28 =	vadd.s32 v0, v22;
	[tilespmem:$0xCD0] =	vst v27  }
0x1be: {  	v29 =	vadd.s32 v0, v24;
	[tilespmem:$0xCE0] =	vst v28  }
0x1bf: {  	[tilespmem:$0xCF0] =	vst v29  }
0x1c0: {  	[spmem:s4] =	stream.indirect.scatter.add.f32 [tilespmem:s31], [sflag:$0x1], $0x1, s30, s29, $0xb8;
	[tilespmem:$0x1890] =	vst v63  }
0x1c1: {  	_ =	swait.ge [sflag:s3], $0x80  }
0x1c2: {  	[sflag:s3] =	ssyncset.done $0x0  }
0x1c3: {  	[sflag:s3] =	ssyncadd.s32 $0xFFFFFF80  }
0x1c4: {  	v30 =	vld [tilespmem:$0x980]  }
0x1c5: {  	v31 =	vld [tilespmem:$0x990]  }
0x1c6: {  	v32 =	vld [tilespmem:$0x9A0]  }
0x1c7: {  	v33 =	vld [tilespmem:$0x9B0]  }
0x1c8: {  	v34 =	vld [tilespmem:$0x9C0]  }
0x1c9: {  	v35 =	vld [tilespmem:$0x9D0];
	v1 =	vadd.s32 v0, v30  }
0x1ca: {  	v37 =	vld [tilespmem:$0x9E0];
	v36 =	vadd.s32 v0, v31;
	[tilespmem:$0xC80] =	vst v1  }
0x1cb: {  	v39 =	vld [tilespmem:$0x9F0];
	v38 =	vadd.s32 v0, v32;
	[tilespmem:$0xC90] =	vst v36  }
0x1cc: {  	v40 =	vadd.s32 v0, v33;
	[tilespmem:$0xCA0] =	vst v38  }
0x1cd: {  	v41 =	vadd.s32 v0, v34;
	[tilespmem:$0xCB0] =	vst v40  }
0x1ce: {  	v42 =	vadd.s32 v0, v35;
	[tilespmem:$0xCC0] =	vst v41  }
0x1cf: {  	v43 =	vadd.s32 v0, v37;
	[tilespmem:$0xCD0] =	vst v42  }
0x1d0: {  	v44 =	vadd.s32 v0, v39;
	[tilespmem:$0xCE0] =	vst v43  }
0x1d1: {  	[tilespmem:$0xCF0] =	vst v44  }
0x1d2: {  	[spmem:s4] =	stream.indirect.scatter.add.f32 [tilespmem:s31], [sflag:$0x1], $0x1, s30, s29, $0xb8;
	[tilespmem:$0x1890] =	vst v63  }
0x1d3: {  	_ =	swait.ge [sflag:s3], $0x80  }
0x1d4: {  	[sflag:s3] =	ssyncset.done $0x0  }
0x1d5: {  	[sflag:s3] =	ssyncadd.s32 $0xFFFFFF80  }
0x1d6: {  	v45 =	vld [tilespmem:$0xA00]  }
0x1d7: {  	v46 =	vld [tilespmem:$0xA10]  }
0x1d8: {  	v47 =	vld [tilespmem:$0xA20]  }
0x1d9: {  	v48 =	vld [tilespmem:$0xA30]  }
0x1da: {  	v49 =	vld [tilespmem:$0xA40]  }
0x1db: {  	v50 =	vld [tilespmem:$0xA50];
	v1 =	vadd.s32 v0, v45  }
0x1dc: {  	v52 =	vld [tilespmem:$0xA60];
	v51 =	vadd.s32 v0, v46;
	[tilespmem:$0xC80] =	vst v1  }
0x1dd: {  	v54 =	vld [tilespmem:$0xA70];
	v53 =	vadd.s32 v0, v47;
	[tilespmem:$0xC90] =	vst v51  }
0x1de: {  	v55 =	vadd.s32 v0, v48;
	[tilespmem:$0xCA0] =	vst v53  }
0x1df: {  	v56 =	vadd.s32 v0, v49;
	[tilespmem:$0xCB0] =	vst v55  }
0x1e0: {  	v57 =	vadd.s32 v0, v50;
	[tilespmem:$0xCC0] =	vst v56  }
0x1e1: {  	v58 =	vadd.s32 v0, v52;
	[tilespmem:$0xCD0] =	vst v57  }
0x1e2: {  	v59 =	vadd.s32 v0, v54;
	[tilespmem:$0xCE0] =	vst v58  }
0x1e3: {  	[tilespmem:$0xCF0] =	vst v59  }
0x1e4: {  	[spmem:s4] =	stream.indirect.scatter.add.f32 [tilespmem:s31], [sflag:$0x1], $0x1, s30, s29, $0xb8;
	[tilespmem:$0x1890] =	vst v63  }
0x1e5: {  	_ =	swait.ge [sflag:s3], $0x80  }
0x1e6: {  	[sflag:s3] =	ssyncset.done $0x0  }
0x1e7: {  	[sflag:s3] =	ssyncadd.s32 $0xFFFFFF80  }
0x1e8: {  	v60 =	vld [tilespmem:$0xA80]  }
0x1e9: {  	v61 =	vld [tilespmem:$0xA90]  }
0x1ea: {  	v62 =	vld [tilespmem:$0xAA0]  }
0x1eb: {  	v63 =	vld [tilespmem:$0xAB0]  }
0x1ec: {  	v9 =	vld [tilespmem:$0xAC0]  }
0x1ed: {  	v10 =	vld [tilespmem:$0xAD0];
	v1 =	vadd.s32 v0, v60  }
0x1ee: {  	v12 =	vld [tilespmem:$0xAE0];
	v11 =	vadd.s32 v0, v61;
	[tilespmem:$0xC80] =	vst v1  }
0x1ef: {  	v14 =	vld [tilespmem:$0xAF0];
	v13 =	vadd.s32 v0, v62;
	[tilespmem:$0xC90] =	vst v11  }
0x1f0: {  	v15 =	vadd.s32 v0, v63;
	[tilespmem:$0xCA0] =	vst v13  }
0x1f1: {  	v16 =	vadd.s32 v0, v9;
	[tilespmem:$0xCB0] =	vst v15  }
0x1f2: {  	v17 =	vadd.s32 v0, v10;
	[tilespmem:$0xCC0] =	vst v16  }
0x1f3: {  	v18 =	vadd.s32 v0, v12;
	[tilespmem:$0xCD0] =	vst v17  }
0x1f4: {  	v19 =	vadd.s32 v0, v14;
	[tilespmem:$0xCE0] =	vst v18  }
0x1f5: {  	[tilespmem:$0xCF0] =	vst v19  }
0x1f6: {  	[spmem:s4] =	stream.indirect.scatter.add.f32 [tilespmem:s31], [sflag:$0x1], $0x1, s30, s29, $0xb8;
	[tilespmem:$0x1890] =	vst v63  }
0x1f7: {  	_ =	swait.ge [sflag:s3], $0x80  }
0x1f8: {  	[sflag:s3] =	ssyncset.done $0x0  }
0x1f9: {  	[sflag:s3] =	ssyncadd.s32 $0xFFFFFF80  }
0x1fa: {  	v20 =	vld [tilespmem:$0xB00]  }
0x1fb: {  	v21 =	vld [tilespmem:$0xB10]  }
0x1fc: {  	v22 =	vld [tilespmem:$0xB20]  }
0x1fd: {  	v23 =	vld [tilespmem:$0xB30]  }
0x1fe: {  	v24 =	vld [tilespmem:$0xB40]  }
0x1ff: {  	v25 =	vld [tilespmem:$0xB50];
	v1 =	vadd.s32 v0, v20  }
0x200: {  	v27 =	vld [tilespmem:$0xB60];
	v26 =	vadd.s32 v0, v21;
	[tilespmem:$0xC80] =	vst v1  }
0x201: {  	v29 =	vld [tilespmem:$0xB70];
	v28 =	vadd.s32 v0, v22;
	[tilespmem:$0xC90] =	vst v26  }
0x202: {  	v30 =	vadd.s32 v0, v23;
	[tilespmem:$0xCA0] =	vst v28  }
0x203: {  	v31 =	vadd.s32 v0, v24;
	[tilespmem:$0xCB0] =	vst v30  }
0x204: {  	v32 =	vadd.s32 v0, v25;
	[tilespmem:$0xCC0] =	vst v31  }
0x205: {  	v33 =	vadd.s32 v0, v27;
	[tilespmem:$0xCD0] =	vst v32  }
0x206: {  	v34 =	vadd.s32 v0, v29;
	[tilespmem:$0xCE0] =	vst v33  }
0x207: {  	[tilespmem:$0xCF0] =	vst v34  }
0x208: {  	[spmem:s4] =	stream.indirect.scatter.add.f32 [tilespmem:s31], [sflag:$0x1], $0x1, s30, s29, $0xb8;
	[tilespmem:$0x1890] =	vst v63  }
0x209: {  	_ =	swait.ge [sflag:s3], $0x80  }
0x20a: {  	[sflag:s3] =	ssyncset.done $0x0  }
0x20b: {  	[sflag:s3] =	ssyncadd.s32 $0xFFFFFF80  }
0x20c: {  	v35 =	vld [tilespmem:$0xB80]  }
0x20d: {  	v36 =	vld [tilespmem:$0xB90]  }
0x20e: {  	v37 =	vld [tilespmem:$0xBA0]  }
0x20f: {  	v38 =	vld [tilespmem:$0xBB0]  }
0x210: {  	v39 =	vld [tilespmem:$0xBC0]  }
0x211: {  	v40 =	vld [tilespmem:$0xBD0];
	v1 =	vadd.s32 v0, v35  }
0x212: {  	v42 =	vld [tilespmem:$0xBE0];
	v41 =	vadd.s32 v0, v36;
	[tilespmem:$0xC80] =	vst v1  }
0x213: {  	v44 =	vld [tilespmem:$0xBF0];
	v43 =	vadd.s32 v0, v37;
	[tilespmem:$0xC90] =	vst v41  }
0x214: {  	v45 =	vadd.s32 v0, v38;
	[tilespmem:$0xCA0] =	vst v43  }
0x215: {  	v46 =	vadd.s32 v0, v39;
	[tilespmem:$0xCB0] =	vst v45  }
0x216: {  	v47 =	vadd.s32 v0, v40;
	[tilespmem:$0xCC0] =	vst v46  }
0x217: {  	v48 =	vadd.s32 v0, v42;
	[tilespmem:$0xCD0] =	vst v47  }
0x218: {  	v49 =	vadd.s32 v0, v44;
	[tilespmem:$0xCE0] =	vst v48  }
0x219: {  	[tilespmem:$0xCF0] =	vst v49  }
0x21a: {  	[spmem:s4] =	stream.indirect.scatter.add.f32 [tilespmem:s31], [sflag:$0x1], $0x1, s30, s29, $0xb8;
	[tilespmem:$0x1890] =	vst v63  }
0x21b: {  	_ =	swait.ge [sflag:s3], $0x80  }
0x21c: {  	[sflag:s3] =	ssyncset.done $0x0  }
0x21d: {  	[sflag:s3] =	ssyncadd.s32 $0xFFFFFF80  }
0x21e: {  	v50 =	vld [tilespmem:$0xC00]  }
0x21f: {  	v51 =	vld [tilespmem:$0xC10]  }
0x220: {  	v52 =	vld [tilespmem:$0xC20]  }
0x221: {  	v53 =	vld [tilespmem:$0xC30]  }
0x222: {  	v54 =	vld [tilespmem:$0xC40]  }
0x223: {  	v55 =	vld [tilespmem:$0xC50];
	v1 =	vadd.s32 v0, v50  }
0x224: {  	v57 =	vld [tilespmem:$0xC60];
	v56 =	vadd.s32 v0, v51;
	[tilespmem:$0xC80] =	vst v1  }
0x225: {  	v59 =	vld [tilespmem:$0xC70];
	v58 =	vadd.s32 v0, v52;
	[tilespmem:$0xC90] =	vst v56  }
0x226: {  	v60 =	vadd.s32 v0, v53;
	[tilespmem:$0xCA0] =	vst v58  }
0x227: {  	v61 =	vadd.s32 v0, v54;
	[tilespmem:$0xCB0] =	vst v60  }
0x228: {  	v62 =	vadd.s32 v0, v55;
	[tilespmem:$0xCC0] =	vst v61  }
0x229: {  	v63 =	vadd.s32 v0, v57;
	[tilespmem:$0xCD0] =	vst v62  }
0x22a: {  	v0 =	vadd.s32 v0, v59;
	[tilespmem:$0xCE0] =	vst v63  }
0x22b: {  	[tilespmem:$0xCF0] =	vst v0  }
0x22c: {  	[spmem:s4] =	stream.indirect.scatter.add.f32 [tilespmem:s31], [sflag:$0x1], $0x1, s30, s29, $0xb8;
	[tilespmem:$0x1890] =	vst v63  }
0x22d: {  	_ =	swait.ge [sflag:s3], $0x80  }
0x22e: {  	[sflag:s3] =	ssyncset.done $0x0  }
0x22f: {  	[sflag:s3] =	ssyncadd.s32 $0xFFFFFF80  }
0x230: {  	p0 =	sne.s32 s5, $0x0;
	[bflag:$0x0] =	sbarrier.arrive $0xFFFF  }
0x231: {  	_ =	sfence.sel @p0 $0x180000  }
0x232: {  	[bflag:$0x0] =	sbarrier.arrive @p0 $0xFFFF  }
0x233: {  	_ =	strace @p0 $0x90000047  }
0x234: {  	[bflag:$0x2] =	sbarrier.arrive @p0 $0xFFFF  }
0x235: {  	_ =	shalt @p0  }
.LBB2_1:
0x236: {  	s5 =	simm.s32 $0xE80  }
0x237: {  	[tilespmem:s5], [sflag:$0x1] =	stream.linear.gather [spmem:s4], $0x900, $0x38;
	[tilespmem:$0x1890] =	vst v63  }
0x238: {  	_ =	swait.ge [sflag:s3], $0x900  }
0x239: {  	[sflag:s3] =	ssyncset.done $0x0  }
0x23a: {  	[sflag:s3] =	ssyncadd.s32 $0xFFFFF700  }
0x23b: {  	v0 =	vld [tilespmem:$0xE80]  }
0x23c: {  	v1 =	vld [tilespmem:$0xF10]  }
0x23d: {  	v2 =	vld [tilespmem:$0xFA0]  }
0x23e: {  	v4 =	vld [tilespmem:$0x1030]  }
0x23f: {  	v5 =	vld [tilespmem:$0x10C0]  }
0x240: {  	v10 =	vld [tilespmem:$0x1150]  }
0x241: {  	v11 =	vld [tilespmem:$0x11E0]  }
0x242: {  	v12 =	vld [tilespmem:$0x1270]  }
0x243: {  	v13 =	vld [tilespmem:$0x1300]  }
0x244: {  	v14 =	vld [tilespmem:$0x1390]  }
0x245: {  	v16 =	vld [tilespmem:$0x1420]  }
0x246: {  	v30 =	vld [tilespmem:$0x14B0]  }
0x247: {  	v3 =	vld [tilespmem:$0x1540]  }
0x248: {  	v45 =	vld [tilespmem:$0x15D0]  }
0x249: {  	v46 =	vld [tilespmem:$0x1660]  }
0x24a: {  	v47 =	vld [tilespmem:$0x16F0]  }
0x24b: {  	v7 =	vld [tilespmem:$0xE90]  }
0x24c: {  	v9 =	vld [tilespmem:$0xF20]  }
0x24d: {  	v18 =	vld [tilespmem:$0xFB0]  }
0x24e: {  	v19 =	vld [tilespmem:$0x1040]  }
0x24f: {  	v20 =	vld [tilespmem:$0x10D0]  }
0x250: {  	v21 =	vld [tilespmem:$0x1160]  }
0x251: {  	v22 =	vld [tilespmem:$0x11F0]  }
0x252: {  	v23 =	vld [tilespmem:$0x1280]  }
0x253: {  	v24 =	vld [tilespmem:$0x1310]  }
0x254: {  	v25 =	vld [tilespmem:$0x13A0]  }
0x255: {  	v26 =	vld [tilespmem:$0x1430]  }
0x256: {  	v27 =	vld [tilespmem:$0x14C0]  }
0x257: {  	v28 =	vld [tilespmem:$0x1550]  }
0x258: {  	v29 =	vld [tilespmem:$0x15E0]  }
0x259: {  	v31 =	vld [tilespmem:$0x1670]  }
0x25a: {  	v48 =	vld [tilespmem:$0x1700]  }
0x25b: {  	v32 =	vld [tilespmem:$0xEA0]  }
0x25c: {  	v33 =	vld [tilespmem:$0xF30]  }
0x25d: {  	v34 =	vld [tilespmem:$0xFC0]  }
0x25e: {  	v35 =	vld [tilespmem:$0x1050]  }
0x25f: {  	v36 =	vld [tilespmem:$0x10E0]  }
0x260: {  	v37 =	vld [tilespmem:$0x1170]  }
0x261: {  	v38 =	vld [tilespmem:$0x1200]  }
0x262: {  	v39 =	vld [tilespmem:$0x1290]  }
0x263: {  	v40 =	vld [tilespmem:$0x1320]  }
0x264: {  	v41 =	vld [tilespmem:$0x13B0]  }
0x265: {  	v42 =	vld [tilespmem:$0x1440]  }
0x266: {  	v43 =	vld [tilespmem:$0x14D0]  }
0x267: {  	v44 =	vld [tilespmem:$0x1560]  }
0x268: {  	v49 =	vld [tilespmem:$0xF40]  }
0x269: {  	v50 =	vld [tilespmem:$0xFD0]  }
0x26a: {  	v51 =	vld [tilespmem:$0x1060]  }
0x26b: {  	v52 =	vld [tilespmem:$0x10F0]  }
0x26c: {  	v53 =	vld [tilespmem:$0x1180]  }
0x26d: {  	v54 =	vld [tilespmem:$0x1210]  }
0x26e: {  	v55 =	vld [tilespmem:$0x12A0]  }
0x26f: {  	v56 =	vld [tilespmem:$0x1330]  }
0x270: {  	v57 =	vld [tilespmem:$0x13C0]  }
0x271: {  	v58 =	vld [tilespmem:$0x1450]  }
0x272: {  	v59 =	vld [tilespmem:$0x14E0]  }
0x273: {  	v60 =	vld [tilespmem:$0x1570]  }
0x274: {  	v61 =	vld [tilespmem:$0x1600]  }
0x275: {  	v62 =	vld [tilespmem:$0x1690]  }
0x276: {  	v63 =	vld [tilespmem:$0x1720]  }
0x277: {  	v6 =	vld [tilespmem:$0xF50]  }
0x278: {  	v8 =	vld [tilespmem:$0xFE0]  }
0x279: {  	v15 =	vld [tilespmem:$0x1070]  }
0x27a: {  	v17 =	vld [tilespmem:$0x1100]  }
0x27b: {  	[tilespmem:$0x1FFC0] =	vst v45;
	v45 =	vld [tilespmem:$0x15F0]  }
0x27c: {  	[tilespmem:$0x1FFD0] =	vst v46;
	v46 =	vld [tilespmem:$0x1680]  }
0x27d: {  	[tilespmem:$0x1FFE0] =	vst v47;
	v47 =	vld [tilespmem:$0x1710];
	v0 =	vadd.f32 $0.0e+00, v0  }
0x27e: {  	[tilespmem:$0x1FFF0] =	vst v48;
	v48 =	vld [tilespmem:$0xEB0];
	v7 =	vadd.f32 $0.0e+00, v7  }
0x27f: {  	[tilespmem:$0x1FFB0] =	vst v3;
	v3 =	vld [tilespmem:$0xEC0];
	v0 =	vadd.f32 v1, v0;
	v1 =	vadd.f32 $0.0e+00, v32  }
0x280: {  	v32 =	vld [tilespmem:$0x1190];
	v7 =	vadd.f32 v9, v7  }
0x281: {  	v1 =	vadd.f32 v33, v1;
	v33 =	vld [tilespmem:$0x12B0]  }
0x282: {  	v0 =	vadd.f32 v2, v0;
	v2 =	vadd.f32 v18, v7;
	v18 =	vld [tilespmem:$0x1340]  }
0x283: {  	v7 =	vld [tilespmem:$0x1460]  }
0x284: {  	v9 =	vadd.f32 $0.0e+00, v48;
	v48 =	vld [tilespmem:$0x1220]  }
0x285: {  	v0 =	vadd.f32 v4, v0;
	v4 =	vld [tilespmem:$0x1580]  }
0x286: {  	v1 =	vadd.f32 v34, v1;
	v34 =	vld [tilespmem:$0x1620]  }
0x287: {  	v2 =	vadd.f32 v19, v2;
	v49 =	vadd.f32 v49, v9;
	v9 =	vld [tilespmem:$0x13D0]  }
0x288: {  	v0 =	vadd.f32 v5, v0;
	v1 =	vadd.f32 v35, v1;
	v5 =	vld [tilespmem:$0x14F0]  }
0x289: {  	v19 =	vadd.f32 v20, v2;
	v2 =	vld [tilespmem:$0x1610];
	v49 =	vadd.f32 v50, v49  }
0x28a: {  	v3 =	vadd.f32 $0.0e+00, v3;
	v35 =	vld [tilespmem:$0x1740];
	v0 =	vadd.f32 v10, v0  }
0x28b: {  	v50 =	vadd.f32 v51, v49;
	v51 =	vadd.f32 v36, v1;
	v1 =	vld [tilespmem:$0x16A0]  }
0x28c: {  	v3 =	vadd.f32 v6, v3;
	v19 =	vadd.f32 v21, v19;
	v49 =	vld [tilespmem:$0xEF0]  }
0x28d: {  	v11 =	vadd.f32 v11, v0;
	v0 =	vld [tilespmem:$0x1730]  }
0x28e: {  	v3 =	vadd.f32 v8, v3;
	v19 =	vadd.f32 v22, v19;
	v22 =	vld [tilespmem:$0xFF0]  }
0x28f: {  	v20 =	vadd.f32 v52, v50;
	v50 =	vld [tilespmem:$0x1FFF0]  }
0x290: {  	v3 =	vadd.f32 v15, v3;
	v10 =	vadd.f32 v37, v51;
	v51 =	vld [tilespmem:$0xF70]  }
0x291: {  	v52 =	vld [tilespmem:$0xF80]  }
0x292: {  	v3 =	vadd.f32 v17, v3;
	v37 =	vld [tilespmem:$0x12D0]  }
0x293: {  	v11 =	vadd.f32 v12, v11;
	v12 =	vld [tilespmem:$0xF60];
	v19 =	vadd.f32 v23, v19  }
0x294: {  	v23 =	vld [tilespmem:$0x1110];
	v20 =	vadd.f32 v53, v20;
	v10 =	vadd.f32 v38, v10  }
0x295: {  	v53 =	vld [tilespmem:$0xED0];
	v3 =	vadd.f32 v32, v3;
	v11 =	vadd.f32 v13, v11  }
0x296: {  	v38 =	vld [tilespmem:$0x12E0];
	v19 =	vadd.f32 v24, v19;
	v36 =	vadd.f32 $0.0e+00, v49  }
0x297: {  	v13 =	vld [tilespmem:$0x1080];
	v20 =	vadd.f32 v54, v20;
	v10 =	vadd.f32 v39, v10  }
0x298: {  	v24 =	vld [tilespmem:$0x1230];
	v3 =	vadd.f32 v48, v3;
	v11 =	vadd.f32 v14, v11  }
0x299: {  	v49 =	vld [tilespmem:$0x15B0];
	v19 =	vadd.f32 v25, v19;
	v10 =	vadd.f32 v40, v10  }
0x29a: {  	v39 =	vld [tilespmem:$0x1360];
	v20 =	vadd.f32 v55, v20;
	v3 =	vadd.f32 v33, v3  }
0x29b: {  	v14 =	vld [tilespmem:$0x11A0];
	v11 =	vadd.f32 v16, v11;
	v10 =	vadd.f32 v41, v10  }
0x29c: {  	v25 =	vld [tilespmem:$0x1350];
	v19 =	vadd.f32 v26, v19;
	v20 =	vadd.f32 v56, v20  }
0x29d: {  	v55 =	vld [tilespmem:$0x1010];
	v21 =	vadd.f32 $0.0e+00, v53;
	v10 =	vadd.f32 v42, v10  }
0x29e: {  	v40 =	vld [tilespmem:$0x1370];
	v3 =	vadd.f32 v18, v3;
	v20 =	vadd.f32 v57, v20  }
0x29f: {  	v16 =	vld [tilespmem:$0x12C0];
	v11 =	vadd.f32 v30, v11;
	v10 =	vadd.f32 v43, v10  }
0x2a0: {  	v41 =	vld [tilespmem:$0x1FFB0];
	v19 =	vadd.f32 v27, v19;
	v20 =	vadd.f32 v58, v20  }
0x2a1: {  	v12 =	vadd.f32 v12, v21;
	v10 =	vadd.f32 v44, v10;
	v44 =	vld [tilespmem:$0xEE0]  }
0x2a2: {  	v26 =	vld [tilespmem:$0x13E0];
	v3 =	vadd.f32 v9, v3;
	v20 =	vadd.f32 v59, v20  }
0x2a3: {  	v53 =	vld [tilespmem:$0x1000];
	v19 =	vadd.f32 v28, v19;
	v12 =	vadd.f32 v22, v12  }
0x2a4: {  	v56 =	vld [tilespmem:$0x1090];
	v58 =	vadd.f32 v52, v36;
	v20 =	vadd.f32 v60, v20  }
0x2a5: {  	v42 =	vld [tilespmem:$0x1FFC0];
	v3 =	vadd.f32 v7, v3;
	v11 =	vadd.f32 v41, v11  }
0x2a6: {  	v57 =	vld [tilespmem:$0x10A0];
	v20 =	vadd.f32 v61, v20;
	v54 =	vadd.f32 $0.0e+00, v44  }
0x2a7: {  	v27 =	vld [tilespmem:$0x1470];
	v19 =	vadd.f32 v29, v19;
	v12 =	vadd.f32 v13, v12  }
0x2a8: {  	v60 =	vld [tilespmem:$0x1130];
	v20 =	vadd.f32 v62, v20;
	v6 =	vadd.f32 v51, v54  }
0x2a9: {  	v59 =	vld [tilespmem:$0x1120];
	v3 =	vadd.f32 v5, v3;
	v61 =	vadd.f32 v55, v58  }
0x2aa: {  	v20 =	vadd.f32 v63, v20;
	v63 =	vld [tilespmem:$0x11C0];
	v6 =	vadd.f32 v53, v6  }
0x2ab: {  	v11 =	vadd.f32 v42, v11;
	v62 =	vld [tilespmem:$0x11B0];
	v8 =	vadd.f32 v57, v61  }
0x2ac: {  	v36 =	vld [tilespmem:$0x1250];
	v12 =	vadd.f32 v23, v12;
	v6 =	vadd.f32 v56, v6  }
0x2ad: {  	v19 =	vadd.f32 v31, v19;
	v31 =	vld [tilespmem:$0x1240];
	v8 =	vadd.f32 v60, v8  }
0x2ae: {  	v43 =	vld [tilespmem:$0x1FFD0];
	v12 =	vadd.f32 v14, v12;
	v6 =	vadd.f32 v59, v6  }
0x2af: {  	v30 =	vld [tilespmem:$0x1500];
	v10 =	vadd.f32 v45, v10;
	v8 =	vadd.f32 v63, v8  }
0x2b0: {  	v28 =	vld [tilespmem:$0x1590];
	v12 =	vadd.f32 v24, v12;
	v6 =	vadd.f32 v62, v6  }
0x2b1: {  	v42 =	vld [tilespmem:$0x1400];
	v3 =	vadd.f32 v4, v3;
	v8 =	vadd.f32 v36, v8  }
0x2b2: {  	v45 =	vld [tilespmem:$0x1FFE0];
	v12 =	vadd.f32 v16, v12;
	v6 =	vadd.f32 v31, v6  }
0x2b3: {  	v41 =	vld [tilespmem:$0x13F0];
	v11 =	vadd.f32 v43, v11;
	v8 =	vadd.f32 v38, v8  }
0x2b4: {  	v44 =	vld [tilespmem:$0x1490];
	v12 =	vadd.f32 v25, v12;
	v6 =	vadd.f32 v37, v6  }
0x2b5: {  	v43 =	vld [tilespmem:$0x1480];
	v10 =	vadd.f32 v46, v10;
	v8 =	vadd.f32 v40, v8  }
0x2b6: {  	v46 =	vld [tilespmem:$0x1520];
	v12 =	vadd.f32 v26, v12;
	v6 =	vadd.f32 v39, v6  }
0x2b7: {  	v11 =	vadd.f32 v45, v11;
	v45 =	vld [tilespmem:$0x1510];
	v8 =	vadd.f32 v42, v8  }
0x2b8: {  	v52 =	vld [tilespmem:$0x1640];
	v12 =	vadd.f32 v27, v12;
	v6 =	vadd.f32 v41, v6  }
0x2b9: {  	v10 =	vadd.f32 v47, v10;
	v47 =	vld [tilespmem:$0x15A0];
	v8 =	vadd.f32 v44, v8  }
0x2ba: {  	v29 =	vld [tilespmem:$0x16B0];
	v12 =	vadd.f32 v30, v12;
	v48 =	vadd.f32 v43, v6  }
0x2bb: {  	v19 =	vadd.f32 v50, v19;
	v50 =	vld [tilespmem:$0x1630];
	v7 =	vadd.f32 v46, v8  }
0x2bc: {  	v55 =	vld [tilespmem:$0x16D0];
	v12 =	vadd.f32 v28, v12;
	v51 =	vadd.f32 v45, v48  }
0x2bd: {  	v2 =	vadd.f32 v2, v3;
	v53 =	vld [tilespmem:$0x16C0];
	v6 =	vadd.f32 v49, v7  }
0x2be: {  	v58 =	vld [tilespmem:$0x1760];
	v12 =	vadd.f32 v34, v12;
	v54 =	vadd.f32 v47, v51  }
0x2bf: {  	[tilespmem:$0x1790] =	vst v19;
	v1 =	vadd.f32 v1, v2;
	v56 =	vld [tilespmem:$0x1750];
	v5 =	vadd.f32 v52, v6  }
0x2c0: {  	[tilespmem:$0x17A0] =	vst v10;
	v59 =	vadd.f32 v29, v12;
	v57 =	vadd.f32 v50, v54  }
0x2c1: {  	v0 =	vadd.f32 v0, v1;
	[tilespmem:$0x1780] =	vst v11;
	v4 =	vadd.f32 v55, v5  }
0x2c2: {  	[tilespmem:$0x17B0] =	vst v20;
	v61 =	vadd.f32 v35, v59;
	v60 =	vadd.f32 v53, v57  }
0x2c3: {  	[tilespmem:$0x17C0] =	vst v0;
	v63 =	vadd.f32 v58, v4  }
0x2c4: {  	[tilespmem:$0x17D0] =	vst v61;
	v62 =	vadd.f32 v56, v60  }
0x2c5: {  	[tilespmem:$0x17F0] =	vst v63  }
0x2c6: {  	s31 =	simm.s32 $0x1780;
	[tilespmem:$0x17E0] =	vst v62  }
0x2c7: {  	[hbm4b:s1+s2] =	stream.linear.scatter [tilespmem:s31], [sflag:$0x1], $0x80, $0x38;
	[tilespmem:$0x1890] =	vst v63  }
0x2c8: {  	_ =	swait.ge [sflag:s3], $0x80  }
0x2c9: {  	[sflag:s3] =	ssyncset.done $0x0  }
0x2ca: {  	[sflag:s3] =	ssyncadd.s32 $0xFFFFFF80  }
0x2cb: {  	_ =	sfence.sel $0x180000  }
0x2cc: {  	[bflag:$0x0] =	sbarrier.arrive $0xFFFF  }
0x2cd: {  	_ =	strace $0x90000047  }
0x2ce: {  	s0 =	sadd.s32 $0x100000, s0;
	[bflag:$0x2] =	sbarrier.arrive $0xFFFF  }
0x2cf: {  	[sflag:s0] =	ssyncadd.tile.s32 $0x1;
	_ =	shalt  }
.Lfunc_end2:
_tile_overlayer_lowered:
.L_overlay_start_2:
0x2d0: {  	(tag) =	ssettag $0x2  }
0x2d1: {  	s0 =	rddreg [dreg:$0x0];
	s2 =	stileid.u32  }
0x2d2: {  	s1 =	rddreg [dreg:$0x1];
	p0 =	sne.s32 s2, $0x0  }
0x2d3: {  	s3 =	rddreg [dreg:$0x2];
	[bflag:$0x3] =	sbarrier.arrive $0xFFFF;
	s2 =	simm.s32 @!p0 $0x1C01  }
0x2d4: {  	[timem:s3], [sflag:s2] =	dma.local @!p0 [hbm:s0], s1  }
0x2d5: {  	s0 =	simm.s32 @!p0 $0x1  }
0x2d6: {  	_ =	swait.ge @!p0 [sflag:s0], s1  }
0x2d7: {  	s1 =	ssub.s32 @!p0 $0x0, s1;
	[sflag:s0] =	ssyncset.done @!p0 $0x0  }
0x2d8: {  	[sflag:s0] =	ssyncadd.s32 @!p0 s1  }
0x2d9: {  	[bflag:$0x3] =	sbarrier.arrive $0xFFFF  }
0x2da: {  	_ =	shalt  }

</sc_bundles>
